<compile_context>
chip_gen: v7x
topology: tpu7x:2x2x1
jax: 0.10.2.dev20260603
libtpu: 0.0.44.dev20260713+nightly
codegen_flags: <defaults>
</compile_context>

<pallas_src>
import functools

import jax
import jax.numpy as jnp
from jax import lax
from jax.experimental import pallas as pl
from jax.experimental.pallas import tpu as pltpu
from jax.experimental.pallas import tpu_sc as plsc

N = 10000
E = 160000
E_TOT = E + N
CHUNK = 64
N_TILES = 16
E_PAD = 172032
N_CHUNKS = E_PAD // CHUNK
PER_TILE = N_CHUNKS // N_TILES
PER_TILE_E = E_PAD // N_TILES
NPAD = 10240
STRIPE = NPAD // N_TILES
OSTRIPE = N // N_TILES
DROWS = NPAD // 16
BM = 1000


def _sc_mesh():
    return plsc.VectorSubcoreMesh(core_axis_name="c", subcore_axis_name="s",
                                  num_cores=2, num_subcores=N_TILES)



@functools.cache
def _make_agg(C):

    @functools.partial(
        pl.kernel,
        out_type=(jax.ShapeDtypeStruct((N, C), jnp.bfloat16),
                  jax.ShapeDtypeStruct((N, C), jnp.bfloat16)),
        mesh=_sc_mesh(),
        compiler_params=pltpu.CompilerParams(use_tc_tiling_on_sc=False),
        scratch_types=[
            pltpu.VMEM((PER_TILE, CHUNK), jnp.int32),
            pltpu.VMEM((PER_TILE, CHUNK), jnp.int32),
        ] + [pltpu.VMEM((CHUNK, C), jnp.bfloat16)] * 6 + [
            pltpu.VMEM_SHARED((NPAD, C), jnp.bfloat16),
        ] + [pltpu.SemaphoreType.DMA] * 12,
    )
    def agg(src_hbm, dst_hbm, y_hbm, out_lo, out_hi, src_v, dst_v, *rest):
        bufs = rest[:6]
        acc = rest[6]
        sg = rest[7:13]
        ss = rest[13:19]
        c = lax.axis_index("c")
        s = lax.axis_index("s")
        pltpu.sync_copy(src_hbm.at[c, pl.ds(s * PER_TILE, PER_TILE)], src_v)
        pltpu.sync_copy(dst_hbm.at[pl.ds(s * PER_TILE, PER_TILE)], dst_v)

        zeros32 = jnp.zeros((32,), jnp.bfloat16)
        per_row = C // 32

        def zero_body(i, carry):
            bufs[0][i // per_row, pl.ds((i % per_row) * 32, 32)] = zeros32
            return carry

        lax.fori_loop(0, CHUNK * per_row, zero_body, 0)
        off = 0
        while off < STRIPE:
            nrows = min(CHUNK, STRIPE - off)
            pltpu.sync_copy(bufs[0].at[pl.ds(0, nrows)],
                            acc.at[pl.ds(s * STRIPE + off, nrows)])
            off += nrows
        plsc.subcore_barrier()

        R = 6
        for t in range(R - 1):
            pltpu.async_copy(y_hbm.at[src_v.at[t]], bufs[t], sg[t])

        def step(g, carry):
            for b in range(R):
                j = g * R + b
                buf = bufs[b]
                pltpu.make_async_copy(y_hbm.at[src_v.at[j]], buf, sg[b]).wait()
                pltpu.async_copy(buf, acc.at[dst_v.at[j]], ss[b], add=True)
                nb = (b + R - 1) % R

                @pl.when(j + R - 1 < PER_TILE)
                def _():
                    @pl.when(j >= 1)
                    def _():
                        pltpu.make_async_copy(
                            bufs[nb], acc.at[dst_v.at[j]], ss[nb]).wait()
                    pltpu.async_copy(y_hbm.at[src_v.at[j + R - 1]],
                                     bufs[nb], sg[nb])
            return carry

        lax.fori_loop(0, PER_TILE // R, step, 0)
        for t in range(PER_TILE - R, PER_TILE):
            pltpu.make_async_copy(bufs[t % R], acc.at[dst_v.at[0]],
                                  ss[t % R]).wait()
        plsc.subcore_barrier()

        @pl.when(c == 0)
        def _():
            pltpu.sync_copy(acc.at[pl.ds(s * OSTRIPE, OSTRIPE)],
                            out_lo.at[pl.ds(s * OSTRIPE, OSTRIPE)])

        @pl.when(c == 1)
        def _():
            pltpu.sync_copy(acc.at[pl.ds(s * OSTRIPE, OSTRIPE)],
                            out_hi.at[pl.ds(s * OSTRIPE, OSTRIPE)])

    return agg


@functools.cache
def _make_deg():

    @functools.partial(
        pl.kernel,
        out_type=jax.ShapeDtypeStruct((NPAD, 16), jnp.float32),
        mesh=_sc_mesh(),
        compiler_params=pltpu.CompilerParams(use_tc_tiling_on_sc=False),
        scratch_types=[
            pltpu.VMEM((PER_TILE, CHUNK), jnp.int32),
            pltpu.VMEM((CHUNK, 16), jnp.float32),
            pltpu.VMEM((CHUNK, 16), jnp.float32),
            pltpu.VMEM_SHARED((NPAD, 16), jnp.float32),
            pltpu.SemaphoreType.DMA,
        ],
    )
    def deg(dst_hbm, deg_hbm, dst_v, ones_v, zeros_v, acc, sem):
        c = lax.axis_index("c")
        s = lax.axis_index("s")
        pltpu.sync_copy(dst_hbm.at[pl.ds(s * PER_TILE, PER_TILE)], dst_v)
        zeros16 = jnp.zeros((16,), jnp.float32)
        ones16 = jnp.ones((16,), jnp.float32)

        def fill_body(i, carry):
            ones_v[i, :] = ones16
            zeros_v[i, :] = zeros16
            return carry

        lax.fori_loop(0, CHUNK, fill_body, 0)
        off = 0
        while off < STRIPE:
            nrows = min(CHUNK, STRIPE - off)
            pltpu.sync_copy(zeros_v.at[pl.ds(0, nrows)],
                            acc.at[pl.ds(s * STRIPE + off, nrows)])
            off += nrows
        plsc.subcore_barrier()

        W = 16

        def fire(j, carry):
            pltpu.async_copy(ones_v, acc.at[dst_v.at[j]], sem, add=True)

            @pl.when(j >= W)
            def _():
                pltpu.make_async_copy(ones_v, acc.at[dst_v.at[0]], sem).wait()
            return carry

        lax.fori_loop(0, PER_TILE, fire, 0)

        def drain(j, carry):
            pltpu.make_async_copy(ones_v, acc.at[dst_v.at[0]], sem).wait()
            return carry

        lax.fori_loop(0, W, drain, 0)
        plsc.subcore_barrier()

        @pl.when(c == 0)
        def _():
            pltpu.sync_copy(acc.at[pl.ds(s * STRIPE, STRIPE)],
                            deg_hbm.at[pl.ds(s * STRIPE, STRIPE)])

    return deg



def _mm_first(x, W, deg2d):
    k, n = W.shape
    ch = n // 2
    Ws = W.reshape(k, 2, ch).transpose(1, 0, 2).astype(jnp.bfloat16)

    def body(x_ref, w_ref, deg_ref, o_ref):
        dinv = lax.rsqrt(deg_ref[...])
        o_ref[...] = (jnp.dot(x_ref[...], w_ref[0],
                              preferred_element_type=jnp.float32)
                      * dinv).astype(jnp.bfloat16)

    return pl.pallas_call(
        body,
        grid=(N // BM, 2),
        in_specs=[
            pl.BlockSpec((BM, x.shape[1]), lambda i, j: (i, 0)),
            pl.BlockSpec((1, k, ch), lambda i, j: (j, 0, 0)),
            pl.BlockSpec((BM, 1), lambda i, j: (i, 0)),
        ],
        out_specs=pl.BlockSpec((BM, ch), lambda i, j: (j * (N // BM) + i, 0)),
        out_shape=jax.ShapeDtypeStruct((2 * N, ch), jnp.bfloat16),
    )(x.astype(jnp.bfloat16), Ws, deg2d)


def _mm_mid(agg_lo, agg_hi, deg2d, b2d, W):
    k, n = W.shape
    ch = n // 2
    half = agg_lo.shape[1]
    Ws = W.reshape(k, 2, ch).transpose(1, 0, 2).astype(jnp.bfloat16)

    def body(lo_ref, hi_ref, deg_ref, b_ref, w_ref, o_ref):
        dinv = lax.rsqrt(deg_ref[...])
        h = jnp.concatenate([lo_ref[...], hi_ref[...]],
                            axis=1).astype(jnp.float32) * dinv
        h = jnp.maximum(h + b_ref[...], 0.0)
        o_ref[...] = (jnp.dot(h.astype(jnp.bfloat16), w_ref[0],
                              preferred_element_type=jnp.float32)
                      * dinv).astype(jnp.bfloat16)

    return pl.pallas_call(
        body,
        grid=(N // BM, 2),
        in_specs=[
            pl.BlockSpec((BM, half), lambda i, j: (i, 0)),
            pl.BlockSpec((BM, half), lambda i, j: (i, 0)),
            pl.BlockSpec((BM, 1), lambda i, j: (i, 0)),
            pl.BlockSpec((1, 2 * half), lambda i, j: (0, 0)),
            pl.BlockSpec((1, k, ch), lambda i, j: (j, 0, 0)),
        ],
        out_specs=pl.BlockSpec((BM, ch), lambda i, j: (j * (N // BM) + i, 0)),
        out_shape=jax.ShapeDtypeStruct((2 * N, ch), jnp.bfloat16),
    )(agg_lo, agg_hi, deg2d, b2d, Ws)


def _epilogue(agg_lo, agg_hi, deg2d, b2d):
    half = agg_lo.shape[1]

    def body(lo_ref, hi_ref, deg_ref, b_ref, o_ref):
        dinv = lax.rsqrt(deg_ref[...])
        h = jnp.concatenate([lo_ref[...], hi_ref[...]],
                            axis=1).astype(jnp.float32) * dinv
        h = jnp.maximum(h + b_ref[...], 0.0)
        m = jnp.max(h, axis=1, keepdims=True)
        lse = jnp.log(jnp.sum(jnp.exp(h - m), axis=1, keepdims=True)) + m
        o_ref[...] = h - lse

    return pl.pallas_call(
        body,
        grid=(N // BM,),
        in_specs=[
            pl.BlockSpec((BM, half), lambda i: (i, 0)),
            pl.BlockSpec((BM, half), lambda i: (i, 0)),
            pl.BlockSpec((BM, 1), lambda i: (i, 0)),
            pl.BlockSpec((1, 2 * half), lambda i: (0, 0)),
        ],
        out_specs=pl.BlockSpec((BM, 2 * half), lambda i: (i, 0)),
        out_shape=jax.ShapeDtypeStruct((N, 2 * half), jnp.float32),
    )(agg_lo, agg_hi, deg2d, b2d)



def kernel(x, edge_index, W1, b1, W2, b2, W3, b3):
    ei = edge_index.astype(jnp.int32)
    loop = jnp.arange(N, dtype=jnp.int32)
    pad = E_PAD - E_TOT
    src = jnp.concatenate([ei[0], loop, jnp.zeros((pad,), jnp.int32)])
    dst = jnp.concatenate([ei[1], loop, jnp.full((pad,), N + 8, jnp.int32)])
    src2 = jnp.stack([src, src + N]).reshape(2, N_CHUNKS, CHUNK)
    dst2 = dst.reshape(N_CHUNKS, CHUNK)

    agg128 = _make_agg(128)
    agg64 = _make_agg(64)
    deg2d = _make_deg()(dst2)[:N, :1]

    y1 = _mm_first(x, W1, deg2d)
    a1lo, a1hi = agg128(src2, dst2, y1)
    y2 = _mm_mid(a1lo, a1hi, deg2d, b1.reshape(1, -1), W2)
    a2lo, a2hi = agg128(src2, dst2, y2)
    y3 = _mm_mid(a2lo, a2hi, deg2d, b2.reshape(1, -1), W3)
    a3lo, a3hi = agg64(src2, dst2, y3)
    return _epilogue(a3lo, a3hi, deg2d, b3.reshape(1, -1))

# --- scband reference (transcript-rebuilt; emitter-appended) ---
"""Pipeline reference for scband-gcn-51969104281768 (READ-ONLY COPY).

The authoritative reference and input builder live on the scoring server;
editing this copy changes nothing except your own understanding.
"""

import jax, jax.numpy as jnp
import numpy as np

N_NODES = 10000
N_EDGES = 160000
D_FEAT = 256
HIDDEN = 256
NUM_CLASSES = 128


def setup_inputs(seed: int = 0) -> dict:
    key = jax.random.key(seed)
    k_x, k_ei, k_w1, k_w2, k_w3 = jax.random.split(key, 5)
    x = jax.random.normal(k_x, (N_NODES, D_FEAT), dtype=jnp.float32)
    edge_index = jax.random.randint(k_ei, (2, N_EDGES), 0, N_NODES, dtype=jnp.int64)
    s1 = 1.0 / np.sqrt(D_FEAT)
    s2 = 1.0 / np.sqrt(HIDDEN)
    W1 = jax.random.uniform(k_w1, (D_FEAT, HIDDEN), dtype=jnp.float32, minval=-s1, maxval=s1)
    b1 = jnp.zeros((HIDDEN,), dtype=jnp.float32)
    W2 = jax.random.uniform(k_w2, (HIDDEN, HIDDEN), dtype=jnp.float32, minval=-s2, maxval=s2)
    b2 = jnp.zeros((HIDDEN,), dtype=jnp.float32)
    W3 = jax.random.uniform(k_w3, (HIDDEN, NUM_CLASSES), dtype=jnp.float32, minval=-s2, maxval=s2)
    b3 = jnp.zeros((NUM_CLASSES,), dtype=jnp.float32)
    return {"x": x, "edge_index": edge_index, "W1": W1, "b1": b1, "W2": W2, "b2": b2, "W3": W3, "b3": b3}


def _gcn_conv(x, edge_index, W, b):
    # PyG GCNConv: add self-loops, symmetric normalization D^-1/2 (A+I) D^-1/2 X W + b
    num_nodes = x.shape[0]
    src = edge_index[0]
    dst = edge_index[1]
    loop = jnp.arange(num_nodes, dtype=src.dtype)
    src = jnp.concatenate([src, loop])
    dst = jnp.concatenate([dst, loop])
    ones = jnp.ones(src.shape[0], dtype=x.dtype)
    deg = jnp.zeros((num_nodes,), dtype=x.dtype).at[dst].add(ones)
    deg_inv_sqrt = jnp.where(deg > 0, 1.0 / jnp.sqrt(deg), 0.0)
    norm = deg_inv_sqrt[src] * deg_inv_sqrt[dst]
    xw = x @ W
    msg = xw[src] * norm[:, None]
    out = jnp.zeros((num_nodes, xw.shape[1]), dtype=x.dtype).at[dst].add(msg)
    return out + b


def reference(x, edge_index, W1, b1, W2, b2, W3, b3):
    # conv1 -> relu -> dropout(eval: identity)
    h = _gcn_conv(x, edge_index, W1, b1)
    h = jax.nn.relu(h)
    # convs list: [conv, relu, dropout, conv, relu, dropout]
    h = _gcn_conv(h, edge_index, W2, b2)
    h = jax.nn.relu(h)
    h = _gcn_conv(h, edge_index, W3, b3)
    h = jax.nn.relu(h)
    # log_softmax(dim=-1)
    return h - jax.scipy.special.logsumexp(h, axis=-1, keepdims=True)

if __name__ == "__main__":
    import jax
    _d = setup_inputs()
    print(jax.jit(kernel)(*tuple(_d.values())))

</pallas_src>

<mosaic_0001>
#map = affine_map<(d0, d1) -> (0, 0, 0)>
#map1 = affine_map<(d0, d1) -> (0, 0)>
module attributes {stable_mosaic.version = 14 : i64} {
  func.func @agg(%arg0: i32, %arg1: i32, %arg2: memref<2x2688x64xi32, #tpu.memory_space<hbm>>, %arg3: memref<2688x64xi32, #tpu.memory_space<hbm>>, %arg4: memref<20000x128xbf16, #tpu.memory_space<hbm>>, %arg5: memref<10000x128xbf16, #tpu.memory_space<hbm>>, %arg6: memref<10000x128xbf16, #tpu.memory_space<hbm>>, %arg7: memref<168x64xi32, #tpu.memory_space<vmem>>, %arg8: memref<168x64xi32, #tpu.memory_space<vmem>>, %arg9: memref<64x128xbf16, #tpu.memory_space<vmem>>, %arg10: memref<64x128xbf16, #tpu.memory_space<vmem>>, %arg11: memref<64x128xbf16, #tpu.memory_space<vmem>>, %arg12: memref<64x128xbf16, #tpu.memory_space<vmem>>, %arg13: memref<64x128xbf16, #tpu.memory_space<vmem>>, %arg14: memref<64x128xbf16, #tpu.memory_space<vmem>>, %arg15: memref<10240x128xbf16, #tpu.memory_space<vmem_shared>>, %arg16: memref<!tpu.dma_semaphore, #tpu.memory_space<semaphore_mem>>, %arg17: memref<!tpu.dma_semaphore, #tpu.memory_space<semaphore_mem>>, %arg18: memref<!tpu.dma_semaphore, #tpu.memory_space<semaphore_mem>>, %arg19: memref<!tpu.dma_semaphore, #tpu.memory_space<semaphore_mem>>, %arg20: memref<!tpu.dma_semaphore, #tpu.memory_space<semaphore_mem>>, %arg21: memref<!tpu.dma_semaphore, #tpu.memory_space<semaphore_mem>>, %arg22: memref<!tpu.dma_semaphore, #tpu.memory_space<semaphore_mem>>, %arg23: memref<!tpu.dma_semaphore, #tpu.memory_space<semaphore_mem>>, %arg24: memref<!tpu.dma_semaphore, #tpu.memory_space<semaphore_mem>>, %arg25: memref<!tpu.dma_semaphore, #tpu.memory_space<semaphore_mem>>, %arg26: memref<!tpu.dma_semaphore, #tpu.memory_space<semaphore_mem>>, %arg27: memref<!tpu.dma_semaphore, #tpu.memory_space<semaphore_mem>>) attributes {dimension_semantics = [#tpu.dimension_semantics<core_parallel>, #tpu.dimension_semantics<subcore_parallel>], iteration_bounds = array<i64: 2, 16>, scalar_prefetch = 0 : i64, scratch_operands = 21 : i64, tpu.core_type = #tpu.core_type<sc_vector_subcore>, window_params = [{transform_indices = #map}, {transform_indices = #map1}, {transform_indices = #map1}, {transform_indices = #map1}, {transform_indices = #map1}]} {
    %mul3A = arith.constant 168 : i32
    %mul3A_0 = arith.muli %arg1, %mul3A : i32
    "tpu.region"() ({
      %run_scoped3A = tpu.sem_alloc : memref<!tpu.dma_semaphore, #tpu.memory_space<semaphore_mem>>
      %dma_start3A_137 = arith.constant 0 : i32
      %dma_start3A_138 = tpu.memref_slice %arg2[%arg0, %mul3A_0, %dma_start3A_137] : memref<2x2688x64xi32, #tpu.memory_space<hbm>> -> memref<1x168x64xi32, #tpu.memory_space<hbm>>
      %dma_start3A_139 = tpu.memref_squeeze %dma_start3A_138 : memref<1x168x64xi32, #tpu.memory_space<hbm>> -> memref<168x64xi32, #tpu.memory_space<hbm>>
      %dma_start3A_140 = arith.constant 0 : i32
      %dma_start3A_141 = tpu.memref_slice %arg2[%arg0, %mul3A_0, %dma_start3A_140] : memref<2x2688x64xi32, #tpu.memory_space<hbm>> -> memref<1x168x64xi32, #tpu.memory_space<hbm>>
      %dma_start3A_142 = tpu.memref_squeeze %dma_start3A_141 : memref<1x168x64xi32, #tpu.memory_space<hbm>> -> memref<168x64xi32, #tpu.memory_space<hbm>>
      tpu.enqueue_dma source(%dma_start3A_142 : memref<168x64xi32, #tpu.memory_space<hbm>>) target(%arg7 : memref<168x64xi32, #tpu.memory_space<vmem>>) target_semaphore(%run_scoped3A : memref<!tpu.dma_semaphore, #tpu.memory_space<semaphore_mem>>)
      %dma_wait3A_143 = arith.constant 0 : i32
      %dma_wait3A_144 = tpu.memref_slice %arg2[%arg0, %mul3A_0, %dma_wait3A_143] : memref<2x2688x64xi32, #tpu.memory_space<hbm>> -> memref<1x168x64xi32, #tpu.memory_space<hbm>>
      %dma_wait3A_145 = tpu.memref_squeeze %dma_wait3A_144 : memref<1x168x64xi32, #tpu.memory_space<hbm>> -> memref<168x64xi32, #tpu.memory_space<hbm>>
      %dma_wait3A_146 = arith.constant 0 : i32
      %dma_wait3A_147 = tpu.memref_slice %arg2[%arg0, %mul3A_0, %dma_wait3A_146] : memref<2x2688x64xi32, #tpu.memory_space<hbm>> -> memref<1x168x64xi32, #tpu.memory_space<hbm>>
      %dma_wait3A_148 = tpu.memref_squeeze %dma_wait3A_147 : memref<1x168x64xi32, #tpu.memory_space<hbm>> -> memref<168x64xi32, #tpu.memory_space<hbm>>
      tpu.wait_dma2 semaphore(%run_scoped3A : memref<!tpu.dma_semaphore, #tpu.memory_space<semaphore_mem>>) src(%dma_wait3A_148 : memref<168x64xi32, #tpu.memory_space<hbm>>) dst(%arg7 : memref<168x64xi32, #tpu.memory_space<vmem>>)
      tpu.yield
    }) : () -> ()
    %mul3A_1 = arith.constant 168 : i32
    %mul3A_2 = arith.muli %arg1, %mul3A_1 : i32
    "tpu.region"() ({
      %run_scoped3A = tpu.sem_alloc : memref<!tpu.dma_semaphore, #tpu.memory_space<semaphore_mem>>
      %dma_start3A_137 = arith.constant 0 : i32
      %dma_start3A_138 = tpu.memref_slice %arg3[%mul3A_2, %dma_start3A_137] : memref<2688x64xi32, #tpu.memory_space<hbm>> -> memref<168x64xi32, #tpu.memory_space<hbm>>
      %dma_start3A_139 = arith.constant 0 : i32
      %dma_start3A_140 = tpu.memref_slice %arg3[%mul3A_2, %dma_start3A_139] : memref<2688x64xi32, #tpu.memory_space<hbm>> -> memref<168x64xi32, #tpu.memory_space<hbm>>
      tpu.enqueue_dma source(%dma_start3A_140 : memref<168x64xi32, #tpu.memory_space<hbm>>) target(%arg8 : memref<168x64xi32, #tpu.memory_space<vmem>>) target_semaphore(%run_scoped3A : memref<!tpu.dma_semaphore, #tpu.memory_space<semaphore_mem>>)
      %dma_wait3A_141 = arith.constant 0 : i32
      %dma_wait3A_142 = tpu.memref_slice %arg3[%mul3A_2, %dma_wait3A_141] : memref<2688x64xi32, #tpu.memory_space<hbm>> -> memref<168x64xi32, #tpu.memory_space<hbm>>
      %dma_wait3A_143 = arith.constant 0 : i32
      %dma_wait3A_144 = tpu.memref_slice %arg3[%mul3A_2, %dma_wait3A_143] : memref<2688x64xi32, #tpu.memory_space<hbm>> -> memref<168x64xi32, #tpu.memory_space<hbm>>
      tpu.wait_dma2 semaphore(%run_scoped3A : memref<!tpu.dma_semaphore, #tpu.memory_space<semaphore_mem>>) src(%dma_wait3A_144 : memref<168x64xi32, #tpu.memory_space<hbm>>) dst(%arg8 : memref<168x64xi32, #tpu.memory_space<vmem>>)
      tpu.yield
    }) : () -> ()
    %broadcast_in_dim3A = arith.constant 0.000000e+00 : bf16
    %broadcast_in_dim3A_3 = vector.broadcast %broadcast_in_dim3A : bf16 to vector<32xbf16>
    %scan3A = arith.constant 0 : i32
    %scan3A_4 = arith.constant 0 : i32
    %scan3A_5 = arith.constant 256 : i32
    %scan3A_6 = arith.addi %scan3A_4, %scan3A_5 : i32
    %scan3A_7 = arith.constant 1 : i32
    scf.for %scan3A_137 = %scan3A_4 to %scan3A_6 step %scan3A_7  : i32 {
      %jit3A = arith.constant 4 : i32
      %div3A = arith.divsi %scan3A_137, %jit3A : i32
      %sign3A = arith.constant 0 : i32
      %sign3A_138 = arith.cmpi sgt, %scan3A_137, %sign3A : i32
      %sign3A_139 = arith.extui %sign3A_138 : i1 to i32
      %sign3A_140 = arith.constant 0 : i32
      %sign3A_141 = arith.cmpi slt, %scan3A_137, %sign3A_140 : i32
      %sign3A_142 = arith.extui %sign3A_141 : i1 to i32
      %sign3A_143 = arith.subi %sign3A_139, %sign3A_142 : i32
      %sign3A_144 = arith.constant 0 : i32
      %sign3A_145 = arith.cmpi sgt, %jit3A, %sign3A_144 : i32
      %sign3A_146 = arith.extui %sign3A_145 : i1 to i32
      %sign3A_147 = arith.constant 0 : i32
      %sign3A_148 = arith.cmpi slt, %jit3A, %sign3A_147 : i32
      %sign3A_149 = arith.extui %sign3A_148 : i1 to i32
      %sign3A_150 = arith.subi %sign3A_146, %sign3A_149 : i32
      %ne3A = arith.cmpi ne, %sign3A_143, %sign3A_150 : i32
      %rem3A = arith.remsi %scan3A_137, %jit3A : i32
      %ne3A_151 = arith.constant 0 : i32
      %ne3A_152 = arith.cmpi ne, %rem3A, %ne3A_151 : i32
      %and3A = arith.andi %ne3A, %ne3A_152 : i1
      %sub3A = arith.constant 1 : i32
      %sub3A_153 = arith.subi %div3A, %sub3A : i32
      %select_n3A = arith.select %and3A, %sub3A_153, %div3A : i32
      %jit3A_154 = arith.constant 4 : i32
      %eq3A_155 = arith.constant 0 : i32
      %eq3A_156 = arith.cmpi eq, %jit3A_154, %eq3A_155 : i32
      %jit3A_157 = arith.constant 1 : i32
      %select_n3A_158 = arith.select %eq3A_156, %jit3A_157, %jit3A_154 : i32
      %rem3A_159 = arith.remsi %scan3A_137, %select_n3A_158 : i32
      %ne3A_160 = arith.constant 0 : i32
      %ne3A_161 = arith.cmpi ne, %rem3A_159, %ne3A_160 : i32
      %lt3A = arith.constant 0 : i32
      %lt3A_162 = arith.cmpi slt, %rem3A_159, %lt3A : i32
      %lt3A_163 = arith.constant 0 : i32
      %lt3A_164 = arith.cmpi slt, %select_n3A_158, %lt3A_163 : i32
      %ne3A_165 = arith.xori %lt3A_162, %lt3A_164 : i1
      %and3A_166 = arith.andi %ne3A_165, %ne3A_161 : i1
      %add3A_167 = arith.addi %rem3A_159, %select_n3A_158 : i32
      %select_n3A_168 = arith.select %and3A_166, %add3A_167, %rem3A_159 : i32
      %mul3A_169 = arith.constant 32 : i32
      %mul3A_170 = arith.muli %select_n3A_168, %mul3A_169 : i32
      %swap3A = arith.index_cast %select_n3A : i32 to index
      %swap3A_171 = arith.index_cast %mul3A_170 : i32 to index
      %swap3A_172 = tpu.vector_load %arg9[%swap3A, %swap3A_171] {strides = array<i32>} : memref<64x128xbf16, #tpu.memory_space<vmem>>, vector<1x32xbf16>,
      %swap3A_173 = vector.shape_cast %swap3A_172 : vector<1x32xbf16> to vector<32xbf16>
      %swap3A_174 = vector.shape_cast %broadcast_in_dim3A_3 : vector<32xbf16> to vector<1x32xbf16>
      tpu.vector_store %arg9[%swap3A, %swap3A_171], %swap3A_174 {strides = array<i32>} : memref<64x128xbf16, #tpu.memory_space<vmem>>, vector<1x32xbf16>,
    }
    %scan3A_8 = arith.constant 256 : i32
    %mul3A_9 = arith.constant 640 : i32
    %mul3A_10 = arith.muli %arg1, %mul3A_9 : i32
    %add3A = arith.constant 0 : i32
    %add3A_11 = arith.addi %mul3A_10, %add3A : i32
    "tpu.region"() ({
      %run_scoped3A = tpu.sem_alloc : memref<!tpu.dma_semaphore, #tpu.memory_space<semaphore_mem>>
      %dma_start3A_137 = arith.constant 0 : i32
      %dma_start3A_138 = arith.constant 0 : i32
      %dma_start3A_139 = tpu.memref_slice %arg9[%dma_start3A_137, %dma_start3A_138] : memref<64x128xbf16, #tpu.memory_space<vmem>> -> memref<64x128xbf16, #tpu.memory_space<vmem>>
      %dma_start3A_140 = arith.constant 0 : i32
      %dma_start3A_141 = tpu.memref_slice %arg15[%add3A_11, %dma_start3A_140] : memref<10240x128xbf16, #tpu.memory_space<vmem_shared>> -> memref<64x128xbf16, #tpu.memory_space<vmem_shared>>
      %dma_start3A_142 = arith.constant 0 : i32
      %dma_start3A_143 = tpu.memref_slice %arg15[%add3A_11, %dma_start3A_142] : memref<10240x128xbf16, #tpu.memory_space<vmem_shared>> -> memref<64x128xbf16, #tpu.memory_space<vmem_shared>>
      %dma_start3A_144 = arith.constant 0 : i32
      %dma_start3A_145 = arith.constant 0 : i32
      %dma_start3A_146 = tpu.memref_slice %arg9[%dma_start3A_144, %dma_start3A_145] : memref<64x128xbf16, #tpu.memory_space<vmem>> -> memref<64x128xbf16, #tpu.memory_space<vmem>>
      tpu.enqueue_dma source(%dma_start3A_146 : memref<64x128xbf16, #tpu.memory_space<vmem>>) target(%dma_start3A_143 : memref<64x128xbf16, #tpu.memory_space<vmem_shared>>) target_semaphore(%run_scoped3A : memref<!tpu.dma_semaphore, #tpu.memory_space<semaphore_mem>>)
      %dma_wait3A_147 = arith.constant 0 : i32
      %dma_wait3A_148 = arith.constant 0 : i32
      %dma_wait3A_149 = tpu.memref_slice %arg9[%dma_wait3A_147, %dma_wait3A_148] : memref<64x128xbf16, #tpu.memory_space<vmem>> -> memref<64x128xbf16, #tpu.memory_space<vmem>>
      %dma_wait3A_150 = arith.constant 0 : i32
      %dma_wait3A_151 = tpu.memref_slice %arg15[%add3A_11, %dma_wait3A_150] : memref<10240x128xbf16, #tpu.memory_space<vmem_shared>> -> memref<64x128xbf16, #tpu.memory_space<vmem_shared>>
      %dma_wait3A_152 = arith.constant 0 : i32
      %dma_wait3A_153 = tpu.memref_slice %arg15[%add3A_11, %dma_wait3A_152] : memref<10240x128xbf16, #tpu.memory_space<vmem_shared>> -> memref<64x128xbf16, #tpu.memory_space<vmem_shared>>
      %dma_wait3A_154 = arith.constant 0 : i32
      %dma_wait3A_155 = arith.constant 0 : i32
      %dma_wait3A_156 = tpu.memref_slice %arg9[%dma_wait3A_154, %dma_wait3A_155] : memref<64x128xbf16, #tpu.memory_space<vmem>> -> memref<64x128xbf16, #tpu.memory_space<vmem>>
      tpu.wait_dma2 semaphore(%run_scoped3A : memref<!tpu.dma_semaphore, #tpu.memory_space<semaphore_mem>>) src(%dma_wait3A_156 : memref<64x128xbf16, #tpu.memory_space<vmem>>) dst(%dma_wait3A_153 : memref<64x128xbf16, #tpu.memory_space<vmem_shared>>)
      tpu.yield
    }) : () -> ()
    %mul3A_12 = arith.constant 640 : i32
    %mul3A_13 = arith.muli %arg1, %mul3A_12 : i32
    %add3A_14 = arith.constant 64 : i32
    %add3A_15 = arith.addi %mul3A_13, %add3A_14 : i32
    "tpu.region"() ({
      %run_scoped3A = tpu.sem_alloc : memref<!tpu.dma_semaphore, #tpu.memory_space<semaphore_mem>>
      %dma_start3A_137 = arith.constant 0 : i32
      %dma_start3A_138 = arith.constant 0 : i32
      %dma_start3A_139 = tpu.memref_slice %arg9[%dma_start3A_137, %dma_start3A_138] : memref<64x128xbf16, #tpu.memory_space<vmem>> -> memref<64x128xbf16, #tpu.memory_space<vmem>>
      %dma_start3A_140 = arith.constant 0 : i32
      %dma_start3A_141 = tpu.memref_slice %arg15[%add3A_15, %dma_start3A_140] : memref<10240x128xbf16, #tpu.memory_space<vmem_shared>> -> memref<64x128xbf16, #tpu.memory_space<vmem_shared>>
      %dma_start3A_142 = arith.constant 0 : i32
      %dma_start3A_143 = tpu.memref_slice %arg15[%add3A_15, %dma_start3A_142] : memref<10240x128xbf16, #tpu.memory_space<vmem_shared>> -> memref<64x128xbf16, #tpu.memory_space<vmem_shared>>
      %dma_start3A_144 = arith.constant 0 : i32
      %dma_start3A_145 = arith.constant 0 : i32
      %dma_start3A_146 = tpu.memref_slice %arg9[%dma_start3A_144, %dma_start3A_145] : memref<64x128xbf16, #tpu.memory_space<vmem>> -> memref<64x128xbf16, #tpu.memory_space<vmem>>
      tpu.enqueue_dma source(%dma_start3A_146 : memref<64x128xbf16, #tpu.memory_space<vmem>>) target(%dma_start3A_143 : memref<64x128xbf16, #tpu.memory_space<vmem_shared>>) target_semaphore(%run_scoped3A : memref<!tpu.dma_semaphore, #tpu.memory_space<semaphore_mem>>)
      %dma_wait3A_147 = arith.constant 0 : i32
      %dma_wait3A_148 = arith.constant 0 : i32
      %dma_wait3A_149 = tpu.memref_slice %arg9[%dma_wait3A_147, %dma_wait3A_148] : memref<64x128xbf16, #tpu.memory_space<vmem>> -> memref<64x128xbf16, #tpu.memory_space<vmem>>
      %dma_wait3A_150 = arith.constant 0 : i32
      %dma_wait3A_151 = tpu.memref_slice %arg15[%add3A_15, %dma_wait3A_150] : memref<10240x128xbf16, #tpu.memory_space<vmem_shared>> -> memref<64x128xbf16, #tpu.memory_space<vmem_shared>>
      %dma_wait3A_152 = arith.constant 0 : i32
      %dma_wait3A_153 = tpu.memref_slice %arg15[%add3A_15, %dma_wait3A_152] : memref<10240x128xbf16, #tpu.memory_space<vmem_shared>> -> memref<64x128xbf16, #tpu.memory_space<vmem_shared>>
      %dma_wait3A_154 = arith.constant 0 : i32
      %dma_wait3A_155 = arith.constant 0 : i32
      %dma_wait3A_156 = tpu.memref_slice %arg9[%dma_wait3A_154, %dma_wait3A_155] : memref<64x128xbf16, #tpu.memory_space<vmem>> -> memref<64x128xbf16, #tpu.memory_space<vmem>>
      tpu.wait_dma2 semaphore(%run_scoped3A : memref<!tpu.dma_semaphore, #tpu.memory_space<semaphore_mem>>) src(%dma_wait3A_156 : memref<64x128xbf16, #tpu.memory_space<vmem>>) dst(%dma_wait3A_153 : memref<64x128xbf16, #tpu.memory_space<vmem_shared>>)
      tpu.yield
    }) : () -> ()
    %mul3A_16 = arith.constant 640 : i32
    %mul3A_17 = arith.muli %arg1, %mul3A_16 : i32
    %add3A_18 = arith.constant 128 : i32
    %add3A_19 = arith.addi %mul3A_17, %add3A_18 : i32
    "tpu.region"() ({
      %run_scoped3A = tpu.sem_alloc : memref<!tpu.dma_semaphore, #tpu.memory_space<semaphore_mem>>
      %dma_start3A_137 = arith.constant 0 : i32
      %dma_start3A_138 = arith.constant 0 : i32
      %dma_start3A_139 = tpu.memref_slice %arg9[%dma_start3A_137, %dma_start3A_138] : memref<64x128xbf16, #tpu.memory_space<vmem>> -> memref<64x128xbf16, #tpu.memory_space<vmem>>
      %dma_start3A_140 = arith.constant 0 : i32
      %dma_start3A_141 = tpu.memref_slice %arg15[%add3A_19, %dma_start3A_140] : memref<10240x128xbf16, #tpu.memory_space<vmem_shared>> -> memref<64x128xbf16, #tpu.memory_space<vmem_shared>>
      %dma_start3A_142 = arith.constant 0 : i32
      %dma_start3A_143 = tpu.memref_slice %arg15[%add3A_19, %dma_start3A_142] : memref<10240x128xbf16, #tpu.memory_space<vmem_shared>> -> memref<64x128xbf16, #tpu.memory_space<vmem_shared>>
      %dma_start3A_144 = arith.constant 0 : i32
      %dma_start3A_145 = arith.constant 0 : i32
      %dma_start3A_146 = tpu.memref_slice %arg9[%dma_start3A_144, %dma_start3A_145] : memref<64x128xbf16, #tpu.memory_space<vmem>> -> memref<64x128xbf16, #tpu.memory_space<vmem>>
      tpu.enqueue_dma source(%dma_start3A_146 : memref<64x128xbf16, #tpu.memory_space<vmem>>) target(%dma_start3A_143 : memref<64x128xbf16, #tpu.memory_space<vmem_shared>>) target_semaphore(%run_scoped3A : memref<!tpu.dma_semaphore, #tpu.memory_space<semaphore_mem>>)
      %dma_wait3A_147 = arith.constant 0 : i32
      %dma_wait3A_148 = arith.constant 0 : i32
      %dma_wait3A_149 = tpu.memref_slice %arg9[%dma_wait3A_147, %dma_wait3A_148] : memref<64x128xbf16, #tpu.memory_space<vmem>> -> memref<64x128xbf16, #tpu.memory_space<vmem>>
      %dma_wait3A_150 = arith.constant 0 : i32
      %dma_wait3A_151 = tpu.memref_slice %arg15[%add3A_19, %dma_wait3A_150] : memref<10240x128xbf16, #tpu.memory_space<vmem_shared>> -> memref<64x128xbf16, #tpu.memory_space<vmem_shared>>
      %dma_wait3A_152 = arith.constant 0 : i32
      %dma_wait3A_153 = tpu.memref_slice %arg15[%add3A_19, %dma_wait3A_152] : memref<10240x128xbf16, #tpu.memory_space<vmem_shared>> -> memref<64x128xbf16, #tpu.memory_space<vmem_shared>>
      %dma_wait3A_154 = arith.constant 0 : i32
      %dma_wait3A_155 = arith.constant 0 : i32
      %dma_wait3A_156 = tpu.memref_slice %arg9[%dma_wait3A_154, %dma_wait3A_155] : memref<64x128xbf16, #tpu.memory_space<vmem>> -> memref<64x128xbf16, #tpu.memory_space<vmem>>
      tpu.wait_dma2 semaphore(%run_scoped3A : memref<!tpu.dma_semaphore, #tpu.memory_space<semaphore_mem>>) src(%dma_wait3A_156 : memref<64x128xbf16, #tpu.memory_space<vmem>>) dst(%dma_wait3A_153 : memref<64x128xbf16, #tpu.memory_space<vmem_shared>>)
      tpu.yield
    }) : () -> ()
    %mul3A_20 = arith.constant 640 : i32
    %mul3A_21 = arith.muli %arg1, %mul3A_20 : i32
    %add3A_22 = arith.constant 192 : i32
    %add3A_23 = arith.addi %mul3A_21, %add3A_22 : i32
    "tpu.region"() ({
      %run_scoped3A = tpu.sem_alloc : memref<!tpu.dma_semaphore, #tpu.memory_space<semaphore_mem>>
      %dma_start3A_137 = arith.constant 0 : i32
      %dma_start3A_138 = arith.constant 0 : i32
      %dma_start3A_139 = tpu.memref_slice %arg9[%dma_start3A_137, %dma_start3A_138] : memref<64x128xbf16, #tpu.memory_space<vmem>> -> memref<64x128xbf16, #tpu.memory_space<vmem>>
      %dma_start3A_140 = arith.constant 0 : i32
      %dma_start3A_141 = tpu.memref_slice %arg15[%add3A_23, %dma_start3A_140] : memref<10240x128xbf16, #tpu.memory_space<vmem_shared>> -> memref<64x128xbf16, #tpu.memory_space<vmem_shared>>
      %dma_start3A_142 = arith.constant 0 : i32
      %dma_start3A_143 = tpu.memref_slice %arg15[%add3A_23, %dma_start3A_142] : memref<10240x128xbf16, #tpu.memory_space<vmem_shared>> -> memref<64x128xbf16, #tpu.memory_space<vmem_shared>>
      %dma_start3A_144 = arith.constant 0 : i32
      %dma_start3A_145 = arith.constant 0 : i32
      %dma_start3A_146 = tpu.memref_slice %arg9[%dma_start3A_144, %dma_start3A_145] : memref<64x128xbf16, #tpu.memory_space<vmem>> -> memref<64x128xbf16, #tpu.memory_space<vmem>>
      tpu.enqueue_dma source(%dma_start3A_146 : memref<64x128xbf16, #tpu.memory_space<vmem>>) target(%dma_start3A_143 : memref<64x128xbf16, #tpu.memory_space<vmem_shared>>) target_semaphore(%run_scoped3A : memref<!tpu.dma_semaphore, #tpu.memory_space<semaphore_mem>>)
      %dma_wait3A_147 = arith.constant 0 : i32
      %dma_wait3A_148 = arith.constant 0 : i32
      %dma_wait3A_149 = tpu.memref_slice %arg9[%dma_wait3A_147, %dma_wait3A_148] : memref<64x128xbf16, #tpu.memory_space<vmem>> -> memref<64x128xbf16, #tpu.memory_space<vmem>>
      %dma_wait3A_150 = arith.constant 0 : i32
      %dma_wait3A_151 = tpu.memref_slice %arg15[%add3A_23, %dma_wait3A_150] : memref<10240x128xbf16, #tpu.memory_space<vmem_shared>> -> memref<64x128xbf16, #tpu.memory_space<vmem_shared>>
      %dma_wait3A_152 = arith.constant 0 : i32
      %dma_wait3A_153 = tpu.memref_slice %arg15[%add3A_23, %dma_wait3A_152] : memref<10240x128xbf16, #tpu.memory_space<vmem_shared>> -> memref<64x128xbf16, #tpu.memory_space<vmem_shared>>
      %dma_wait3A_154 = arith.constant 0 : i32
      %dma_wait3A_155 = arith.constant 0 : i32
      %dma_wait3A_156 = tpu.memref_slice %arg9[%dma_wait3A_154, %dma_wait3A_155] : memref<64x128xbf16, #tpu.memory_space<vmem>> -> memref<64x128xbf16, #tpu.memory_space<vmem>>
      tpu.wait_dma2 semaphore(%run_scoped3A : memref<!tpu.dma_semaphore, #tpu.memory_space<semaphore_mem>>) src(%dma_wait3A_156 : memref<64x128xbf16, #tpu.memory_space<vmem>>) dst(%dma_wait3A_153 : memref<64x128xbf16, #tpu.memory_space<vmem_shared>>)
      tpu.yield
    }) : () -> ()
    %mul3A_24 = arith.constant 640 : i32
    %mul3A_25 = arith.muli %arg1, %mul3A_24 : i32
    %add3A_26 = arith.constant 256 : i32
    %add3A_27 = arith.addi %mul3A_25, %add3A_26 : i32
    "tpu.region"() ({
      %run_scoped3A = tpu.sem_alloc : memref<!tpu.dma_semaphore, #tpu.memory_space<semaphore_mem>>
      %dma_start3A_137 = arith.constant 0 : i32
      %dma_start3A_138 = arith.constant 0 : i32
      %dma_start3A_139 = tpu.memref_slice %arg9[%dma_start3A_137, %dma_start3A_138] : memref<64x128xbf16, #tpu.memory_space<vmem>> -> memref<64x128xbf16, #tpu.memory_space<vmem>>
      %dma_start3A_140 = arith.constant 0 : i32
      %dma_start3A_141 = tpu.memref_slice %arg15[%add3A_27, %dma_start3A_140] : memref<10240x128xbf16, #tpu.memory_space<vmem_shared>> -> memref<64x128xbf16, #tpu.memory_space<vmem_shared>>
      %dma_start3A_142 = arith.constant 0 : i32
      %dma_start3A_143 = tpu.memref_slice %arg15[%add3A_27, %dma_start3A_142] : memref<10240x128xbf16, #tpu.memory_space<vmem_shared>> -> memref<64x128xbf16, #tpu.memory_space<vmem_shared>>
      %dma_start3A_144 = arith.constant 0 : i32
      %dma_start3A_145 = arith.constant 0 : i32
      %dma_start3A_146 = tpu.memref_slice %arg9[%dma_start3A_144, %dma_start3A_145] : memref<64x128xbf16, #tpu.memory_space<vmem>> -> memref<64x128xbf16, #tpu.memory_space<vmem>>
      tpu.enqueue_dma source(%dma_start3A_146 : memref<64x128xbf16, #tpu.memory_space<vmem>>) target(%dma_start3A_143 : memref<64x128xbf16, #tpu.memory_space<vmem_shared>>) target_semaphore(%run_scoped3A : memref<!tpu.dma_semaphore, #tpu.memory_space<semaphore_mem>>)
      %dma_wait3A_147 = arith.constant 0 : i32
      %dma_wait3A_148 = arith.constant 0 : i32
      %dma_wait3A_149 = tpu.memref_slice %arg9[%dma_wait3A_147, %dma_wait3A_148] : memref<64x128xbf16, #tpu.memory_space<vmem>> -> memref<64x128xbf16, #tpu.memory_space<vmem>>
      %dma_wait3A_150 = arith.constant 0 : i32
      %dma_wait3A_151 = tpu.memref_slice %arg15[%add3A_27, %dma_wait3A_150] : memref<10240x128xbf16, #tpu.memory_space<vmem_shared>> -> memref<64x128xbf16, #tpu.memory_space<vmem_shared>>
      %dma_wait3A_152 = arith.constant 0 : i32
      %dma_wait3A_153 = tpu.memref_slice %arg15[%add3A_27, %dma_wait3A_152] : memref<10240x128xbf16, #tpu.memory_space<vmem_shared>> -> memref<64x128xbf16, #tpu.memory_space<vmem_shared>>
      %dma_wait3A_154 = arith.constant 0 : i32
      %dma_wait3A_155 = arith.constant 0 : i32
      %dma_wait3A_156 = tpu.memref_slice %arg9[%dma_wait3A_154, %dma_wait3A_155] : memref<64x128xbf16, #tpu.memory_space<vmem>> -> memref<64x128xbf16, #tpu.memory_space<vmem>>
      tpu.wait_dma2 semaphore(%run_scoped3A : memref<!tpu.dma_semaphore, #tpu.memory_space<semaphore_mem>>) src(%dma_wait3A_156 : memref<64x128xbf16, #tpu.memory_space<vmem>>) dst(%dma_wait3A_153 : memref<64x128xbf16, #tpu.memory_space<vmem_shared>>)
      tpu.yield
    }) : () -> ()
    %mul3A_28 = arith.constant 640 : i32
    %mul3A_29 = arith.muli %arg1, %mul3A_28 : i32
    %add3A_30 = arith.constant 320 : i32
    %add3A_31 = arith.addi %mul3A_29, %add3A_30 : i32
    "tpu.region"() ({
      %run_scoped3A = tpu.sem_alloc : memref<!tpu.dma_semaphore, #tpu.memory_space<semaphore_mem>>
      %dma_start3A_137 = arith.constant 0 : i32
      %dma_start3A_138 = arith.constant 0 : i32
      %dma_start3A_139 = tpu.memref_slice %arg9[%dma_start3A_137, %dma_start3A_138] : memref<64x128xbf16, #tpu.memory_space<vmem>> -> memref<64x128xbf16, #tpu.memory_space<vmem>>
      %dma_start3A_140 = arith.constant 0 : i32
      %dma_start3A_141 = tpu.memref_slice %arg15[%add3A_31, %dma_start3A_140] : memref<10240x128xbf16, #tpu.memory_space<vmem_shared>> -> memref<64x128xbf16, #tpu.memory_space<vmem_shared>>
      %dma_start3A_142 = arith.constant 0 : i32
      %dma_start3A_143 = tpu.memref_slice %arg15[%add3A_31, %dma_start3A_142] : memref<10240x128xbf16, #tpu.memory_space<vmem_shared>> -> memref<64x128xbf16, #tpu.memory_space<vmem_shared>>
      %dma_start3A_144 = arith.constant 0 : i32
      %dma_start3A_145 = arith.constant 0 : i32
      %dma_start3A_146 = tpu.memref_slice %arg9[%dma_start3A_144, %dma_start3A_145] : memref<64x128xbf16, #tpu.memory_space<vmem>> -> memref<64x128xbf16, #tpu.memory_space<vmem>>
      tpu.enqueue_dma source(%dma_start3A_146 : memref<64x128xbf16, #tpu.memory_space<vmem>>) target(%dma_start3A_143 : memref<64x128xbf16, #tpu.memory_space<vmem_shared>>) target_semaphore(%run_scoped3A : memref<!tpu.dma_semaphore, #tpu.memory_space<semaphore_mem>>)
      %dma_wait3A_147 = arith.constant 0 : i32
      %dma_wait3A_148 = arith.constant 0 : i32
      %dma_wait3A_149 = tpu.memref_slice %arg9[%dma_wait3A_147, %dma_wait3A_148] : memref<64x128xbf16, #tpu.memory_space<vmem>> -> memref<64x128xbf16, #tpu.memory_space<vmem>>
      %dma_wait3A_150 = arith.constant 0 : i32
      %dma_wait3A_151 = tpu.memref_slice %arg15[%add3A_31, %dma_wait3A_150] : memref<10240x128xbf16, #tpu.memory_space<vmem_shared>> -> memref<64x128xbf16, #tpu.memory_space<vmem_shared>>
      %dma_wait3A_152 = arith.constant 0 : i32
      %dma_wait3A_153 = tpu.memref_slice %arg15[%add3A_31, %dma_wait3A_152] : memref<10240x128xbf16, #tpu.memory_space<vmem_shared>> -> memref<64x128xbf16, #tpu.memory_space<vmem_shared>>
      %dma_wait3A_154 = arith.constant 0 : i32
      %dma_wait3A_155 = arith.constant 0 : i32
      %dma_wait3A_156 = tpu.memref_slice %arg9[%dma_wait3A_154, %dma_wait3A_155] : memref<64x128xbf16, #tpu.memory_space<vmem>> -> memref<64x128xbf16, #tpu.memory_space<vmem>>
      tpu.wait_dma2 semaphore(%run_scoped3A : memref<!tpu.dma_semaphore, #tpu.memory_space<semaphore_mem>>) src(%dma_wait3A_156 : memref<64x128xbf16, #tpu.memory_space<vmem>>) dst(%dma_wait3A_153 : memref<64x128xbf16, #tpu.memory_space<vmem_shared>>)
      tpu.yield
    }) : () -> ()
    %mul3A_32 = arith.constant 640 : i32
    %mul3A_33 = arith.muli %arg1, %mul3A_32 : i32
    %add3A_34 = arith.constant 384 : i32
    %add3A_35 = arith.addi %mul3A_33, %add3A_34 : i32
    "tpu.region"() ({
      %run_scoped3A = tpu.sem_alloc : memref<!tpu.dma_semaphore, #tpu.memory_space<semaphore_mem>>
      %dma_start3A_137 = arith.constant 0 : i32
      %dma_start3A_138 = arith.constant 0 : i32
      %dma_start3A_139 = tpu.memref_slice %arg9[%dma_start3A_137, %dma_start3A_138] : memref<64x128xbf16, #tpu.memory_space<vmem>> -> memref<64x128xbf16, #tpu.memory_space<vmem>>
      %dma_start3A_140 = arith.constant 0 : i32
      %dma_start3A_141 = tpu.memref_slice %arg15[%add3A_35, %dma_start3A_140] : memref<10240x128xbf16, #tpu.memory_space<vmem_shared>> -> memref<64x128xbf16, #tpu.memory_space<vmem_shared>>
      %dma_start3A_142 = arith.constant 0 : i32
      %dma_start3A_143 = tpu.memref_slice %arg15[%add3A_35, %dma_start3A_142] : memref<10240x128xbf16, #tpu.memory_space<vmem_shared>> -> memref<64x128xbf16, #tpu.memory_space<vmem_shared>>
      %dma_start3A_144 = arith.constant 0 : i32
      %dma_start3A_145 = arith.constant 0 : i32
      %dma_start3A_146 = tpu.memref_slice %arg9[%dma_start3A_144, %dma_start3A_145] : memref<64x128xbf16, #tpu.memory_space<vmem>> -> memref<64x128xbf16, #tpu.memory_space<vmem>>
      tpu.enqueue_dma source(%dma_start3A_146 : memref<64x128xbf16, #tpu.memory_space<vmem>>) target(%dma_start3A_143 : memref<64x128xbf16, #tpu.memory_space<vmem_shared>>) target_semaphore(%run_scoped3A : memref<!tpu.dma_semaphore, #tpu.memory_space<semaphore_mem>>)
      %dma_wait3A_147 = arith.constant 0 : i32
      %dma_wait3A_148 = arith.constant 0 : i32
      %dma_wait3A_149 = tpu.memref_slice %arg9[%dma_wait3A_147, %dma_wait3A_148] : memref<64x128xbf16, #tpu.memory_space<vmem>> -> memref<64x128xbf16, #tpu.memory_space<vmem>>
      %dma_wait3A_150 = arith.constant 0 : i32
      %dma_wait3A_151 = tpu.memref_slice %arg15[%add3A_35, %dma_wait3A_150] : memref<10240x128xbf16, #tpu.memory_space<vmem_shared>> -> memref<64x128xbf16, #tpu.memory_space<vmem_shared>>
      %dma_wait3A_152 = arith.constant 0 : i32
      %dma_wait3A_153 = tpu.memref_slice %arg15[%add3A_35, %dma_wait3A_152] : memref<10240x128xbf16, #tpu.memory_space<vmem_shared>> -> memref<64x128xbf16, #tpu.memory_space<vmem_shared>>
      %dma_wait3A_154 = arith.constant 0 : i32
      %dma_wait3A_155 = arith.constant 0 : i32
      %dma_wait3A_156 = tpu.memref_slice %arg9[%dma_wait3A_154, %dma_wait3A_155] : memref<64x128xbf16, #tpu.memory_space<vmem>> -> memref<64x128xbf16, #tpu.memory_space<vmem>>
      tpu.wait_dma2 semaphore(%run_scoped3A : memref<!tpu.dma_semaphore, #tpu.memory_space<semaphore_mem>>) src(%dma_wait3A_156 : memref<64x128xbf16, #tpu.memory_space<vmem>>) dst(%dma_wait3A_153 : memref<64x128xbf16, #tpu.memory_space<vmem_shared>>)
      tpu.yield
    }) : () -> ()
    %mul3A_36 = arith.constant 640 : i32
    %mul3A_37 = arith.muli %arg1, %mul3A_36 : i32
    %add3A_38 = arith.constant 448 : i32
    %add3A_39 = arith.addi %mul3A_37, %add3A_38 : i32
    "tpu.region"() ({
      %run_scoped3A = tpu.sem_alloc : memref<!tpu.dma_semaphore, #tpu.memory_space<semaphore_mem>>
      %dma_start3A_137 = arith.constant 0 : i32
      %dma_start3A_138 = arith.constant 0 : i32
      %dma_start3A_139 = tpu.memref_slice %arg9[%dma_start3A_137, %dma_start3A_138] : memref<64x128xbf16, #tpu.memory_space<vmem>> -> memref<64x128xbf16, #tpu.memory_space<vmem>>
      %dma_start3A_140 = arith.constant 0 : i32
      %dma_start3A_141 = tpu.memref_slice %arg15[%add3A_39, %dma_start3A_140] : memref<10240x128xbf16, #tpu.memory_space<vmem_shared>> -> memref<64x128xbf16, #tpu.memory_space<vmem_shared>>
      %dma_start3A_142 = arith.constant 0 : i32
      %dma_start3A_143 = tpu.memref_slice %arg15[%add3A_39, %dma_start3A_142] : memref<10240x128xbf16, #tpu.memory_space<vmem_shared>> -> memref<64x128xbf16, #tpu.memory_space<vmem_shared>>
      %dma_start3A_144 = arith.constant 0 : i32
      %dma_start3A_145 = arith.constant 0 : i32
      %dma_start3A_146 = tpu.memref_slice %arg9[%dma_start3A_144, %dma_start3A_145] : memref<64x128xbf16, #tpu.memory_space<vmem>> -> memref<64x128xbf16, #tpu.memory_space<vmem>>
      tpu.enqueue_dma source(%dma_start3A_146 : memref<64x128xbf16, #tpu.memory_space<vmem>>) target(%dma_start3A_143 : memref<64x128xbf16, #tpu.memory_space<vmem_shared>>) target_semaphore(%run_scoped3A : memref<!tpu.dma_semaphore, #tpu.memory_space<semaphore_mem>>)
      %dma_wait3A_147 = arith.constant 0 : i32
      %dma_wait3A_148 = arith.constant 0 : i32
      %dma_wait3A_149 = tpu.memref_slice %arg9[%dma_wait3A_147, %dma_wait3A_148] : memref<64x128xbf16, #tpu.memory_space<vmem>> -> memref<64x128xbf16, #tpu.memory_space<vmem>>
      %dma_wait3A_150 = arith.constant 0 : i32
      %dma_wait3A_151 = tpu.memref_slice %arg15[%add3A_39, %dma_wait3A_150] : memref<10240x128xbf16, #tpu.memory_space<vmem_shared>> -> memref<64x128xbf16, #tpu.memory_space<vmem_shared>>
      %dma_wait3A_152 = arith.constant 0 : i32
      %dma_wait3A_153 = tpu.memref_slice %arg15[%add3A_39, %dma_wait3A_152] : memref<10240x128xbf16, #tpu.memory_space<vmem_shared>> -> memref<64x128xbf16, #tpu.memory_space<vmem_shared>>
      %dma_wait3A_154 = arith.constant 0 : i32
      %dma_wait3A_155 = arith.constant 0 : i32
      %dma_wait3A_156 = tpu.memref_slice %arg9[%dma_wait3A_154, %dma_wait3A_155] : memref<64x128xbf16, #tpu.memory_space<vmem>> -> memref<64x128xbf16, #tpu.memory_space<vmem>>
      tpu.wait_dma2 semaphore(%run_scoped3A : memref<!tpu.dma_semaphore, #tpu.memory_space<semaphore_mem>>) src(%dma_wait3A_156 : memref<64x128xbf16, #tpu.memory_space<vmem>>) dst(%dma_wait3A_153 : memref<64x128xbf16, #tpu.memory_space<vmem_shared>>)
      tpu.yield
    }) : () -> ()
    %mul3A_40 = arith.constant 640 : i32
    %mul3A_41 = arith.muli %arg1, %mul3A_40 : i32
    %add3A_42 = arith.constant 512 : i32
    %add3A_43 = arith.addi %mul3A_41, %add3A_42 : i32
    "tpu.region"() ({
      %run_scoped3A = tpu.sem_alloc : memref<!tpu.dma_semaphore, #tpu.memory_space<semaphore_mem>>
      %dma_start3A_137 = arith.constant 0 : i32
      %dma_start3A_138 = arith.constant 0 : i32
      %dma_start3A_139 = tpu.memref_slice %arg9[%dma_start3A_137, %dma_start3A_138] : memref<64x128xbf16, #tpu.memory_space<vmem>> -> memref<64x128xbf16, #tpu.memory_space<vmem>>
      %dma_start3A_140 = arith.constant 0 : i32
      %dma_start3A_141 = tpu.memref_slice %arg15[%add3A_43, %dma_start3A_140] : memref<10240x128xbf16, #tpu.memory_space<vmem_shared>> -> memref<64x128xbf16, #tpu.memory_space<vmem_shared>>
      %dma_start3A_142 = arith.constant 0 : i32
      %dma_start3A_143 = tpu.memref_slice %arg15[%add3A_43, %dma_start3A_142] : memref<10240x128xbf16, #tpu.memory_space<vmem_shared>> -> memref<64x128xbf16, #tpu.memory_space<vmem_shared>>
      %dma_start3A_144 = arith.constant 0 : i32
      %dma_start3A_145 = arith.constant 0 : i32
      %dma_start3A_146 = tpu.memref_slice %arg9[%dma_start3A_144, %dma_start3A_145] : memref<64x128xbf16, #tpu.memory_space<vmem>> -> memref<64x128xbf16, #tpu.memory_space<vmem>>
      tpu.enqueue_dma source(%dma_start3A_146 : memref<64x128xbf16, #tpu.memory_space<vmem>>) target(%dma_start3A_143 : memref<64x128xbf16, #tpu.memory_space<vmem_shared>>) target_semaphore(%run_scoped3A : memref<!tpu.dma_semaphore, #tpu.memory_space<semaphore_mem>>)
      %dma_wait3A_147 = arith.constant 0 : i32
      %dma_wait3A_148 = arith.constant 0 : i32
      %dma_wait3A_149 = tpu.memref_slice %arg9[%dma_wait3A_147, %dma_wait3A_148] : memref<64x128xbf16, #tpu.memory_space<vmem>> -> memref<64x128xbf16, #tpu.memory_space<vmem>>
      %dma_wait3A_150 = arith.constant 0 : i32
      %dma_wait3A_151 = tpu.memref_slice %arg15[%add3A_43, %dma_wait3A_150] : memref<10240x128xbf16, #tpu.memory_space<vmem_shared>> -> memref<64x128xbf16, #tpu.memory_space<vmem_shared>>
      %dma_wait3A_152 = arith.constant 0 : i32
      %dma_wait3A_153 = tpu.memref_slice %arg15[%add3A_43, %dma_wait3A_152] : memref<10240x128xbf16, #tpu.memory_space<vmem_shared>> -> memref<64x128xbf16, #tpu.memory_space<vmem_shared>>
      %dma_wait3A_154 = arith.constant 0 : i32
      %dma_wait3A_155 = arith.constant 0 : i32
      %dma_wait3A_156 = tpu.memref_slice %arg9[%dma_wait3A_154, %dma_wait3A_155] : memref<64x128xbf16, #tpu.memory_space<vmem>> -> memref<64x128xbf16, #tpu.memory_space<vmem>>
      tpu.wait_dma2 semaphore(%run_scoped3A : memref<!tpu.dma_semaphore, #tpu.memory_space<semaphore_mem>>) src(%dma_wait3A_156 : memref<64x128xbf16, #tpu.memory_space<vmem>>) dst(%dma_wait3A_153 : memref<64x128xbf16, #tpu.memory_space<vmem_shared>>)
      tpu.yield
    }) : () -> ()
    %mul3A_44 = arith.constant 640 : i32
    %mul3A_45 = arith.muli %arg1, %mul3A_44 : i32
    %add3A_46 = arith.constant 576 : i32
    %add3A_47 = arith.addi %mul3A_45, %add3A_46 : i32
    "tpu.region"() ({
      %run_scoped3A = tpu.sem_alloc : memref<!tpu.dma_semaphore, #tpu.memory_space<semaphore_mem>>
      %dma_start3A_137 = arith.constant 0 : i32
      %dma_start3A_138 = arith.constant 0 : i32
      %dma_start3A_139 = tpu.memref_slice %arg9[%dma_start3A_137, %dma_start3A_138] : memref<64x128xbf16, #tpu.memory_space<vmem>> -> memref<64x128xbf16, #tpu.memory_space<vmem>>
      %dma_start3A_140 = arith.constant 0 : i32
      %dma_start3A_141 = tpu.memref_slice %arg15[%add3A_47, %dma_start3A_140] : memref<10240x128xbf16, #tpu.memory_space<vmem_shared>> -> memref<64x128xbf16, #tpu.memory_space<vmem_shared>>
      %dma_start3A_142 = arith.constant 0 : i32
      %dma_start3A_143 = tpu.memref_slice %arg15[%add3A_47, %dma_start3A_142] : memref<10240x128xbf16, #tpu.memory_space<vmem_shared>> -> memref<64x128xbf16, #tpu.memory_space<vmem_shared>>
      %dma_start3A_144 = arith.constant 0 : i32
      %dma_start3A_145 = arith.constant 0 : i32
      %dma_start3A_146 = tpu.memref_slice %arg9[%dma_start3A_144, %dma_start3A_145] : memref<64x128xbf16, #tpu.memory_space<vmem>> -> memref<64x128xbf16, #tpu.memory_space<vmem>>
      tpu.enqueue_dma source(%dma_start3A_146 : memref<64x128xbf16, #tpu.memory_space<vmem>>) target(%dma_start3A_143 : memref<64x128xbf16, #tpu.memory_space<vmem_shared>>) target_semaphore(%run_scoped3A : memref<!tpu.dma_semaphore, #tpu.memory_space<semaphore_mem>>)
      %dma_wait3A_147 = arith.constant 0 : i32
      %dma_wait3A_148 = arith.constant 0 : i32
      %dma_wait3A_149 = tpu.memref_slice %arg9[%dma_wait3A_147, %dma_wait3A_148] : memref<64x128xbf16, #tpu.memory_space<vmem>> -> memref<64x128xbf16, #tpu.memory_space<vmem>>
      %dma_wait3A_150 = arith.constant 0 : i32
      %dma_wait3A_151 = tpu.memref_slice %arg15[%add3A_47, %dma_wait3A_150] : memref<10240x128xbf16, #tpu.memory_space<vmem_shared>> -> memref<64x128xbf16, #tpu.memory_space<vmem_shared>>
      %dma_wait3A_152 = arith.constant 0 : i32
      %dma_wait3A_153 = tpu.memref_slice %arg15[%add3A_47, %dma_wait3A_152] : memref<10240x128xbf16, #tpu.memory_space<vmem_shared>> -> memref<64x128xbf16, #tpu.memory_space<vmem_shared>>
      %dma_wait3A_154 = arith.constant 0 : i32
      %dma_wait3A_155 = arith.constant 0 : i32
      %dma_wait3A_156 = tpu.memref_slice %arg9[%dma_wait3A_154, %dma_wait3A_155] : memref<64x128xbf16, #tpu.memory_space<vmem>> -> memref<64x128xbf16, #tpu.memory_space<vmem>>
      tpu.wait_dma2 semaphore(%run_scoped3A : memref<!tpu.dma_semaphore, #tpu.memory_space<semaphore_mem>>) src(%dma_wait3A_156 : memref<64x128xbf16, #tpu.memory_space<vmem>>) dst(%dma_wait3A_153 : memref<64x128xbf16, #tpu.memory_space<vmem_shared>>)
      tpu.yield
    }) : () -> ()
    %barrier3A = arith.constant 0 : index
    tpu.barrier barrier_id(%barrier3A)
    %dma_start3A = arith.constant 0 : i32
    %dma_start3A_48 = arith.constant 0 : i32
    %dma_start3A_49 = tpu.memref_slice %arg7[%dma_start3A, %dma_start3A_48] : memref<168x64xi32, #tpu.memory_space<vmem>> -> memref<1x64xi32, #tpu.memory_space<vmem>>
    %dma_start3A_50 = tpu.memref_squeeze %dma_start3A_49 : memref<1x64xi32, #tpu.memory_space<vmem>> -> memref<64xi32, #tpu.memory_space<vmem>>
    %dma_start3A_51 = arith.constant 0 : i32
    %dma_start3A_52 = arith.constant 0 : i32
    %dma_start3A_53 = tpu.memref_slice %arg4[%dma_start3A_51, %dma_start3A_52] : memref<20000x128xbf16, #tpu.memory_space<hbm>> -> memref<20000x128xbf16, #tpu.memory_space<hbm>>
    tpu.enqueue_indirect_dma source(%dma_start3A_53 : memref<20000x128xbf16, #tpu.memory_space<hbm>>) target(%arg9 : memref<64x128xbf16, #tpu.memory_space<vmem>>) offsets(%dma_start3A_50 : memref<64xi32, #tpu.memory_space<vmem>>) semaphore(%arg16 : memref<!tpu.dma_semaphore, #tpu.memory_space<semaphore_mem>>)
    %dma_start3A_54 = arith.constant 1 : i32
    %dma_start3A_55 = arith.constant 0 : i32
    %dma_start3A_56 = tpu.memref_slice %arg7[%dma_start3A_54, %dma_start3A_55] : memref<168x64xi32, #tpu.memory_space<vmem>> -> memref<1x64xi32, #tpu.memory_space<vmem>>
    %dma_start3A_57 = tpu.memref_squeeze %dma_start3A_56 : memref<1x64xi32, #tpu.memory_space<vmem>> -> memref<64xi32, #tpu.memory_space<vmem>>
    %dma_start3A_58 = arith.constant 0 : i32
    %dma_start3A_59 = arith.constant 0 : i32
    %dma_start3A_60 = tpu.memref_slice %arg4[%dma_start3A_58, %dma_start3A_59] : memref<20000x128xbf16, #tpu.memory_space<hbm>> -> memref<20000x128xbf16, #tpu.memory_space<hbm>>
    tpu.enqueue_indirect_dma source(%dma_start3A_60 : memref<20000x128xbf16, #tpu.memory_space<hbm>>) target(%arg10 : memref<64x128xbf16, #tpu.memory_space<vmem>>) offsets(%dma_start3A_57 : memref<64xi32, #tpu.memory_space<vmem>>) semaphore(%arg17 : memref<!tpu.dma_semaphore, #tpu.memory_space<semaphore_mem>>)
    %dma_start3A_61 = arith.constant 2 : i32
    %dma_start3A_62 = arith.constant 0 : i32
    %dma_start3A_63 = tpu.memref_slice %arg7[%dma_start3A_61, %dma_start3A_62] : memref<168x64xi32, #tpu.memory_space<vmem>> -> memref<1x64xi32, #tpu.memory_space<vmem>>
    %dma_start3A_64 = tpu.memref_squeeze %dma_start3A_63 : memref<1x64xi32, #tpu.memory_space<vmem>> -> memref<64xi32, #tpu.memory_space<vmem>>
    %dma_start3A_65 = arith.constant 0 : i32
    %dma_start3A_66 = arith.constant 0 : i32
    %dma_start3A_67 = tpu.memref_slice %arg4[%dma_start3A_65, %dma_start3A_66] : memref<20000x128xbf16, #tpu.memory_space<hbm>> -> memref<20000x128xbf16, #tpu.memory_space<hbm>>
    tpu.enqueue_indirect_dma source(%dma_start3A_67 : memref<20000x128xbf16, #tpu.memory_space<hbm>>) target(%arg11 : memref<64x128xbf16, #tpu.memory_space<vmem>>) offsets(%dma_start3A_64 : memref<64xi32, #tpu.memory_space<vmem>>) semaphore(%arg18 : memref<!tpu.dma_semaphore, #tpu.memory_space<semaphore_mem>>)
    %dma_start3A_68 = arith.constant 3 : i32
    %dma_start3A_69 = arith.constant 0 : i32
    %dma_start3A_70 = tpu.memref_slice %arg7[%dma_start3A_68, %dma_start3A_69] : memref<168x64xi32, #tpu.memory_space<vmem>> -> memref<1x64xi32, #tpu.memory_space<vmem>>
    %dma_start3A_71 = tpu.memref_squeeze %dma_start3A_70 : memref<1x64xi32, #tpu.memory_space<vmem>> -> memref<64xi32, #tpu.memory_space<vmem>>
    %dma_start3A_72 = arith.constant 0 : i32
    %dma_start3A_73 = arith.constant 0 : i32
    %dma_start3A_74 = tpu.memref_slice %arg4[%dma_start3A_72, %dma_start3A_73] : memref<20000x128xbf16, #tpu.memory_space<hbm>> -> memref<20000x128xbf16, #tpu.memory_space<hbm>>
    tpu.enqueue_indirect_dma source(%dma_start3A_74 : memref<20000x128xbf16, #tpu.memory_space<hbm>>) target(%arg12 : memref<64x128xbf16, #tpu.memory_space<vmem>>) offsets(%dma_start3A_71 : memref<64xi32, #tpu.memory_space<vmem>>) semaphore(%arg19 : memref<!tpu.dma_semaphore, #tpu.memory_space<semaphore_mem>>)
    %dma_start3A_75 = arith.constant 4 : i32
    %dma_start3A_76 = arith.constant 0 : i32
    %dma_start3A_77 = tpu.memref_slice %arg7[%dma_start3A_75, %dma_start3A_76] : memref<168x64xi32, #tpu.memory_space<vmem>> -> memref<1x64xi32, #tpu.memory_space<vmem>>
    %dma_start3A_78 = tpu.memref_squeeze %dma_start3A_77 : memref<1x64xi32, #tpu.memory_space<vmem>> -> memref<64xi32, #tpu.memory_space<vmem>>
    %dma_start3A_79 = arith.constant 0 : i32
    %dma_start3A_80 = arith.constant 0 : i32
    %dma_start3A_81 = tpu.memref_slice %arg4[%dma_start3A_79, %dma_start3A_80] : memref<20000x128xbf16, #tpu.memory_space<hbm>> -> memref<20000x128xbf16, #tpu.memory_space<hbm>>
    tpu.enqueue_indirect_dma source(%dma_start3A_81 : memref<20000x128xbf16, #tpu.memory_space<hbm>>) target(%arg13 : memref<64x128xbf16, #tpu.memory_space<vmem>>) offsets(%dma_start3A_78 : memref<64xi32, #tpu.memory_space<vmem>>) semaphore(%arg20 : memref<!tpu.dma_semaphore, #tpu.memory_space<semaphore_mem>>)
    %scan3A_82 = arith.constant 0 : i32
    %scan3A_83 = arith.constant 0 : i32
    %scan3A_84 = arith.constant 28 : i32
    %scan3A_85 = arith.addi %scan3A_83, %scan3A_84 : i32
    %scan3A_86 = arith.constant 1 : i32
    scf.for %scan3A_137 = %scan3A_83 to %scan3A_85 step %scan3A_86  : i32 {
      %mul3A_138 = arith.constant 6 : i32
      %mul3A_139 = arith.muli %scan3A_137, %mul3A_138 : i32
      %add3A_140 = arith.constant 0 : i32
      %add3A_141 = arith.addi %mul3A_139, %add3A_140 : i32
      %dma_wait3A_142 = arith.constant 0 : i32
      %dma_wait3A_143 = tpu.memref_slice %arg7[%add3A_141, %dma_wait3A_142] : memref<168x64xi32, #tpu.memory_space<vmem>> -> memref<1x64xi32, #tpu.memory_space<vmem>>
      %dma_wait3A_144 = tpu.memref_squeeze %dma_wait3A_143 : memref<1x64xi32, #tpu.memory_space<vmem>> -> memref<64xi32, #tpu.memory_space<vmem>>
      %dma_wait3A_145 = arith.constant 0 : i32
      %dma_wait3A_146 = arith.constant 0 : i32
      %dma_wait3A_147 = tpu.memref_slice %arg4[%dma_wait3A_145, %dma_wait3A_146] : memref<20000x128xbf16, #tpu.memory_space<hbm>> -> memref<20000x128xbf16, #tpu.memory_space<hbm>>
      tpu.wait_indirect_dma semaphore(%arg16 : memref<!tpu.dma_semaphore, #tpu.memory_space<semaphore_mem>>) src(%dma_wait3A_147 : memref<20000x128xbf16, #tpu.memory_space<hbm>>) dst(%arg9 : memref<64x128xbf16, #tpu.memory_space<vmem>>)
      %dma_start3A_148 = arith.constant 0 : i32
      %dma_start3A_149 = tpu.memref_slice %arg8[%add3A_141, %dma_start3A_148] : memref<168x64xi32, #tpu.memory_space<vmem>> -> memref<1x64xi32, #tpu.memory_space<vmem>>
      %dma_start3A_150 = tpu.memref_squeeze %dma_start3A_149 : memref<1x64xi32, #tpu.memory_space<vmem>> -> memref<64xi32, #tpu.memory_space<vmem>>
      %dma_start3A_151 = arith.constant 0 : i32
      %dma_start3A_152 = arith.constant 0 : i32
      %dma_start3A_153 = tpu.memref_slice %arg15[%dma_start3A_151, %dma_start3A_152] : memref<10240x128xbf16, #tpu.memory_space<vmem_shared>> -> memref<10240x128xbf16, #tpu.memory_space<vmem_shared>>
      tpu.enqueue_indirect_dma source(%arg9 : memref<64x128xbf16, #tpu.memory_space<vmem>>) target(%dma_start3A_153 : memref<10240x128xbf16, #tpu.memory_space<vmem_shared>>) offsets(%dma_start3A_150 : memref<64xi32, #tpu.memory_space<vmem>>) semaphore(%arg22 : memref<!tpu.dma_semaphore, #tpu.memory_space<semaphore_mem>>) {add = true}
      %add3A_154 = arith.constant 6 : i32
      %add3A_155 = arith.addi %add3A_141, %add3A_154 : i32
      %sub3A = arith.constant 1 : i32
      %sub3A_156 = arith.subi %add3A_155, %sub3A : i32
      %lt3A = arith.constant 168 : i32
      %lt3A_157 = arith.cmpi slt, %sub3A_156, %lt3A : i32
      %convert_element_type3A_158 = arith.extui %lt3A_157 : i1 to i32
      %cond3A_159 = arith.constant 0 : i32
      %cond3A_160 = arith.cmpi ne, %convert_element_type3A_158, %cond3A_159 : i32
      scf.if %cond3A_160 {
        %ge3A = arith.constant 1 : i32
        %ge3A_286 = arith.cmpi sge, %add3A_141, %ge3A : i32
        %convert_element_type3A_287 = arith.extui %ge3A_286 : i1 to i32
        %cond3A_288 = arith.constant 0 : i32
        %cond3A_289 = arith.cmpi ne, %convert_element_type3A_287, %cond3A_288 : i32
        scf.if %cond3A_289 {
          %dma_wait3A_300 = arith.constant 0 : i32
          %dma_wait3A_301 = tpu.memref_slice %arg8[%add3A_141, %dma_wait3A_300] : memref<168x64xi32, #tpu.memory_space<vmem>> -> memref<1x64xi32, #tpu.memory_space<vmem>>
          %dma_wait3A_302 = tpu.memref_squeeze %dma_wait3A_301 : memref<1x64xi32, #tpu.memory_space<vmem>> -> memref<64xi32, #tpu.memory_space<vmem>>
          %dma_wait3A_303 = arith.constant 0 : i32
          %dma_wait3A_304 = arith.constant 0 : i32
          %dma_wait3A_305 = tpu.memref_slice %arg15[%dma_wait3A_303, %dma_wait3A_304] : memref<10240x128xbf16, #tpu.memory_space<vmem_shared>> -> memref<10240x128xbf16, #tpu.memory_space<vmem_shared>>
          tpu.wait_indirect_dma semaphore(%arg27 : memref<!tpu.dma_semaphore, #tpu.memory_space<semaphore_mem>>) src(%arg14 : memref<64x128xbf16, #tpu.memory_space<vmem>>) dst(%dma_wait3A_305 : memref<10240x128xbf16, #tpu.memory_space<vmem_shared>>)
        } else {
        }
        %add3A_290 = arith.constant 6 : i32
        %add3A_291 = arith.addi %add3A_141, %add3A_290 : i32
        %sub3A_292 = arith.constant 1 : i32
        %sub3A_293 = arith.subi %add3A_291, %sub3A_292 : i32
        %dma_start3A_294 = arith.constant 0 : i32
        %dma_start3A_295 = tpu.memref_slice %arg7[%sub3A_293, %dma_start3A_294] : memref<168x64xi32, #tpu.memory_space<vmem>> -> memref<1x64xi32, #tpu.memory_space<vmem>>
        %dma_start3A_296 = tpu.memref_squeeze %dma_start3A_295 : memref<1x64xi32, #tpu.memory_space<vmem>> -> memref<64xi32, #tpu.memory_space<vmem>>
        %dma_start3A_297 = arith.constant 0 : i32
        %dma_start3A_298 = arith.constant 0 : i32
        %dma_start3A_299 = tpu.memref_slice %arg4[%dma_start3A_297, %dma_start3A_298] : memref<20000x128xbf16, #tpu.memory_space<hbm>> -> memref<20000x128xbf16, #tpu.memory_space<hbm>>
        tpu.enqueue_indirect_dma source(%dma_start3A_299 : memref<20000x128xbf16, #tpu.memory_space<hbm>>) target(%arg14 : memref<64x128xbf16, #tpu.memory_space<vmem>>) offsets(%dma_start3A_296 : memref<64xi32, #tpu.memory_space<vmem>>) semaphore(%arg21 : memref<!tpu.dma_semaphore, #tpu.memory_space<semaphore_mem>>)
      } else {
      }
      %mul3A_161 = arith.constant 6 : i32
      %mul3A_162 = arith.muli %scan3A_137, %mul3A_161 : i32
      %add3A_163 = arith.constant 1 : i32
      %add3A_164 = arith.addi %mul3A_162, %add3A_163 : i32
      %dma_wait3A_165 = arith.constant 0 : i32
      %dma_wait3A_166 = tpu.memref_slice %arg7[%add3A_164, %dma_wait3A_165] : memref<168x64xi32, #tpu.memory_space<vmem>> -> memref<1x64xi32, #tpu.memory_space<vmem>>
      %dma_wait3A_167 = tpu.memref_squeeze %dma_wait3A_166 : memref<1x64xi32, #tpu.memory_space<vmem>> -> memref<64xi32, #tpu.memory_space<vmem>>
      %dma_wait3A_168 = arith.constant 0 : i32
      %dma_wait3A_169 = arith.constant 0 : i32
      %dma_wait3A_170 = tpu.memref_slice %arg4[%dma_wait3A_168, %dma_wait3A_169] : memref<20000x128xbf16, #tpu.memory_space<hbm>> -> memref<20000x128xbf16, #tpu.memory_space<hbm>>
      tpu.wait_indirect_dma semaphore(%arg17 : memref<!tpu.dma_semaphore, #tpu.memory_space<semaphore_mem>>) src(%dma_wait3A_170 : memref<20000x128xbf16, #tpu.memory_space<hbm>>) dst(%arg10 : memref<64x128xbf16, #tpu.memory_space<vmem>>)
      %dma_start3A_171 = arith.constant 0 : i32
      %dma_start3A_172 = tpu.memref_slice %arg8[%add3A_164, %dma_start3A_171] : memref<168x64xi32, #tpu.memory_space<vmem>> -> memref<1x64xi32, #tpu.memory_space<vmem>>
      %dma_start3A_173 = tpu.memref_squeeze %dma_start3A_172 : memref<1x64xi32, #tpu.memory_space<vmem>> -> memref<64xi32, #tpu.memory_space<vmem>>
      %dma_start3A_174 = arith.constant 0 : i32
      %dma_start3A_175 = arith.constant 0 : i32
      %dma_start3A_176 = tpu.memref_slice %arg15[%dma_start3A_174, %dma_start3A_175] : memref<10240x128xbf16, #tpu.memory_space<vmem_shared>> -> memref<10240x128xbf16, #tpu.memory_space<vmem_shared>>
      tpu.enqueue_indirect_dma source(%arg10 : memref<64x128xbf16, #tpu.memory_space<vmem>>) target(%dma_start3A_176 : memref<10240x128xbf16, #tpu.memory_space<vmem_shared>>) offsets(%dma_start3A_173 : memref<64xi32, #tpu.memory_space<vmem>>) semaphore(%arg23 : memref<!tpu.dma_semaphore, #tpu.memory_space<semaphore_mem>>) {add = true}
      %add3A_177 = arith.constant 6 : i32
      %add3A_178 = arith.addi %add3A_164, %add3A_177 : i32
      %sub3A_179 = arith.constant 1 : i32
      %sub3A_180 = arith.subi %add3A_178, %sub3A_179 : i32
      %lt3A_181 = arith.constant 168 : i32
      %lt3A_182 = arith.cmpi slt, %sub3A_180, %lt3A_181 : i32
      %convert_element_type3A_183 = arith.extui %lt3A_182 : i1 to i32
      %cond3A_184 = arith.constant 0 : i32
      %cond3A_185 = arith.cmpi ne, %convert_element_type3A_183, %cond3A_184 : i32
      scf.if %cond3A_185 {
        %ge3A = arith.constant 1 : i32
        %ge3A_286 = arith.cmpi sge, %add3A_164, %ge3A : i32
        %convert_element_type3A_287 = arith.extui %ge3A_286 : i1 to i32
        %cond3A_288 = arith.constant 0 : i32
        %cond3A_289 = arith.cmpi ne, %convert_element_type3A_287, %cond3A_288 : i32
        scf.if %cond3A_289 {
          %dma_wait3A_300 = arith.constant 0 : i32
          %dma_wait3A_301 = tpu.memref_slice %arg8[%add3A_164, %dma_wait3A_300] : memref<168x64xi32, #tpu.memory_space<vmem>> -> memref<1x64xi32, #tpu.memory_space<vmem>>
          %dma_wait3A_302 = tpu.memref_squeeze %dma_wait3A_301 : memref<1x64xi32, #tpu.memory_space<vmem>> -> memref<64xi32, #tpu.memory_space<vmem>>
          %dma_wait3A_303 = arith.constant 0 : i32
          %dma_wait3A_304 = arith.constant 0 : i32
          %dma_wait3A_305 = tpu.memref_slice %arg15[%dma_wait3A_303, %dma_wait3A_304] : memref<10240x128xbf16, #tpu.memory_space<vmem_shared>> -> memref<10240x128xbf16, #tpu.memory_space<vmem_shared>>
          tpu.wait_indirect_dma semaphore(%arg22 : memref<!tpu.dma_semaphore, #tpu.memory_space<semaphore_mem>>) src(%arg9 : memref<64x128xbf16, #tpu.memory_space<vmem>>) dst(%dma_wait3A_305 : memref<10240x128xbf16, #tpu.memory_space<vmem_shared>>)
        } else {
        }
        %add3A_290 = arith.constant 6 : i32
        %add3A_291 = arith.addi %add3A_164, %add3A_290 : i32
        %sub3A_292 = arith.constant 1 : i32
        %sub3A_293 = arith.subi %add3A_291, %sub3A_292 : i32
        %dma_start3A_294 = arith.constant 0 : i32
        %dma_start3A_295 = tpu.memref_slice %arg7[%sub3A_293, %dma_start3A_294] : memref<168x64xi32, #tpu.memory_space<vmem>> -> memref<1x64xi32, #tpu.memory_space<vmem>>
        %dma_start3A_296 = tpu.memref_squeeze %dma_start3A_295 : memref<1x64xi32, #tpu.memory_space<vmem>> -> memref<64xi32, #tpu.memory_space<vmem>>
        %dma_start3A_297 = arith.constant 0 : i32
        %dma_start3A_298 = arith.constant 0 : i32
        %dma_start3A_299 = tpu.memref_slice %arg4[%dma_start3A_297, %dma_start3A_298] : memref<20000x128xbf16, #tpu.memory_space<hbm>> -> memref<20000x128xbf16, #tpu.memory_space<hbm>>
        tpu.enqueue_indirect_dma source(%dma_start3A_299 : memref<20000x128xbf16, #tpu.memory_space<hbm>>) target(%arg9 : memref<64x128xbf16, #tpu.memory_space<vmem>>) offsets(%dma_start3A_296 : memref<64xi32, #tpu.memory_space<vmem>>) semaphore(%arg16 : memref<!tpu.dma_semaphore, #tpu.memory_space<semaphore_mem>>)
      } else {
      }
      %mul3A_186 = arith.constant 6 : i32
      %mul3A_187 = arith.muli %scan3A_137, %mul3A_186 : i32
      %add3A_188 = arith.constant 2 : i32
      %add3A_189 = arith.addi %mul3A_187, %add3A_188 : i32
      %dma_wait3A_190 = arith.constant 0 : i32
      %dma_wait3A_191 = tpu.memref_slice %arg7[%add3A_189, %dma_wait3A_190] : memref<168x64xi32, #tpu.memory_space<vmem>> -> memref<1x64xi32, #tpu.memory_space<vmem>>
      %dma_wait3A_192 = tpu.memref_squeeze %dma_wait3A_191 : memref<1x64xi32, #tpu.memory_space<vmem>> -> memref<64xi32, #tpu.memory_space<vmem>>
      %dma_wait3A_193 = arith.constant 0 : i32
      %dma_wait3A_194 = arith.constant 0 : i32
      %dma_wait3A_195 = tpu.memref_slice %arg4[%dma_wait3A_193, %dma_wait3A_194] : memref<20000x128xbf16, #tpu.memory_space<hbm>> -> memref<20000x128xbf16, #tpu.memory_space<hbm>>
      tpu.wait_indirect_dma semaphore(%arg18 : memref<!tpu.dma_semaphore, #tpu.memory_space<semaphore_mem>>) src(%dma_wait3A_195 : memref<20000x128xbf16, #tpu.memory_space<hbm>>) dst(%arg11 : memref<64x128xbf16, #tpu.memory_space<vmem>>)
      %dma_start3A_196 = arith.constant 0 : i32
      %dma_start3A_197 = tpu.memref_slice %arg8[%add3A_189, %dma_start3A_196] : memref<168x64xi32, #tpu.memory_space<vmem>> -> memref<1x64xi32, #tpu.memory_space<vmem>>
      %dma_start3A_198 = tpu.memref_squeeze %dma_start3A_197 : memref<1x64xi32, #tpu.memory_space<vmem>> -> memref<64xi32, #tpu.memory_space<vmem>>
      %dma_start3A_199 = arith.constant 0 : i32
      %dma_start3A_200 = arith.constant 0 : i32
      %dma_start3A_201 = tpu.memref_slice %arg15[%dma_start3A_199, %dma_start3A_200] : memref<10240x128xbf16, #tpu.memory_space<vmem_shared>> -> memref<10240x128xbf16, #tpu.memory_space<vmem_shared>>
      tpu.enqueue_indirect_dma source(%arg11 : memref<64x128xbf16, #tpu.memory_space<vmem>>) target(%dma_start3A_201 : memref<10240x128xbf16, #tpu.memory_space<vmem_shared>>) offsets(%dma_start3A_198 : memref<64xi32, #tpu.memory_space<vmem>>) semaphore(%arg24 : memref<!tpu.dma_semaphore, #tpu.memory_space<semaphore_mem>>) {add = true}
      %add3A_202 = arith.constant 6 : i32
      %add3A_203 = arith.addi %add3A_189, %add3A_202 : i32
      %sub3A_204 = arith.constant 1 : i32
      %sub3A_205 = arith.subi %add3A_203, %sub3A_204 : i32
      %lt3A_206 = arith.constant 168 : i32
      %lt3A_207 = arith.cmpi slt, %sub3A_205, %lt3A_206 : i32
      %convert_element_type3A_208 = arith.extui %lt3A_207 : i1 to i32
      %cond3A_209 = arith.constant 0 : i32
      %cond3A_210 = arith.cmpi ne, %convert_element_type3A_208, %cond3A_209 : i32
      scf.if %cond3A_210 {
        %ge3A = arith.constant 1 : i32
        %ge3A_286 = arith.cmpi sge, %add3A_189, %ge3A : i32
        %convert_element_type3A_287 = arith.extui %ge3A_286 : i1 to i32
        %cond3A_288 = arith.constant 0 : i32
        %cond3A_289 = arith.cmpi ne, %convert_element_type3A_287, %cond3A_288 : i32
        scf.if %cond3A_289 {
          %dma_wait3A_300 = arith.constant 0 : i32
          %dma_wait3A_301 = tpu.memref_slice %arg8[%add3A_189, %dma_wait3A_300] : memref<168x64xi32, #tpu.memory_space<vmem>> -> memref<1x64xi32, #tpu.memory_space<vmem>>
          %dma_wait3A_302 = tpu.memref_squeeze %dma_wait3A_301 : memref<1x64xi32, #tpu.memory_space<vmem>> -> memref<64xi32, #tpu.memory_space<vmem>>
          %dma_wait3A_303 = arith.constant 0 : i32
          %dma_wait3A_304 = arith.constant 0 : i32
          %dma_wait3A_305 = tpu.memref_slice %arg15[%dma_wait3A_303, %dma_wait3A_304] : memref<10240x128xbf16, #tpu.memory_space<vmem_shared>> -> memref<10240x128xbf16, #tpu.memory_space<vmem_shared>>
          tpu.wait_indirect_dma semaphore(%arg23 : memref<!tpu.dma_semaphore, #tpu.memory_space<semaphore_mem>>) src(%arg10 : memref<64x128xbf16, #tpu.memory_space<vmem>>) dst(%dma_wait3A_305 : memref<10240x128xbf16, #tpu.memory_space<vmem_shared>>)
        } else {
        }
        %add3A_290 = arith.constant 6 : i32
        %add3A_291 = arith.addi %add3A_189, %add3A_290 : i32
        %sub3A_292 = arith.constant 1 : i32
        %sub3A_293 = arith.subi %add3A_291, %sub3A_292 : i32
        %dma_start3A_294 = arith.constant 0 : i32
        %dma_start3A_295 = tpu.memref_slice %arg7[%sub3A_293, %dma_start3A_294] : memref<168x64xi32, #tpu.memory_space<vmem>> -> memref<1x64xi32, #tpu.memory_space<vmem>>
        %dma_start3A_296 = tpu.memref_squeeze %dma_start3A_295 : memref<1x64xi32, #tpu.memory_space<vmem>> -> memref<64xi32, #tpu.memory_space<vmem>>
        %dma_start3A_297 = arith.constant 0 : i32
        %dma_start3A_298 = arith.constant 0 : i32
        %dma_start3A_299 = tpu.memref_slice %arg4[%dma_start3A_297, %dma_start3A_298] : memref<20000x128xbf16, #tpu.memory_space<hbm>> -> memref<20000x128xbf16, #tpu.memory_space<hbm>>
        tpu.enqueue_indirect_dma source(%dma_start3A_299 : memref<20000x128xbf16, #tpu.memory_space<hbm>>) target(%arg10 : memref<64x128xbf16, #tpu.memory_space<vmem>>) offsets(%dma_start3A_296 : memref<64xi32, #tpu.memory_space<vmem>>) semaphore(%arg17 : memref<!tpu.dma_semaphore, #tpu.memory_space<semaphore_mem>>)
      } else {
      }
      %mul3A_211 = arith.constant 6 : i32
      %mul3A_212 = arith.muli %scan3A_137, %mul3A_211 : i32
      %add3A_213 = arith.constant 3 : i32
      %add3A_214 = arith.addi %mul3A_212, %add3A_213 : i32
      %dma_wait3A_215 = arith.constant 0 : i32
      %dma_wait3A_216 = tpu.memref_slice %arg7[%add3A_214, %dma_wait3A_215] : memref<168x64xi32, #tpu.memory_space<vmem>> -> memref<1x64xi32, #tpu.memory_space<vmem>>
      %dma_wait3A_217 = tpu.memref_squeeze %dma_wait3A_216 : memref<1x64xi32, #tpu.memory_space<vmem>> -> memref<64xi32, #tpu.memory_space<vmem>>
      %dma_wait3A_218 = arith.constant 0 : i32
      %dma_wait3A_219 = arith.constant 0 : i32
      %dma_wait3A_220 = tpu.memref_slice %arg4[%dma_wait3A_218, %dma_wait3A_219] : memref<20000x128xbf16, #tpu.memory_space<hbm>> -> memref<20000x128xbf16, #tpu.memory_space<hbm>>
      tpu.wait_indirect_dma semaphore(%arg19 : memref<!tpu.dma_semaphore, #tpu.memory_space<semaphore_mem>>) src(%dma_wait3A_220 : memref<20000x128xbf16, #tpu.memory_space<hbm>>) dst(%arg12 : memref<64x128xbf16, #tpu.memory_space<vmem>>)
      %dma_start3A_221 = arith.constant 0 : i32
      %dma_start3A_222 = tpu.memref_slice %arg8[%add3A_214, %dma_start3A_221] : memref<168x64xi32, #tpu.memory_space<vmem>> -> memref<1x64xi32, #tpu.memory_space<vmem>>
      %dma_start3A_223 = tpu.memref_squeeze %dma_start3A_222 : memref<1x64xi32, #tpu.memory_space<vmem>> -> memref<64xi32, #tpu.memory_space<vmem>>
      %dma_start3A_224 = arith.constant 0 : i32
      %dma_start3A_225 = arith.constant 0 : i32
      %dma_start3A_226 = tpu.memref_slice %arg15[%dma_start3A_224, %dma_start3A_225] : memref<10240x128xbf16, #tpu.memory_space<vmem_shared>> -> memref<10240x128xbf16, #tpu.memory_space<vmem_shared>>
      tpu.enqueue_indirect_dma source(%arg12 : memref<64x128xbf16, #tpu.memory_space<vmem>>) target(%dma_start3A_226 : memref<10240x128xbf16, #tpu.memory_space<vmem_shared>>) offsets(%dma_start3A_223 : memref<64xi32, #tpu.memory_space<vmem>>) semaphore(%arg25 : memref<!tpu.dma_semaphore, #tpu.memory_space<semaphore_mem>>) {add = true}
      %add3A_227 = arith.constant 6 : i32
      %add3A_228 = arith.addi %add3A_214, %add3A_227 : i32
      %sub3A_229 = arith.constant 1 : i32
      %sub3A_230 = arith.subi %add3A_228, %sub3A_229 : i32
      %lt3A_231 = arith.constant 168 : i32
      %lt3A_232 = arith.cmpi slt, %sub3A_230, %lt3A_231 : i32
      %convert_element_type3A_233 = arith.extui %lt3A_232 : i1 to i32
      %cond3A_234 = arith.constant 0 : i32
      %cond3A_235 = arith.cmpi ne, %convert_element_type3A_233, %cond3A_234 : i32
      scf.if %cond3A_235 {
        %ge3A = arith.constant 1 : i32
        %ge3A_286 = arith.cmpi sge, %add3A_214, %ge3A : i32
        %convert_element_type3A_287 = arith.extui %ge3A_286 : i1 to i32
        %cond3A_288 = arith.constant 0 : i32
        %cond3A_289 = arith.cmpi ne, %convert_element_type3A_287, %cond3A_288 : i32
        scf.if %cond3A_289 {
          %dma_wait3A_300 = arith.constant 0 : i32
          %dma_wait3A_301 = tpu.memref_slice %arg8[%add3A_214, %dma_wait3A_300] : memref<168x64xi32, #tpu.memory_space<vmem>> -> memref<1x64xi32, #tpu.memory_space<vmem>>
          %dma_wait3A_302 = tpu.memref_squeeze %dma_wait3A_301 : memref<1x64xi32, #tpu.memory_space<vmem>> -> memref<64xi32, #tpu.memory_space<vmem>>
          %dma_wait3A_303 = arith.constant 0 : i32
          %dma_wait3A_304 = arith.constant 0 : i32
          %dma_wait3A_305 = tpu.memref_slice %arg15[%dma_wait3A_303, %dma_wait3A_304] : memref<10240x128xbf16, #tpu.memory_space<vmem_shared>> -> memref<10240x128xbf16, #tpu.memory_space<vmem_shared>>
          tpu.wait_indirect_dma semaphore(%arg24 : memref<!tpu.dma_semaphore, #tpu.memory_space<semaphore_mem>>) src(%arg11 : memref<64x128xbf16, #tpu.memory_space<vmem>>) dst(%dma_wait3A_305 : memref<10240x128xbf16, #tpu.memory_space<vmem_shared>>)
        } else {
        }
        %add3A_290 = arith.constant 6 : i32
        %add3A_291 = arith.addi %add3A_214, %add3A_290 : i32
        %sub3A_292 = arith.constant 1 : i32
        %sub3A_293 = arith.subi %add3A_291, %sub3A_292 : i32
        %dma_start3A_294 = arith.constant 0 : i32
        %dma_start3A_295 = tpu.memref_slice %arg7[%sub3A_293, %dma_start3A_294] : memref<168x64xi32, #tpu.memory_space<vmem>> -> memref<1x64xi32, #tpu.memory_space<vmem>>
        %dma_start3A_296 = tpu.memref_squeeze %dma_start3A_295 : memref<1x64xi32, #tpu.memory_space<vmem>> -> memref<64xi32, #tpu.memory_space<vmem>>
        %dma_start3A_297 = arith.constant 0 : i32
        %dma_start3A_298 = arith.constant 0 : i32
        %dma_start3A_299 = tpu.memref_slice %arg4[%dma_start3A_297, %dma_start3A_298] : memref<20000x128xbf16, #tpu.memory_space<hbm>> -> memref<20000x128xbf16, #tpu.memory_space<hbm>>
        tpu.enqueue_indirect_dma source(%dma_start3A_299 : memref<20000x128xbf16, #tpu.memory_space<hbm>>) target(%arg11 : memref<64x128xbf16, #tpu.memory_space<vmem>>) offsets(%dma_start3A_296 : memref<64xi32, #tpu.memory_space<vmem>>) semaphore(%arg18 : memref<!tpu.dma_semaphore, #tpu.memory_space<semaphore_mem>>)
      } else {
      }
      %mul3A_236 = arith.constant 6 : i32
      %mul3A_237 = arith.muli %scan3A_137, %mul3A_236 : i32
      %add3A_238 = arith.constant 4 : i32
      %add3A_239 = arith.addi %mul3A_237, %add3A_238 : i32
      %dma_wait3A_240 = arith.constant 0 : i32
      %dma_wait3A_241 = tpu.memref_slice %arg7[%add3A_239, %dma_wait3A_240] : memref<168x64xi32, #tpu.memory_space<vmem>> -> memref<1x64xi32, #tpu.memory_space<vmem>>
      %dma_wait3A_242 = tpu.memref_squeeze %dma_wait3A_241 : memref<1x64xi32, #tpu.memory_space<vmem>> -> memref<64xi32, #tpu.memory_space<vmem>>
      %dma_wait3A_243 = arith.constant 0 : i32
      %dma_wait3A_244 = arith.constant 0 : i32
      %dma_wait3A_245 = tpu.memref_slice %arg4[%dma_wait3A_243, %dma_wait3A_244] : memref<20000x128xbf16, #tpu.memory_space<hbm>> -> memref<20000x128xbf16, #tpu.memory_space<hbm>>
      tpu.wait_indirect_dma semaphore(%arg20 : memref<!tpu.dma_semaphore, #tpu.memory_space<semaphore_mem>>) src(%dma_wait3A_245 : memref<20000x128xbf16, #tpu.memory_space<hbm>>) dst(%arg13 : memref<64x128xbf16, #tpu.memory_space<vmem>>)
      %dma_start3A_246 = arith.constant 0 : i32
      %dma_start3A_247 = tpu.memref_slice %arg8[%add3A_239, %dma_start3A_246] : memref<168x64xi32, #tpu.memory_space<vmem>> -> memref<1x64xi32, #tpu.memory_space<vmem>>
      %dma_start3A_248 = tpu.memref_squeeze %dma_start3A_247 : memref<1x64xi32, #tpu.memory_space<vmem>> -> memref<64xi32, #tpu.memory_space<vmem>>
      %dma_start3A_249 = arith.constant 0 : i32
      %dma_start3A_250 = arith.constant 0 : i32
      %dma_start3A_251 = tpu.memref_slice %arg15[%dma_start3A_249, %dma_start3A_250] : memref<10240x128xbf16, #tpu.memory_space<vmem_shared>> -> memref<10240x128xbf16, #tpu.memory_space<vmem_shared>>
      tpu.enqueue_indirect_dma source(%arg13 : memref<64x128xbf16, #tpu.memory_space<vmem>>) target(%dma_start3A_251 : memref<10240x128xbf16, #tpu.memory_space<vmem_shared>>) offsets(%dma_start3A_248 : memref<64xi32, #tpu.memory_space<vmem>>) semaphore(%arg26 : memref<!tpu.dma_semaphore, #tpu.memory_space<semaphore_mem>>) {add = true}
      %add3A_252 = arith.constant 6 : i32
      %add3A_253 = arith.addi %add3A_239, %add3A_252 : i32
      %sub3A_254 = arith.constant 1 : i32
      %sub3A_255 = arith.subi %add3A_253, %sub3A_254 : i32
      %lt3A_256 = arith.constant 168 : i32
      %lt3A_257 = arith.cmpi slt, %sub3A_255, %lt3A_256 : i32
      %convert_element_type3A_258 = arith.extui %lt3A_257 : i1 to i32
      %cond3A_259 = arith.constant 0 : i32
      %cond3A_260 = arith.cmpi ne, %convert_element_type3A_258, %cond3A_259 : i32
      scf.if %cond3A_260 {
        %ge3A = arith.constant 1 : i32
        %ge3A_286 = arith.cmpi sge, %add3A_239, %ge3A : i32
        %convert_element_type3A_287 = arith.extui %ge3A_286 : i1 to i32
        %cond3A_288 = arith.constant 0 : i32
        %cond3A_289 = arith.cmpi ne, %convert_element_type3A_287, %cond3A_288 : i32
        scf.if %cond3A_289 {
          %dma_wait3A_300 = arith.constant 0 : i32
          %dma_wait3A_301 = tpu.memref_slice %arg8[%add3A_239, %dma_wait3A_300] : memref<168x64xi32, #tpu.memory_space<vmem>> -> memref<1x64xi32, #tpu.memory_space<vmem>>
          %dma_wait3A_302 = tpu.memref_squeeze %dma_wait3A_301 : memref<1x64xi32, #tpu.memory_space<vmem>> -> memref<64xi32, #tpu.memory_space<vmem>>
          %dma_wait3A_303 = arith.constant 0 : i32
          %dma_wait3A_304 = arith.constant 0 : i32
          %dma_wait3A_305 = tpu.memref_slice %arg15[%dma_wait3A_303, %dma_wait3A_304] : memref<10240x128xbf16, #tpu.memory_space<vmem_shared>> -> memref<10240x128xbf16, #tpu.memory_space<vmem_shared>>
          tpu.wait_indirect_dma semaphore(%arg25 : memref<!tpu.dma_semaphore, #tpu.memory_space<semaphore_mem>>) src(%arg12 : memref<64x128xbf16, #tpu.memory_space<vmem>>) dst(%dma_wait3A_305 : memref<10240x128xbf16, #tpu.memory_space<vmem_shared>>)
        } else {
        }
        %add3A_290 = arith.constant 6 : i32
        %add3A_291 = arith.addi %add3A_239, %add3A_290 : i32
        %sub3A_292 = arith.constant 1 : i32
        %sub3A_293 = arith.subi %add3A_291, %sub3A_292 : i32
        %dma_start3A_294 = arith.constant 0 : i32
        %dma_start3A_295 = tpu.memref_slice %arg7[%sub3A_293, %dma_start3A_294] : memref<168x64xi32, #tpu.memory_space<vmem>> -> memref<1x64xi32, #tpu.memory_space<vmem>>
        %dma_start3A_296 = tpu.memref_squeeze %dma_start3A_295 : memref<1x64xi32, #tpu.memory_space<vmem>> -> memref<64xi32, #tpu.memory_space<vmem>>
        %dma_start3A_297 = arith.constant 0 : i32
        %dma_start3A_298 = arith.constant 0 : i32
        %dma_start3A_299 = tpu.memref_slice %arg4[%dma_start3A_297, %dma_start3A_298] : memref<20000x128xbf16, #tpu.memory_space<hbm>> -> memref<20000x128xbf16, #tpu.memory_space<hbm>>
        tpu.enqueue_indirect_dma source(%dma_start3A_299 : memref<20000x128xbf16, #tpu.memory_space<hbm>>) target(%arg12 : memref<64x128xbf16, #tpu.memory_space<vmem>>) offsets(%dma_start3A_296 : memref<64xi32, #tpu.memory_space<vmem>>) semaphore(%arg19 : memref<!tpu.dma_semaphore, #tpu.memory_space<semaphore_mem>>)
      } else {
      }
      %mul3A_261 = arith.constant 6 : i32
      %mul3A_262 = arith.muli %scan3A_137, %mul3A_261 : i32
      %add3A_263 = arith.constant 5 : i32
      %add3A_264 = arith.addi %mul3A_262, %add3A_263 : i32
      %dma_wait3A_265 = arith.constant 0 : i32
      %dma_wait3A_266 = tpu.memref_slice %arg7[%add3A_264, %dma_wait3A_265] : memref<168x64xi32, #tpu.memory_space<vmem>> -> memref<1x64xi32, #tpu.memory_space<vmem>>
      %dma_wait3A_267 = tpu.memref_squeeze %dma_wait3A_266 : memref<1x64xi32, #tpu.memory_space<vmem>> -> memref<64xi32, #tpu.memory_space<vmem>>
      %dma_wait3A_268 = arith.constant 0 : i32
      %dma_wait3A_269 = arith.constant 0 : i32
      %dma_wait3A_270 = tpu.memref_slice %arg4[%dma_wait3A_268, %dma_wait3A_269] : memref<20000x128xbf16, #tpu.memory_space<hbm>> -> memref<20000x128xbf16, #tpu.memory_space<hbm>>
      tpu.wait_indirect_dma semaphore(%arg21 : memref<!tpu.dma_semaphore, #tpu.memory_space<semaphore_mem>>) src(%dma_wait3A_270 : memref<20000x128xbf16, #tpu.memory_space<hbm>>) dst(%arg14 : memref<64x128xbf16, #tpu.memory_space<vmem>>)
      %dma_start3A_271 = arith.constant 0 : i32
      %dma_start3A_272 = tpu.memref_slice %arg8[%add3A_264, %dma_start3A_271] : memref<168x64xi32, #tpu.memory_space<vmem>> -> memref<1x64xi32, #tpu.memory_space<vmem>>
      %dma_start3A_273 = tpu.memref_squeeze %dma_start3A_272 : memref<1x64xi32, #tpu.memory_space<vmem>> -> memref<64xi32, #tpu.memory_space<vmem>>
      %dma_start3A_274 = arith.constant 0 : i32
      %dma_start3A_275 = arith.constant 0 : i32
      %dma_start3A_276 = tpu.memref_slice %arg15[%dma_start3A_274, %dma_start3A_275] : memref<10240x128xbf16, #tpu.memory_space<vmem_shared>> -> memref<10240x128xbf16, #tpu.memory_space<vmem_shared>>
      tpu.enqueue_indirect_dma source(%arg14 : memref<64x128xbf16, #tpu.memory_space<vmem>>) target(%dma_start3A_276 : memref<10240x128xbf16, #tpu.memory_space<vmem_shared>>) offsets(%dma_start3A_273 : memref<64xi32, #tpu.memory_space<vmem>>) semaphore(%arg27 : memref<!tpu.dma_semaphore, #tpu.memory_space<semaphore_mem>>) {add = true}
      %add3A_277 = arith.constant 6 : i32
      %add3A_278 = arith.addi %add3A_264, %add3A_277 : i32
      %sub3A_279 = arith.constant 1 : i32
      %sub3A_280 = arith.subi %add3A_278, %sub3A_279 : i32
      %lt3A_281 = arith.constant 168 : i32
      %lt3A_282 = arith.cmpi slt, %sub3A_280, %lt3A_281 : i32
      %convert_element_type3A_283 = arith.extui %lt3A_282 : i1 to i32
      %cond3A_284 = arith.constant 0 : i32
      %cond3A_285 = arith.cmpi ne, %convert_element_type3A_283, %cond3A_284 : i32
      scf.if %cond3A_285 {
        %ge3A = arith.constant 1 : i32
        %ge3A_286 = arith.cmpi sge, %add3A_264, %ge3A : i32
        %convert_element_type3A_287 = arith.extui %ge3A_286 : i1 to i32
        %cond3A_288 = arith.constant 0 : i32
        %cond3A_289 = arith.cmpi ne, %convert_element_type3A_287, %cond3A_288 : i32
        scf.if %cond3A_289 {
          %dma_wait3A_300 = arith.constant 0 : i32
          %dma_wait3A_301 = tpu.memref_slice %arg8[%add3A_264, %dma_wait3A_300] : memref<168x64xi32, #tpu.memory_space<vmem>> -> memref<1x64xi32, #tpu.memory_space<vmem>>
          %dma_wait3A_302 = tpu.memref_squeeze %dma_wait3A_301 : memref<1x64xi32, #tpu.memory_space<vmem>> -> memref<64xi32, #tpu.memory_space<vmem>>
          %dma_wait3A_303 = arith.constant 0 : i32
          %dma_wait3A_304 = arith.constant 0 : i32
          %dma_wait3A_305 = tpu.memref_slice %arg15[%dma_wait3A_303, %dma_wait3A_304] : memref<10240x128xbf16, #tpu.memory_space<vmem_shared>> -> memref<10240x128xbf16, #tpu.memory_space<vmem_shared>>
          tpu.wait_indirect_dma semaphore(%arg26 : memref<!tpu.dma_semaphore, #tpu.memory_space<semaphore_mem>>) src(%arg13 : memref<64x128xbf16, #tpu.memory_space<vmem>>) dst(%dma_wait3A_305 : memref<10240x128xbf16, #tpu.memory_space<vmem_shared>>)
        } else {
        }
        %add3A_290 = arith.constant 6 : i32
        %add3A_291 = arith.addi %add3A_264, %add3A_290 : i32
        %sub3A_292 = arith.constant 1 : i32
        %sub3A_293 = arith.subi %add3A_291, %sub3A_292 : i32
        %dma_start3A_294 = arith.constant 0 : i32
        %dma_start3A_295 = tpu.memref_slice %arg7[%sub3A_293, %dma_start3A_294] : memref<168x64xi32, #tpu.memory_space<vmem>> -> memref<1x64xi32, #tpu.memory_space<vmem>>
        %dma_start3A_296 = tpu.memref_squeeze %dma_start3A_295 : memref<1x64xi32, #tpu.memory_space<vmem>> -> memref<64xi32, #tpu.memory_space<vmem>>
        %dma_start3A_297 = arith.constant 0 : i32
        %dma_start3A_298 = arith.constant 0 : i32
        %dma_start3A_299 = tpu.memref_slice %arg4[%dma_start3A_297, %dma_start3A_298] : memref<20000x128xbf16, #tpu.memory_space<hbm>> -> memref<20000x128xbf16, #tpu.memory_space<hbm>>
        tpu.enqueue_indirect_dma source(%dma_start3A_299 : memref<20000x128xbf16, #tpu.memory_space<hbm>>) target(%arg13 : memref<64x128xbf16, #tpu.memory_space<vmem>>) offsets(%dma_start3A_296 : memref<64xi32, #tpu.memory_space<vmem>>) semaphore(%arg20 : memref<!tpu.dma_semaphore, #tpu.memory_space<semaphore_mem>>)
      } else {
      }
    }
    %scan3A_87 = arith.constant 28 : i32
    %dma_wait3A = arith.constant 0 : i32
    %dma_wait3A_88 = arith.constant 0 : i32
    %dma_wait3A_89 = tpu.memref_slice %arg8[%dma_wait3A, %dma_wait3A_88] : memref<168x64xi32, #tpu.memory_space<vmem>> -> memref<1x64xi32, #tpu.memory_space<vmem>>
    %dma_wait3A_90 = tpu.memref_squeeze %dma_wait3A_89 : memref<1x64xi32, #tpu.memory_space<vmem>> -> memref<64xi32, #tpu.memory_space<vmem>>
    %dma_wait3A_91 = arith.constant 0 : i32
    %dma_wait3A_92 = arith.constant 0 : i32
    %dma_wait3A_93 = tpu.memref_slice %arg15[%dma_wait3A_91, %dma_wait3A_92] : memref<10240x128xbf16, #tpu.memory_space<vmem_shared>> -> memref<10240x128xbf16, #tpu.memory_space<vmem_shared>>
    tpu.wait_indirect_dma semaphore(%arg22 : memref<!tpu.dma_semaphore, #tpu.memory_space<semaphore_mem>>) src(%arg9 : memref<64x128xbf16, #tpu.memory_space<vmem>>) dst(%dma_wait3A_93 : memref<10240x128xbf16, #tpu.memory_space<vmem_shared>>)
    %dma_wait3A_94 = arith.constant 0 : i32
    %dma_wait3A_95 = arith.constant 0 : i32
    %dma_wait3A_96 = tpu.memref_slice %arg8[%dma_wait3A_94, %dma_wait3A_95] : memref<168x64xi32, #tpu.memory_space<vmem>> -> memref<1x64xi32, #tpu.memory_space<vmem>>
    %dma_wait3A_97 = tpu.memref_squeeze %dma_wait3A_96 : memref<1x64xi32, #tpu.memory_space<vmem>> -> memref<64xi32, #tpu.memory_space<vmem>>
    %dma_wait3A_98 = arith.constant 0 : i32
    %dma_wait3A_99 = arith.constant 0 : i32
    %dma_wait3A_100 = tpu.memref_slice %arg15[%dma_wait3A_98, %dma_wait3A_99] : memref<10240x128xbf16, #tpu.memory_space<vmem_shared>> -> memref<10240x128xbf16, #tpu.memory_space<vmem_shared>>
    tpu.wait_indirect_dma semaphore(%arg23 : memref<!tpu.dma_semaphore, #tpu.memory_space<semaphore_mem>>) src(%arg10 : memref<64x128xbf16, #tpu.memory_space<vmem>>) dst(%dma_wait3A_100 : memref<10240x128xbf16, #tpu.memory_space<vmem_shared>>)
    %dma_wait3A_101 = arith.constant 0 : i32
    %dma_wait3A_102 = arith.constant 0 : i32
    %dma_wait3A_103 = tpu.memref_slice %arg8[%dma_wait3A_101, %dma_wait3A_102] : memref<168x64xi32, #tpu.memory_space<vmem>> -> memref<1x64xi32, #tpu.memory_space<vmem>>
    %dma_wait3A_104 = tpu.memref_squeeze %dma_wait3A_103 : memref<1x64xi32, #tpu.memory_space<vmem>> -> memref<64xi32, #tpu.memory_space<vmem>>
    %dma_wait3A_105 = arith.constant 0 : i32
    %dma_wait3A_106 = arith.constant 0 : i32
    %dma_wait3A_107 = tpu.memref_slice %arg15[%dma_wait3A_105, %dma_wait3A_106] : memref<10240x128xbf16, #tpu.memory_space<vmem_shared>> -> memref<10240x128xbf16, #tpu.memory_space<vmem_shared>>
    tpu.wait_indirect_dma semaphore(%arg24 : memref<!tpu.dma_semaphore, #tpu.memory_space<semaphore_mem>>) src(%arg11 : memref<64x128xbf16, #tpu.memory_space<vmem>>) dst(%dma_wait3A_107 : memref<10240x128xbf16, #tpu.memory_space<vmem_shared>>)
    %dma_wait3A_108 = arith.constant 0 : i32
    %dma_wait3A_109 = arith.constant 0 : i32
    %dma_wait3A_110 = tpu.memref_slice %arg8[%dma_wait3A_108, %dma_wait3A_109] : memref<168x64xi32, #tpu.memory_space<vmem>> -> memref<1x64xi32, #tpu.memory_space<vmem>>
    %dma_wait3A_111 = tpu.memref_squeeze %dma_wait3A_110 : memref<1x64xi32, #tpu.memory_space<vmem>> -> memref<64xi32, #tpu.memory_space<vmem>>
    %dma_wait3A_112 = arith.constant 0 : i32
    %dma_wait3A_113 = arith.constant 0 : i32
    %dma_wait3A_114 = tpu.memref_slice %arg15[%dma_wait3A_112, %dma_wait3A_113] : memref<10240x128xbf16, #tpu.memory_space<vmem_shared>> -> memref<10240x128xbf16, #tpu.memory_space<vmem_shared>>
    tpu.wait_indirect_dma semaphore(%arg25 : memref<!tpu.dma_semaphore, #tpu.memory_space<semaphore_mem>>) src(%arg12 : memref<64x128xbf16, #tpu.memory_space<vmem>>) dst(%dma_wait3A_114 : memref<10240x128xbf16, #tpu.memory_space<vmem_shared>>)
    %dma_wait3A_115 = arith.constant 0 : i32
    %dma_wait3A_116 = arith.constant 0 : i32
    %dma_wait3A_117 = tpu.memref_slice %arg8[%dma_wait3A_115, %dma_wait3A_116] : memref<168x64xi32, #tpu.memory_space<vmem>> -> memref<1x64xi32, #tpu.memory_space<vmem>>
    %dma_wait3A_118 = tpu.memref_squeeze %dma_wait3A_117 : memref<1x64xi32, #tpu.memory_space<vmem>> -> memref<64xi32, #tpu.memory_space<vmem>>
    %dma_wait3A_119 = arith.constant 0 : i32
    %dma_wait3A_120 = arith.constant 0 : i32
    %dma_wait3A_121 = tpu.memref_slice %arg15[%dma_wait3A_119, %dma_wait3A_120] : memref<10240x128xbf16, #tpu.memory_space<vmem_shared>> -> memref<10240x128xbf16, #tpu.memory_space<vmem_shared>>
    tpu.wait_indirect_dma semaphore(%arg26 : memref<!tpu.dma_semaphore, #tpu.memory_space<semaphore_mem>>) src(%arg13 : memref<64x128xbf16, #tpu.memory_space<vmem>>) dst(%dma_wait3A_121 : memref<10240x128xbf16, #tpu.memory_space<vmem_shared>>)
    %dma_wait3A_122 = arith.constant 0 : i32
    %dma_wait3A_123 = arith.constant 0 : i32
    %dma_wait3A_124 = tpu.memref_slice %arg8[%dma_wait3A_122, %dma_wait3A_123] : memref<168x64xi32, #tpu.memory_space<vmem>> -> memref<1x64xi32, #tpu.memory_space<vmem>>
    %dma_wait3A_125 = tpu.memref_squeeze %dma_wait3A_124 : memref<1x64xi32, #tpu.memory_space<vmem>> -> memref<64xi32, #tpu.memory_space<vmem>>
    %dma_wait3A_126 = arith.constant 0 : i32
    %dma_wait3A_127 = arith.constant 0 : i32
    %dma_wait3A_128 = tpu.memref_slice %arg15[%dma_wait3A_126, %dma_wait3A_127] : memref<10240x128xbf16, #tpu.memory_space<vmem_shared>> -> memref<10240x128xbf16, #tpu.memory_space<vmem_shared>>
    tpu.wait_indirect_dma semaphore(%arg27 : memref<!tpu.dma_semaphore, #tpu.memory_space<semaphore_mem>>) src(%arg14 : memref<64x128xbf16, #tpu.memory_space<vmem>>) dst(%dma_wait3A_128 : memref<10240x128xbf16, #tpu.memory_space<vmem_shared>>)
    %barrier3A_129 = arith.constant 0 : index
    tpu.barrier barrier_id(%barrier3A_129)
    %eq3A = arith.constant 0 : i32
    %eq3A_130 = arith.cmpi eq, %arg0, %eq3A : i32
    %convert_element_type3A = arith.extui %eq3A_130 : i1 to i32
    %cond3A = arith.constant 0 : i32
    %cond3A_131 = arith.cmpi ne, %convert_element_type3A, %cond3A : i32
    scf.if %cond3A_131 {
      %mul3A_137 = arith.constant 625 : i32
      %mul3A_138 = arith.muli %arg1, %mul3A_137 : i32
      %mul3A_139 = arith.constant 625 : i32
      %mul3A_140 = arith.muli %arg1, %mul3A_139 : i32
      "tpu.region"() ({
        %run_scoped3A = tpu.sem_alloc : memref<!tpu.dma_semaphore, #tpu.memory_space<semaphore_mem>>
        %dma_start3A_141 = arith.constant 0 : i32
        %dma_start3A_142 = tpu.memref_slice %arg5[%mul3A_140, %dma_start3A_141] : memref<10000x128xbf16, #tpu.memory_space<hbm>> -> memref<625x128xbf16, #tpu.memory_space<hbm>>
        %dma_start3A_143 = arith.constant 0 : i32
        %dma_start3A_144 = tpu.memref_slice %arg15[%mul3A_138, %dma_start3A_143] : memref<10240x128xbf16, #tpu.memory_space<vmem_shared>> -> memref<625x128xbf16, #tpu.memory_space<vmem_shared>>
        tpu.enqueue_dma source(%dma_start3A_144 : memref<625x128xbf16, #tpu.memory_space<vmem_shared>>) target(%dma_start3A_142 : memref<625x128xbf16, #tpu.memory_space<hbm>>) target_semaphore(%run_scoped3A : memref<!tpu.dma_semaphore, #tpu.memory_space<semaphore_mem>>)
        %dma_wait3A_145 = arith.constant 0 : i32
        %dma_wait3A_146 = tpu.memref_slice %arg5[%mul3A_140, %dma_wait3A_145] : memref<10000x128xbf16, #tpu.memory_space<hbm>> -> memref<625x128xbf16, #tpu.memory_space<hbm>>
        %dma_wait3A_147 = arith.constant 0 : i32
        %dma_wait3A_148 = tpu.memref_slice %arg15[%mul3A_138, %dma_wait3A_147] : memref<10240x128xbf16, #tpu.memory_space<vmem_shared>> -> memref<625x128xbf16, #tpu.memory_space<vmem_shared>>
        tpu.wait_dma2 semaphore(%run_scoped3A : memref<!tpu.dma_semaphore, #tpu.memory_space<semaphore_mem>>) src(%dma_wait3A_148 : memref<625x128xbf16, #tpu.memory_space<vmem_shared>>) dst(%dma_wait3A_146 : memref<625x128xbf16, #tpu.memory_space<hbm>>)
        tpu.yield
      }) : () -> ()
    } else {
    }
    %eq3A_132 = arith.constant 1 : i32
    %eq3A_133 = arith.cmpi eq, %arg0, %eq3A_132 : i32
    %convert_element_type3A_134 = arith.extui %eq3A_133 : i1 to i32
    %cond3A_135 = arith.constant 0 : i32
    %cond3A_136 = arith.cmpi ne, %convert_element_type3A_134, %cond3A_135 : i32
    scf.if %cond3A_136 {
      %mul3A_137 = arith.constant 625 : i32
      %mul3A_138 = arith.muli %arg1, %mul3A_137 : i32
      %mul3A_139 = arith.constant 625 : i32
      %mul3A_140 = arith.muli %arg1, %mul3A_139 : i32
      "tpu.region"() ({
        %run_scoped3A = tpu.sem_alloc : memref<!tpu.dma_semaphore, #tpu.memory_space<semaphore_mem>>
        %dma_start3A_141 = arith.constant 0 : i32
        %dma_start3A_142 = tpu.memref_slice %arg6[%mul3A_140, %dma_start3A_141] : memref<10000x128xbf16, #tpu.memory_space<hbm>> -> memref<625x128xbf16, #tpu.memory_space<hbm>>
        %dma_start3A_143 = arith.constant 0 : i32
        %dma_start3A_144 = tpu.memref_slice %arg15[%mul3A_138, %dma_start3A_143] : memref<10240x128xbf16, #tpu.memory_space<vmem_shared>> -> memref<625x128xbf16, #tpu.memory_space<vmem_shared>>
        tpu.enqueue_dma source(%dma_start3A_144 : memref<625x128xbf16, #tpu.memory_space<vmem_shared>>) target(%dma_start3A_142 : memref<625x128xbf16, #tpu.memory_space<hbm>>) target_semaphore(%run_scoped3A : memref<!tpu.dma_semaphore, #tpu.memory_space<semaphore_mem>>)
        %dma_wait3A_145 = arith.constant 0 : i32
        %dma_wait3A_146 = tpu.memref_slice %arg6[%mul3A_140, %dma_wait3A_145] : memref<10000x128xbf16, #tpu.memory_space<hbm>> -> memref<625x128xbf16, #tpu.memory_space<hbm>>
        %dma_wait3A_147 = arith.constant 0 : i32
        %dma_wait3A_148 = tpu.memref_slice %arg15[%mul3A_138, %dma_wait3A_147] : memref<10240x128xbf16, #tpu.memory_space<vmem_shared>> -> memref<625x128xbf16, #tpu.memory_space<vmem_shared>>
        tpu.wait_dma2 semaphore(%run_scoped3A : memref<!tpu.dma_semaphore, #tpu.memory_space<semaphore_mem>>) src(%dma_wait3A_148 : memref<625x128xbf16, #tpu.memory_space<vmem_shared>>) dst(%dma_wait3A_146 : memref<625x128xbf16, #tpu.memory_space<hbm>>)
        tpu.yield
      }) : () -> ()
    } else {
    }
    return
  }
}

#map = affine_map<(d0, d1) -> (0, 0)>
module attributes {stable_mosaic.version = 14 : i64} {
  func.func @deg(%arg0: i32, %arg1: i32, %arg2: memref<2688x64xi32, #tpu.memory_space<hbm>>, %arg3: memref<10240x16xf32, #tpu.memory_space<hbm>>, %arg4: memref<168x64xi32, #tpu.memory_space<vmem>>, %arg5: memref<64x16xf32, #tpu.memory_space<vmem>>, %arg6: memref<64x16xf32, #tpu.memory_space<vmem>>, %arg7: memref<10240x16xf32, #tpu.memory_space<vmem_shared>>, %arg8: memref<!tpu.dma_semaphore, #tpu.memory_space<semaphore_mem>>) attributes {dimension_semantics = [#tpu.dimension_semantics<core_parallel>, #tpu.dimension_semantics<subcore_parallel>], iteration_bounds = array<i64: 2, 16>, scalar_prefetch = 0 : i64, scratch_operands = 5 : i64, tpu.core_type = #tpu.core_type<sc_vector_subcore>, window_params = [{transform_indices = #map}, {transform_indices = #map}]} {
    %mul3A = arith.constant 168 : i32
    %mul3A_0 = arith.muli %arg1, %mul3A : i32
    "tpu.region"() ({
      %run_scoped3A = tpu.sem_alloc : memref<!tpu.dma_semaphore, #tpu.memory_space<semaphore_mem>>
      %dma_start3A = arith.constant 0 : i32
      %dma_start3A_63 = tpu.memref_slice %arg2[%mul3A_0, %dma_start3A] : memref<2688x64xi32, #tpu.memory_space<hbm>> -> memref<168x64xi32, #tpu.memory_space<hbm>>
      %dma_start3A_64 = arith.constant 0 : i32
      %dma_start3A_65 = tpu.memref_slice %arg2[%mul3A_0, %dma_start3A_64] : memref<2688x64xi32, #tpu.memory_space<hbm>> -> memref<168x64xi32, #tpu.memory_space<hbm>>
      tpu.enqueue_dma source(%dma_start3A_65 : memref<168x64xi32, #tpu.memory_space<hbm>>) target(%arg4 : memref<168x64xi32, #tpu.memory_space<vmem>>) target_semaphore(%run_scoped3A : memref<!tpu.dma_semaphore, #tpu.memory_space<semaphore_mem>>)
      %dma_wait3A = arith.constant 0 : i32
      %dma_wait3A_66 = tpu.memref_slice %arg2[%mul3A_0, %dma_wait3A] : memref<2688x64xi32, #tpu.memory_space<hbm>> -> memref<168x64xi32, #tpu.memory_space<hbm>>
      %dma_wait3A_67 = arith.constant 0 : i32
      %dma_wait3A_68 = tpu.memref_slice %arg2[%mul3A_0, %dma_wait3A_67] : memref<2688x64xi32, #tpu.memory_space<hbm>> -> memref<168x64xi32, #tpu.memory_space<hbm>>
      tpu.wait_dma2 semaphore(%run_scoped3A : memref<!tpu.dma_semaphore, #tpu.memory_space<semaphore_mem>>) src(%dma_wait3A_68 : memref<168x64xi32, #tpu.memory_space<hbm>>) dst(%arg4 : memref<168x64xi32, #tpu.memory_space<vmem>>)
      tpu.yield
    }) : () -> ()
    %broadcast_in_dim3A = arith.constant 0.000000e+00 : f32
    %broadcast_in_dim3A_1 = vector.broadcast %broadcast_in_dim3A : f32 to vector<16xf32>
    %broadcast_in_dim3A_2 = arith.constant 1.000000e+00 : f32
    %broadcast_in_dim3A_3 = vector.broadcast %broadcast_in_dim3A_2 : f32 to vector<16xf32>
    %scan3A = arith.constant 0 : i32
    %scan3A_4 = arith.constant 0 : i32
    %scan3A_5 = arith.constant 64 : i32
    %scan3A_6 = arith.addi %scan3A_4, %scan3A_5 : i32
    %scan3A_7 = arith.constant 1 : i32
    scf.for %scan3A_63 = %scan3A_4 to %scan3A_6 step %scan3A_7  : i32 {
      %swap3A = arith.index_cast %scan3A_63 : i32 to index
      %swap3A_64 = arith.constant 0 : index
      %swap3A_65 = tpu.vector_load %arg5[%swap3A, %swap3A_64] {strides = array<i32>} : memref<64x16xf32, #tpu.memory_space<vmem>>, vector<1x16xf32>,
      %swap3A_66 = vector.shape_cast %swap3A_65 : vector<1x16xf32> to vector<16xf32>
      %swap3A_67 = vector.shape_cast %broadcast_in_dim3A_3 : vector<16xf32> to vector<1x16xf32>
      tpu.vector_store %arg5[%swap3A, %swap3A_64], %swap3A_67 {strides = array<i32>} : memref<64x16xf32, #tpu.memory_space<vmem>>, vector<1x16xf32>,
      %swap3A_68 = arith.index_cast %scan3A_63 : i32 to index
      %swap3A_69 = arith.constant 0 : index
      %swap3A_70 = tpu.vector_load %arg6[%swap3A_68, %swap3A_69] {strides = array<i32>} : memref<64x16xf32, #tpu.memory_space<vmem>>, vector<1x16xf32>,
      %swap3A_71 = vector.shape_cast %swap3A_70 : vector<1x16xf32> to vector<16xf32>
      %swap3A_72 = vector.shape_cast %broadcast_in_dim3A_1 : vector<16xf32> to vector<1x16xf32>
      tpu.vector_store %arg6[%swap3A_68, %swap3A_69], %swap3A_72 {strides = array<i32>} : memref<64x16xf32, #tpu.memory_space<vmem>>, vector<1x16xf32>,
    }
    %scan3A_8 = arith.constant 64 : i32
    %mul3A_9 = arith.constant 640 : i32
    %mul3A_10 = arith.muli %arg1, %mul3A_9 : i32
    %add3A = arith.constant 0 : i32
    %add3A_11 = arith.addi %mul3A_10, %add3A : i32
    "tpu.region"() ({
      %run_scoped3A = tpu.sem_alloc : memref<!tpu.dma_semaphore, #tpu.memory_space<semaphore_mem>>
      %dma_start3A = arith.constant 0 : i32
      %dma_start3A_63 = arith.constant 0 : i32
      %dma_start3A_64 = tpu.memref_slice %arg6[%dma_start3A, %dma_start3A_63] : memref<64x16xf32, #tpu.memory_space<vmem>> -> memref<64x16xf32, #tpu.memory_space<vmem>>
      %dma_start3A_65 = arith.constant 0 : i32
      %dma_start3A_66 = tpu.memref_slice %arg7[%add3A_11, %dma_start3A_65] : memref<10240x16xf32, #tpu.memory_space<vmem_shared>> -> memref<64x16xf32, #tpu.memory_space<vmem_shared>>
      %dma_start3A_67 = arith.constant 0 : i32
      %dma_start3A_68 = tpu.memref_slice %arg7[%add3A_11, %dma_start3A_67] : memref<10240x16xf32, #tpu.memory_space<vmem_shared>> -> memref<64x16xf32, #tpu.memory_space<vmem_shared>>
      %dma_start3A_69 = arith.constant 0 : i32
      %dma_start3A_70 = arith.constant 0 : i32
      %dma_start3A_71 = tpu.memref_slice %arg6[%dma_start3A_69, %dma_start3A_70] : memref<64x16xf32, #tpu.memory_space<vmem>> -> memref<64x16xf32, #tpu.memory_space<vmem>>
      tpu.enqueue_dma source(%dma_start3A_71 : memref<64x16xf32, #tpu.memory_space<vmem>>) target(%dma_start3A_68 : memref<64x16xf32, #tpu.memory_space<vmem_shared>>) target_semaphore(%run_scoped3A : memref<!tpu.dma_semaphore, #tpu.memory_space<semaphore_mem>>)
      %dma_wait3A = arith.constant 0 : i32
      %dma_wait3A_72 = arith.constant 0 : i32
      %dma_wait3A_73 = tpu.memref_slice %arg6[%dma_wait3A, %dma_wait3A_72] : memref<64x16xf32, #tpu.memory_space<vmem>> -> memref<64x16xf32, #tpu.memory_space<vmem>>
      %dma_wait3A_74 = arith.constant 0 : i32
      %dma_wait3A_75 = tpu.memref_slice %arg7[%add3A_11, %dma_wait3A_74] : memref<10240x16xf32, #tpu.memory_space<vmem_shared>> -> memref<64x16xf32, #tpu.memory_space<vmem_shared>>
      %dma_wait3A_76 = arith.constant 0 : i32
      %dma_wait3A_77 = tpu.memref_slice %arg7[%add3A_11, %dma_wait3A_76] : memref<10240x16xf32, #tpu.memory_space<vmem_shared>> -> memref<64x16xf32, #tpu.memory_space<vmem_shared>>
      %dma_wait3A_78 = arith.constant 0 : i32
      %dma_wait3A_79 = arith.constant 0 : i32
      %dma_wait3A_80 = tpu.memref_slice %arg6[%dma_wait3A_78, %dma_wait3A_79] : memref<64x16xf32, #tpu.memory_space<vmem>> -> memref<64x16xf32, #tpu.memory_space<vmem>>
      tpu.wait_dma2 semaphore(%run_scoped3A : memref<!tpu.dma_semaphore, #tpu.memory_space<semaphore_mem>>) src(%dma_wait3A_80 : memref<64x16xf32, #tpu.memory_space<vmem>>) dst(%dma_wait3A_77 : memref<64x16xf32, #tpu.memory_space<vmem_shared>>)
      tpu.yield
    }) : () -> ()
    %mul3A_12 = arith.constant 640 : i32
    %mul3A_13 = arith.muli %arg1, %mul3A_12 : i32
    %add3A_14 = arith.constant 64 : i32
    %add3A_15 = arith.addi %mul3A_13, %add3A_14 : i32
    "tpu.region"() ({
      %run_scoped3A = tpu.sem_alloc : memref<!tpu.dma_semaphore, #tpu.memory_space<semaphore_mem>>
      %dma_start3A = arith.constant 0 : i32
      %dma_start3A_63 = arith.constant 0 : i32
      %dma_start3A_64 = tpu.memref_slice %arg6[%dma_start3A, %dma_start3A_63] : memref<64x16xf32, #tpu.memory_space<vmem>> -> memref<64x16xf32, #tpu.memory_space<vmem>>
      %dma_start3A_65 = arith.constant 0 : i32
      %dma_start3A_66 = tpu.memref_slice %arg7[%add3A_15, %dma_start3A_65] : memref<10240x16xf32, #tpu.memory_space<vmem_shared>> -> memref<64x16xf32, #tpu.memory_space<vmem_shared>>
      %dma_start3A_67 = arith.constant 0 : i32
      %dma_start3A_68 = tpu.memref_slice %arg7[%add3A_15, %dma_start3A_67] : memref<10240x16xf32, #tpu.memory_space<vmem_shared>> -> memref<64x16xf32, #tpu.memory_space<vmem_shared>>
      %dma_start3A_69 = arith.constant 0 : i32
      %dma_start3A_70 = arith.constant 0 : i32
      %dma_start3A_71 = tpu.memref_slice %arg6[%dma_start3A_69, %dma_start3A_70] : memref<64x16xf32, #tpu.memory_space<vmem>> -> memref<64x16xf32, #tpu.memory_space<vmem>>
      tpu.enqueue_dma source(%dma_start3A_71 : memref<64x16xf32, #tpu.memory_space<vmem>>) target(%dma_start3A_68 : memref<64x16xf32, #tpu.memory_space<vmem_shared>>) target_semaphore(%run_scoped3A : memref<!tpu.dma_semaphore, #tpu.memory_space<semaphore_mem>>)
      %dma_wait3A = arith.constant 0 : i32
      %dma_wait3A_72 = arith.constant 0 : i32
      %dma_wait3A_73 = tpu.memref_slice %arg6[%dma_wait3A, %dma_wait3A_72] : memref<64x16xf32, #tpu.memory_space<vmem>> -> memref<64x16xf32, #tpu.memory_space<vmem>>
      %dma_wait3A_74 = arith.constant 0 : i32
      %dma_wait3A_75 = tpu.memref_slice %arg7[%add3A_15, %dma_wait3A_74] : memref<10240x16xf32, #tpu.memory_space<vmem_shared>> -> memref<64x16xf32, #tpu.memory_space<vmem_shared>>
      %dma_wait3A_76 = arith.constant 0 : i32
      %dma_wait3A_77 = tpu.memref_slice %arg7[%add3A_15, %dma_wait3A_76] : memref<10240x16xf32, #tpu.memory_space<vmem_shared>> -> memref<64x16xf32, #tpu.memory_space<vmem_shared>>
      %dma_wait3A_78 = arith.constant 0 : i32
      %dma_wait3A_79 = arith.constant 0 : i32
      %dma_wait3A_80 = tpu.memref_slice %arg6[%dma_wait3A_78, %dma_wait3A_79] : memref<64x16xf32, #tpu.memory_space<vmem>> -> memref<64x16xf32, #tpu.memory_space<vmem>>
      tpu.wait_dma2 semaphore(%run_scoped3A : memref<!tpu.dma_semaphore, #tpu.memory_space<semaphore_mem>>) src(%dma_wait3A_80 : memref<64x16xf32, #tpu.memory_space<vmem>>) dst(%dma_wait3A_77 : memref<64x16xf32, #tpu.memory_space<vmem_shared>>)
      tpu.yield
    }) : () -> ()
    %mul3A_16 = arith.constant 640 : i32
    %mul3A_17 = arith.muli %arg1, %mul3A_16 : i32
    %add3A_18 = arith.constant 128 : i32
    %add3A_19 = arith.addi %mul3A_17, %add3A_18 : i32
    "tpu.region"() ({
      %run_scoped3A = tpu.sem_alloc : memref<!tpu.dma_semaphore, #tpu.memory_space<semaphore_mem>>
      %dma_start3A = arith.constant 0 : i32
      %dma_start3A_63 = arith.constant 0 : i32
      %dma_start3A_64 = tpu.memref_slice %arg6[%dma_start3A, %dma_start3A_63] : memref<64x16xf32, #tpu.memory_space<vmem>> -> memref<64x16xf32, #tpu.memory_space<vmem>>
      %dma_start3A_65 = arith.constant 0 : i32
      %dma_start3A_66 = tpu.memref_slice %arg7[%add3A_19, %dma_start3A_65] : memref<10240x16xf32, #tpu.memory_space<vmem_shared>> -> memref<64x16xf32, #tpu.memory_space<vmem_shared>>
      %dma_start3A_67 = arith.constant 0 : i32
      %dma_start3A_68 = tpu.memref_slice %arg7[%add3A_19, %dma_start3A_67] : memref<10240x16xf32, #tpu.memory_space<vmem_shared>> -> memref<64x16xf32, #tpu.memory_space<vmem_shared>>
      %dma_start3A_69 = arith.constant 0 : i32
      %dma_start3A_70 = arith.constant 0 : i32
      %dma_start3A_71 = tpu.memref_slice %arg6[%dma_start3A_69, %dma_start3A_70] : memref<64x16xf32, #tpu.memory_space<vmem>> -> memref<64x16xf32, #tpu.memory_space<vmem>>
      tpu.enqueue_dma source(%dma_start3A_71 : memref<64x16xf32, #tpu.memory_space<vmem>>) target(%dma_start3A_68 : memref<64x16xf32, #tpu.memory_space<vmem_shared>>) target_semaphore(%run_scoped3A : memref<!tpu.dma_semaphore, #tpu.memory_space<semaphore_mem>>)
      %dma_wait3A = arith.constant 0 : i32
      %dma_wait3A_72 = arith.constant 0 : i32
      %dma_wait3A_73 = tpu.memref_slice %arg6[%dma_wait3A, %dma_wait3A_72] : memref<64x16xf32, #tpu.memory_space<vmem>> -> memref<64x16xf32, #tpu.memory_space<vmem>>
      %dma_wait3A_74 = arith.constant 0 : i32
      %dma_wait3A_75 = tpu.memref_slice %arg7[%add3A_19, %dma_wait3A_74] : memref<10240x16xf32, #tpu.memory_space<vmem_shared>> -> memref<64x16xf32, #tpu.memory_space<vmem_shared>>
      %dma_wait3A_76 = arith.constant 0 : i32
      %dma_wait3A_77 = tpu.memref_slice %arg7[%add3A_19, %dma_wait3A_76] : memref<10240x16xf32, #tpu.memory_space<vmem_shared>> -> memref<64x16xf32, #tpu.memory_space<vmem_shared>>
      %dma_wait3A_78 = arith.constant 0 : i32
      %dma_wait3A_79 = arith.constant 0 : i32
      %dma_wait3A_80 = tpu.memref_slice %arg6[%dma_wait3A_78, %dma_wait3A_79] : memref<64x16xf32, #tpu.memory_space<vmem>> -> memref<64x16xf32, #tpu.memory_space<vmem>>
      tpu.wait_dma2 semaphore(%run_scoped3A : memref<!tpu.dma_semaphore, #tpu.memory_space<semaphore_mem>>) src(%dma_wait3A_80 : memref<64x16xf32, #tpu.memory_space<vmem>>) dst(%dma_wait3A_77 : memref<64x16xf32, #tpu.memory_space<vmem_shared>>)
      tpu.yield
    }) : () -> ()
    %mul3A_20 = arith.constant 640 : i32
    %mul3A_21 = arith.muli %arg1, %mul3A_20 : i32
    %add3A_22 = arith.constant 192 : i32
    %add3A_23 = arith.addi %mul3A_21, %add3A_22 : i32
    "tpu.region"() ({
      %run_scoped3A = tpu.sem_alloc : memref<!tpu.dma_semaphore, #tpu.memory_space<semaphore_mem>>
      %dma_start3A = arith.constant 0 : i32
      %dma_start3A_63 = arith.constant 0 : i32
      %dma_start3A_64 = tpu.memref_slice %arg6[%dma_start3A, %dma_start3A_63] : memref<64x16xf32, #tpu.memory_space<vmem>> -> memref<64x16xf32, #tpu.memory_space<vmem>>
      %dma_start3A_65 = arith.constant 0 : i32
      %dma_start3A_66 = tpu.memref_slice %arg7[%add3A_23, %dma_start3A_65] : memref<10240x16xf32, #tpu.memory_space<vmem_shared>> -> memref<64x16xf32, #tpu.memory_space<vmem_shared>>
      %dma_start3A_67 = arith.constant 0 : i32
      %dma_start3A_68 = tpu.memref_slice %arg7[%add3A_23, %dma_start3A_67] : memref<10240x16xf32, #tpu.memory_space<vmem_shared>> -> memref<64x16xf32, #tpu.memory_space<vmem_shared>>
      %dma_start3A_69 = arith.constant 0 : i32
      %dma_start3A_70 = arith.constant 0 : i32
      %dma_start3A_71 = tpu.memref_slice %arg6[%dma_start3A_69, %dma_start3A_70] : memref<64x16xf32, #tpu.memory_space<vmem>> -> memref<64x16xf32, #tpu.memory_space<vmem>>
      tpu.enqueue_dma source(%dma_start3A_71 : memref<64x16xf32, #tpu.memory_space<vmem>>) target(%dma_start3A_68 : memref<64x16xf32, #tpu.memory_space<vmem_shared>>) target_semaphore(%run_scoped3A : memref<!tpu.dma_semaphore, #tpu.memory_space<semaphore_mem>>)
      %dma_wait3A = arith.constant 0 : i32
      %dma_wait3A_72 = arith.constant 0 : i32
      %dma_wait3A_73 = tpu.memref_slice %arg6[%dma_wait3A, %dma_wait3A_72] : memref<64x16xf32, #tpu.memory_space<vmem>> -> memref<64x16xf32, #tpu.memory_space<vmem>>
      %dma_wait3A_74 = arith.constant 0 : i32
      %dma_wait3A_75 = tpu.memref_slice %arg7[%add3A_23, %dma_wait3A_74] : memref<10240x16xf32, #tpu.memory_space<vmem_shared>> -> memref<64x16xf32, #tpu.memory_space<vmem_shared>>
      %dma_wait3A_76 = arith.constant 0 : i32
      %dma_wait3A_77 = tpu.memref_slice %arg7[%add3A_23, %dma_wait3A_76] : memref<10240x16xf32, #tpu.memory_space<vmem_shared>> -> memref<64x16xf32, #tpu.memory_space<vmem_shared>>
      %dma_wait3A_78 = arith.constant 0 : i32
      %dma_wait3A_79 = arith.constant 0 : i32
      %dma_wait3A_80 = tpu.memref_slice %arg6[%dma_wait3A_78, %dma_wait3A_79] : memref<64x16xf32, #tpu.memory_space<vmem>> -> memref<64x16xf32, #tpu.memory_space<vmem>>
      tpu.wait_dma2 semaphore(%run_scoped3A : memref<!tpu.dma_semaphore, #tpu.memory_space<semaphore_mem>>) src(%dma_wait3A_80 : memref<64x16xf32, #tpu.memory_space<vmem>>) dst(%dma_wait3A_77 : memref<64x16xf32, #tpu.memory_space<vmem_shared>>)
      tpu.yield
    }) : () -> ()
    %mul3A_24 = arith.constant 640 : i32
    %mul3A_25 = arith.muli %arg1, %mul3A_24 : i32
    %add3A_26 = arith.constant 256 : i32
    %add3A_27 = arith.addi %mul3A_25, %add3A_26 : i32
    "tpu.region"() ({
      %run_scoped3A = tpu.sem_alloc : memref<!tpu.dma_semaphore, #tpu.memory_space<semaphore_mem>>
      %dma_start3A = arith.constant 0 : i32
      %dma_start3A_63 = arith.constant 0 : i32
      %dma_start3A_64 = tpu.memref_slice %arg6[%dma_start3A, %dma_start3A_63] : memref<64x16xf32, #tpu.memory_space<vmem>> -> memref<64x16xf32, #tpu.memory_space<vmem>>
      %dma_start3A_65 = arith.constant 0 : i32
      %dma_start3A_66 = tpu.memref_slice %arg7[%add3A_27, %dma_start3A_65] : memref<10240x16xf32, #tpu.memory_space<vmem_shared>> -> memref<64x16xf32, #tpu.memory_space<vmem_shared>>
      %dma_start3A_67 = arith.constant 0 : i32
      %dma_start3A_68 = tpu.memref_slice %arg7[%add3A_27, %dma_start3A_67] : memref<10240x16xf32, #tpu.memory_space<vmem_shared>> -> memref<64x16xf32, #tpu.memory_space<vmem_shared>>
      %dma_start3A_69 = arith.constant 0 : i32
      %dma_start3A_70 = arith.constant 0 : i32
      %dma_start3A_71 = tpu.memref_slice %arg6[%dma_start3A_69, %dma_start3A_70] : memref<64x16xf32, #tpu.memory_space<vmem>> -> memref<64x16xf32, #tpu.memory_space<vmem>>
      tpu.enqueue_dma source(%dma_start3A_71 : memref<64x16xf32, #tpu.memory_space<vmem>>) target(%dma_start3A_68 : memref<64x16xf32, #tpu.memory_space<vmem_shared>>) target_semaphore(%run_scoped3A : memref<!tpu.dma_semaphore, #tpu.memory_space<semaphore_mem>>)
      %dma_wait3A = arith.constant 0 : i32
      %dma_wait3A_72 = arith.constant 0 : i32
      %dma_wait3A_73 = tpu.memref_slice %arg6[%dma_wait3A, %dma_wait3A_72] : memref<64x16xf32, #tpu.memory_space<vmem>> -> memref<64x16xf32, #tpu.memory_space<vmem>>
      %dma_wait3A_74 = arith.constant 0 : i32
      %dma_wait3A_75 = tpu.memref_slice %arg7[%add3A_27, %dma_wait3A_74] : memref<10240x16xf32, #tpu.memory_space<vmem_shared>> -> memref<64x16xf32, #tpu.memory_space<vmem_shared>>
      %dma_wait3A_76 = arith.constant 0 : i32
      %dma_wait3A_77 = tpu.memref_slice %arg7[%add3A_27, %dma_wait3A_76] : memref<10240x16xf32, #tpu.memory_space<vmem_shared>> -> memref<64x16xf32, #tpu.memory_space<vmem_shared>>
      %dma_wait3A_78 = arith.constant 0 : i32
      %dma_wait3A_79 = arith.constant 0 : i32
      %dma_wait3A_80 = tpu.memref_slice %arg6[%dma_wait3A_78, %dma_wait3A_79] : memref<64x16xf32, #tpu.memory_space<vmem>> -> memref<64x16xf32, #tpu.memory_space<vmem>>
      tpu.wait_dma2 semaphore(%run_scoped3A : memref<!tpu.dma_semaphore, #tpu.memory_space<semaphore_mem>>) src(%dma_wait3A_80 : memref<64x16xf32, #tpu.memory_space<vmem>>) dst(%dma_wait3A_77 : memref<64x16xf32, #tpu.memory_space<vmem_shared>>)
      tpu.yield
    }) : () -> ()
    %mul3A_28 = arith.constant 640 : i32
    %mul3A_29 = arith.muli %arg1, %mul3A_28 : i32
    %add3A_30 = arith.constant 320 : i32
    %add3A_31 = arith.addi %mul3A_29, %add3A_30 : i32
    "tpu.region"() ({
      %run_scoped3A = tpu.sem_alloc : memref<!tpu.dma_semaphore, #tpu.memory_space<semaphore_mem>>
      %dma_start3A = arith.constant 0 : i32
      %dma_start3A_63 = arith.constant 0 : i32
      %dma_start3A_64 = tpu.memref_slice %arg6[%dma_start3A, %dma_start3A_63] : memref<64x16xf32, #tpu.memory_space<vmem>> -> memref<64x16xf32, #tpu.memory_space<vmem>>
      %dma_start3A_65 = arith.constant 0 : i32
      %dma_start3A_66 = tpu.memref_slice %arg7[%add3A_31, %dma_start3A_65] : memref<10240x16xf32, #tpu.memory_space<vmem_shared>> -> memref<64x16xf32, #tpu.memory_space<vmem_shared>>
      %dma_start3A_67 = arith.constant 0 : i32
      %dma_start3A_68 = tpu.memref_slice %arg7[%add3A_31, %dma_start3A_67] : memref<10240x16xf32, #tpu.memory_space<vmem_shared>> -> memref<64x16xf32, #tpu.memory_space<vmem_shared>>
      %dma_start3A_69 = arith.constant 0 : i32
      %dma_start3A_70 = arith.constant 0 : i32
      %dma_start3A_71 = tpu.memref_slice %arg6[%dma_start3A_69, %dma_start3A_70] : memref<64x16xf32, #tpu.memory_space<vmem>> -> memref<64x16xf32, #tpu.memory_space<vmem>>
      tpu.enqueue_dma source(%dma_start3A_71 : memref<64x16xf32, #tpu.memory_space<vmem>>) target(%dma_start3A_68 : memref<64x16xf32, #tpu.memory_space<vmem_shared>>) target_semaphore(%run_scoped3A : memref<!tpu.dma_semaphore, #tpu.memory_space<semaphore_mem>>)
      %dma_wait3A = arith.constant 0 : i32
      %dma_wait3A_72 = arith.constant 0 : i32
      %dma_wait3A_73 = tpu.memref_slice %arg6[%dma_wait3A, %dma_wait3A_72] : memref<64x16xf32, #tpu.memory_space<vmem>> -> memref<64x16xf32, #tpu.memory_space<vmem>>
      %dma_wait3A_74 = arith.constant 0 : i32
      %dma_wait3A_75 = tpu.memref_slice %arg7[%add3A_31, %dma_wait3A_74] : memref<10240x16xf32, #tpu.memory_space<vmem_shared>> -> memref<64x16xf32, #tpu.memory_space<vmem_shared>>
      %dma_wait3A_76 = arith.constant 0 : i32
      %dma_wait3A_77 = tpu.memref_slice %arg7[%add3A_31, %dma_wait3A_76] : memref<10240x16xf32, #tpu.memory_space<vmem_shared>> -> memref<64x16xf32, #tpu.memory_space<vmem_shared>>
      %dma_wait3A_78 = arith.constant 0 : i32
      %dma_wait3A_79 = arith.constant 0 : i32
      %dma_wait3A_80 = tpu.memref_slice %arg6[%dma_wait3A_78, %dma_wait3A_79] : memref<64x16xf32, #tpu.memory_space<vmem>> -> memref<64x16xf32, #tpu.memory_space<vmem>>
      tpu.wait_dma2 semaphore(%run_scoped3A : memref<!tpu.dma_semaphore, #tpu.memory_space<semaphore_mem>>) src(%dma_wait3A_80 : memref<64x16xf32, #tpu.memory_space<vmem>>) dst(%dma_wait3A_77 : memref<64x16xf32, #tpu.memory_space<vmem_shared>>)
      tpu.yield
    }) : () -> ()
    %mul3A_32 = arith.constant 640 : i32
    %mul3A_33 = arith.muli %arg1, %mul3A_32 : i32
    %add3A_34 = arith.constant 384 : i32
    %add3A_35 = arith.addi %mul3A_33, %add3A_34 : i32
    "tpu.region"() ({
      %run_scoped3A = tpu.sem_alloc : memref<!tpu.dma_semaphore, #tpu.memory_space<semaphore_mem>>
      %dma_start3A = arith.constant 0 : i32
      %dma_start3A_63 = arith.constant 0 : i32
      %dma_start3A_64 = tpu.memref_slice %arg6[%dma_start3A, %dma_start3A_63] : memref<64x16xf32, #tpu.memory_space<vmem>> -> memref<64x16xf32, #tpu.memory_space<vmem>>
      %dma_start3A_65 = arith.constant 0 : i32
      %dma_start3A_66 = tpu.memref_slice %arg7[%add3A_35, %dma_start3A_65] : memref<10240x16xf32, #tpu.memory_space<vmem_shared>> -> memref<64x16xf32, #tpu.memory_space<vmem_shared>>
      %dma_start3A_67 = arith.constant 0 : i32
      %dma_start3A_68 = tpu.memref_slice %arg7[%add3A_35, %dma_start3A_67] : memref<10240x16xf32, #tpu.memory_space<vmem_shared>> -> memref<64x16xf32, #tpu.memory_space<vmem_shared>>
      %dma_start3A_69 = arith.constant 0 : i32
      %dma_start3A_70 = arith.constant 0 : i32
      %dma_start3A_71 = tpu.memref_slice %arg6[%dma_start3A_69, %dma_start3A_70] : memref<64x16xf32, #tpu.memory_space<vmem>> -> memref<64x16xf32, #tpu.memory_space<vmem>>
      tpu.enqueue_dma source(%dma_start3A_71 : memref<64x16xf32, #tpu.memory_space<vmem>>) target(%dma_start3A_68 : memref<64x16xf32, #tpu.memory_space<vmem_shared>>) target_semaphore(%run_scoped3A : memref<!tpu.dma_semaphore, #tpu.memory_space<semaphore_mem>>)
      %dma_wait3A = arith.constant 0 : i32
      %dma_wait3A_72 = arith.constant 0 : i32
      %dma_wait3A_73 = tpu.memref_slice %arg6[%dma_wait3A, %dma_wait3A_72] : memref<64x16xf32, #tpu.memory_space<vmem>> -> memref<64x16xf32, #tpu.memory_space<vmem>>
      %dma_wait3A_74 = arith.constant 0 : i32
      %dma_wait3A_75 = tpu.memref_slice %arg7[%add3A_35, %dma_wait3A_74] : memref<10240x16xf32, #tpu.memory_space<vmem_shared>> -> memref<64x16xf32, #tpu.memory_space<vmem_shared>>
      %dma_wait3A_76 = arith.constant 0 : i32
      %dma_wait3A_77 = tpu.memref_slice %arg7[%add3A_35, %dma_wait3A_76] : memref<10240x16xf32, #tpu.memory_space<vmem_shared>> -> memref<64x16xf32, #tpu.memory_space<vmem_shared>>
      %dma_wait3A_78 = arith.constant 0 : i32
      %dma_wait3A_79 = arith.constant 0 : i32
      %dma_wait3A_80 = tpu.memref_slice %arg6[%dma_wait3A_78, %dma_wait3A_79] : memref<64x16xf32, #tpu.memory_space<vmem>> -> memref<64x16xf32, #tpu.memory_space<vmem>>
      tpu.wait_dma2 semaphore(%run_scoped3A : memref<!tpu.dma_semaphore, #tpu.memory_space<semaphore_mem>>) src(%dma_wait3A_80 : memref<64x16xf32, #tpu.memory_space<vmem>>) dst(%dma_wait3A_77 : memref<64x16xf32, #tpu.memory_space<vmem_shared>>)
      tpu.yield
    }) : () -> ()
    %mul3A_36 = arith.constant 640 : i32
    %mul3A_37 = arith.muli %arg1, %mul3A_36 : i32
    %add3A_38 = arith.constant 448 : i32
    %add3A_39 = arith.addi %mul3A_37, %add3A_38 : i32
    "tpu.region"() ({
      %run_scoped3A = tpu.sem_alloc : memref<!tpu.dma_semaphore, #tpu.memory_space<semaphore_mem>>
      %dma_start3A = arith.constant 0 : i32
      %dma_start3A_63 = arith.constant 0 : i32
      %dma_start3A_64 = tpu.memref_slice %arg6[%dma_start3A, %dma_start3A_63] : memref<64x16xf32, #tpu.memory_space<vmem>> -> memref<64x16xf32, #tpu.memory_space<vmem>>
      %dma_start3A_65 = arith.constant 0 : i32
      %dma_start3A_66 = tpu.memref_slice %arg7[%add3A_39, %dma_start3A_65] : memref<10240x16xf32, #tpu.memory_space<vmem_shared>> -> memref<64x16xf32, #tpu.memory_space<vmem_shared>>
      %dma_start3A_67 = arith.constant 0 : i32
      %dma_start3A_68 = tpu.memref_slice %arg7[%add3A_39, %dma_start3A_67] : memref<10240x16xf32, #tpu.memory_space<vmem_shared>> -> memref<64x16xf32, #tpu.memory_space<vmem_shared>>
      %dma_start3A_69 = arith.constant 0 : i32
      %dma_start3A_70 = arith.constant 0 : i32
      %dma_start3A_71 = tpu.memref_slice %arg6[%dma_start3A_69, %dma_start3A_70] : memref<64x16xf32, #tpu.memory_space<vmem>> -> memref<64x16xf32, #tpu.memory_space<vmem>>
      tpu.enqueue_dma source(%dma_start3A_71 : memref<64x16xf32, #tpu.memory_space<vmem>>) target(%dma_start3A_68 : memref<64x16xf32, #tpu.memory_space<vmem_shared>>) target_semaphore(%run_scoped3A : memref<!tpu.dma_semaphore, #tpu.memory_space<semaphore_mem>>)
      %dma_wait3A = arith.constant 0 : i32
      %dma_wait3A_72 = arith.constant 0 : i32
      %dma_wait3A_73 = tpu.memref_slice %arg6[%dma_wait3A, %dma_wait3A_72] : memref<64x16xf32, #tpu.memory_space<vmem>> -> memref<64x16xf32, #tpu.memory_space<vmem>>
      %dma_wait3A_74 = arith.constant 0 : i32
      %dma_wait3A_75 = tpu.memref_slice %arg7[%add3A_39, %dma_wait3A_74] : memref<10240x16xf32, #tpu.memory_space<vmem_shared>> -> memref<64x16xf32, #tpu.memory_space<vmem_shared>>
      %dma_wait3A_76 = arith.constant 0 : i32
      %dma_wait3A_77 = tpu.memref_slice %arg7[%add3A_39, %dma_wait3A_76] : memref<10240x16xf32, #tpu.memory_space<vmem_shared>> -> memref<64x16xf32, #tpu.memory_space<vmem_shared>>
      %dma_wait3A_78 = arith.constant 0 : i32
      %dma_wait3A_79 = arith.constant 0 : i32
      %dma_wait3A_80 = tpu.memref_slice %arg6[%dma_wait3A_78, %dma_wait3A_79] : memref<64x16xf32, #tpu.memory_space<vmem>> -> memref<64x16xf32, #tpu.memory_space<vmem>>
      tpu.wait_dma2 semaphore(%run_scoped3A : memref<!tpu.dma_semaphore, #tpu.memory_space<semaphore_mem>>) src(%dma_wait3A_80 : memref<64x16xf32, #tpu.memory_space<vmem>>) dst(%dma_wait3A_77 : memref<64x16xf32, #tpu.memory_space<vmem_shared>>)
      tpu.yield
    }) : () -> ()
    %mul3A_40 = arith.constant 640 : i32
    %mul3A_41 = arith.muli %arg1, %mul3A_40 : i32
    %add3A_42 = arith.constant 512 : i32
    %add3A_43 = arith.addi %mul3A_41, %add3A_42 : i32
    "tpu.region"() ({
      %run_scoped3A = tpu.sem_alloc : memref<!tpu.dma_semaphore, #tpu.memory_space<semaphore_mem>>
      %dma_start3A = arith.constant 0 : i32
      %dma_start3A_63 = arith.constant 0 : i32
      %dma_start3A_64 = tpu.memref_slice %arg6[%dma_start3A, %dma_start3A_63] : memref<64x16xf32, #tpu.memory_space<vmem>> -> memref<64x16xf32, #tpu.memory_space<vmem>>
      %dma_start3A_65 = arith.constant 0 : i32
      %dma_start3A_66 = tpu.memref_slice %arg7[%add3A_43, %dma_start3A_65] : memref<10240x16xf32, #tpu.memory_space<vmem_shared>> -> memref<64x16xf32, #tpu.memory_space<vmem_shared>>
      %dma_start3A_67 = arith.constant 0 : i32
      %dma_start3A_68 = tpu.memref_slice %arg7[%add3A_43, %dma_start3A_67] : memref<10240x16xf32, #tpu.memory_space<vmem_shared>> -> memref<64x16xf32, #tpu.memory_space<vmem_shared>>
      %dma_start3A_69 = arith.constant 0 : i32
      %dma_start3A_70 = arith.constant 0 : i32
      %dma_start3A_71 = tpu.memref_slice %arg6[%dma_start3A_69, %dma_start3A_70] : memref<64x16xf32, #tpu.memory_space<vmem>> -> memref<64x16xf32, #tpu.memory_space<vmem>>
      tpu.enqueue_dma source(%dma_start3A_71 : memref<64x16xf32, #tpu.memory_space<vmem>>) target(%dma_start3A_68 : memref<64x16xf32, #tpu.memory_space<vmem_shared>>) target_semaphore(%run_scoped3A : memref<!tpu.dma_semaphore, #tpu.memory_space<semaphore_mem>>)
      %dma_wait3A = arith.constant 0 : i32
      %dma_wait3A_72 = arith.constant 0 : i32
      %dma_wait3A_73 = tpu.memref_slice %arg6[%dma_wait3A, %dma_wait3A_72] : memref<64x16xf32, #tpu.memory_space<vmem>> -> memref<64x16xf32, #tpu.memory_space<vmem>>
      %dma_wait3A_74 = arith.constant 0 : i32
      %dma_wait3A_75 = tpu.memref_slice %arg7[%add3A_43, %dma_wait3A_74] : memref<10240x16xf32, #tpu.memory_space<vmem_shared>> -> memref<64x16xf32, #tpu.memory_space<vmem_shared>>
      %dma_wait3A_76 = arith.constant 0 : i32
      %dma_wait3A_77 = tpu.memref_slice %arg7[%add3A_43, %dma_wait3A_76] : memref<10240x16xf32, #tpu.memory_space<vmem_shared>> -> memref<64x16xf32, #tpu.memory_space<vmem_shared>>
      %dma_wait3A_78 = arith.constant 0 : i32
      %dma_wait3A_79 = arith.constant 0 : i32
      %dma_wait3A_80 = tpu.memref_slice %arg6[%dma_wait3A_78, %dma_wait3A_79] : memref<64x16xf32, #tpu.memory_space<vmem>> -> memref<64x16xf32, #tpu.memory_space<vmem>>
      tpu.wait_dma2 semaphore(%run_scoped3A : memref<!tpu.dma_semaphore, #tpu.memory_space<semaphore_mem>>) src(%dma_wait3A_80 : memref<64x16xf32, #tpu.memory_space<vmem>>) dst(%dma_wait3A_77 : memref<64x16xf32, #tpu.memory_space<vmem_shared>>)
      tpu.yield
    }) : () -> ()
    %mul3A_44 = arith.constant 640 : i32
    %mul3A_45 = arith.muli %arg1, %mul3A_44 : i32
    %add3A_46 = arith.constant 576 : i32
    %add3A_47 = arith.addi %mul3A_45, %add3A_46 : i32
    "tpu.region"() ({
      %run_scoped3A = tpu.sem_alloc : memref<!tpu.dma_semaphore, #tpu.memory_space<semaphore_mem>>
      %dma_start3A = arith.constant 0 : i32
      %dma_start3A_63 = arith.constant 0 : i32
      %dma_start3A_64 = tpu.memref_slice %arg6[%dma_start3A, %dma_start3A_63] : memref<64x16xf32, #tpu.memory_space<vmem>> -> memref<64x16xf32, #tpu.memory_space<vmem>>
      %dma_start3A_65 = arith.constant 0 : i32
      %dma_start3A_66 = tpu.memref_slice %arg7[%add3A_47, %dma_start3A_65] : memref<10240x16xf32, #tpu.memory_space<vmem_shared>> -> memref<64x16xf32, #tpu.memory_space<vmem_shared>>
      %dma_start3A_67 = arith.constant 0 : i32
      %dma_start3A_68 = tpu.memref_slice %arg7[%add3A_47, %dma_start3A_67] : memref<10240x16xf32, #tpu.memory_space<vmem_shared>> -> memref<64x16xf32, #tpu.memory_space<vmem_shared>>
      %dma_start3A_69 = arith.constant 0 : i32
      %dma_start3A_70 = arith.constant 0 : i32
      %dma_start3A_71 = tpu.memref_slice %arg6[%dma_start3A_69, %dma_start3A_70] : memref<64x16xf32, #tpu.memory_space<vmem>> -> memref<64x16xf32, #tpu.memory_space<vmem>>
      tpu.enqueue_dma source(%dma_start3A_71 : memref<64x16xf32, #tpu.memory_space<vmem>>) target(%dma_start3A_68 : memref<64x16xf32, #tpu.memory_space<vmem_shared>>) target_semaphore(%run_scoped3A : memref<!tpu.dma_semaphore, #tpu.memory_space<semaphore_mem>>)
      %dma_wait3A = arith.constant 0 : i32
      %dma_wait3A_72 = arith.constant 0 : i32
      %dma_wait3A_73 = tpu.memref_slice %arg6[%dma_wait3A, %dma_wait3A_72] : memref<64x16xf32, #tpu.memory_space<vmem>> -> memref<64x16xf32, #tpu.memory_space<vmem>>
      %dma_wait3A_74 = arith.constant 0 : i32
      %dma_wait3A_75 = tpu.memref_slice %arg7[%add3A_47, %dma_wait3A_74] : memref<10240x16xf32, #tpu.memory_space<vmem_shared>> -> memref<64x16xf32, #tpu.memory_space<vmem_shared>>
      %dma_wait3A_76 = arith.constant 0 : i32
      %dma_wait3A_77 = tpu.memref_slice %arg7[%add3A_47, %dma_wait3A_76] : memref<10240x16xf32, #tpu.memory_space<vmem_shared>> -> memref<64x16xf32, #tpu.memory_space<vmem_shared>>
      %dma_wait3A_78 = arith.constant 0 : i32
      %dma_wait3A_79 = arith.constant 0 : i32
      %dma_wait3A_80 = tpu.memref_slice %arg6[%dma_wait3A_78, %dma_wait3A_79] : memref<64x16xf32, #tpu.memory_space<vmem>> -> memref<64x16xf32, #tpu.memory_space<vmem>>
      tpu.wait_dma2 semaphore(%run_scoped3A : memref<!tpu.dma_semaphore, #tpu.memory_space<semaphore_mem>>) src(%dma_wait3A_80 : memref<64x16xf32, #tpu.memory_space<vmem>>) dst(%dma_wait3A_77 : memref<64x16xf32, #tpu.memory_space<vmem_shared>>)
      tpu.yield
    }) : () -> ()
    %barrier3A = arith.constant 0 : index
    tpu.barrier barrier_id(%barrier3A)
    %scan3A_48 = arith.constant 0 : i32
    %scan3A_49 = arith.constant 0 : i32
    %scan3A_50 = arith.constant 168 : i32
    %scan3A_51 = arith.addi %scan3A_49, %scan3A_50 : i32
    %scan3A_52 = arith.constant 1 : i32
    scf.for %scan3A_63 = %scan3A_49 to %scan3A_51 step %scan3A_52  : i32 {
      %dma_start3A = arith.constant 0 : i32
      %dma_start3A_64 = tpu.memref_slice %arg4[%scan3A_63, %dma_start3A] : memref<168x64xi32, #tpu.memory_space<vmem>> -> memref<1x64xi32, #tpu.memory_space<vmem>>
      %dma_start3A_65 = tpu.memref_squeeze %dma_start3A_64 : memref<1x64xi32, #tpu.memory_space<vmem>> -> memref<64xi32, #tpu.memory_space<vmem>>
      %dma_start3A_66 = arith.constant 0 : i32
      %dma_start3A_67 = arith.constant 0 : i32
      %dma_start3A_68 = tpu.memref_slice %arg7[%dma_start3A_66, %dma_start3A_67] : memref<10240x16xf32, #tpu.memory_space<vmem_shared>> -> memref<10240x16xf32, #tpu.memory_space<vmem_shared>>
      tpu.enqueue_indirect_dma source(%arg5 : memref<64x16xf32, #tpu.memory_space<vmem>>) target(%dma_start3A_68 : memref<10240x16xf32, #tpu.memory_space<vmem_shared>>) offsets(%dma_start3A_65 : memref<64xi32, #tpu.memory_space<vmem>>) semaphore(%arg8 : memref<!tpu.dma_semaphore, #tpu.memory_space<semaphore_mem>>) {add = true}
      %ge3A = arith.constant 16 : i32
      %ge3A_69 = arith.cmpi sge, %scan3A_63, %ge3A : i32
      %convert_element_type3A_70 = arith.extui %ge3A_69 : i1 to i32
      %cond3A_71 = arith.constant 0 : i32
      %cond3A_72 = arith.cmpi ne, %convert_element_type3A_70, %cond3A_71 : i32
      scf.if %cond3A_72 {
        %dma_wait3A = arith.constant 0 : i32
        %dma_wait3A_73 = arith.constant 0 : i32
        %dma_wait3A_74 = tpu.memref_slice %arg4[%dma_wait3A, %dma_wait3A_73] : memref<168x64xi32, #tpu.memory_space<vmem>> -> memref<1x64xi32, #tpu.memory_space<vmem>>
        %dma_wait3A_75 = tpu.memref_squeeze %dma_wait3A_74 : memref<1x64xi32, #tpu.memory_space<vmem>> -> memref<64xi32, #tpu.memory_space<vmem>>
        %dma_wait3A_76 = arith.constant 0 : i32
        %dma_wait3A_77 = arith.constant 0 : i32
        %dma_wait3A_78 = tpu.memref_slice %arg7[%dma_wait3A_76, %dma_wait3A_77] : memref<10240x16xf32, #tpu.memory_space<vmem_shared>> -> memref<10240x16xf32, #tpu.memory_space<vmem_shared>>
        tpu.wait_indirect_dma semaphore(%arg8 : memref<!tpu.dma_semaphore, #tpu.memory_space<semaphore_mem>>) src(%arg5 : memref<64x16xf32, #tpu.memory_space<vmem>>) dst(%dma_wait3A_78 : memref<10240x16xf32, #tpu.memory_space<vmem_shared>>)
      } else {
      }
    }
    %scan3A_53 = arith.constant 168 : i32
    %scan3A_54 = arith.constant 0 : i32
    %scan3A_55 = arith.constant 0 : i32
    %scan3A_56 = arith.constant 16 : i32
    %scan3A_57 = arith.addi %scan3A_55, %scan3A_56 : i32
    %scan3A_58 = arith.constant 1 : i32
    scf.for %scan3A_63 = %scan3A_55 to %scan3A_57 step %scan3A_58  : i32 {
      %dma_wait3A = arith.constant 0 : i32
      %dma_wait3A_64 = arith.constant 0 : i32
      %dma_wait3A_65 = tpu.memref_slice %arg4[%dma_wait3A, %dma_wait3A_64] : memref<168x64xi32, #tpu.memory_space<vmem>> -> memref<1x64xi32, #tpu.memory_space<vmem>>
      %dma_wait3A_66 = tpu.memref_squeeze %dma_wait3A_65 : memref<1x64xi32, #tpu.memory_space<vmem>> -> memref<64xi32, #tpu.memory_space<vmem>>
      %dma_wait3A_67 = arith.constant 0 : i32
      %dma_wait3A_68 = arith.constant 0 : i32
      %dma_wait3A_69 = tpu.memref_slice %arg7[%dma_wait3A_67, %dma_wait3A_68] : memref<10240x16xf32, #tpu.memory_space<vmem_shared>> -> memref<10240x16xf32, #tpu.memory_space<vmem_shared>>
      tpu.wait_indirect_dma semaphore(%arg8 : memref<!tpu.dma_semaphore, #tpu.memory_space<semaphore_mem>>) src(%arg5 : memref<64x16xf32, #tpu.memory_space<vmem>>) dst(%dma_wait3A_69 : memref<10240x16xf32, #tpu.memory_space<vmem_shared>>)
    }
    %scan3A_59 = arith.constant 16 : i32
    %barrier3A_60 = arith.constant 0 : index
    tpu.barrier barrier_id(%barrier3A_60)
    %eq3A = arith.constant 0 : i32
    %eq3A_61 = arith.cmpi eq, %arg0, %eq3A : i32
    %convert_element_type3A = arith.extui %eq3A_61 : i1 to i32
    %cond3A = arith.constant 0 : i32
    %cond3A_62 = arith.cmpi ne, %convert_element_type3A, %cond3A : i32
    scf.if %cond3A_62 {
      %mul3A_63 = arith.constant 640 : i32
      %mul3A_64 = arith.muli %arg1, %mul3A_63 : i32
      %mul3A_65 = arith.constant 640 : i32
      %mul3A_66 = arith.muli %arg1, %mul3A_65 : i32
      "tpu.region"() ({
        %run_scoped3A = tpu.sem_alloc : memref<!tpu.dma_semaphore, #tpu.memory_space<semaphore_mem>>
        %dma_start3A = arith.constant 0 : i32
        %dma_start3A_67 = tpu.memref_slice %arg3[%mul3A_66, %dma_start3A] : memref<10240x16xf32, #tpu.memory_space<hbm>> -> memref<640x16xf32, #tpu.memory_space<hbm>>
        %dma_start3A_68 = arith.constant 0 : i32
        %dma_start3A_69 = tpu.memref_slice %arg7[%mul3A_64, %dma_start3A_68] : memref<10240x16xf32, #tpu.memory_space<vmem_shared>> -> memref<640x16xf32, #tpu.memory_space<vmem_shared>>
        tpu.enqueue_dma source(%dma_start3A_69 : memref<640x16xf32, #tpu.memory_space<vmem_shared>>) target(%dma_start3A_67 : memref<640x16xf32, #tpu.memory_space<hbm>>) target_semaphore(%run_scoped3A : memref<!tpu.dma_semaphore, #tpu.memory_space<semaphore_mem>>)
        %dma_wait3A = arith.constant 0 : i32
        %dma_wait3A_70 = tpu.memref_slice %arg3[%mul3A_66, %dma_wait3A] : memref<10240x16xf32, #tpu.memory_space<hbm>> -> memref<640x16xf32, #tpu.memory_space<hbm>>
        %dma_wait3A_71 = arith.constant 0 : i32
        %dma_wait3A_72 = tpu.memref_slice %arg7[%mul3A_64, %dma_wait3A_71] : memref<10240x16xf32, #tpu.memory_space<vmem_shared>> -> memref<640x16xf32, #tpu.memory_space<vmem_shared>>
        tpu.wait_dma2 semaphore(%run_scoped3A : memref<!tpu.dma_semaphore, #tpu.memory_space<semaphore_mem>>) src(%dma_wait3A_72 : memref<640x16xf32, #tpu.memory_space<vmem_shared>>) dst(%dma_wait3A_70 : memref<640x16xf32, #tpu.memory_space<hbm>>)
        tpu.yield
      }) : () -> ()
    } else {
    }
    return
  }
}

#map = affine_map<(d0, d1) -> (0, 0, 0)>
#map1 = affine_map<(d0, d1) -> (0, 0)>
module attributes {stable_mosaic.version = 14 : i64} {
  func.func @agg(%arg0: i32, %arg1: i32, %arg2: memref<2x2688x64xi32, #tpu.memory_space<hbm>>, %arg3: memref<2688x64xi32, #tpu.memory_space<hbm>>, %arg4: memref<20000x128xbf16, #tpu.memory_space<hbm>>, %arg5: memref<10000x128xbf16, #tpu.memory_space<hbm>>, %arg6: memref<10000x128xbf16, #tpu.memory_space<hbm>>, %arg7: memref<168x64xi32, #tpu.memory_space<vmem>>, %arg8: memref<168x64xi32, #tpu.memory_space<vmem>>, %arg9: memref<64x128xbf16, #tpu.memory_space<vmem>>, %arg10: memref<64x128xbf16, #tpu.memory_space<vmem>>, %arg11: memref<64x128xbf16, #tpu.memory_space<vmem>>, %arg12: memref<64x128xbf16, #tpu.memory_space<vmem>>, %arg13: memref<64x128xbf16, #tpu.memory_space<vmem>>, %arg14: memref<64x128xbf16, #tpu.memory_space<vmem>>, %arg15: memref<10240x128xbf16, #tpu.memory_space<vmem_shared>>, %arg16: memref<!tpu.dma_semaphore, #tpu.memory_space<semaphore_mem>>, %arg17: memref<!tpu.dma_semaphore, #tpu.memory_space<semaphore_mem>>, %arg18: memref<!tpu.dma_semaphore, #tpu.memory_space<semaphore_mem>>, %arg19: memref<!tpu.dma_semaphore, #tpu.memory_space<semaphore_mem>>, %arg20: memref<!tpu.dma_semaphore, #tpu.memory_space<semaphore_mem>>, %arg21: memref<!tpu.dma_semaphore, #tpu.memory_space<semaphore_mem>>, %arg22: memref<!tpu.dma_semaphore, #tpu.memory_space<semaphore_mem>>, %arg23: memref<!tpu.dma_semaphore, #tpu.memory_space<semaphore_mem>>, %arg24: memref<!tpu.dma_semaphore, #tpu.memory_space<semaphore_mem>>, %arg25: memref<!tpu.dma_semaphore, #tpu.memory_space<semaphore_mem>>, %arg26: memref<!tpu.dma_semaphore, #tpu.memory_space<semaphore_mem>>, %arg27: memref<!tpu.dma_semaphore, #tpu.memory_space<semaphore_mem>>) attributes {dimension_semantics = [#tpu.dimension_semantics<core_parallel>, #tpu.dimension_semantics<subcore_parallel>], iteration_bounds = array<i64: 2, 16>, scalar_prefetch = 0 : i64, scratch_operands = 21 : i64, tpu.core_type = #tpu.core_type<sc_vector_subcore>, window_params = [{transform_indices = #map}, {transform_indices = #map1}, {transform_indices = #map1}, {transform_indices = #map1}, {transform_indices = #map1}]} {
    %mul3A = arith.constant 168 : i32
    %mul3A_0 = arith.muli %arg1, %mul3A : i32
    "tpu.region"() ({
      %run_scoped3A = tpu.sem_alloc : memref<!tpu.dma_semaphore, #tpu.memory_space<semaphore_mem>>
      %dma_start3A_137 = arith.constant 0 : i32
      %dma_start3A_138 = tpu.memref_slice %arg2[%arg0, %mul3A_0, %dma_start3A_137] : memref<2x2688x64xi32, #tpu.memory_space<hbm>> -> memref<1x168x64xi32, #tpu.memory_space<hbm>>
      %dma_start3A_139 = tpu.memref_squeeze %dma_start3A_138 : memref<1x168x64xi32, #tpu.memory_space<hbm>> -> memref<168x64xi32, #tpu.memory_space<hbm>>
      %dma_start3A_140 = arith.constant 0 : i32
      %dma_start3A_141 = tpu.memref_slice %arg2[%arg0, %mul3A_0, %dma_start3A_140] : memref<2x2688x64xi32, #tpu.memory_space<hbm>> -> memref<1x168x64xi32, #tpu.memory_space<hbm>>
      %dma_start3A_142 = tpu.memref_squeeze %dma_start3A_141 : memref<1x168x64xi32, #tpu.memory_space<hbm>> -> memref<168x64xi32, #tpu.memory_space<hbm>>
      tpu.enqueue_dma source(%dma_start3A_142 : memref<168x64xi32, #tpu.memory_space<hbm>>) target(%arg7 : memref<168x64xi32, #tpu.memory_space<vmem>>) target_semaphore(%run_scoped3A : memref<!tpu.dma_semaphore, #tpu.memory_space<semaphore_mem>>)
      %dma_wait3A_143 = arith.constant 0 : i32
      %dma_wait3A_144 = tpu.memref_slice %arg2[%arg0, %mul3A_0, %dma_wait3A_143] : memref<2x2688x64xi32, #tpu.memory_space<hbm>> -> memref<1x168x64xi32, #tpu.memory_space<hbm>>
      %dma_wait3A_145 = tpu.memref_squeeze %dma_wait3A_144 : memref<1x168x64xi32, #tpu.memory_space<hbm>> -> memref<168x64xi32, #tpu.memory_space<hbm>>
      %dma_wait3A_146 = arith.constant 0 : i32
      %dma_wait3A_147 = tpu.memref_slice %arg2[%arg0, %mul3A_0, %dma_wait3A_146] : memref<2x2688x64xi32, #tpu.memory_space<hbm>> -> memref<1x168x64xi32, #tpu.memory_space<hbm>>
      %dma_wait3A_148 = tpu.memref_squeeze %dma_wait3A_147 : memref<1x168x64xi32, #tpu.memory_space<hbm>> -> memref<168x64xi32, #tpu.memory_space<hbm>>
      tpu.wait_dma2 semaphore(%run_scoped3A : memref<!tpu.dma_semaphore, #tpu.memory_space<semaphore_mem>>) src(%dma_wait3A_148 : memref<168x64xi32, #tpu.memory_space<hbm>>) dst(%arg7 : memref<168x64xi32, #tpu.memory_space<vmem>>)
      tpu.yield
    }) : () -> ()
    %mul3A_1 = arith.constant 168 : i32
    %mul3A_2 = arith.muli %arg1, %mul3A_1 : i32
    "tpu.region"() ({
      %run_scoped3A = tpu.sem_alloc : memref<!tpu.dma_semaphore, #tpu.memory_space<semaphore_mem>>
      %dma_start3A_137 = arith.constant 0 : i32
      %dma_start3A_138 = tpu.memref_slice %arg3[%mul3A_2, %dma_start3A_137] : memref<2688x64xi32, #tpu.memory_space<hbm>> -> memref<168x64xi32, #tpu.memory_space<hbm>>
      %dma_start3A_139 = arith.constant 0 : i32
      %dma_start3A_140 = tpu.memref_slice %arg3[%mul3A_2, %dma_start3A_139] : memref<2688x64xi32, #tpu.memory_space<hbm>> -> memref<168x64xi32, #tpu.memory_space<hbm>>
      tpu.enqueue_dma source(%dma_start3A_140 : memref<168x64xi32, #tpu.memory_space<hbm>>) target(%arg8 : memref<168x64xi32, #tpu.memory_space<vmem>>) target_semaphore(%run_scoped3A : memref<!tpu.dma_semaphore, #tpu.memory_space<semaphore_mem>>)
      %dma_wait3A_141 = arith.constant 0 : i32
      %dma_wait3A_142 = tpu.memref_slice %arg3[%mul3A_2, %dma_wait3A_141] : memref<2688x64xi32, #tpu.memory_space<hbm>> -> memref<168x64xi32, #tpu.memory_space<hbm>>
      %dma_wait3A_143 = arith.constant 0 : i32
      %dma_wait3A_144 = tpu.memref_slice %arg3[%mul3A_2, %dma_wait3A_143] : memref<2688x64xi32, #tpu.memory_space<hbm>> -> memref<168x64xi32, #tpu.memory_space<hbm>>
      tpu.wait_dma2 semaphore(%run_scoped3A : memref<!tpu.dma_semaphore, #tpu.memory_space<semaphore_mem>>) src(%dma_wait3A_144 : memref<168x64xi32, #tpu.memory_space<hbm>>) dst(%arg8 : memref<168x64xi32, #tpu.memory_space<vmem>>)
      tpu.yield
    }) : () -> ()
    %broadcast_in_dim3A = arith.constant 0.000000e+00 : bf16
    %broadcast_in_dim3A_3 = vector.broadcast %broadcast_in_dim3A : bf16 to vector<32xbf16>
    %scan3A = arith.constant 0 : i32
    %scan3A_4 = arith.constant 0 : i32
    %scan3A_5 = arith.constant 256 : i32
    %scan3A_6 = arith.addi %scan3A_4, %scan3A_5 : i32
    %scan3A_7 = arith.constant 1 : i32
    scf.for %scan3A_137 = %scan3A_4 to %scan3A_6 step %scan3A_7  : i32 {
      %jit3A = arith.constant 4 : i32
      %div3A = arith.divsi %scan3A_137, %jit3A : i32
      %sign3A = arith.constant 0 : i32
      %sign3A_138 = arith.cmpi sgt, %scan3A_137, %sign3A : i32
      %sign3A_139 = arith.extui %sign3A_138 : i1 to i32
      %sign3A_140 = arith.constant 0 : i32
      %sign3A_141 = arith.cmpi slt, %scan3A_137, %sign3A_140 : i32
      %sign3A_142 = arith.extui %sign3A_141 : i1 to i32
      %sign3A_143 = arith.subi %sign3A_139, %sign3A_142 : i32
      %sign3A_144 = arith.constant 0 : i32
      %sign3A_145 = arith.cmpi sgt, %jit3A, %sign3A_144 : i32
      %sign3A_146 = arith.extui %sign3A_145 : i1 to i32
      %sign3A_147 = arith.constant 0 : i32
      %sign3A_148 = arith.cmpi slt, %jit3A, %sign3A_147 : i32
      %sign3A_149 = arith.extui %sign3A_148 : i1 to i32
      %sign3A_150 = arith.subi %sign3A_146, %sign3A_149 : i32
      %ne3A = arith.cmpi ne, %sign3A_143, %sign3A_150 : i32
      %rem3A = arith.remsi %scan3A_137, %jit3A : i32
      %ne3A_151 = arith.constant 0 : i32
      %ne3A_152 = arith.cmpi ne, %rem3A, %ne3A_151 : i32
      %and3A = arith.andi %ne3A, %ne3A_152 : i1
      %sub3A = arith.constant 1 : i32
      %sub3A_153 = arith.subi %div3A, %sub3A : i32
      %select_n3A = arith.select %and3A, %sub3A_153, %div3A : i32
      %jit3A_154 = arith.constant 4 : i32
      %eq3A_155 = arith.constant 0 : i32
      %eq3A_156 = arith.cmpi eq, %jit3A_154, %eq3A_155 : i32
      %jit3A_157 = arith.constant 1 : i32
      %select_n3A_158 = arith.select %eq3A_156, %jit3A_157, %jit3A_154 : i32
      %rem3A_159 = arith.remsi %scan3A_137, %select_n3A_158 : i32
      %ne3A_160 = arith.constant 0 : i32
      %ne3A_161 = arith.cmpi ne, %rem3A_159, %ne3A_160 : i32
      %lt3A = arith.constant 0 : i32
      %lt3A_162 = arith.cmpi slt, %rem3A_159, %lt3A : i32
      %lt3A_163 = arith.constant 0 : i32
      %lt3A_164 = arith.cmpi slt, %select_n3A_158, %lt3A_163 : i32
      %ne3A_165 = arith.xori %lt3A_162, %lt3A_164 : i1
      %and3A_166 = arith.andi %ne3A_165, %ne3A_161 : i1
      %add3A_167 = arith.addi %rem3A_159, %select_n3A_158 : i32
      %select_n3A_168 = arith.select %and3A_166, %add3A_167, %rem3A_159 : i32
      %mul3A_169 = arith.constant 32 : i32
      %mul3A_170 = arith.muli %select_n3A_168, %mul3A_169 : i32
      %swap3A = arith.index_cast %select_n3A : i32 to index
      %swap3A_171 = arith.index_cast %mul3A_170 : i32 to index
      %swap3A_172 = tpu.vector_load %arg9[%swap3A, %swap3A_171] {strides = array<i32>} : memref<64x128xbf16, #tpu.memory_space<vmem>>, vector<1x32xbf16>,
      %swap3A_173 = vector.shape_cast %swap3A_172 : vector<1x32xbf16> to vector<32xbf16>
      %swap3A_174 = vector.shape_cast %broadcast_in_dim3A_3 : vector<32xbf16> to vector<1x32xbf16>
      tpu.vector_store %arg9[%swap3A, %swap3A_171], %swap3A_174 {strides = array<i32>} : memref<64x128xbf16, #tpu.memory_space<vmem>>, vector<1x32xbf16>,
    }
    %scan3A_8 = arith.constant 256 : i32
    %mul3A_9 = arith.constant 640 : i32
    %mul3A_10 = arith.muli %arg1, %mul3A_9 : i32
    %add3A = arith.constant 0 : i32
    %add3A_11 = arith.addi %mul3A_10, %add3A : i32
    "tpu.region"() ({
      %run_scoped3A = tpu.sem_alloc : memref<!tpu.dma_semaphore, #tpu.memory_space<semaphore_mem>>
      %dma_start3A_137 = arith.constant 0 : i32
      %dma_start3A_138 = arith.constant 0 : i32
      %dma_start3A_139 = tpu.memref_slice %arg9[%dma_start3A_137, %dma_start3A_138] : memref<64x128xbf16, #tpu.memory_space<vmem>> -> memref<64x128xbf16, #tpu.memory_space<vmem>>
      %dma_start3A_140 = arith.constant 0 : i32
      %dma_start3A_141 = tpu.memref_slice %arg15[%add3A_11, %dma_start3A_140] : memref<10240x128xbf16, #tpu.memory_space<vmem_shared>> -> memref<64x128xbf16, #tpu.memory_space<vmem_shared>>
      %dma_start3A_142 = arith.constant 0 : i32
      %dma_start3A_143 = tpu.memref_slice %arg15[%add3A_11, %dma_start3A_142] : memref<10240x128xbf16, #tpu.memory_space<vmem_shared>> -> memref<64x128xbf16, #tpu.memory_space<vmem_shared>>
      %dma_start3A_144 = arith.constant 0 : i32
      %dma_start3A_145 = arith.constant 0 : i32
      %dma_start3A_146 = tpu.memref_slice %arg9[%dma_start3A_144, %dma_start3A_145] : memref<64x128xbf16, #tpu.memory_space<vmem>> -> memref<64x128xbf16, #tpu.memory_space<vmem>>
      tpu.enqueue_dma source(%dma_start3A_146 : memref<64x128xbf16, #tpu.memory_space<vmem>>) target(%dma_start3A_143 : memref<64x128xbf16, #tpu.memory_space<vmem_shared>>) target_semaphore(%run_scoped3A : memref<!tpu.dma_semaphore, #tpu.memory_space<semaphore_mem>>)
      %dma_wait3A_147 = arith.constant 0 : i32
      %dma_wait3A_148 = arith.constant 0 : i32
      %dma_wait3A_149 = tpu.memref_slice %arg9[%dma_wait3A_147, %dma_wait3A_148] : memref<64x128xbf16, #tpu.memory_space<vmem>> -> memref<64x128xbf16, #tpu.memory_space<vmem>>
      %dma_wait3A_150 = arith.constant 0 : i32
      %dma_wait3A_151 = tpu.memref_slice %arg15[%add3A_11, %dma_wait3A_150] : memref<10240x128xbf16, #tpu.memory_space<vmem_shared>> -> memref<64x128xbf16, #tpu.memory_space<vmem_shared>>
      %dma_wait3A_152 = arith.constant 0 : i32
      %dma_wait3A_153 = tpu.memref_slice %arg15[%add3A_11, %dma_wait3A_152] : memref<10240x128xbf16, #tpu.memory_space<vmem_shared>> -> memref<64x128xbf16, #tpu.memory_space<vmem_shared>>
      %dma_wait3A_154 = arith.constant 0 : i32
      %dma_wait3A_155 = arith.constant 0 : i32
      %dma_wait3A_156 = tpu.memref_slice %arg9[%dma_wait3A_154, %dma_wait3A_155] : memref<64x128xbf16, #tpu.memory_space<vmem>> -> memref<64x128xbf16, #tpu.memory_space<vmem>>
      tpu.wait_dma2 semaphore(%run_scoped3A : memref<!tpu.dma_semaphore, #tpu.memory_space<semaphore_mem>>) src(%dma_wait3A_156 : memref<64x128xbf16, #tpu.memory_space<vmem>>) dst(%dma_wait3A_153 : memref<64x128xbf16, #tpu.memory_space<vmem_shared>>)
      tpu.yield
    }) : () -> ()
    %mul3A_12 = arith.constant 640 : i32
    %mul3A_13 = arith.muli %arg1, %mul3A_12 : i32
    %add3A_14 = arith.constant 64 : i32
    %add3A_15 = arith.addi %mul3A_13, %add3A_14 : i32
    "tpu.region"() ({
      %run_scoped3A = tpu.sem_alloc : memref<!tpu.dma_semaphore, #tpu.memory_space<semaphore_mem>>
      %dma_start3A_137 = arith.constant 0 : i32
      %dma_start3A_138 = arith.constant 0 : i32
      %dma_start3A_139 = tpu.memref_slice %arg9[%dma_start3A_137, %dma_start3A_138] : memref<64x128xbf16, #tpu.memory_space<vmem>> -> memref<64x128xbf16, #tpu.memory_space<vmem>>
      %dma_start3A_140 = arith.constant 0 : i32
      %dma_start3A_141 = tpu.memref_slice %arg15[%add3A_15, %dma_start3A_140] : memref<10240x128xbf16, #tpu.memory_space<vmem_shared>> -> memref<64x128xbf16, #tpu.memory_space<vmem_shared>>
      %dma_start3A_142 = arith.constant 0 : i32
      %dma_start3A_143 = tpu.memref_slice %arg15[%add3A_15, %dma_start3A_142] : memref<10240x128xbf16, #tpu.memory_space<vmem_shared>> -> memref<64x128xbf16, #tpu.memory_space<vmem_shared>>
      %dma_start3A_144 = arith.constant 0 : i32
      %dma_start3A_145 = arith.constant 0 : i32
      %dma_start3A_146 = tpu.memref_slice %arg9[%dma_start3A_144, %dma_start3A_145] : memref<64x128xbf16, #tpu.memory_space<vmem>> -> memref<64x128xbf16, #tpu.memory_space<vmem>>
      tpu.enqueue_dma source(%dma_start3A_146 : memref<64x128xbf16, #tpu.memory_space<vmem>>) target(%dma_start3A_143 : memref<64x128xbf16, #tpu.memory_space<vmem_shared>>) target_semaphore(%run_scoped3A : memref<!tpu.dma_semaphore, #tpu.memory_space<semaphore_mem>>)
      %dma_wait3A_147 = arith.constant 0 : i32
      %dma_wait3A_148 = arith.constant 0 : i32
      %dma_wait3A_149 = tpu.memref_slice %arg9[%dma_wait3A_147, %dma_wait3A_148] : memref<64x128xbf16, #tpu.memory_space<vmem>> -> memref<64x128xbf16, #tpu.memory_space<vmem>>
      %dma_wait3A_150 = arith.constant 0 : i32
      %dma_wait3A_151 = tpu.memref_slice %arg15[%add3A_15, %dma_wait3A_150] : memref<10240x128xbf16, #tpu.memory_space<vmem_shared>> -> memref<64x128xbf16, #tpu.memory_space<vmem_shared>>
      %dma_wait3A_152 = arith.constant 0 : i32
      %dma_wait3A_153 = tpu.memref_slice %arg15[%add3A_15, %dma_wait3A_152] : memref<10240x128xbf16, #tpu.memory_space<vmem_shared>> -> memref<64x128xbf16, #tpu.memory_space<vmem_shared>>
      %dma_wait3A_154 = arith.constant 0 : i32
      %dma_wait3A_155 = arith.constant 0 : i32
      %dma_wait3A_156 = tpu.memref_slice %arg9[%dma_wait3A_154, %dma_wait3A_155] : memref<64x128xbf16, #tpu.memory_space<vmem>> -> memref<64x128xbf16, #tpu.memory_space<vmem>>
      tpu.wait_dma2 semaphore(%run_scoped3A : memref<!tpu.dma_semaphore, #tpu.memory_space<semaphore_mem>>) src(%dma_wait3A_156 : memref<64x128xbf16, #tpu.memory_space<vmem>>) dst(%dma_wait3A_153 : memref<64x128xbf16, #tpu.memory_space<vmem_shared>>)
      tpu.yield
    }) : () -> ()
    %mul3A_16 = arith.constant 640 : i32
    %mul3A_17 = arith.muli %arg1, %mul3A_16 : i32
    %add3A_18 = arith.constant 128 : i32
    %add3A_19 = arith.addi %mul3A_17, %add3A_18 : i32
    "tpu.region"() ({
      %run_scoped3A = tpu.sem_alloc : memref<!tpu.dma_semaphore, #tpu.memory_space<semaphore_mem>>
      %dma_start3A_137 = arith.constant 0 : i32
      %dma_start3A_138 = arith.constant 0 : i32
      %dma_start3A_139 = tpu.memref_slice %arg9[%dma_start3A_137, %dma_start3A_138] : memref<64x128xbf16, #tpu.memory_space<vmem>> -> memref<64x128xbf16, #tpu.memory_space<vmem>>
      %dma_start3A_140 = arith.constant 0 : i32
      %dma_start3A_141 = tpu.memref_slice %arg15[%add3A_19, %dma_start3A_140] : memref<10240x128xbf16, #tpu.memory_space<vmem_shared>> -> memref<64x128xbf16, #tpu.memory_space<vmem_shared>>
      %dma_start3A_142 = arith.constant 0 : i32
      %dma_start3A_143 = tpu.memref_slice %arg15[%add3A_19, %dma_start3A_142] : memref<10240x128xbf16, #tpu.memory_space<vmem_shared>> -> memref<64x128xbf16, #tpu.memory_space<vmem_shared>>
      %dma_start3A_144 = arith.constant 0 : i32
      %dma_start3A_145 = arith.constant 0 : i32
      %dma_start3A_146 = tpu.memref_slice %arg9[%dma_start3A_144, %dma_start3A_145] : memref<64x128xbf16, #tpu.memory_space<vmem>> -> memref<64x128xbf16, #tpu.memory_space<vmem>>
      tpu.enqueue_dma source(%dma_start3A_146 : memref<64x128xbf16, #tpu.memory_space<vmem>>) target(%dma_start3A_143 : memref<64x128xbf16, #tpu.memory_space<vmem_shared>>) target_semaphore(%run_scoped3A : memref<!tpu.dma_semaphore, #tpu.memory_space<semaphore_mem>>)
      %dma_wait3A_147 = arith.constant 0 : i32
      %dma_wait3A_148 = arith.constant 0 : i32
      %dma_wait3A_149 = tpu.memref_slice %arg9[%dma_wait3A_147, %dma_wait3A_148] : memref<64x128xbf16, #tpu.memory_space<vmem>> -> memref<64x128xbf16, #tpu.memory_space<vmem>>
      %dma_wait3A_150 = arith.constant 0 : i32
      %dma_wait3A_151 = tpu.memref_slice %arg15[%add3A_19, %dma_wait3A_150] : memref<10240x128xbf16, #tpu.memory_space<vmem_shared>> -> memref<64x128xbf16, #tpu.memory_space<vmem_shared>>
      %dma_wait3A_152 = arith.constant 0 : i32
      %dma_wait3A_153 = tpu.memref_slice %arg15[%add3A_19, %dma_wait3A_152] : memref<10240x128xbf16, #tpu.memory_space<vmem_shared>> -> memref<64x128xbf16, #tpu.memory_space<vmem_shared>>
      %dma_wait3A_154 = arith.constant 0 : i32
      %dma_wait3A_155 = arith.constant 0 : i32
      %dma_wait3A_156 = tpu.memref_slice %arg9[%dma_wait3A_154, %dma_wait3A_155] : memref<64x128xbf16, #tpu.memory_space<vmem>> -> memref<64x128xbf16, #tpu.memory_space<vmem>>
      tpu.wait_dma2 semaphore(%run_scoped3A : memref<!tpu.dma_semaphore, #tpu.memory_space<semaphore_mem>>) src(%dma_wait3A_156 : memref<64x128xbf16, #tpu.memory_space<vmem>>) dst(%dma_wait3A_153 : memref<64x128xbf16, #tpu.memory_space<vmem_shared>>)
      tpu.yield
    }) : () -> ()
    %mul3A_20 = arith.constant 640 : i32
    %mul3A_21 = arith.muli %arg1, %mul3A_20 : i32
    %add3A_22 = arith.constant 192 : i32
    %add3A_23 = arith.addi %mul3A_21, %add3A_22 : i32
    "tpu.region"() ({
      %run_scoped3A = tpu.sem_alloc : memref<!tpu.dma_semaphore, #tpu.memory_space<semaphore_mem>>
      %dma_start3A_137 = arith.constant 0 : i32
      %dma_start3A_138 = arith.constant 0 : i32
      %dma_start3A_139 = tpu.memref_slice %arg9[%dma_start3A_137, %dma_start3A_138] : memref<64x128xbf16, #tpu.memory_space<vmem>> -> memref<64x128xbf16, #tpu.memory_space<vmem>>
      %dma_start3A_140 = arith.constant 0 : i32
      %dma_start3A_141 = tpu.memref_slice %arg15[%add3A_23, %dma_start3A_140] : memref<10240x128xbf16, #tpu.memory_space<vmem_shared>> -> memref<64x128xbf16, #tpu.memory_space<vmem_shared>>
      %dma_start3A_142 = arith.constant 0 : i32
      %dma_start3A_143 = tpu.memref_slice %arg15[%add3A_23, %dma_start3A_142] : memref<10240x128xbf16, #tpu.memory_space<vmem_shared>> -> memref<64x128xbf16, #tpu.memory_space<vmem_shared>>
      %dma_start3A_144 = arith.constant 0 : i32
      %dma_start3A_145 = arith.constant 0 : i32
      %dma_start3A_146 = tpu.memref_slice %arg9[%dma_start3A_144, %dma_start3A_145] : memref<64x128xbf16, #tpu.memory_space<vmem>> -> memref<64x128xbf16, #tpu.memory_space<vmem>>
      tpu.enqueue_dma source(%dma_start3A_146 : memref<64x128xbf16, #tpu.memory_space<vmem>>) target(%dma_start3A_143 : memref<64x128xbf16, #tpu.memory_space<vmem_shared>>) target_semaphore(%run_scoped3A : memref<!tpu.dma_semaphore, #tpu.memory_space<semaphore_mem>>)
      %dma_wait3A_147 = arith.constant 0 : i32
      %dma_wait3A_148 = arith.constant 0 : i32
      %dma_wait3A_149 = tpu.memref_slice %arg9[%dma_wait3A_147, %dma_wait3A_148] : memref<64x128xbf16, #tpu.memory_space<vmem>> -> memref<64x128xbf16, #tpu.memory_space<vmem>>
      %dma_wait3A_150 = arith.constant 0 : i32
      %dma_wait3A_151 = tpu.memref_slice %arg15[%add3A_23, %dma_wait3A_150] : memref<10240x128xbf16, #tpu.memory_space<vmem_shared>> -> memref<64x128xbf16, #tpu.memory_space<vmem_shared>>
      %dma_wait3A_152 = arith.constant 0 : i32
      %dma_wait3A_153 = tpu.memref_slice %arg15[%add3A_23, %dma_wait3A_152] : memref<10240x128xbf16, #tpu.memory_space<vmem_shared>> -> memref<64x128xbf16, #tpu.memory_space<vmem_shared>>
      %dma_wait3A_154 = arith.constant 0 : i32
      %dma_wait3A_155 = arith.constant 0 : i32
      %dma_wait3A_156 = tpu.memref_slice %arg9[%dma_wait3A_154, %dma_wait3A_155] : memref<64x128xbf16, #tpu.memory_space<vmem>> -> memref<64x128xbf16, #tpu.memory_space<vmem>>
      tpu.wait_dma2 semaphore(%run_scoped3A : memref<!tpu.dma_semaphore, #tpu.memory_space<semaphore_mem>>) src(%dma_wait3A_156 : memref<64x128xbf16, #tpu.memory_space<vmem>>) dst(%dma_wait3A_153 : memref<64x128xbf16, #tpu.memory_space<vmem_shared>>)
      tpu.yield
    }) : () -> ()
    %mul3A_24 = arith.constant 640 : i32
    %mul3A_25 = arith.muli %arg1, %mul3A_24 : i32
    %add3A_26 = arith.constant 256 : i32
    %add3A_27 = arith.addi %mul3A_25, %add3A_26 : i32
    "tpu.region"() ({
      %run_scoped3A = tpu.sem_alloc : memref<!tpu.dma_semaphore, #tpu.memory_space<semaphore_mem>>
      %dma_start3A_137 = arith.constant 0 : i32
      %dma_start3A_138 = arith.constant 0 : i32
      %dma_start3A_139 = tpu.memref_slice %arg9[%dma_start3A_137, %dma_start3A_138] : memref<64x128xbf16, #tpu.memory_space<vmem>> -> memref<64x128xbf16, #tpu.memory_space<vmem>>
      %dma_start3A_140 = arith.constant 0 : i32
      %dma_start3A_141 = tpu.memref_slice %arg15[%add3A_27, %dma_start3A_140] : memref<10240x128xbf16, #tpu.memory_space<vmem_shared>> -> memref<64x128xbf16, #tpu.memory_space<vmem_shared>>
      %dma_start3A_142 = arith.constant 0 : i32
      %dma_start3A_143 = tpu.memref_slice %arg15[%add3A_27, %dma_start3A_142] : memref<10240x128xbf16, #tpu.memory_space<vmem_shared>> -> memref<64x128xbf16, #tpu.memory_space<vmem_shared>>
      %dma_start3A_144 = arith.constant 0 : i32
      %dma_start3A_145 = arith.constant 0 : i32
      %dma_start3A_146 = tpu.memref_slice %arg9[%dma_start3A_144, %dma_start3A_145] : memref<64x128xbf16, #tpu.memory_space<vmem>> -> memref<64x128xbf16, #tpu.memory_space<vmem>>
      tpu.enqueue_dma source(%dma_start3A_146 : memref<64x128xbf16, #tpu.memory_space<vmem>>) target(%dma_start3A_143 : memref<64x128xbf16, #tpu.memory_space<vmem_shared>>) target_semaphore(%run_scoped3A : memref<!tpu.dma_semaphore, #tpu.memory_space<semaphore_mem>>)
      %dma_wait3A_147 = arith.constant 0 : i32
      %dma_wait3A_148 = arith.constant 0 : i32
      %dma_wait3A_149 = tpu.memref_slice %arg9[%dma_wait3A_147, %dma_wait3A_148] : memref<64x128xbf16, #tpu.memory_space<vmem>> -> memref<64x128xbf16, #tpu.memory_space<vmem>>
      %dma_wait3A_150 = arith.constant 0 : i32
      %dma_wait3A_151 = tpu.memref_slice %arg15[%add3A_27, %dma_wait3A_150] : memref<10240x128xbf16, #tpu.memory_space<vmem_shared>> -> memref<64x128xbf16, #tpu.memory_space<vmem_shared>>
      %dma_wait3A_152 = arith.constant 0 : i32
      %dma_wait3A_153 = tpu.memref_slice %arg15[%add3A_27, %dma_wait3A_152] : memref<10240x128xbf16, #tpu.memory_space<vmem_shared>> -> memref<64x128xbf16, #tpu.memory_space<vmem_shared>>
      %dma_wait3A_154 = arith.constant 0 : i32
      %dma_wait3A_155 = arith.constant 0 : i32
      %dma_wait3A_156 = tpu.memref_slice %arg9[%dma_wait3A_154, %dma_wait3A_155] : memref<64x128xbf16, #tpu.memory_space<vmem>> -> memref<64x128xbf16, #tpu.memory_space<vmem>>
      tpu.wait_dma2 semaphore(%run_scoped3A : memref<!tpu.dma_semaphore, #tpu.memory_space<semaphore_mem>>) src(%dma_wait3A_156 : memref<64x128xbf16, #tpu.memory_space<vmem>>) dst(%dma_wait3A_153 : memref<64x128xbf16, #tpu.memory_space<vmem_shared>>)
      tpu.yield
    }) : () -> ()
    %mul3A_28 = arith.constant 640 : i32
    %mul3A_29 = arith.muli %arg1, %mul3A_28 : i32
    %add3A_30 = arith.constant 320 : i32
    %add3A_31 = arith.addi %mul3A_29, %add3A_30 : i32
    "tpu.region"() ({
      %run_scoped3A = tpu.sem_alloc : memref<!tpu.dma_semaphore, #tpu.memory_space<semaphore_mem>>
      %dma_start3A_137 = arith.constant 0 : i32
      %dma_start3A_138 = arith.constant 0 : i32
      %dma_start3A_139 = tpu.memref_slice %arg9[%dma_start3A_137, %dma_start3A_138] : memref<64x128xbf16, #tpu.memory_space<vmem>> -> memref<64x128xbf16, #tpu.memory_space<vmem>>
      %dma_start3A_140 = arith.constant 0 : i32
      %dma_start3A_141 = tpu.memref_slice %arg15[%add3A_31, %dma_start3A_140] : memref<10240x128xbf16, #tpu.memory_space<vmem_shared>> -> memref<64x128xbf16, #tpu.memory_space<vmem_shared>>
      %dma_start3A_142 = arith.constant 0 : i32
      %dma_start3A_143 = tpu.memref_slice %arg15[%add3A_31, %dma_start3A_142] : memref<10240x128xbf16, #tpu.memory_space<vmem_shared>> -> memref<64x128xbf16, #tpu.memory_space<vmem_shared>>
      %dma_start3A_144 = arith.constant 0 : i32
      %dma_start3A_145 = arith.constant 0 : i32
      %dma_start3A_146 = tpu.memref_slice %arg9[%dma_start3A_144, %dma_start3A_145] : memref<64x128xbf16, #tpu.memory_space<vmem>> -> memref<64x128xbf16, #tpu.memory_space<vmem>>
      tpu.enqueue_dma source(%dma_start3A_146 : memref<64x128xbf16, #tpu.memory_space<vmem>>) target(%dma_start3A_143 : memref<64x128xbf16, #tpu.memory_space<vmem_shared>>) target_semaphore(%run_scoped3A : memref<!tpu.dma_semaphore, #tpu.memory_space<semaphore_mem>>)
      %dma_wait3A_147 = arith.constant 0 : i32
      %dma_wait3A_148 = arith.constant 0 : i32
      %dma_wait3A_149 = tpu.memref_slice %arg9[%dma_wait3A_147, %dma_wait3A_148] : memref<64x128xbf16, #tpu.memory_space<vmem>> -> memref<64x128xbf16, #tpu.memory_space<vmem>>
      %dma_wait3A_150 = arith.constant 0 : i32
      %dma_wait3A_151 = tpu.memref_slice %arg15[%add3A_31, %dma_wait3A_150] : memref<10240x128xbf16, #tpu.memory_space<vmem_shared>> -> memref<64x128xbf16, #tpu.memory_space<vmem_shared>>
      %dma_wait3A_152 = arith.constant 0 : i32
      %dma_wait3A_153 = tpu.memref_slice %arg15[%add3A_31, %dma_wait3A_152] : memref<10240x128xbf16, #tpu.memory_space<vmem_shared>> -> memref<64x128xbf16, #tpu.memory_space<vmem_shared>>
      %dma_wait3A_154 = arith.constant 0 : i32
      %dma_wait3A_155 = arith.constant 0 : i32
      %dma_wait3A_156 = tpu.memref_slice %arg9[%dma_wait3A_154, %dma_wait3A_155] : memref<64x128xbf16, #tpu.memory_space<vmem>> -> memref<64x128xbf16, #tpu.memory_space<vmem>>
      tpu.wait_dma2 semaphore(%run_scoped3A : memref<!tpu.dma_semaphore, #tpu.memory_space<semaphore_mem>>) src(%dma_wait3A_156 : memref<64x128xbf16, #tpu.memory_space<vmem>>) dst(%dma_wait3A_153 : memref<64x128xbf16, #tpu.memory_space<vmem_shared>>)
      tpu.yield
    }) : () -> ()
    %mul3A_32 = arith.constant 640 : i32
    %mul3A_33 = arith.muli %arg1, %mul3A_32 : i32
    %add3A_34 = arith.constant 384 : i32
    %add3A_35 = arith.addi %mul3A_33, %add3A_34 : i32
    "tpu.region"() ({
      %run_scoped3A = tpu.sem_alloc : memref<!tpu.dma_semaphore, #tpu.memory_space<semaphore_mem>>
      %dma_start3A_137 = arith.constant 0 : i32
      %dma_start3A_138 = arith.constant 0 : i32
      %dma_start3A_139 = tpu.memref_slice %arg9[%dma_start3A_137, %dma_start3A_138] : memref<64x128xbf16, #tpu.memory_space<vmem>> -> memref<64x128xbf16, #tpu.memory_space<vmem>>
      %dma_start3A_140 = arith.constant 0 : i32
      %dma_start3A_141 = tpu.memref_slice %arg15[%add3A_35, %dma_start3A_140] : memref<10240x128xbf16, #tpu.memory_space<vmem_shared>> -> memref<64x128xbf16, #tpu.memory_space<vmem_shared>>
      %dma_start3A_142 = arith.constant 0 : i32
      %dma_start3A_143 = tpu.memref_slice %arg15[%add3A_35, %dma_start3A_142] : memref<10240x128xbf16, #tpu.memory_space<vmem_shared>> -> memref<64x128xbf16, #tpu.memory_space<vmem_shared>>
      %dma_start3A_144 = arith.constant 0 : i32
      %dma_start3A_145 = arith.constant 0 : i32
      %dma_start3A_146 = tpu.memref_slice %arg9[%dma_start3A_144, %dma_start3A_145] : memref<64x128xbf16, #tpu.memory_space<vmem>> -> memref<64x128xbf16, #tpu.memory_space<vmem>>
      tpu.enqueue_dma source(%dma_start3A_146 : memref<64x128xbf16, #tpu.memory_space<vmem>>) target(%dma_start3A_143 : memref<64x128xbf16, #tpu.memory_space<vmem_shared>>) target_semaphore(%run_scoped3A : memref<!tpu.dma_semaphore, #tpu.memory_space<semaphore_mem>>)
      %dma_wait3A_147 = arith.constant 0 : i32
      %dma_wait3A_148 = arith.constant 0 : i32
      %dma_wait3A_149 = tpu.memref_slice %arg9[%dma_wait3A_147, %dma_wait3A_148] : memref<64x128xbf16, #tpu.memory_space<vmem>> -> memref<64x128xbf16, #tpu.memory_space<vmem>>
      %dma_wait3A_150 = arith.constant 0 : i32
      %dma_wait3A_151 = tpu.memref_slice %arg15[%add3A_35, %dma_wait3A_150] : memref<10240x128xbf16, #tpu.memory_space<vmem_shared>> -> memref<64x128xbf16, #tpu.memory_space<vmem_shared>>
      %dma_wait3A_152 = arith.constant 0 : i32
      %dma_wait3A_153 = tpu.memref_slice %arg15[%add3A_35, %dma_wait3A_152] : memref<10240x128xbf16, #tpu.memory_space<vmem_shared>> -> memref<64x128xbf16, #tpu.memory_space<vmem_shared>>
      %dma_wait3A_154 = arith.constant 0 : i32
      %dma_wait3A_155 = arith.constant 0 : i32
      %dma_wait3A_156 = tpu.memref_slice %arg9[%dma_wait3A_154, %dma_wait3A_155] : memref<64x128xbf16, #tpu.memory_space<vmem>> -> memref<64x128xbf16, #tpu.memory_space<vmem>>
      tpu.wait_dma2 semaphore(%run_scoped3A : memref<!tpu.dma_semaphore, #tpu.memory_space<semaphore_mem>>) src(%dma_wait3A_156 : memref<64x128xbf16, #tpu.memory_space<vmem>>) dst(%dma_wait3A_153 : memref<64x128xbf16, #tpu.memory_space<vmem_shared>>)
      tpu.yield
    }) : () -> ()
    %mul3A_36 = arith.constant 640 : i32
    %mul3A_37 = arith.muli %arg1, %mul3A_36 : i32
    %add3A_38 = arith.constant 448 : i32
    %add3A_39 = arith.addi %mul3A_37, %add3A_38 : i32
    "tpu.region"() ({
      %run_scoped3A = tpu.sem_alloc : memref<!tpu.dma_semaphore, #tpu.memory_space<semaphore_mem>>
      %dma_start3A_137 = arith.constant 0 : i32
      %dma_start3A_138 = arith.constant 0 : i32
      %dma_start3A_139 = tpu.memref_slice %arg9[%dma_start3A_137, %dma_start3A_138] : memref<64x128xbf16, #tpu.memory_space<vmem>> -> memref<64x128xbf16, #tpu.memory_space<vmem>>
      %dma_start3A_140 = arith.constant 0 : i32
      %dma_start3A_141 = tpu.memref_slice %arg15[%add3A_39, %dma_start3A_140] : memref<10240x128xbf16, #tpu.memory_space<vmem_shared>> -> memref<64x128xbf16, #tpu.memory_space<vmem_shared>>
      %dma_start3A_142 = arith.constant 0 : i32
      %dma_start3A_143 = tpu.memref_slice %arg15[%add3A_39, %dma_start3A_142] : memref<10240x128xbf16, #tpu.memory_space<vmem_shared>> -> memref<64x128xbf16, #tpu.memory_space<vmem_shared>>
      %dma_start3A_144 = arith.constant 0 : i32
      %dma_start3A_145 = arith.constant 0 : i32
      %dma_start3A_146 = tpu.memref_slice %arg9[%dma_start3A_144, %dma_start3A_145] : memref<64x128xbf16, #tpu.memory_space<vmem>> -> memref<64x128xbf16, #tpu.memory_space<vmem>>
      tpu.enqueue_dma source(%dma_start3A_146 : memref<64x128xbf16, #tpu.memory_space<vmem>>) target(%dma_start3A_143 : memref<64x128xbf16, #tpu.memory_space<vmem_shared>>) target_semaphore(%run_scoped3A : memref<!tpu.dma_semaphore, #tpu.memory_space<semaphore_mem>>)
      %dma_wait3A_147 = arith.constant 0 : i32
      %dma_wait3A_148 = arith.constant 0 : i32
      %dma_wait3A_149 = tpu.memref_slice %arg9[%dma_wait3A_147, %dma_wait3A_148] : memref<64x128xbf16, #tpu.memory_space<vmem>> -> memref<64x128xbf16, #tpu.memory_space<vmem>>
      %dma_wait3A_150 = arith.constant 0 : i32
      %dma_wait3A_151 = tpu.memref_slice %arg15[%add3A_39, %dma_wait3A_150] : memref<10240x128xbf16, #tpu.memory_space<vmem_shared>> -> memref<64x128xbf16, #tpu.memory_space<vmem_shared>>
      %dma_wait3A_152 = arith.constant 0 : i32
      %dma_wait3A_153 = tpu.memref_slice %arg15[%add3A_39, %dma_wait3A_152] : memref<10240x128xbf16, #tpu.memory_space<vmem_shared>> -> memref<64x128xbf16, #tpu.memory_space<vmem_shared>>
      %dma_wait3A_154 = arith.constant 0 : i32
      %dma_wait3A_155 = arith.constant 0 : i32
      %dma_wait3A_156 = tpu.memref_slice %arg9[%dma_wait3A_154, %dma_wait3A_155] : memref<64x128xbf16, #tpu.memory_space<vmem>> -> memref<64x128xbf16, #tpu.memory_space<vmem>>
      tpu.wait_dma2 semaphore(%run_scoped3A : memref<!tpu.dma_semaphore, #tpu.memory_space<semaphore_mem>>) src(%dma_wait3A_156 : memref<64x128xbf16, #tpu.memory_space<vmem>>) dst(%dma_wait3A_153 : memref<64x128xbf16, #tpu.memory_space<vmem_shared>>)
      tpu.yield
    }) : () -> ()
    %mul3A_40 = arith.constant 640 : i32
    %mul3A_41 = arith.muli %arg1, %mul3A_40 : i32
    %add3A_42 = arith.constant 512 : i32
    %add3A_43 = arith.addi %mul3A_41, %add3A_42 : i32
    "tpu.region"() ({
      %run_scoped3A = tpu.sem_alloc : memref<!tpu.dma_semaphore, #tpu.memory_space<semaphore_mem>>
      %dma_start3A_137 = arith.constant 0 : i32
      %dma_start3A_138 = arith.constant 0 : i32
      %dma_start3A_139 = tpu.memref_slice %arg9[%dma_start3A_137, %dma_start3A_138] : memref<64x128xbf16, #tpu.memory_space<vmem>> -> memref<64x128xbf16, #tpu.memory_space<vmem>>
      %dma_start3A_140 = arith.constant 0 : i32
      %dma_start3A_141 = tpu.memref_slice %arg15[%add3A_43, %dma_start3A_140] : memref<10240x128xbf16, #tpu.memory_space<vmem_shared>> -> memref<64x128xbf16, #tpu.memory_space<vmem_shared>>
      %dma_start3A_142 = arith.constant 0 : i32
      %dma_start3A_143 = tpu.memref_slice %arg15[%add3A_43, %dma_start3A_142] : memref<10240x128xbf16, #tpu.memory_space<vmem_shared>> -> memref<64x128xbf16, #tpu.memory_space<vmem_shared>>
      %dma_start3A_144 = arith.constant 0 : i32
      %dma_start3A_145 = arith.constant 0 : i32
      %dma_start3A_146 = tpu.memref_slice %arg9[%dma_start3A_144, %dma_start3A_145] : memref<64x128xbf16, #tpu.memory_space<vmem>> -> memref<64x128xbf16, #tpu.memory_space<vmem>>
      tpu.enqueue_dma source(%dma_start3A_146 : memref<64x128xbf16, #tpu.memory_space<vmem>>) target(%dma_start3A_143 : memref<64x128xbf16, #tpu.memory_space<vmem_shared>>) target_semaphore(%run_scoped3A : memref<!tpu.dma_semaphore, #tpu.memory_space<semaphore_mem>>)
      %dma_wait3A_147 = arith.constant 0 : i32
      %dma_wait3A_148 = arith.constant 0 : i32
      %dma_wait3A_149 = tpu.memref_slice %arg9[%dma_wait3A_147, %dma_wait3A_148] : memref<64x128xbf16, #tpu.memory_space<vmem>> -> memref<64x128xbf16, #tpu.memory_space<vmem>>
      %dma_wait3A_150 = arith.constant 0 : i32
      %dma_wait3A_151 = tpu.memref_slice %arg15[%add3A_43, %dma_wait3A_150] : memref<10240x128xbf16, #tpu.memory_space<vmem_shared>> -> memref<64x128xbf16, #tpu.memory_space<vmem_shared>>
      %dma_wait3A_152 = arith.constant 0 : i32
      %dma_wait3A_153 = tpu.memref_slice %arg15[%add3A_43, %dma_wait3A_152] : memref<10240x128xbf16, #tpu.memory_space<vmem_shared>> -> memref<64x128xbf16, #tpu.memory_space<vmem_shared>>
      %dma_wait3A_154 = arith.constant 0 : i32
      %dma_wait3A_155 = arith.constant 0 : i32
      %dma_wait3A_156 = tpu.memref_slice %arg9[%dma_wait3A_154, %dma_wait3A_155] : memref<64x128xbf16, #tpu.memory_space<vmem>> -> memref<64x128xbf16, #tpu.memory_space<vmem>>
      tpu.wait_dma2 semaphore(%run_scoped3A : memref<!tpu.dma_semaphore, #tpu.memory_space<semaphore_mem>>) src(%dma_wait3A_156 : memref<64x128xbf16, #tpu.memory_space<vmem>>) dst(%dma_wait3A_153 : memref<64x128xbf16, #tpu.memory_space<vmem_shared>>)
      tpu.yield
    }) : () -> ()
    %mul3A_44 = arith.constant 640 : i32
    %mul3A_45 = arith.muli %arg1, %mul3A_44 : i32
    %add3A_46 = arith.constant 576 : i32
    %add3A_47 = arith.addi %mul3A_45, %add3A_46 : i32
    "tpu.region"() ({
      %run_scoped3A = tpu.sem_alloc : memref<!tpu.dma_semaphore, #tpu.memory_space<semaphore_mem>>
      %dma_start3A_137 = arith.constant 0 : i32
      %dma_start3A_138 = arith.constant 0 : i32
      %dma_start3A_139 = tpu.memref_slice %arg9[%dma_start3A_137, %dma_start3A_138] : memref<64x128xbf16, #tpu.memory_space<vmem>> -> memref<64x128xbf16, #tpu.memory_space<vmem>>
      %dma_start3A_140 = arith.constant 0 : i32
      %dma_start3A_141 = tpu.memref_slice %arg15[%add3A_47, %dma_start3A_140] : memref<10240x128xbf16, #tpu.memory_space<vmem_shared>> -> memref<64x128xbf16, #tpu.memory_space<vmem_shared>>
      %dma_start3A_142 = arith.constant 0 : i32
      %dma_start3A_143 = tpu.memref_slice %arg15[%add3A_47, %dma_start3A_142] : memref<10240x128xbf16, #tpu.memory_space<vmem_shared>> -> memref<64x128xbf16, #tpu.memory_space<vmem_shared>>
      %dma_start3A_144 = arith.constant 0 : i32
      %dma_start3A_145 = arith.constant 0 : i32
      %dma_start3A_146 = tpu.memref_slice %arg9[%dma_start3A_144, %dma_start3A_145] : memref<64x128xbf16, #tpu.memory_space<vmem>> -> memref<64x128xbf16, #tpu.memory_space<vmem>>
      tpu.enqueue_dma source(%dma_start3A_146 : memref<64x128xbf16, #tpu.memory_space<vmem>>) target(%dma_start3A_143 : memref<64x128xbf16, #tpu.memory_space<vmem_shared>>) target_semaphore(%run_scoped3A : memref<!tpu.dma_semaphore, #tpu.memory_space<semaphore_mem>>)
      %dma_wait3A_147 = arith.constant 0 : i32
      %dma_wait3A_148 = arith.constant 0 : i32
      %dma_wait3A_149 = tpu.memref_slice %arg9[%dma_wait3A_147, %dma_wait3A_148] : memref<64x128xbf16, #tpu.memory_space<vmem>> -> memref<64x128xbf16, #tpu.memory_space<vmem>>
      %dma_wait3A_150 = arith.constant 0 : i32
      %dma_wait3A_151 = tpu.memref_slice %arg15[%add3A_47, %dma_wait3A_150] : memref<10240x128xbf16, #tpu.memory_space<vmem_shared>> -> memref<64x128xbf16, #tpu.memory_space<vmem_shared>>
      %dma_wait3A_152 = arith.constant 0 : i32
      %dma_wait3A_153 = tpu.memref_slice %arg15[%add3A_47, %dma_wait3A_152] : memref<10240x128xbf16, #tpu.memory_space<vmem_shared>> -> memref<64x128xbf16, #tpu.memory_space<vmem_shared>>
      %dma_wait3A_154 = arith.constant 0 : i32
      %dma_wait3A_155 = arith.constant 0 : i32
      %dma_wait3A_156 = tpu.memref_slice %arg9[%dma_wait3A_154, %dma_wait3A_155] : memref<64x128xbf16, #tpu.memory_space<vmem>> -> memref<64x128xbf16, #tpu.memory_space<vmem>>
      tpu.wait_dma2 semaphore(%run_scoped3A : memref<!tpu.dma_semaphore, #tpu.memory_space<semaphore_mem>>) src(%dma_wait3A_156 : memref<64x128xbf16, #tpu.memory_space<vmem>>) dst(%dma_wait3A_153 : memref<64x128xbf16, #tpu.memory_space<vmem_shared>>)
      tpu.yield
    }) : () -> ()
    %barrier3A = arith.constant 0 : index
    tpu.barrier barrier_id(%barrier3A)
    %dma_start3A = arith.constant 0 : i32
    %dma_start3A_48 = arith.constant 0 : i32
    %dma_start3A_49 = tpu.memref_slice %arg7[%dma_start3A, %dma_start3A_48] : memref<168x64xi32, #tpu.memory_space<vmem>> -> memref<1x64xi32, #tpu.memory_space<vmem>>
    %dma_start3A_50 = tpu.memref_squeeze %dma_start3A_49 : memref<1x64xi32, #tpu.memory_space<vmem>> -> memref<64xi32, #tpu.memory_space<vmem>>
    %dma_start3A_51 = arith.constant 0 : i32
    %dma_start3A_52 = arith.constant 0 : i32
    %dma_start3A_53 = tpu.memref_slice %arg4[%dma_start3A_51, %dma_start3A_52] : memref<20000x128xbf16, #tpu.memory_space<hbm>> -> memref<20000x128xbf16, #tpu.memory_space<hbm>>
    tpu.enqueue_indirect_dma source(%dma_start3A_53 : memref<20000x128xbf16, #tpu.memory_space<hbm>>) target(%arg9 : memref<64x128xbf16, #tpu.memory_space<vmem>>) offsets(%dma_start3A_50 : memref<64xi32, #tpu.memory_space<vmem>>) semaphore(%arg16 : memref<!tpu.dma_semaphore, #tpu.memory_space<semaphore_mem>>)
    %dma_start3A_54 = arith.constant 1 : i32
    %dma_start3A_55 = arith.constant 0 : i32
    %dma_start3A_56 = tpu.memref_slice %arg7[%dma_start3A_54, %dma_start3A_55] : memref<168x64xi32, #tpu.memory_space<vmem>> -> memref<1x64xi32, #tpu.memory_space<vmem>>
    %dma_start3A_57 = tpu.memref_squeeze %dma_start3A_56 : memref<1x64xi32, #tpu.memory_space<vmem>> -> memref<64xi32, #tpu.memory_space<vmem>>
    %dma_start3A_58 = arith.constant 0 : i32
    %dma_start3A_59 = arith.constant 0 : i32
    %dma_start3A_60 = tpu.memref_slice %arg4[%dma_start3A_58, %dma_start3A_59] : memref<20000x128xbf16, #tpu.memory_space<hbm>> -> memref<20000x128xbf16, #tpu.memory_space<hbm>>
    tpu.enqueue_indirect_dma source(%dma_start3A_60 : memref<20000x128xbf16, #tpu.memory_space<hbm>>) target(%arg10 : memref<64x128xbf16, #tpu.memory_space<vmem>>) offsets(%dma_start3A_57 : memref<64xi32, #tpu.memory_space<vmem>>) semaphore(%arg17 : memref<!tpu.dma_semaphore, #tpu.memory_space<semaphore_mem>>)
    %dma_start3A_61 = arith.constant 2 : i32
    %dma_start3A_62 = arith.constant 0 : i32
    %dma_start3A_63 = tpu.memref_slice %arg7[%dma_start3A_61, %dma_start3A_62] : memref<168x64xi32, #tpu.memory_space<vmem>> -> memref<1x64xi32, #tpu.memory_space<vmem>>
    %dma_start3A_64 = tpu.memref_squeeze %dma_start3A_63 : memref<1x64xi32, #tpu.memory_space<vmem>> -> memref<64xi32, #tpu.memory_space<vmem>>
    %dma_start3A_65 = arith.constant 0 : i32
    %dma_start3A_66 = arith.constant 0 : i32
    %dma_start3A_67 = tpu.memref_slice %arg4[%dma_start3A_65, %dma_start3A_66] : memref<20000x128xbf16, #tpu.memory_space<hbm>> -> memref<20000x128xbf16, #tpu.memory_space<hbm>>
    tpu.enqueue_indirect_dma source(%dma_start3A_67 : memref<20000x128xbf16, #tpu.memory_space<hbm>>) target(%arg11 : memref<64x128xbf16, #tpu.memory_space<vmem>>) offsets(%dma_start3A_64 : memref<64xi32, #tpu.memory_space<vmem>>) semaphore(%arg18 : memref<!tpu.dma_semaphore, #tpu.memory_space<semaphore_mem>>)
    %dma_start3A_68 = arith.constant 3 : i32
    %dma_start3A_69 = arith.constant 0 : i32
    %dma_start3A_70 = tpu.memref_slice %arg7[%dma_start3A_68, %dma_start3A_69] : memref<168x64xi32, #tpu.memory_space<vmem>> -> memref<1x64xi32, #tpu.memory_space<vmem>>
    %dma_start3A_71 = tpu.memref_squeeze %dma_start3A_70 : memref<1x64xi32, #tpu.memory_space<vmem>> -> memref<64xi32, #tpu.memory_space<vmem>>
    %dma_start3A_72 = arith.constant 0 : i32
    %dma_start3A_73 = arith.constant 0 : i32
    %dma_start3A_74 = tpu.memref_slice %arg4[%dma_start3A_72, %dma_start3A_73] : memref<20000x128xbf16, #tpu.memory_space<hbm>> -> memref<20000x128xbf16, #tpu.memory_space<hbm>>
    tpu.enqueue_indirect_dma source(%dma_start3A_74 : memref<20000x128xbf16, #tpu.memory_space<hbm>>) target(%arg12 : memref<64x128xbf16, #tpu.memory_space<vmem>>) offsets(%dma_start3A_71 : memref<64xi32, #tpu.memory_space<vmem>>) semaphore(%arg19 : memref<!tpu.dma_semaphore, #tpu.memory_space<semaphore_mem>>)
    %dma_start3A_75 = arith.constant 4 : i32
    %dma_start3A_76 = arith.constant 0 : i32
    %dma_start3A_77 = tpu.memref_slice %arg7[%dma_start3A_75, %dma_start3A_76] : memref<168x64xi32, #tpu.memory_space<vmem>> -> memref<1x64xi32, #tpu.memory_space<vmem>>
    %dma_start3A_78 = tpu.memref_squeeze %dma_start3A_77 : memref<1x64xi32, #tpu.memory_space<vmem>> -> memref<64xi32, #tpu.memory_space<vmem>>
    %dma_start3A_79 = arith.constant 0 : i32
    %dma_start3A_80 = arith.constant 0 : i32
    %dma_start3A_81 = tpu.memref_slice %arg4[%dma_start3A_79, %dma_start3A_80] : memref<20000x128xbf16, #tpu.memory_space<hbm>> -> memref<20000x128xbf16, #tpu.memory_space<hbm>>
    tpu.enqueue_indirect_dma source(%dma_start3A_81 : memref<20000x128xbf16, #tpu.memory_space<hbm>>) target(%arg13 : memref<64x128xbf16, #tpu.memory_space<vmem>>) offsets(%dma_start3A_78 : memref<64xi32, #tpu.memory_space<vmem>>) semaphore(%arg20 : memref<!tpu.dma_semaphore, #tpu.memory_space<semaphore_mem>>)
    %scan3A_82 = arith.constant 0 : i32
    %scan3A_83 = arith.constant 0 : i32
    %scan3A_84 = arith.constant 28 : i32
    %scan3A_85 = arith.addi %scan3A_83, %scan3A_84 : i32
    %scan3A_86 = arith.constant 1 : i32
    scf.for %scan3A_137 = %scan3A_83 to %scan3A_85 step %scan3A_86  : i32 {
      %mul3A_138 = arith.constant 6 : i32
      %mul3A_139 = arith.muli %scan3A_137, %mul3A_138 : i32
      %add3A_140 = arith.constant 0 : i32
      %add3A_141 = arith.addi %mul3A_139, %add3A_140 : i32
      %dma_wait3A_142 = arith.constant 0 : i32
      %dma_wait3A_143 = tpu.memref_slice %arg7[%add3A_141, %dma_wait3A_142] : memref<168x64xi32, #tpu.memory_space<vmem>> -> memref<1x64xi32, #tpu.memory_space<vmem>>
      %dma_wait3A_144 = tpu.memref_squeeze %dma_wait3A_143 : memref<1x64xi32, #tpu.memory_space<vmem>> -> memref<64xi32, #tpu.memory_space<vmem>>
      %dma_wait3A_145 = arith.constant 0 : i32
      %dma_wait3A_146 = arith.constant 0 : i32
      %dma_wait3A_147 = tpu.memref_slice %arg4[%dma_wait3A_145, %dma_wait3A_146] : memref<20000x128xbf16, #tpu.memory_space<hbm>> -> memref<20000x128xbf16, #tpu.memory_space<hbm>>
      tpu.wait_indirect_dma semaphore(%arg16 : memref<!tpu.dma_semaphore, #tpu.memory_space<semaphore_mem>>) src(%dma_wait3A_147 : memref<20000x128xbf16, #tpu.memory_space<hbm>>) dst(%arg9 : memref<64x128xbf16, #tpu.memory_space<vmem>>)
      %dma_start3A_148 = arith.constant 0 : i32
      %dma_start3A_149 = tpu.memref_slice %arg8[%add3A_141, %dma_start3A_148] : memref<168x64xi32, #tpu.memory_space<vmem>> -> memref<1x64xi32, #tpu.memory_space<vmem>>
      %dma_start3A_150 = tpu.memref_squeeze %dma_start3A_149 : memref<1x64xi32, #tpu.memory_space<vmem>> -> memref<64xi32, #tpu.memory_space<vmem>>
      %dma_start3A_151 = arith.constant 0 : i32
      %dma_start3A_152 = arith.constant 0 : i32
      %dma_start3A_153 = tpu.memref_slice %arg15[%dma_start3A_151, %dma_start3A_152] : memref<10240x128xbf16, #tpu.memory_space<vmem_shared>> -> memref<10240x128xbf16, #tpu.memory_space<vmem_shared>>
      tpu.enqueue_indirect_dma source(%arg9 : memref<64x128xbf16, #tpu.memory_space<vmem>>) target(%dma_start3A_153 : memref<10240x128xbf16, #tpu.memory_space<vmem_shared>>) offsets(%dma_start3A_150 : memref<64xi32, #tpu.memory_space<vmem>>) semaphore(%arg22 : memref<!tpu.dma_semaphore, #tpu.memory_space<semaphore_mem>>) {add = true}
      %add3A_154 = arith.constant 6 : i32
      %add3A_155 = arith.addi %add3A_141, %add3A_154 : i32
      %sub3A = arith.constant 1 : i32
      %sub3A_156 = arith.subi %add3A_155, %sub3A : i32
      %lt3A = arith.constant 168 : i32
      %lt3A_157 = arith.cmpi slt, %sub3A_156, %lt3A : i32
      %convert_element_type3A_158 = arith.extui %lt3A_157 : i1 to i32
      %cond3A_159 = arith.constant 0 : i32
      %cond3A_160 = arith.cmpi ne, %convert_element_type3A_158, %cond3A_159 : i32
      scf.if %cond3A_160 {
        %ge3A = arith.constant 1 : i32
        %ge3A_286 = arith.cmpi sge, %add3A_141, %ge3A : i32
        %convert_element_type3A_287 = arith.extui %ge3A_286 : i1 to i32
        %cond3A_288 = arith.constant 0 : i32
        %cond3A_289 = arith.cmpi ne, %convert_element_type3A_287, %cond3A_288 : i32
        scf.if %cond3A_289 {
          %dma_wait3A_300 = arith.constant 0 : i32
          %dma_wait3A_301 = tpu.memref_slice %arg8[%add3A_141, %dma_wait3A_300] : memref<168x64xi32, #tpu.memory_space<vmem>> -> memref<1x64xi32, #tpu.memory_space<vmem>>
          %dma_wait3A_302 = tpu.memref_squeeze %dma_wait3A_301 : memref<1x64xi32, #tpu.memory_space<vmem>> -> memref<64xi32, #tpu.memory_space<vmem>>
          %dma_wait3A_303 = arith.constant 0 : i32
          %dma_wait3A_304 = arith.constant 0 : i32
          %dma_wait3A_305 = tpu.memref_slice %arg15[%dma_wait3A_303, %dma_wait3A_304] : memref<10240x128xbf16, #tpu.memory_space<vmem_shared>> -> memref<10240x128xbf16, #tpu.memory_space<vmem_shared>>
          tpu.wait_indirect_dma semaphore(%arg27 : memref<!tpu.dma_semaphore, #tpu.memory_space<semaphore_mem>>) src(%arg14 : memref<64x128xbf16, #tpu.memory_space<vmem>>) dst(%dma_wait3A_305 : memref<10240x128xbf16, #tpu.memory_space<vmem_shared>>)
        } else {
        }
        %add3A_290 = arith.constant 6 : i32
        %add3A_291 = arith.addi %add3A_141, %add3A_290 : i32
        %sub3A_292 = arith.constant 1 : i32
        %sub3A_293 = arith.subi %add3A_291, %sub3A_292 : i32
        %dma_start3A_294 = arith.constant 0 : i32
        %dma_start3A_295 = tpu.memref_slice %arg7[%sub3A_293, %dma_start3A_294] : memref<168x64xi32, #tpu.memory_space<vmem>> -> memref<1x64xi32, #tpu.memory_space<vmem>>
        %dma_start3A_296 = tpu.memref_squeeze %dma_start3A_295 : memref<1x64xi32, #tpu.memory_space<vmem>> -> memref<64xi32, #tpu.memory_space<vmem>>
        %dma_start3A_297 = arith.constant 0 : i32
        %dma_start3A_298 = arith.constant 0 : i32
        %dma_start3A_299 = tpu.memref_slice %arg4[%dma_start3A_297, %dma_start3A_298] : memref<20000x128xbf16, #tpu.memory_space<hbm>> -> memref<20000x128xbf16, #tpu.memory_space<hbm>>
        tpu.enqueue_indirect_dma source(%dma_start3A_299 : memref<20000x128xbf16, #tpu.memory_space<hbm>>) target(%arg14 : memref<64x128xbf16, #tpu.memory_space<vmem>>) offsets(%dma_start3A_296 : memref<64xi32, #tpu.memory_space<vmem>>) semaphore(%arg21 : memref<!tpu.dma_semaphore, #tpu.memory_space<semaphore_mem>>)
      } else {
      }
      %mul3A_161 = arith.constant 6 : i32
      %mul3A_162 = arith.muli %scan3A_137, %mul3A_161 : i32
      %add3A_163 = arith.constant 1 : i32
      %add3A_164 = arith.addi %mul3A_162, %add3A_163 : i32
      %dma_wait3A_165 = arith.constant 0 : i32
      %dma_wait3A_166 = tpu.memref_slice %arg7[%add3A_164, %dma_wait3A_165] : memref<168x64xi32, #tpu.memory_space<vmem>> -> memref<1x64xi32, #tpu.memory_space<vmem>>
      %dma_wait3A_167 = tpu.memref_squeeze %dma_wait3A_166 : memref<1x64xi32, #tpu.memory_space<vmem>> -> memref<64xi32, #tpu.memory_space<vmem>>
      %dma_wait3A_168 = arith.constant 0 : i32
      %dma_wait3A_169 = arith.constant 0 : i32
      %dma_wait3A_170 = tpu.memref_slice %arg4[%dma_wait3A_168, %dma_wait3A_169] : memref<20000x128xbf16, #tpu.memory_space<hbm>> -> memref<20000x128xbf16, #tpu.memory_space<hbm>>
      tpu.wait_indirect_dma semaphore(%arg17 : memref<!tpu.dma_semaphore, #tpu.memory_space<semaphore_mem>>) src(%dma_wait3A_170 : memref<20000x128xbf16, #tpu.memory_space<hbm>>) dst(%arg10 : memref<64x128xbf16, #tpu.memory_space<vmem>>)
      %dma_start3A_171 = arith.constant 0 : i32
      %dma_start3A_172 = tpu.memref_slice %arg8[%add3A_164, %dma_start3A_171] : memref<168x64xi32, #tpu.memory_space<vmem>> -> memref<1x64xi32, #tpu.memory_space<vmem>>
      %dma_start3A_173 = tpu.memref_squeeze %dma_start3A_172 : memref<1x64xi32, #tpu.memory_space<vmem>> -> memref<64xi32, #tpu.memory_space<vmem>>
      %dma_start3A_174 = arith.constant 0 : i32
      %dma_start3A_175 = arith.constant 0 : i32
      %dma_start3A_176 = tpu.memref_slice %arg15[%dma_start3A_174, %dma_start3A_175] : memref<10240x128xbf16, #tpu.memory_space<vmem_shared>> -> memref<10240x128xbf16, #tpu.memory_space<vmem_shared>>
      tpu.enqueue_indirect_dma source(%arg10 : memref<64x128xbf16, #tpu.memory_space<vmem>>) target(%dma_start3A_176 : memref<10240x128xbf16, #tpu.memory_space<vmem_shared>>) offsets(%dma_start3A_173 : memref<64xi32, #tpu.memory_space<vmem>>) semaphore(%arg23 : memref<!tpu.dma_semaphore, #tpu.memory_space<semaphore_mem>>) {add = true}
      %add3A_177 = arith.constant 6 : i32
      %add3A_178 = arith.addi %add3A_164, %add3A_177 : i32
      %sub3A_179 = arith.constant 1 : i32
      %sub3A_180 = arith.subi %add3A_178, %sub3A_179 : i32
      %lt3A_181 = arith.constant 168 : i32
      %lt3A_182 = arith.cmpi slt, %sub3A_180, %lt3A_181 : i32
      %convert_element_type3A_183 = arith.extui %lt3A_182 : i1 to i32
      %cond3A_184 = arith.constant 0 : i32
      %cond3A_185 = arith.cmpi ne, %convert_element_type3A_183, %cond3A_184 : i32
      scf.if %cond3A_185 {
        %ge3A = arith.constant 1 : i32
        %ge3A_286 = arith.cmpi sge, %add3A_164, %ge3A : i32
        %convert_element_type3A_287 = arith.extui %ge3A_286 : i1 to i32
        %cond3A_288 = arith.constant 0 : i32
        %cond3A_289 = arith.cmpi ne, %convert_element_type3A_287, %cond3A_288 : i32
        scf.if %cond3A_289 {
          %dma_wait3A_300 = arith.constant 0 : i32
          %dma_wait3A_301 = tpu.memref_slice %arg8[%add3A_164, %dma_wait3A_300] : memref<168x64xi32, #tpu.memory_space<vmem>> -> memref<1x64xi32, #tpu.memory_space<vmem>>
          %dma_wait3A_302 = tpu.memref_squeeze %dma_wait3A_301 : memref<1x64xi32, #tpu.memory_space<vmem>> -> memref<64xi32, #tpu.memory_space<vmem>>
          %dma_wait3A_303 = arith.constant 0 : i32
          %dma_wait3A_304 = arith.constant 0 : i32
          %dma_wait3A_305 = tpu.memref_slice %arg15[%dma_wait3A_303, %dma_wait3A_304] : memref<10240x128xbf16, #tpu.memory_space<vmem_shared>> -> memref<10240x128xbf16, #tpu.memory_space<vmem_shared>>
          tpu.wait_indirect_dma semaphore(%arg22 : memref<!tpu.dma_semaphore, #tpu.memory_space<semaphore_mem>>) src(%arg9 : memref<64x128xbf16, #tpu.memory_space<vmem>>) dst(%dma_wait3A_305 : memref<10240x128xbf16, #tpu.memory_space<vmem_shared>>)
        } else {
        }
        %add3A_290 = arith.constant 6 : i32
        %add3A_291 = arith.addi %add3A_164, %add3A_290 : i32
        %sub3A_292 = arith.constant 1 : i32
        %sub3A_293 = arith.subi %add3A_291, %sub3A_292 : i32
        %dma_start3A_294 = arith.constant 0 : i32
        %dma_start3A_295 = tpu.memref_slice %arg7[%sub3A_293, %dma_start3A_294] : memref<168x64xi32, #tpu.memory_space<vmem>> -> memref<1x64xi32, #tpu.memory_space<vmem>>
        %dma_start3A_296 = tpu.memref_squeeze %dma_start3A_295 : memref<1x64xi32, #tpu.memory_space<vmem>> -> memref<64xi32, #tpu.memory_space<vmem>>
        %dma_start3A_297 = arith.constant 0 : i32
        %dma_start3A_298 = arith.constant 0 : i32
        %dma_start3A_299 = tpu.memref_slice %arg4[%dma_start3A_297, %dma_start3A_298] : memref<20000x128xbf16, #tpu.memory_space<hbm>> -> memref<20000x128xbf16, #tpu.memory_space<hbm>>
        tpu.enqueue_indirect_dma source(%dma_start3A_299 : memref<20000x128xbf16, #tpu.memory_space<hbm>>) target(%arg9 : memref<64x128xbf16, #tpu.memory_space<vmem>>) offsets(%dma_start3A_296 : memref<64xi32, #tpu.memory_space<vmem>>) semaphore(%arg16 : memref<!tpu.dma_semaphore, #tpu.memory_space<semaphore_mem>>)
      } else {
      }
      %mul3A_186 = arith.constant 6 : i32
      %mul3A_187 = arith.muli %scan3A_137, %mul3A_186 : i32
      %add3A_188 = arith.constant 2 : i32
      %add3A_189 = arith.addi %mul3A_187, %add3A_188 : i32
      %dma_wait3A_190 = arith.constant 0 : i32
      %dma_wait3A_191 = tpu.memref_slice %arg7[%add3A_189, %dma_wait3A_190] : memref<168x64xi32, #tpu.memory_space<vmem>> -> memref<1x64xi32, #tpu.memory_space<vmem>>
      %dma_wait3A_192 = tpu.memref_squeeze %dma_wait3A_191 : memref<1x64xi32, #tpu.memory_space<vmem>> -> memref<64xi32, #tpu.memory_space<vmem>>
      %dma_wait3A_193 = arith.constant 0 : i32
      %dma_wait3A_194 = arith.constant 0 : i32
      %dma_wait3A_195 = tpu.memref_slice %arg4[%dma_wait3A_193, %dma_wait3A_194] : memref<20000x128xbf16, #tpu.memory_space<hbm>> -> memref<20000x128xbf16, #tpu.memory_space<hbm>>
      tpu.wait_indirect_dma semaphore(%arg18 : memref<!tpu.dma_semaphore, #tpu.memory_space<semaphore_mem>>) src(%dma_wait3A_195 : memref<20000x128xbf16, #tpu.memory_space<hbm>>) dst(%arg11 : memref<64x128xbf16, #tpu.memory_space<vmem>>)
      %dma_start3A_196 = arith.constant 0 : i32
      %dma_start3A_197 = tpu.memref_slice %arg8[%add3A_189, %dma_start3A_196] : memref<168x64xi32, #tpu.memory_space<vmem>> -> memref<1x64xi32, #tpu.memory_space<vmem>>
      %dma_start3A_198 = tpu.memref_squeeze %dma_start3A_197 : memref<1x64xi32, #tpu.memory_space<vmem>> -> memref<64xi32, #tpu.memory_space<vmem>>
      %dma_start3A_199 = arith.constant 0 : i32
      %dma_start3A_200 = arith.constant 0 : i32
      %dma_start3A_201 = tpu.memref_slice %arg15[%dma_start3A_199, %dma_start3A_200] : memref<10240x128xbf16, #tpu.memory_space<vmem_shared>> -> memref<10240x128xbf16, #tpu.memory_space<vmem_shared>>
      tpu.enqueue_indirect_dma source(%arg11 : memref<64x128xbf16, #tpu.memory_space<vmem>>) target(%dma_start3A_201 : memref<10240x128xbf16, #tpu.memory_space<vmem_shared>>) offsets(%dma_start3A_198 : memref<64xi32, #tpu.memory_space<vmem>>) semaphore(%arg24 : memref<!tpu.dma_semaphore, #tpu.memory_space<semaphore_mem>>) {add = true}
      %add3A_202 = arith.constant 6 : i32
      %add3A_203 = arith.addi %add3A_189, %add3A_202 : i32
      %sub3A_204 = arith.constant 1 : i32
      %sub3A_205 = arith.subi %add3A_203, %sub3A_204 : i32
      %lt3A_206 = arith.constant 168 : i32
      %lt3A_207 = arith.cmpi slt, %sub3A_205, %lt3A_206 : i32
      %convert_element_type3A_208 = arith.extui %lt3A_207 : i1 to i32
      %cond3A_209 = arith.constant 0 : i32
      %cond3A_210 = arith.cmpi ne, %convert_element_type3A_208, %cond3A_209 : i32
      scf.if %cond3A_210 {
        %ge3A = arith.constant 1 : i32
        %ge3A_286 = arith.cmpi sge, %add3A_189, %ge3A : i32
        %convert_element_type3A_287 = arith.extui %ge3A_286 : i1 to i32
        %cond3A_288 = arith.constant 0 : i32
        %cond3A_289 = arith.cmpi ne, %convert_element_type3A_287, %cond3A_288 : i32
        scf.if %cond3A_289 {
          %dma_wait3A_300 = arith.constant 0 : i32
          %dma_wait3A_301 = tpu.memref_slice %arg8[%add3A_189, %dma_wait3A_300] : memref<168x64xi32, #tpu.memory_space<vmem>> -> memref<1x64xi32, #tpu.memory_space<vmem>>
          %dma_wait3A_302 = tpu.memref_squeeze %dma_wait3A_301 : memref<1x64xi32, #tpu.memory_space<vmem>> -> memref<64xi32, #tpu.memory_space<vmem>>
          %dma_wait3A_303 = arith.constant 0 : i32
          %dma_wait3A_304 = arith.constant 0 : i32
          %dma_wait3A_305 = tpu.memref_slice %arg15[%dma_wait3A_303, %dma_wait3A_304] : memref<10240x128xbf16, #tpu.memory_space<vmem_shared>> -> memref<10240x128xbf16, #tpu.memory_space<vmem_shared>>
          tpu.wait_indirect_dma semaphore(%arg23 : memref<!tpu.dma_semaphore, #tpu.memory_space<semaphore_mem>>) src(%arg10 : memref<64x128xbf16, #tpu.memory_space<vmem>>) dst(%dma_wait3A_305 : memref<10240x128xbf16, #tpu.memory_space<vmem_shared>>)
        } else {
        }
        %add3A_290 = arith.constant 6 : i32
        %add3A_291 = arith.addi %add3A_189, %add3A_290 : i32
        %sub3A_292 = arith.constant 1 : i32
        %sub3A_293 = arith.subi %add3A_291, %sub3A_292 : i32
        %dma_start3A_294 = arith.constant 0 : i32
        %dma_start3A_295 = tpu.memref_slice %arg7[%sub3A_293, %dma_start3A_294] : memref<168x64xi32, #tpu.memory_space<vmem>> -> memref<1x64xi32, #tpu.memory_space<vmem>>
        %dma_start3A_296 = tpu.memref_squeeze %dma_start3A_295 : memref<1x64xi32, #tpu.memory_space<vmem>> -> memref<64xi32, #tpu.memory_space<vmem>>
        %dma_start3A_297 = arith.constant 0 : i32
        %dma_start3A_298 = arith.constant 0 : i32
        %dma_start3A_299 = tpu.memref_slice %arg4[%dma_start3A_297, %dma_start3A_298] : memref<20000x128xbf16, #tpu.memory_space<hbm>> -> memref<20000x128xbf16, #tpu.memory_space<hbm>>
        tpu.enqueue_indirect_dma source(%dma_start3A_299 : memref<20000x128xbf16, #tpu.memory_space<hbm>>) target(%arg10 : memref<64x128xbf16, #tpu.memory_space<vmem>>) offsets(%dma_start3A_296 : memref<64xi32, #tpu.memory_space<vmem>>) semaphore(%arg17 : memref<!tpu.dma_semaphore, #tpu.memory_space<semaphore_mem>>)
      } else {
      }
      %mul3A_211 = arith.constant 6 : i32
      %mul3A_212 = arith.muli %scan3A_137, %mul3A_211 : i32
      %add3A_213 = arith.constant 3 : i32
      %add3A_214 = arith.addi %mul3A_212, %add3A_213 : i32
      %dma_wait3A_215 = arith.constant 0 : i32
      %dma_wait3A_216 = tpu.memref_slice %arg7[%add3A_214, %dma_wait3A_215] : memref<168x64xi32, #tpu.memory_space<vmem>> -> memref<1x64xi32, #tpu.memory_space<vmem>>
      %dma_wait3A_217 = tpu.memref_squeeze %dma_wait3A_216 : memref<1x64xi32, #tpu.memory_space<vmem>> -> memref<64xi32, #tpu.memory_space<vmem>>
      %dma_wait3A_218 = arith.constant 0 : i32
      %dma_wait3A_219 = arith.constant 0 : i32
      %dma_wait3A_220 = tpu.memref_slice %arg4[%dma_wait3A_218, %dma_wait3A_219] : memref<20000x128xbf16, #tpu.memory_space<hbm>> -> memref<20000x128xbf16, #tpu.memory_space<hbm>>
      tpu.wait_indirect_dma semaphore(%arg19 : memref<!tpu.dma_semaphore, #tpu.memory_space<semaphore_mem>>) src(%dma_wait3A_220 : memref<20000x128xbf16, #tpu.memory_space<hbm>>) dst(%arg12 : memref<64x128xbf16, #tpu.memory_space<vmem>>)
      %dma_start3A_221 = arith.constant 0 : i32
      %dma_start3A_222 = tpu.memref_slice %arg8[%add3A_214, %dma_start3A_221] : memref<168x64xi32, #tpu.memory_space<vmem>> -> memref<1x64xi32, #tpu.memory_space<vmem>>
      %dma_start3A_223 = tpu.memref_squeeze %dma_start3A_222 : memref<1x64xi32, #tpu.memory_space<vmem>> -> memref<64xi32, #tpu.memory_space<vmem>>
      %dma_start3A_224 = arith.constant 0 : i32
      %dma_start3A_225 = arith.constant 0 : i32
      %dma_start3A_226 = tpu.memref_slice %arg15[%dma_start3A_224, %dma_start3A_225] : memref<10240x128xbf16, #tpu.memory_space<vmem_shared>> -> memref<10240x128xbf16, #tpu.memory_space<vmem_shared>>
      tpu.enqueue_indirect_dma source(%arg12 : memref<64x128xbf16, #tpu.memory_space<vmem>>) target(%dma_start3A_226 : memref<10240x128xbf16, #tpu.memory_space<vmem_shared>>) offsets(%dma_start3A_223 : memref<64xi32, #tpu.memory_space<vmem>>) semaphore(%arg25 : memref<!tpu.dma_semaphore, #tpu.memory_space<semaphore_mem>>) {add = true}
      %add3A_227 = arith.constant 6 : i32
      %add3A_228 = arith.addi %add3A_214, %add3A_227 : i32
      %sub3A_229 = arith.constant 1 : i32
      %sub3A_230 = arith.subi %add3A_228, %sub3A_229 : i32
      %lt3A_231 = arith.constant 168 : i32
      %lt3A_232 = arith.cmpi slt, %sub3A_230, %lt3A_231 : i32
      %convert_element_type3A_233 = arith.extui %lt3A_232 : i1 to i32
      %cond3A_234 = arith.constant 0 : i32
      %cond3A_235 = arith.cmpi ne, %convert_element_type3A_233, %cond3A_234 : i32
      scf.if %cond3A_235 {
        %ge3A = arith.constant 1 : i32
        %ge3A_286 = arith.cmpi sge, %add3A_214, %ge3A : i32
        %convert_element_type3A_287 = arith.extui %ge3A_286 : i1 to i32
        %cond3A_288 = arith.constant 0 : i32
        %cond3A_289 = arith.cmpi ne, %convert_element_type3A_287, %cond3A_288 : i32
        scf.if %cond3A_289 {
          %dma_wait3A_300 = arith.constant 0 : i32
          %dma_wait3A_301 = tpu.memref_slice %arg8[%add3A_214, %dma_wait3A_300] : memref<168x64xi32, #tpu.memory_space<vmem>> -> memref<1x64xi32, #tpu.memory_space<vmem>>
          %dma_wait3A_302 = tpu.memref_squeeze %dma_wait3A_301 : memref<1x64xi32, #tpu.memory_space<vmem>> -> memref<64xi32, #tpu.memory_space<vmem>>
          %dma_wait3A_303 = arith.constant 0 : i32
          %dma_wait3A_304 = arith.constant 0 : i32
          %dma_wait3A_305 = tpu.memref_slice %arg15[%dma_wait3A_303, %dma_wait3A_304] : memref<10240x128xbf16, #tpu.memory_space<vmem_shared>> -> memref<10240x128xbf16, #tpu.memory_space<vmem_shared>>
          tpu.wait_indirect_dma semaphore(%arg24 : memref<!tpu.dma_semaphore, #tpu.memory_space<semaphore_mem>>) src(%arg11 : memref<64x128xbf16, #tpu.memory_space<vmem>>) dst(%dma_wait3A_305 : memref<10240x128xbf16, #tpu.memory_space<vmem_shared>>)
        } else {
        }
        %add3A_290 = arith.constant 6 : i32
        %add3A_291 = arith.addi %add3A_214, %add3A_290 : i32
        %sub3A_292 = arith.constant 1 : i32
        %sub3A_293 = arith.subi %add3A_291, %sub3A_292 : i32
        %dma_start3A_294 = arith.constant 0 : i32
        %dma_start3A_295 = tpu.memref_slice %arg7[%sub3A_293, %dma_start3A_294] : memref<168x64xi32, #tpu.memory_space<vmem>> -> memref<1x64xi32, #tpu.memory_space<vmem>>
        %dma_start3A_296 = tpu.memref_squeeze %dma_start3A_295 : memref<1x64xi32, #tpu.memory_space<vmem>> -> memref<64xi32, #tpu.memory_space<vmem>>
        %dma_start3A_297 = arith.constant 0 : i32
        %dma_start3A_298 = arith.constant 0 : i32
        %dma_start3A_299 = tpu.memref_slice %arg4[%dma_start3A_297, %dma_start3A_298] : memref<20000x128xbf16, #tpu.memory_space<hbm>> -> memref<20000x128xbf16, #tpu.memory_space<hbm>>
        tpu.enqueue_indirect_dma source(%dma_start3A_299 : memref<20000x128xbf16, #tpu.memory_space<hbm>>) target(%arg11 : memref<64x128xbf16, #tpu.memory_space<vmem>>) offsets(%dma_start3A_296 : memref<64xi32, #tpu.memory_space<vmem>>) semaphore(%arg18 : memref<!tpu.dma_semaphore, #tpu.memory_space<semaphore_mem>>)
      } else {
      }
      %mul3A_236 = arith.constant 6 : i32
      %mul3A_237 = arith.muli %scan3A_137, %mul3A_236 : i32
      %add3A_238 = arith.constant 4 : i32
      %add3A_239 = arith.addi %mul3A_237, %add3A_238 : i32
      %dma_wait3A_240 = arith.constant 0 : i32
      %dma_wait3A_241 = tpu.memref_slice %arg7[%add3A_239, %dma_wait3A_240] : memref<168x64xi32, #tpu.memory_space<vmem>> -> memref<1x64xi32, #tpu.memory_space<vmem>>
      %dma_wait3A_242 = tpu.memref_squeeze %dma_wait3A_241 : memref<1x64xi32, #tpu.memory_space<vmem>> -> memref<64xi32, #tpu.memory_space<vmem>>
      %dma_wait3A_243 = arith.constant 0 : i32
      %dma_wait3A_244 = arith.constant 0 : i32
      %dma_wait3A_245 = tpu.memref_slice %arg4[%dma_wait3A_243, %dma_wait3A_244] : memref<20000x128xbf16, #tpu.memory_space<hbm>> -> memref<20000x128xbf16, #tpu.memory_space<hbm>>
      tpu.wait_indirect_dma semaphore(%arg20 : memref<!tpu.dma_semaphore, #tpu.memory_space<semaphore_mem>>) src(%dma_wait3A_245 : memref<20000x128xbf16, #tpu.memory_space<hbm>>) dst(%arg13 : memref<64x128xbf16, #tpu.memory_space<vmem>>)
      %dma_start3A_246 = arith.constant 0 : i32
      %dma_start3A_247 = tpu.memref_slice %arg8[%add3A_239, %dma_start3A_246] : memref<168x64xi32, #tpu.memory_space<vmem>> -> memref<1x64xi32, #tpu.memory_space<vmem>>
      %dma_start3A_248 = tpu.memref_squeeze %dma_start3A_247 : memref<1x64xi32, #tpu.memory_space<vmem>> -> memref<64xi32, #tpu.memory_space<vmem>>
      %dma_start3A_249 = arith.constant 0 : i32
      %dma_start3A_250 = arith.constant 0 : i32
      %dma_start3A_251 = tpu.memref_slice %arg15[%dma_start3A_249, %dma_start3A_250] : memref<10240x128xbf16, #tpu.memory_space<vmem_shared>> -> memref<10240x128xbf16, #tpu.memory_space<vmem_shared>>
      tpu.enqueue_indirect_dma source(%arg13 : memref<64x128xbf16, #tpu.memory_space<vmem>>) target(%dma_start3A_251 : memref<10240x128xbf16, #tpu.memory_space<vmem_shared>>) offsets(%dma_start3A_248 : memref<64xi32, #tpu.memory_space<vmem>>) semaphore(%arg26 : memref<!tpu.dma_semaphore, #tpu.memory_space<semaphore_mem>>) {add = true}
      %add3A_252 = arith.constant 6 : i32
      %add3A_253 = arith.addi %add3A_239, %add3A_252 : i32
      %sub3A_254 = arith.constant 1 : i32
      %sub3A_255 = arith.subi %add3A_253, %sub3A_254 : i32
      %lt3A_256 = arith.constant 168 : i32
      %lt3A_257 = arith.cmpi slt, %sub3A_255, %lt3A_256 : i32
      %convert_element_type3A_258 = arith.extui %lt3A_257 : i1 to i32
      %cond3A_259 = arith.constant 0 : i32
      %cond3A_260 = arith.cmpi ne, %convert_element_type3A_258, %cond3A_259 : i32
      scf.if %cond3A_260 {
        %ge3A = arith.constant 1 : i32
        %ge3A_286 = arith.cmpi sge, %add3A_239, %ge3A : i32
        %convert_element_type3A_287 = arith.extui %ge3A_286 : i1 to i32
        %cond3A_288 = arith.constant 0 : i32
        %cond3A_289 = arith.cmpi ne, %convert_element_type3A_287, %cond3A_288 : i32
        scf.if %cond3A_289 {
          %dma_wait3A_300 = arith.constant 0 : i32
          %dma_wait3A_301 = tpu.memref_slice %arg8[%add3A_239, %dma_wait3A_300] : memref<168x64xi32, #tpu.memory_space<vmem>> -> memref<1x64xi32, #tpu.memory_space<vmem>>
          %dma_wait3A_302 = tpu.memref_squeeze %dma_wait3A_301 : memref<1x64xi32, #tpu.memory_space<vmem>> -> memref<64xi32, #tpu.memory_space<vmem>>
          %dma_wait3A_303 = arith.constant 0 : i32
          %dma_wait3A_304 = arith.constant 0 : i32
          %dma_wait3A_305 = tpu.memref_slice %arg15[%dma_wait3A_303, %dma_wait3A_304] : memref<10240x128xbf16, #tpu.memory_space<vmem_shared>> -> memref<10240x128xbf16, #tpu.memory_space<vmem_shared>>
          tpu.wait_indirect_dma semaphore(%arg25 : memref<!tpu.dma_semaphore, #tpu.memory_space<semaphore_mem>>) src(%arg12 : memref<64x128xbf16, #tpu.memory_space<vmem>>) dst(%dma_wait3A_305 : memref<10240x128xbf16, #tpu.memory_space<vmem_shared>>)
        } else {
        }
        %add3A_290 = arith.constant 6 : i32
        %add3A_291 = arith.addi %add3A_239, %add3A_290 : i32
        %sub3A_292 = arith.constant 1 : i32
        %sub3A_293 = arith.subi %add3A_291, %sub3A_292 : i32
        %dma_start3A_294 = arith.constant 0 : i32
        %dma_start3A_295 = tpu.memref_slice %arg7[%sub3A_293, %dma_start3A_294] : memref<168x64xi32, #tpu.memory_space<vmem>> -> memref<1x64xi32, #tpu.memory_space<vmem>>
        %dma_start3A_296 = tpu.memref_squeeze %dma_start3A_295 : memref<1x64xi32, #tpu.memory_space<vmem>> -> memref<64xi32, #tpu.memory_space<vmem>>
        %dma_start3A_297 = arith.constant 0 : i32
        %dma_start3A_298 = arith.constant 0 : i32
        %dma_start3A_299 = tpu.memref_slice %arg4[%dma_start3A_297, %dma_start3A_298] : memref<20000x128xbf16, #tpu.memory_space<hbm>> -> memref<20000x128xbf16, #tpu.memory_space<hbm>>
        tpu.enqueue_indirect_dma source(%dma_start3A_299 : memref<20000x128xbf16, #tpu.memory_space<hbm>>) target(%arg12 : memref<64x128xbf16, #tpu.memory_space<vmem>>) offsets(%dma_start3A_296 : memref<64xi32, #tpu.memory_space<vmem>>) semaphore(%arg19 : memref<!tpu.dma_semaphore, #tpu.memory_space<semaphore_mem>>)
      } else {
      }
      %mul3A_261 = arith.constant 6 : i32
      %mul3A_262 = arith.muli %scan3A_137, %mul3A_261 : i32
      %add3A_263 = arith.constant 5 : i32
      %add3A_264 = arith.addi %mul3A_262, %add3A_263 : i32
      %dma_wait3A_265 = arith.constant 0 : i32
      %dma_wait3A_266 = tpu.memref_slice %arg7[%add3A_264, %dma_wait3A_265] : memref<168x64xi32, #tpu.memory_space<vmem>> -> memref<1x64xi32, #tpu.memory_space<vmem>>
      %dma_wait3A_267 = tpu.memref_squeeze %dma_wait3A_266 : memref<1x64xi32, #tpu.memory_space<vmem>> -> memref<64xi32, #tpu.memory_space<vmem>>
      %dma_wait3A_268 = arith.constant 0 : i32
      %dma_wait3A_269 = arith.constant 0 : i32
      %dma_wait3A_270 = tpu.memref_slice %arg4[%dma_wait3A_268, %dma_wait3A_269] : memref<20000x128xbf16, #tpu.memory_space<hbm>> -> memref<20000x128xbf16, #tpu.memory_space<hbm>>
      tpu.wait_indirect_dma semaphore(%arg21 : memref<!tpu.dma_semaphore, #tpu.memory_space<semaphore_mem>>) src(%dma_wait3A_270 : memref<20000x128xbf16, #tpu.memory_space<hbm>>) dst(%arg14 : memref<64x128xbf16, #tpu.memory_space<vmem>>)
      %dma_start3A_271 = arith.constant 0 : i32
      %dma_start3A_272 = tpu.memref_slice %arg8[%add3A_264, %dma_start3A_271] : memref<168x64xi32, #tpu.memory_space<vmem>> -> memref<1x64xi32, #tpu.memory_space<vmem>>
      %dma_start3A_273 = tpu.memref_squeeze %dma_start3A_272 : memref<1x64xi32, #tpu.memory_space<vmem>> -> memref<64xi32, #tpu.memory_space<vmem>>
      %dma_start3A_274 = arith.constant 0 : i32
      %dma_start3A_275 = arith.constant 0 : i32
      %dma_start3A_276 = tpu.memref_slice %arg15[%dma_start3A_274, %dma_start3A_275] : memref<10240x128xbf16, #tpu.memory_space<vmem_shared>> -> memref<10240x128xbf16, #tpu.memory_space<vmem_shared>>
      tpu.enqueue_indirect_dma source(%arg14 : memref<64x128xbf16, #tpu.memory_space<vmem>>) target(%dma_start3A_276 : memref<10240x128xbf16, #tpu.memory_space<vmem_shared>>) offsets(%dma_start3A_273 : memref<64xi32, #tpu.memory_space<vmem>>) semaphore(%arg27 : memref<!tpu.dma_semaphore, #tpu.memory_space<semaphore_mem>>) {add = true}
      %add3A_277 = arith.constant 6 : i32
      %add3A_278 = arith.addi %add3A_264, %add3A_277 : i32
      %sub3A_279 = arith.constant 1 : i32
      %sub3A_280 = arith.subi %add3A_278, %sub3A_279 : i32
      %lt3A_281 = arith.constant 168 : i32
      %lt3A_282 = arith.cmpi slt, %sub3A_280, %lt3A_281 : i32
      %convert_element_type3A_283 = arith.extui %lt3A_282 : i1 to i32
      %cond3A_284 = arith.constant 0 : i32
      %cond3A_285 = arith.cmpi ne, %convert_element_type3A_283, %cond3A_284 : i32
      scf.if %cond3A_285 {
        %ge3A = arith.constant 1 : i32
        %ge3A_286 = arith.cmpi sge, %add3A_264, %ge3A : i32
        %convert_element_type3A_287 = arith.extui %ge3A_286 : i1 to i32
        %cond3A_288 = arith.constant 0 : i32
        %cond3A_289 = arith.cmpi ne, %convert_element_type3A_287, %cond3A_288 : i32
        scf.if %cond3A_289 {
          %dma_wait3A_300 = arith.constant 0 : i32
          %dma_wait3A_301 = tpu.memref_slice %arg8[%add3A_264, %dma_wait3A_300] : memref<168x64xi32, #tpu.memory_space<vmem>> -> memref<1x64xi32, #tpu.memory_space<vmem>>
          %dma_wait3A_302 = tpu.memref_squeeze %dma_wait3A_301 : memref<1x64xi32, #tpu.memory_space<vmem>> -> memref<64xi32, #tpu.memory_space<vmem>>
          %dma_wait3A_303 = arith.constant 0 : i32
          %dma_wait3A_304 = arith.constant 0 : i32
          %dma_wait3A_305 = tpu.memref_slice %arg15[%dma_wait3A_303, %dma_wait3A_304] : memref<10240x128xbf16, #tpu.memory_space<vmem_shared>> -> memref<10240x128xbf16, #tpu.memory_space<vmem_shared>>
          tpu.wait_indirect_dma semaphore(%arg26 : memref<!tpu.dma_semaphore, #tpu.memory_space<semaphore_mem>>) src(%arg13 : memref<64x128xbf16, #tpu.memory_space<vmem>>) dst(%dma_wait3A_305 : memref<10240x128xbf16, #tpu.memory_space<vmem_shared>>)
        } else {
        }
        %add3A_290 = arith.constant 6 : i32
        %add3A_291 = arith.addi %add3A_264, %add3A_290 : i32
        %sub3A_292 = arith.constant 1 : i32
        %sub3A_293 = arith.subi %add3A_291, %sub3A_292 : i32
        %dma_start3A_294 = arith.constant 0 : i32
        %dma_start3A_295 = tpu.memref_slice %arg7[%sub3A_293, %dma_start3A_294] : memref<168x64xi32, #tpu.memory_space<vmem>> -> memref<1x64xi32, #tpu.memory_space<vmem>>
        %dma_start3A_296 = tpu.memref_squeeze %dma_start3A_295 : memref<1x64xi32, #tpu.memory_space<vmem>> -> memref<64xi32, #tpu.memory_space<vmem>>
        %dma_start3A_297 = arith.constant 0 : i32
        %dma_start3A_298 = arith.constant 0 : i32
        %dma_start3A_299 = tpu.memref_slice %arg4[%dma_start3A_297, %dma_start3A_298] : memref<20000x128xbf16, #tpu.memory_space<hbm>> -> memref<20000x128xbf16, #tpu.memory_space<hbm>>
        tpu.enqueue_indirect_dma source(%dma_start3A_299 : memref<20000x128xbf16, #tpu.memory_space<hbm>>) target(%arg13 : memref<64x128xbf16, #tpu.memory_space<vmem>>) offsets(%dma_start3A_296 : memref<64xi32, #tpu.memory_space<vmem>>) semaphore(%arg20 : memref<!tpu.dma_semaphore, #tpu.memory_space<semaphore_mem>>)
      } else {
      }
    }
    %scan3A_87 = arith.constant 28 : i32
    %dma_wait3A = arith.constant 0 : i32
    %dma_wait3A_88 = arith.constant 0 : i32
    %dma_wait3A_89 = tpu.memref_slice %arg8[%dma_wait3A, %dma_wait3A_88] : memref<168x64xi32, #tpu.memory_space<vmem>> -> memref<1x64xi32, #tpu.memory_space<vmem>>
    %dma_wait3A_90 = tpu.memref_squeeze %dma_wait3A_89 : memref<1x64xi32, #tpu.memory_space<vmem>> -> memref<64xi32, #tpu.memory_space<vmem>>
    %dma_wait3A_91 = arith.constant 0 : i32
    %dma_wait3A_92 = arith.constant 0 : i32
    %dma_wait3A_93 = tpu.memref_slice %arg15[%dma_wait3A_91, %dma_wait3A_92] : memref<10240x128xbf16, #tpu.memory_space<vmem_shared>> -> memref<10240x128xbf16, #tpu.memory_space<vmem_shared>>
    tpu.wait_indirect_dma semaphore(%arg22 : memref<!tpu.dma_semaphore, #tpu.memory_space<semaphore_mem>>) src(%arg9 : memref<64x128xbf16, #tpu.memory_space<vmem>>) dst(%dma_wait3A_93 : memref<10240x128xbf16, #tpu.memory_space<vmem_shared>>)
    %dma_wait3A_94 = arith.constant 0 : i32
    %dma_wait3A_95 = arith.constant 0 : i32
    %dma_wait3A_96 = tpu.memref_slice %arg8[%dma_wait3A_94, %dma_wait3A_95] : memref<168x64xi32, #tpu.memory_space<vmem>> -> memref<1x64xi32, #tpu.memory_space<vmem>>
    %dma_wait3A_97 = tpu.memref_squeeze %dma_wait3A_96 : memref<1x64xi32, #tpu.memory_space<vmem>> -> memref<64xi32, #tpu.memory_space<vmem>>
    %dma_wait3A_98 = arith.constant 0 : i32
    %dma_wait3A_99 = arith.constant 0 : i32
    %dma_wait3A_100 = tpu.memref_slice %arg15[%dma_wait3A_98, %dma_wait3A_99] : memref<10240x128xbf16, #tpu.memory_space<vmem_shared>> -> memref<10240x128xbf16, #tpu.memory_space<vmem_shared>>
    tpu.wait_indirect_dma semaphore(%arg23 : memref<!tpu.dma_semaphore, #tpu.memory_space<semaphore_mem>>) src(%arg10 : memref<64x128xbf16, #tpu.memory_space<vmem>>) dst(%dma_wait3A_100 : memref<10240x128xbf16, #tpu.memory_space<vmem_shared>>)
    %dma_wait3A_101 = arith.constant 0 : i32
    %dma_wait3A_102 = arith.constant 0 : i32
    %dma_wait3A_103 = tpu.memref_slice %arg8[%dma_wait3A_101, %dma_wait3A_102] : memref<168x64xi32, #tpu.memory_space<vmem>> -> memref<1x64xi32, #tpu.memory_space<vmem>>
    %dma_wait3A_104 = tpu.memref_squeeze %dma_wait3A_103 : memref<1x64xi32, #tpu.memory_space<vmem>> -> memref<64xi32, #tpu.memory_space<vmem>>
    %dma_wait3A_105 = arith.constant 0 : i32
    %dma_wait3A_106 = arith.constant 0 : i32
    %dma_wait3A_107 = tpu.memref_slice %arg15[%dma_wait3A_105, %dma_wait3A_106] : memref<10240x128xbf16, #tpu.memory_space<vmem_shared>> -> memref<10240x128xbf16, #tpu.memory_space<vmem_shared>>
    tpu.wait_indirect_dma semaphore(%arg24 : memref<!tpu.dma_semaphore, #tpu.memory_space<semaphore_mem>>) src(%arg11 : memref<64x128xbf16, #tpu.memory_space<vmem>>) dst(%dma_wait3A_107 : memref<10240x128xbf16, #tpu.memory_space<vmem_shared>>)
    %dma_wait3A_108 = arith.constant 0 : i32
    %dma_wait3A_109 = arith.constant 0 : i32
    %dma_wait3A_110 = tpu.memref_slice %arg8[%dma_wait3A_108, %dma_wait3A_109] : memref<168x64xi32, #tpu.memory_space<vmem>> -> memref<1x64xi32, #tpu.memory_space<vmem>>
    %dma_wait3A_111 = tpu.memref_squeeze %dma_wait3A_110 : memref<1x64xi32, #tpu.memory_space<vmem>> -> memref<64xi32, #tpu.memory_space<vmem>>
    %dma_wait3A_112 = arith.constant 0 : i32
    %dma_wait3A_113 = arith.constant 0 : i32
    %dma_wait3A_114 = tpu.memref_slice %arg15[%dma_wait3A_112, %dma_wait3A_113] : memref<10240x128xbf16, #tpu.memory_space<vmem_shared>> -> memref<10240x128xbf16, #tpu.memory_space<vmem_shared>>
    tpu.wait_indirect_dma semaphore(%arg25 : memref<!tpu.dma_semaphore, #tpu.memory_space<semaphore_mem>>) src(%arg12 : memref<64x128xbf16, #tpu.memory_space<vmem>>) dst(%dma_wait3A_114 : memref<10240x128xbf16, #tpu.memory_space<vmem_shared>>)
    %dma_wait3A_115 = arith.constant 0 : i32
    %dma_wait3A_116 = arith.constant 0 : i32
    %dma_wait3A_117 = tpu.memref_slice %arg8[%dma_wait3A_115, %dma_wait3A_116] : memref<168x64xi32, #tpu.memory_space<vmem>> -> memref<1x64xi32, #tpu.memory_space<vmem>>
    %dma_wait3A_118 = tpu.memref_squeeze %dma_wait3A_117 : memref<1x64xi32, #tpu.memory_space<vmem>> -> memref<64xi32, #tpu.memory_space<vmem>>
    %dma_wait3A_119 = arith.constant 0 : i32
    %dma_wait3A_120 = arith.constant 0 : i32
    %dma_wait3A_121 = tpu.memref_slice %arg15[%dma_wait3A_119, %dma_wait3A_120] : memref<10240x128xbf16, #tpu.memory_space<vmem_shared>> -> memref<10240x128xbf16, #tpu.memory_space<vmem_shared>>
    tpu.wait_indirect_dma semaphore(%arg26 : memref<!tpu.dma_semaphore, #tpu.memory_space<semaphore_mem>>) src(%arg13 : memref<64x128xbf16, #tpu.memory_space<vmem>>) dst(%dma_wait3A_121 : memref<10240x128xbf16, #tpu.memory_space<vmem_shared>>)
    %dma_wait3A_122 = arith.constant 0 : i32
    %dma_wait3A_123 = arith.constant 0 : i32
    %dma_wait3A_124 = tpu.memref_slice %arg8[%dma_wait3A_122, %dma_wait3A_123] : memref<168x64xi32, #tpu.memory_space<vmem>> -> memref<1x64xi32, #tpu.memory_space<vmem>>
    %dma_wait3A_125 = tpu.memref_squeeze %dma_wait3A_124 : memref<1x64xi32, #tpu.memory_space<vmem>> -> memref<64xi32, #tpu.memory_space<vmem>>
    %dma_wait3A_126 = arith.constant 0 : i32
    %dma_wait3A_127 = arith.constant 0 : i32
    %dma_wait3A_128 = tpu.memref_slice %arg15[%dma_wait3A_126, %dma_wait3A_127] : memref<10240x128xbf16, #tpu.memory_space<vmem_shared>> -> memref<10240x128xbf16, #tpu.memory_space<vmem_shared>>
    tpu.wait_indirect_dma semaphore(%arg27 : memref<!tpu.dma_semaphore, #tpu.memory_space<semaphore_mem>>) src(%arg14 : memref<64x128xbf16, #tpu.memory_space<vmem>>) dst(%dma_wait3A_128 : memref<10240x128xbf16, #tpu.memory_space<vmem_shared>>)
    %barrier3A_129 = arith.constant 0 : index
    tpu.barrier barrier_id(%barrier3A_129)
    %eq3A = arith.constant 0 : i32
    %eq3A_130 = arith.cmpi eq, %arg0, %eq3A : i32
    %convert_element_type3A = arith.extui %eq3A_130 : i1 to i32
    %cond3A = arith.constant 0 : i32
    %cond3A_131 = arith.cmpi ne, %convert_element_type3A, %cond3A : i32
    scf.if %cond3A_131 {
      %mul3A_137 = arith.constant 625 : i32
      %mul3A_138 = arith.muli %arg1, %mul3A_137 : i32
      %mul3A_139 = arith.constant 625 : i32
      %mul3A_140 = arith.muli %arg1, %mul3A_139 : i32
      "tpu.region"() ({
        %run_scoped3A = tpu.sem_alloc : memref<!tpu.dma_semaphore, #tpu.memory_space<semaphore_mem>>
        %dma_start3A_141 = arith.constant 0 : i32
        %dma_start3A_142 = tpu.memref_slice %arg5[%mul3A_140, %dma_start3A_141] : memref<10000x128xbf16, #tpu.memory_space<hbm>> -> memref<625x128xbf16, #tpu.memory_space<hbm>>
        %dma_start3A_143 = arith.constant 0 : i32
        %dma_start3A_144 = tpu.memref_slice %arg15[%mul3A_138, %dma_start3A_143] : memref<10240x128xbf16, #tpu.memory_space<vmem_shared>> -> memref<625x128xbf16, #tpu.memory_space<vmem_shared>>
        tpu.enqueue_dma source(%dma_start3A_144 : memref<625x128xbf16, #tpu.memory_space<vmem_shared>>) target(%dma_start3A_142 : memref<625x128xbf16, #tpu.memory_space<hbm>>) target_semaphore(%run_scoped3A : memref<!tpu.dma_semaphore, #tpu.memory_space<semaphore_mem>>)
        %dma_wait3A_145 = arith.constant 0 : i32
        %dma_wait3A_146 = tpu.memref_slice %arg5[%mul3A_140, %dma_wait3A_145] : memref<10000x128xbf16, #tpu.memory_space<hbm>> -> memref<625x128xbf16, #tpu.memory_space<hbm>>
        %dma_wait3A_147 = arith.constant 0 : i32
        %dma_wait3A_148 = tpu.memref_slice %arg15[%mul3A_138, %dma_wait3A_147] : memref<10240x128xbf16, #tpu.memory_space<vmem_shared>> -> memref<625x128xbf16, #tpu.memory_space<vmem_shared>>
        tpu.wait_dma2 semaphore(%run_scoped3A : memref<!tpu.dma_semaphore, #tpu.memory_space<semaphore_mem>>) src(%dma_wait3A_148 : memref<625x128xbf16, #tpu.memory_space<vmem_shared>>) dst(%dma_wait3A_146 : memref<625x128xbf16, #tpu.memory_space<hbm>>)
        tpu.yield
      }) : () -> ()
    } else {
    }
    %eq3A_132 = arith.constant 1 : i32
    %eq3A_133 = arith.cmpi eq, %arg0, %eq3A_132 : i32
    %convert_element_type3A_134 = arith.extui %eq3A_133 : i1 to i32
    %cond3A_135 = arith.constant 0 : i32
    %cond3A_136 = arith.cmpi ne, %convert_element_type3A_134, %cond3A_135 : i32
    scf.if %cond3A_136 {
      %mul3A_137 = arith.constant 625 : i32
      %mul3A_138 = arith.muli %arg1, %mul3A_137 : i32
      %mul3A_139 = arith.constant 625 : i32
      %mul3A_140 = arith.muli %arg1, %mul3A_139 : i32
      "tpu.region"() ({
        %run_scoped3A = tpu.sem_alloc : memref<!tpu.dma_semaphore, #tpu.memory_space<semaphore_mem>>
        %dma_start3A_141 = arith.constant 0 : i32
        %dma_start3A_142 = tpu.memref_slice %arg6[%mul3A_140, %dma_start3A_141] : memref<10000x128xbf16, #tpu.memory_space<hbm>> -> memref<625x128xbf16, #tpu.memory_space<hbm>>
        %dma_start3A_143 = arith.constant 0 : i32
        %dma_start3A_144 = tpu.memref_slice %arg15[%mul3A_138, %dma_start3A_143] : memref<10240x128xbf16, #tpu.memory_space<vmem_shared>> -> memref<625x128xbf16, #tpu.memory_space<vmem_shared>>
        tpu.enqueue_dma source(%dma_start3A_144 : memref<625x128xbf16, #tpu.memory_space<vmem_shared>>) target(%dma_start3A_142 : memref<625x128xbf16, #tpu.memory_space<hbm>>) target_semaphore(%run_scoped3A : memref<!tpu.dma_semaphore, #tpu.memory_space<semaphore_mem>>)
        %dma_wait3A_145 = arith.constant 0 : i32
        %dma_wait3A_146 = tpu.memref_slice %arg6[%mul3A_140, %dma_wait3A_145] : memref<10000x128xbf16, #tpu.memory_space<hbm>> -> memref<625x128xbf16, #tpu.memory_space<hbm>>
        %dma_wait3A_147 = arith.constant 0 : i32
        %dma_wait3A_148 = tpu.memref_slice %arg15[%mul3A_138, %dma_wait3A_147] : memref<10240x128xbf16, #tpu.memory_space<vmem_shared>> -> memref<625x128xbf16, #tpu.memory_space<vmem_shared>>
        tpu.wait_dma2 semaphore(%run_scoped3A : memref<!tpu.dma_semaphore, #tpu.memory_space<semaphore_mem>>) src(%dma_wait3A_148 : memref<625x128xbf16, #tpu.memory_space<vmem_shared>>) dst(%dma_wait3A_146 : memref<625x128xbf16, #tpu.memory_space<hbm>>)
        tpu.yield
      }) : () -> ()
    } else {
    }
    return
  }
}

#map = affine_map<(d0, d1) -> (0, 0, 0)>
#map1 = affine_map<(d0, d1) -> (0, 0)>
module attributes {stable_mosaic.version = 14 : i64} {
  func.func @agg(%arg0: i32, %arg1: i32, %arg2: memref<2x2688x64xi32, #tpu.memory_space<hbm>>, %arg3: memref<2688x64xi32, #tpu.memory_space<hbm>>, %arg4: memref<20000x64xbf16, #tpu.memory_space<hbm>>, %arg5: memref<10000x64xbf16, #tpu.memory_space<hbm>>, %arg6: memref<10000x64xbf16, #tpu.memory_space<hbm>>, %arg7: memref<168x64xi32, #tpu.memory_space<vmem>>, %arg8: memref<168x64xi32, #tpu.memory_space<vmem>>, %arg9: memref<64x64xbf16, #tpu.memory_space<vmem>>, %arg10: memref<64x64xbf16, #tpu.memory_space<vmem>>, %arg11: memref<64x64xbf16, #tpu.memory_space<vmem>>, %arg12: memref<64x64xbf16, #tpu.memory_space<vmem>>, %arg13: memref<64x64xbf16, #tpu.memory_space<vmem>>, %arg14: memref<64x64xbf16, #tpu.memory_space<vmem>>, %arg15: memref<10240x64xbf16, #tpu.memory_space<vmem_shared>>, %arg16: memref<!tpu.dma_semaphore, #tpu.memory_space<semaphore_mem>>, %arg17: memref<!tpu.dma_semaphore, #tpu.memory_space<semaphore_mem>>, %arg18: memref<!tpu.dma_semaphore, #tpu.memory_space<semaphore_mem>>, %arg19: memref<!tpu.dma_semaphore, #tpu.memory_space<semaphore_mem>>, %arg20: memref<!tpu.dma_semaphore, #tpu.memory_space<semaphore_mem>>, %arg21: memref<!tpu.dma_semaphore, #tpu.memory_space<semaphore_mem>>, %arg22: memref<!tpu.dma_semaphore, #tpu.memory_space<semaphore_mem>>, %arg23: memref<!tpu.dma_semaphore, #tpu.memory_space<semaphore_mem>>, %arg24: memref<!tpu.dma_semaphore, #tpu.memory_space<semaphore_mem>>, %arg25: memref<!tpu.dma_semaphore, #tpu.memory_space<semaphore_mem>>, %arg26: memref<!tpu.dma_semaphore, #tpu.memory_space<semaphore_mem>>, %arg27: memref<!tpu.dma_semaphore, #tpu.memory_space<semaphore_mem>>) attributes {dimension_semantics = [#tpu.dimension_semantics<core_parallel>, #tpu.dimension_semantics<subcore_parallel>], iteration_bounds = array<i64: 2, 16>, scalar_prefetch = 0 : i64, scratch_operands = 21 : i64, tpu.core_type = #tpu.core_type<sc_vector_subcore>, window_params = [{transform_indices = #map}, {transform_indices = #map1}, {transform_indices = #map1}, {transform_indices = #map1}, {transform_indices = #map1}]} {
    %mul3A = arith.constant 168 : i32
    %mul3A_0 = arith.muli %arg1, %mul3A : i32
    "tpu.region"() ({
      %run_scoped3A = tpu.sem_alloc : memref<!tpu.dma_semaphore, #tpu.memory_space<semaphore_mem>>
      %dma_start3A_137 = arith.constant 0 : i32
      %dma_start3A_138 = tpu.memref_slice %arg2[%arg0, %mul3A_0, %dma_start3A_137] : memref<2x2688x64xi32, #tpu.memory_space<hbm>> -> memref<1x168x64xi32, #tpu.memory_space<hbm>>
      %dma_start3A_139 = tpu.memref_squeeze %dma_start3A_138 : memref<1x168x64xi32, #tpu.memory_space<hbm>> -> memref<168x64xi32, #tpu.memory_space<hbm>>
      %dma_start3A_140 = arith.constant 0 : i32
      %dma_start3A_141 = tpu.memref_slice %arg2[%arg0, %mul3A_0, %dma_start3A_140] : memref<2x2688x64xi32, #tpu.memory_space<hbm>> -> memref<1x168x64xi32, #tpu.memory_space<hbm>>
      %dma_start3A_142 = tpu.memref_squeeze %dma_start3A_141 : memref<1x168x64xi32, #tpu.memory_space<hbm>> -> memref<168x64xi32, #tpu.memory_space<hbm>>
      tpu.enqueue_dma source(%dma_start3A_142 : memref<168x64xi32, #tpu.memory_space<hbm>>) target(%arg7 : memref<168x64xi32, #tpu.memory_space<vmem>>) target_semaphore(%run_scoped3A : memref<!tpu.dma_semaphore, #tpu.memory_space<semaphore_mem>>)
      %dma_wait3A_143 = arith.constant 0 : i32
      %dma_wait3A_144 = tpu.memref_slice %arg2[%arg0, %mul3A_0, %dma_wait3A_143] : memref<2x2688x64xi32, #tpu.memory_space<hbm>> -> memref<1x168x64xi32, #tpu.memory_space<hbm>>
      %dma_wait3A_145 = tpu.memref_squeeze %dma_wait3A_144 : memref<1x168x64xi32, #tpu.memory_space<hbm>> -> memref<168x64xi32, #tpu.memory_space<hbm>>
      %dma_wait3A_146 = arith.constant 0 : i32
      %dma_wait3A_147 = tpu.memref_slice %arg2[%arg0, %mul3A_0, %dma_wait3A_146] : memref<2x2688x64xi32, #tpu.memory_space<hbm>> -> memref<1x168x64xi32, #tpu.memory_space<hbm>>
      %dma_wait3A_148 = tpu.memref_squeeze %dma_wait3A_147 : memref<1x168x64xi32, #tpu.memory_space<hbm>> -> memref<168x64xi32, #tpu.memory_space<hbm>>
      tpu.wait_dma2 semaphore(%run_scoped3A : memref<!tpu.dma_semaphore, #tpu.memory_space<semaphore_mem>>) src(%dma_wait3A_148 : memref<168x64xi32, #tpu.memory_space<hbm>>) dst(%arg7 : memref<168x64xi32, #tpu.memory_space<vmem>>)
      tpu.yield
    }) : () -> ()
    %mul3A_1 = arith.constant 168 : i32
    %mul3A_2 = arith.muli %arg1, %mul3A_1 : i32
    "tpu.region"() ({
      %run_scoped3A = tpu.sem_alloc : memref<!tpu.dma_semaphore, #tpu.memory_space<semaphore_mem>>
      %dma_start3A_137 = arith.constant 0 : i32
      %dma_start3A_138 = tpu.memref_slice %arg3[%mul3A_2, %dma_start3A_137] : memref<2688x64xi32, #tpu.memory_space<hbm>> -> memref<168x64xi32, #tpu.memory_space<hbm>>
      %dma_start3A_139 = arith.constant 0 : i32
      %dma_start3A_140 = tpu.memref_slice %arg3[%mul3A_2, %dma_start3A_139] : memref<2688x64xi32, #tpu.memory_space<hbm>> -> memref<168x64xi32, #tpu.memory_space<hbm>>
      tpu.enqueue_dma source(%dma_start3A_140 : memref<168x64xi32, #tpu.memory_space<hbm>>) target(%arg8 : memref<168x64xi32, #tpu.memory_space<vmem>>) target_semaphore(%run_scoped3A : memref<!tpu.dma_semaphore, #tpu.memory_space<semaphore_mem>>)
      %dma_wait3A_141 = arith.constant 0 : i32
      %dma_wait3A_142 = tpu.memref_slice %arg3[%mul3A_2, %dma_wait3A_141] : memref<2688x64xi32, #tpu.memory_space<hbm>> -> memref<168x64xi32, #tpu.memory_space<hbm>>
      %dma_wait3A_143 = arith.constant 0 : i32
      %dma_wait3A_144 = tpu.memref_slice %arg3[%mul3A_2, %dma_wait3A_143] : memref<2688x64xi32, #tpu.memory_space<hbm>> -> memref<168x64xi32, #tpu.memory_space<hbm>>
      tpu.wait_dma2 semaphore(%run_scoped3A : memref<!tpu.dma_semaphore, #tpu.memory_space<semaphore_mem>>) src(%dma_wait3A_144 : memref<168x64xi32, #tpu.memory_space<hbm>>) dst(%arg8 : memref<168x64xi32, #tpu.memory_space<vmem>>)
      tpu.yield
    }) : () -> ()
    %broadcast_in_dim3A = arith.constant 0.000000e+00 : bf16
    %broadcast_in_dim3A_3 = vector.broadcast %broadcast_in_dim3A : bf16 to vector<32xbf16>
    %scan3A = arith.constant 0 : i32
    %scan3A_4 = arith.constant 0 : i32
    %scan3A_5 = arith.constant 128 : i32
    %scan3A_6 = arith.addi %scan3A_4, %scan3A_5 : i32
    %scan3A_7 = arith.constant 1 : i32
    scf.for %scan3A_137 = %scan3A_4 to %scan3A_6 step %scan3A_7  : i32 {
      %jit3A = arith.constant 2 : i32
      %div3A = arith.divsi %scan3A_137, %jit3A : i32
      %sign3A = arith.constant 0 : i32
      %sign3A_138 = arith.cmpi sgt, %scan3A_137, %sign3A : i32
      %sign3A_139 = arith.extui %sign3A_138 : i1 to i32
      %sign3A_140 = arith.constant 0 : i32
      %sign3A_141 = arith.cmpi slt, %scan3A_137, %sign3A_140 : i32
      %sign3A_142 = arith.extui %sign3A_141 : i1 to i32
      %sign3A_143 = arith.subi %sign3A_139, %sign3A_142 : i32
      %sign3A_144 = arith.constant 0 : i32
      %sign3A_145 = arith.cmpi sgt, %jit3A, %sign3A_144 : i32
      %sign3A_146 = arith.extui %sign3A_145 : i1 to i32
      %sign3A_147 = arith.constant 0 : i32
      %sign3A_148 = arith.cmpi slt, %jit3A, %sign3A_147 : i32
      %sign3A_149 = arith.extui %sign3A_148 : i1 to i32
      %sign3A_150 = arith.subi %sign3A_146, %sign3A_149 : i32
      %ne3A = arith.cmpi ne, %sign3A_143, %sign3A_150 : i32
      %rem3A = arith.remsi %scan3A_137, %jit3A : i32
      %ne3A_151 = arith.constant 0 : i32
      %ne3A_152 = arith.cmpi ne, %rem3A, %ne3A_151 : i32
      %and3A = arith.andi %ne3A, %ne3A_152 : i1
      %sub3A = arith.constant 1 : i32
      %sub3A_153 = arith.subi %div3A, %sub3A : i32
      %select_n3A = arith.select %and3A, %sub3A_153, %div3A : i32
      %jit3A_154 = arith.constant 2 : i32
      %eq3A_155 = arith.constant 0 : i32
      %eq3A_156 = arith.cmpi eq, %jit3A_154, %eq3A_155 : i32
      %jit3A_157 = arith.constant 1 : i32
      %select_n3A_158 = arith.select %eq3A_156, %jit3A_157, %jit3A_154 : i32
      %rem3A_159 = arith.remsi %scan3A_137, %select_n3A_158 : i32
      %ne3A_160 = arith.constant 0 : i32
      %ne3A_161 = arith.cmpi ne, %rem3A_159, %ne3A_160 : i32
      %lt3A = arith.constant 0 : i32
      %lt3A_162 = arith.cmpi slt, %rem3A_159, %lt3A : i32
      %lt3A_163 = arith.constant 0 : i32
      %lt3A_164 = arith.cmpi slt, %select_n3A_158, %lt3A_163 : i32
      %ne3A_165 = arith.xori %lt3A_162, %lt3A_164 : i1
      %and3A_166 = arith.andi %ne3A_165, %ne3A_161 : i1
      %add3A_167 = arith.addi %rem3A_159, %select_n3A_158 : i32
      %select_n3A_168 = arith.select %and3A_166, %add3A_167, %rem3A_159 : i32
      %mul3A_169 = arith.constant 32 : i32
      %mul3A_170 = arith.muli %select_n3A_168, %mul3A_169 : i32
      %swap3A = arith.index_cast %select_n3A : i32 to index
      %swap3A_171 = arith.index_cast %mul3A_170 : i32 to index
      %swap3A_172 = tpu.vector_load %arg9[%swap3A, %swap3A_171] {strides = array<i32>} : memref<64x64xbf16, #tpu.memory_space<vmem>>, vector<1x32xbf16>,
      %swap3A_173 = vector.shape_cast %swap3A_172 : vector<1x32xbf16> to vector<32xbf16>
      %swap3A_174 = vector.shape_cast %broadcast_in_dim3A_3 : vector<32xbf16> to vector<1x32xbf16>
      tpu.vector_store %arg9[%swap3A, %swap3A_171], %swap3A_174 {strides = array<i32>} : memref<64x64xbf16, #tpu.memory_space<vmem>>, vector<1x32xbf16>,
    }
    %scan3A_8 = arith.constant 128 : i32
    %mul3A_9 = arith.constant 640 : i32
    %mul3A_10 = arith.muli %arg1, %mul3A_9 : i32
    %add3A = arith.constant 0 : i32
    %add3A_11 = arith.addi %mul3A_10, %add3A : i32
    "tpu.region"() ({
      %run_scoped3A = tpu.sem_alloc : memref<!tpu.dma_semaphore, #tpu.memory_space<semaphore_mem>>
      %dma_start3A_137 = arith.constant 0 : i32
      %dma_start3A_138 = arith.constant 0 : i32
      %dma_start3A_139 = tpu.memref_slice %arg9[%dma_start3A_137, %dma_start3A_138] : memref<64x64xbf16, #tpu.memory_space<vmem>> -> memref<64x64xbf16, #tpu.memory_space<vmem>>
      %dma_start3A_140 = arith.constant 0 : i32
      %dma_start3A_141 = tpu.memref_slice %arg15[%add3A_11, %dma_start3A_140] : memref<10240x64xbf16, #tpu.memory_space<vmem_shared>> -> memref<64x64xbf16, #tpu.memory_space<vmem_shared>>
      %dma_start3A_142 = arith.constant 0 : i32
      %dma_start3A_143 = tpu.memref_slice %arg15[%add3A_11, %dma_start3A_142] : memref<10240x64xbf16, #tpu.memory_space<vmem_shared>> -> memref<64x64xbf16, #tpu.memory_space<vmem_shared>>
      %dma_start3A_144 = arith.constant 0 : i32
      %dma_start3A_145 = arith.constant 0 : i32
      %dma_start3A_146 = tpu.memref_slice %arg9[%dma_start3A_144, %dma_start3A_145] : memref<64x64xbf16, #tpu.memory_space<vmem>> -> memref<64x64xbf16, #tpu.memory_space<vmem>>
      tpu.enqueue_dma source(%dma_start3A_146 : memref<64x64xbf16, #tpu.memory_space<vmem>>) target(%dma_start3A_143 : memref<64x64xbf16, #tpu.memory_space<vmem_shared>>) target_semaphore(%run_scoped3A : memref<!tpu.dma_semaphore, #tpu.memory_space<semaphore_mem>>)
      %dma_wait3A_147 = arith.constant 0 : i32
      %dma_wait3A_148 = arith.constant 0 : i32
      %dma_wait3A_149 = tpu.memref_slice %arg9[%dma_wait3A_147, %dma_wait3A_148] : memref<64x64xbf16, #tpu.memory_space<vmem>> -> memref<64x64xbf16, #tpu.memory_space<vmem>>
      %dma_wait3A_150 = arith.constant 0 : i32
      %dma_wait3A_151 = tpu.memref_slice %arg15[%add3A_11, %dma_wait3A_150] : memref<10240x64xbf16, #tpu.memory_space<vmem_shared>> -> memref<64x64xbf16, #tpu.memory_space<vmem_shared>>
      %dma_wait3A_152 = arith.constant 0 : i32
      %dma_wait3A_153 = tpu.memref_slice %arg15[%add3A_11, %dma_wait3A_152] : memref<10240x64xbf16, #tpu.memory_space<vmem_shared>> -> memref<64x64xbf16, #tpu.memory_space<vmem_shared>>
      %dma_wait3A_154 = arith.constant 0 : i32
      %dma_wait3A_155 = arith.constant 0 : i32
      %dma_wait3A_156 = tpu.memref_slice %arg9[%dma_wait3A_154, %dma_wait3A_155] : memref<64x64xbf16, #tpu.memory_space<vmem>> -> memref<64x64xbf16, #tpu.memory_space<vmem>>
      tpu.wait_dma2 semaphore(%run_scoped3A : memref<!tpu.dma_semaphore, #tpu.memory_space<semaphore_mem>>) src(%dma_wait3A_156 : memref<64x64xbf16, #tpu.memory_space<vmem>>) dst(%dma_wait3A_153 : memref<64x64xbf16, #tpu.memory_space<vmem_shared>>)
      tpu.yield
    }) : () -> ()
    %mul3A_12 = arith.constant 640 : i32
    %mul3A_13 = arith.muli %arg1, %mul3A_12 : i32
    %add3A_14 = arith.constant 64 : i32
    %add3A_15 = arith.addi %mul3A_13, %add3A_14 : i32
    "tpu.region"() ({
      %run_scoped3A = tpu.sem_alloc : memref<!tpu.dma_semaphore, #tpu.memory_space<semaphore_mem>>
      %dma_start3A_137 = arith.constant 0 : i32
      %dma_start3A_138 = arith.constant 0 : i32
      %dma_start3A_139 = tpu.memref_slice %arg9[%dma_start3A_137, %dma_start3A_138] : memref<64x64xbf16, #tpu.memory_space<vmem>> -> memref<64x64xbf16, #tpu.memory_space<vmem>>
      %dma_start3A_140 = arith.constant 0 : i32
      %dma_start3A_141 = tpu.memref_slice %arg15[%add3A_15, %dma_start3A_140] : memref<10240x64xbf16, #tpu.memory_space<vmem_shared>> -> memref<64x64xbf16, #tpu.memory_space<vmem_shared>>
      %dma_start3A_142 = arith.constant 0 : i32
      %dma_start3A_143 = tpu.memref_slice %arg15[%add3A_15, %dma_start3A_142] : memref<10240x64xbf16, #tpu.memory_space<vmem_shared>> -> memref<64x64xbf16, #tpu.memory_space<vmem_shared>>
      %dma_start3A_144 = arith.constant 0 : i32
      %dma_start3A_145 = arith.constant 0 : i32
      %dma_start3A_146 = tpu.memref_slice %arg9[%dma_start3A_144, %dma_start3A_145] : memref<64x64xbf16, #tpu.memory_space<vmem>> -> memref<64x64xbf16, #tpu.memory_space<vmem>>
      tpu.enqueue_dma source(%dma_start3A_146 : memref<64x64xbf16, #tpu.memory_space<vmem>>) target(%dma_start3A_143 : memref<64x64xbf16, #tpu.memory_space<vmem_shared>>) target_semaphore(%run_scoped3A : memref<!tpu.dma_semaphore, #tpu.memory_space<semaphore_mem>>)
      %dma_wait3A_147 = arith.constant 0 : i32
      %dma_wait3A_148 = arith.constant 0 : i32
      %dma_wait3A_149 = tpu.memref_slice %arg9[%dma_wait3A_147, %dma_wait3A_148] : memref<64x64xbf16, #tpu.memory_space<vmem>> -> memref<64x64xbf16, #tpu.memory_space<vmem>>
      %dma_wait3A_150 = arith.constant 0 : i32
      %dma_wait3A_151 = tpu.memref_slice %arg15[%add3A_15, %dma_wait3A_150] : memref<10240x64xbf16, #tpu.memory_space<vmem_shared>> -> memref<64x64xbf16, #tpu.memory_space<vmem_shared>>
      %dma_wait3A_152 = arith.constant 0 : i32
      %dma_wait3A_153 = tpu.memref_slice %arg15[%add3A_15, %dma_wait3A_152] : memref<10240x64xbf16, #tpu.memory_space<vmem_shared>> -> memref<64x64xbf16, #tpu.memory_space<vmem_shared>>
      %dma_wait3A_154 = arith.constant 0 : i32
      %dma_wait3A_155 = arith.constant 0 : i32
      %dma_wait3A_156 = tpu.memref_slice %arg9[%dma_wait3A_154, %dma_wait3A_155] : memref<64x64xbf16, #tpu.memory_space<vmem>> -> memref<64x64xbf16, #tpu.memory_space<vmem>>
      tpu.wait_dma2 semaphore(%run_scoped3A : memref<!tpu.dma_semaphore, #tpu.memory_space<semaphore_mem>>) src(%dma_wait3A_156 : memref<64x64xbf16, #tpu.memory_space<vmem>>) dst(%dma_wait3A_153 : memref<64x64xbf16, #tpu.memory_space<vmem_shared>>)
      tpu.yield
    }) : () -> ()
    %mul3A_16 = arith.constant 640 : i32
    %mul3A_17 = arith.muli %arg1, %mul3A_16 : i32
    %add3A_18 = arith.constant 128 : i32
    %add3A_19 = arith.addi %mul3A_17, %add3A_18 : i32
    "tpu.region"() ({
      %run_scoped3A = tpu.sem_alloc : memref<!tpu.dma_semaphore, #tpu.memory_space<semaphore_mem>>
      %dma_start3A_137 = arith.constant 0 : i32
      %dma_start3A_138 = arith.constant 0 : i32
      %dma_start3A_139 = tpu.memref_slice %arg9[%dma_start3A_137, %dma_start3A_138] : memref<64x64xbf16, #tpu.memory_space<vmem>> -> memref<64x64xbf16, #tpu.memory_space<vmem>>
      %dma_start3A_140 = arith.constant 0 : i32
      %dma_start3A_141 = tpu.memref_slice %arg15[%add3A_19, %dma_start3A_140] : memref<10240x64xbf16, #tpu.memory_space<vmem_shared>> -> memref<64x64xbf16, #tpu.memory_space<vmem_shared>>
      %dma_start3A_142 = arith.constant 0 : i32
      %dma_start3A_143 = tpu.memref_slice %arg15[%add3A_19, %dma_start3A_142] : memref<10240x64xbf16, #tpu.memory_space<vmem_shared>> -> memref<64x64xbf16, #tpu.memory_space<vmem_shared>>
      %dma_start3A_144 = arith.constant 0 : i32
      %dma_start3A_145 = arith.constant 0 : i32
      %dma_start3A_146 = tpu.memref_slice %arg9[%dma_start3A_144, %dma_start3A_145] : memref<64x64xbf16, #tpu.memory_space<vmem>> -> memref<64x64xbf16, #tpu.memory_space<vmem>>
      tpu.enqueue_dma source(%dma_start3A_146 : memref<64x64xbf16, #tpu.memory_space<vmem>>) target(%dma_start3A_143 : memref<64x64xbf16, #tpu.memory_space<vmem_shared>>) target_semaphore(%run_scoped3A : memref<!tpu.dma_semaphore, #tpu.memory_space<semaphore_mem>>)
      %dma_wait3A_147 = arith.constant 0 : i32
      %dma_wait3A_148 = arith.constant 0 : i32
      %dma_wait3A_149 = tpu.memref_slice %arg9[%dma_wait3A_147, %dma_wait3A_148] : memref<64x64xbf16, #tpu.memory_space<vmem>> -> memref<64x64xbf16, #tpu.memory_space<vmem>>
      %dma_wait3A_150 = arith.constant 0 : i32
      %dma_wait3A_151 = tpu.memref_slice %arg15[%add3A_19, %dma_wait3A_150] : memref<10240x64xbf16, #tpu.memory_space<vmem_shared>> -> memref<64x64xbf16, #tpu.memory_space<vmem_shared>>
      %dma_wait3A_152 = arith.constant 0 : i32
      %dma_wait3A_153 = tpu.memref_slice %arg15[%add3A_19, %dma_wait3A_152] : memref<10240x64xbf16, #tpu.memory_space<vmem_shared>> -> memref<64x64xbf16, #tpu.memory_space<vmem_shared>>
      %dma_wait3A_154 = arith.constant 0 : i32
      %dma_wait3A_155 = arith.constant 0 : i32
      %dma_wait3A_156 = tpu.memref_slice %arg9[%dma_wait3A_154, %dma_wait3A_155] : memref<64x64xbf16, #tpu.memory_space<vmem>> -> memref<64x64xbf16, #tpu.memory_space<vmem>>
      tpu.wait_dma2 semaphore(%run_scoped3A : memref<!tpu.dma_semaphore, #tpu.memory_space<semaphore_mem>>) src(%dma_wait3A_156 : memref<64x64xbf16, #tpu.memory_space<vmem>>) dst(%dma_wait3A_153 : memref<64x64xbf16, #tpu.memory_space<vmem_shared>>)
      tpu.yield
    }) : () -> ()
    %mul3A_20 = arith.constant 640 : i32
    %mul3A_21 = arith.muli %arg1, %mul3A_20 : i32
    %add3A_22 = arith.constant 192 : i32
    %add3A_23 = arith.addi %mul3A_21, %add3A_22 : i32
    "tpu.region"() ({
      %run_scoped3A = tpu.sem_alloc : memref<!tpu.dma_semaphore, #tpu.memory_space<semaphore_mem>>
      %dma_start3A_137 = arith.constant 0 : i32
      %dma_start3A_138 = arith.constant 0 : i32
      %dma_start3A_139 = tpu.memref_slice %arg9[%dma_start3A_137, %dma_start3A_138] : memref<64x64xbf16, #tpu.memory_space<vmem>> -> memref<64x64xbf16, #tpu.memory_space<vmem>>
      %dma_start3A_140 = arith.constant 0 : i32
      %dma_start3A_141 = tpu.memref_slice %arg15[%add3A_23, %dma_start3A_140] : memref<10240x64xbf16, #tpu.memory_space<vmem_shared>> -> memref<64x64xbf16, #tpu.memory_space<vmem_shared>>
      %dma_start3A_142 = arith.constant 0 : i32
      %dma_start3A_143 = tpu.memref_slice %arg15[%add3A_23, %dma_start3A_142] : memref<10240x64xbf16, #tpu.memory_space<vmem_shared>> -> memref<64x64xbf16, #tpu.memory_space<vmem_shared>>
      %dma_start3A_144 = arith.constant 0 : i32
      %dma_start3A_145 = arith.constant 0 : i32
      %dma_start3A_146 = tpu.memref_slice %arg9[%dma_start3A_144, %dma_start3A_145] : memref<64x64xbf16, #tpu.memory_space<vmem>> -> memref<64x64xbf16, #tpu.memory_space<vmem>>
      tpu.enqueue_dma source(%dma_start3A_146 : memref<64x64xbf16, #tpu.memory_space<vmem>>) target(%dma_start3A_143 : memref<64x64xbf16, #tpu.memory_space<vmem_shared>>) target_semaphore(%run_scoped3A : memref<!tpu.dma_semaphore, #tpu.memory_space<semaphore_mem>>)
      %dma_wait3A_147 = arith.constant 0 : i32
      %dma_wait3A_148 = arith.constant 0 : i32
      %dma_wait3A_149 = tpu.memref_slice %arg9[%dma_wait3A_147, %dma_wait3A_148] : memref<64x64xbf16, #tpu.memory_space<vmem>> -> memref<64x64xbf16, #tpu.memory_space<vmem>>
      %dma_wait3A_150 = arith.constant 0 : i32
      %dma_wait3A_151 = tpu.memref_slice %arg15[%add3A_23, %dma_wait3A_150] : memref<10240x64xbf16, #tpu.memory_space<vmem_shared>> -> memref<64x64xbf16, #tpu.memory_space<vmem_shared>>
      %dma_wait3A_152 = arith.constant 0 : i32
      %dma_wait3A_153 = tpu.memref_slice %arg15[%add3A_23, %dma_wait3A_152] : memref<10240x64xbf16, #tpu.memory_space<vmem_shared>> -> memref<64x64xbf16, #tpu.memory_space<vmem_shared>>
      %dma_wait3A_154 = arith.constant 0 : i32
      %dma_wait3A_155 = arith.constant 0 : i32
      %dma_wait3A_156 = tpu.memref_slice %arg9[%dma_wait3A_154, %dma_wait3A_155] : memref<64x64xbf16, #tpu.memory_space<vmem>> -> memref<64x64xbf16, #tpu.memory_space<vmem>>
      tpu.wait_dma2 semaphore(%run_scoped3A : memref<!tpu.dma_semaphore, #tpu.memory_space<semaphore_mem>>) src(%dma_wait3A_156 : memref<64x64xbf16, #tpu.memory_space<vmem>>) dst(%dma_wait3A_153 : memref<64x64xbf16, #tpu.memory_space<vmem_shared>>)
      tpu.yield
    }) : () -> ()
    %mul3A_24 = arith.constant 640 : i32
    %mul3A_25 = arith.muli %arg1, %mul3A_24 : i32
    %add3A_26 = arith.constant 256 : i32
    %add3A_27 = arith.addi %mul3A_25, %add3A_26 : i32
    "tpu.region"() ({
      %run_scoped3A = tpu.sem_alloc : memref<!tpu.dma_semaphore, #tpu.memory_space<semaphore_mem>>
      %dma_start3A_137 = arith.constant 0 : i32
      %dma_start3A_138 = arith.constant 0 : i32
      %dma_start3A_139 = tpu.memref_slice %arg9[%dma_start3A_137, %dma_start3A_138] : memref<64x64xbf16, #tpu.memory_space<vmem>> -> memref<64x64xbf16, #tpu.memory_space<vmem>>
      %dma_start3A_140 = arith.constant 0 : i32
      %dma_start3A_141 = tpu.memref_slice %arg15[%add3A_27, %dma_start3A_140] : memref<10240x64xbf16, #tpu.memory_space<vmem_shared>> -> memref<64x64xbf16, #tpu.memory_space<vmem_shared>>
      %dma_start3A_142 = arith.constant 0 : i32
      %dma_start3A_143 = tpu.memref_slice %arg15[%add3A_27, %dma_start3A_142] : memref<10240x64xbf16, #tpu.memory_space<vmem_shared>> -> memref<64x64xbf16, #tpu.memory_space<vmem_shared>>
      %dma_start3A_144 = arith.constant 0 : i32
      %dma_start3A_145 = arith.constant 0 : i32
      %dma_start3A_146 = tpu.memref_slice %arg9[%dma_start3A_144, %dma_start3A_145] : memref<64x64xbf16, #tpu.memory_space<vmem>> -> memref<64x64xbf16, #tpu.memory_space<vmem>>
      tpu.enqueue_dma source(%dma_start3A_146 : memref<64x64xbf16, #tpu.memory_space<vmem>>) target(%dma_start3A_143 : memref<64x64xbf16, #tpu.memory_space<vmem_shared>>) target_semaphore(%run_scoped3A : memref<!tpu.dma_semaphore, #tpu.memory_space<semaphore_mem>>)
      %dma_wait3A_147 = arith.constant 0 : i32
      %dma_wait3A_148 = arith.constant 0 : i32
      %dma_wait3A_149 = tpu.memref_slice %arg9[%dma_wait3A_147, %dma_wait3A_148] : memref<64x64xbf16, #tpu.memory_space<vmem>> -> memref<64x64xbf16, #tpu.memory_space<vmem>>
      %dma_wait3A_150 = arith.constant 0 : i32
      %dma_wait3A_151 = tpu.memref_slice %arg15[%add3A_27, %dma_wait3A_150] : memref<10240x64xbf16, #tpu.memory_space<vmem_shared>> -> memref<64x64xbf16, #tpu.memory_space<vmem_shared>>
      %dma_wait3A_152 = arith.constant 0 : i32
      %dma_wait3A_153 = tpu.memref_slice %arg15[%add3A_27, %dma_wait3A_152] : memref<10240x64xbf16, #tpu.memory_space<vmem_shared>> -> memref<64x64xbf16, #tpu.memory_space<vmem_shared>>
      %dma_wait3A_154 = arith.constant 0 : i32
      %dma_wait3A_155 = arith.constant 0 : i32
      %dma_wait3A_156 = tpu.memref_slice %arg9[%dma_wait3A_154, %dma_wait3A_155] : memref<64x64xbf16, #tpu.memory_space<vmem>> -> memref<64x64xbf16, #tpu.memory_space<vmem>>
      tpu.wait_dma2 semaphore(%run_scoped3A : memref<!tpu.dma_semaphore, #tpu.memory_space<semaphore_mem>>) src(%dma_wait3A_156 : memref<64x64xbf16, #tpu.memory_space<vmem>>) dst(%dma_wait3A_153 : memref<64x64xbf16, #tpu.memory_space<vmem_shared>>)
      tpu.yield
    }) : () -> ()
    %mul3A_28 = arith.constant 640 : i32
    %mul3A_29 = arith.muli %arg1, %mul3A_28 : i32
    %add3A_30 = arith.constant 320 : i32
    %add3A_31 = arith.addi %mul3A_29, %add3A_30 : i32
    "tpu.region"() ({
      %run_scoped3A = tpu.sem_alloc : memref<!tpu.dma_semaphore, #tpu.memory_space<semaphore_mem>>
      %dma_start3A_137 = arith.constant 0 : i32
      %dma_start3A_138 = arith.constant 0 : i32
      %dma_start3A_139 = tpu.memref_slice %arg9[%dma_start3A_137, %dma_start3A_138] : memref<64x64xbf16, #tpu.memory_space<vmem>> -> memref<64x64xbf16, #tpu.memory_space<vmem>>
      %dma_start3A_140 = arith.constant 0 : i32
      %dma_start3A_141 = tpu.memref_slice %arg15[%add3A_31, %dma_start3A_140] : memref<10240x64xbf16, #tpu.memory_space<vmem_shared>> -> memref<64x64xbf16, #tpu.memory_space<vmem_shared>>
      %dma_start3A_142 = arith.constant 0 : i32
      %dma_start3A_143 = tpu.memref_slice %arg15[%add3A_31, %dma_start3A_142] : memref<10240x64xbf16, #tpu.memory_space<vmem_shared>> -> memref<64x64xbf16, #tpu.memory_space<vmem_shared>>
      %dma_start3A_144 = arith.constant 0 : i32
      %dma_start3A_145 = arith.constant 0 : i32
      %dma_start3A_146 = tpu.memref_slice %arg9[%dma_start3A_144, %dma_start3A_145] : memref<64x64xbf16, #tpu.memory_space<vmem>> -> memref<64x64xbf16, #tpu.memory_space<vmem>>
      tpu.enqueue_dma source(%dma_start3A_146 : memref<64x64xbf16, #tpu.memory_space<vmem>>) target(%dma_start3A_143 : memref<64x64xbf16, #tpu.memory_space<vmem_shared>>) target_semaphore(%run_scoped3A : memref<!tpu.dma_semaphore, #tpu.memory_space<semaphore_mem>>)
      %dma_wait3A_147 = arith.constant 0 : i32
      %dma_wait3A_148 = arith.constant 0 : i32
      %dma_wait3A_149 = tpu.memref_slice %arg9[%dma_wait3A_147, %dma_wait3A_148] : memref<64x64xbf16, #tpu.memory_space<vmem>> -> memref<64x64xbf16, #tpu.memory_space<vmem>>
      %dma_wait3A_150 = arith.constant 0 : i32
      %dma_wait3A_151 = tpu.memref_slice %arg15[%add3A_31, %dma_wait3A_150] : memref<10240x64xbf16, #tpu.memory_space<vmem_shared>> -> memref<64x64xbf16, #tpu.memory_space<vmem_shared>>
      %dma_wait3A_152 = arith.constant 0 : i32
      %dma_wait3A_153 = tpu.memref_slice %arg15[%add3A_31, %dma_wait3A_152] : memref<10240x64xbf16, #tpu.memory_space<vmem_shared>> -> memref<64x64xbf16, #tpu.memory_space<vmem_shared>>
      %dma_wait3A_154 = arith.constant 0 : i32
      %dma_wait3A_155 = arith.constant 0 : i32
      %dma_wait3A_156 = tpu.memref_slice %arg9[%dma_wait3A_154, %dma_wait3A_155] : memref<64x64xbf16, #tpu.memory_space<vmem>> -> memref<64x64xbf16, #tpu.memory_space<vmem>>
      tpu.wait_dma2 semaphore(%run_scoped3A : memref<!tpu.dma_semaphore, #tpu.memory_space<semaphore_mem>>) src(%dma_wait3A_156 : memref<64x64xbf16, #tpu.memory_space<vmem>>) dst(%dma_wait3A_153 : memref<64x64xbf16, #tpu.memory_space<vmem_shared>>)
      tpu.yield
    }) : () -> ()
    %mul3A_32 = arith.constant 640 : i32
    %mul3A_33 = arith.muli %arg1, %mul3A_32 : i32
    %add3A_34 = arith.constant 384 : i32
    %add3A_35 = arith.addi %mul3A_33, %add3A_34 : i32
    "tpu.region"() ({
      %run_scoped3A = tpu.sem_alloc : memref<!tpu.dma_semaphore, #tpu.memory_space<semaphore_mem>>
      %dma_start3A_137 = arith.constant 0 : i32
      %dma_start3A_138 = arith.constant 0 : i32
      %dma_start3A_139 = tpu.memref_slice %arg9[%dma_start3A_137, %dma_start3A_138] : memref<64x64xbf16, #tpu.memory_space<vmem>> -> memref<64x64xbf16, #tpu.memory_space<vmem>>
      %dma_start3A_140 = arith.constant 0 : i32
      %dma_start3A_141 = tpu.memref_slice %arg15[%add3A_35, %dma_start3A_140] : memref<10240x64xbf16, #tpu.memory_space<vmem_shared>> -> memref<64x64xbf16, #tpu.memory_space<vmem_shared>>
      %dma_start3A_142 = arith.constant 0 : i32
      %dma_start3A_143 = tpu.memref_slice %arg15[%add3A_35, %dma_start3A_142] : memref<10240x64xbf16, #tpu.memory_space<vmem_shared>> -> memref<64x64xbf16, #tpu.memory_space<vmem_shared>>
      %dma_start3A_144 = arith.constant 0 : i32
      %dma_start3A_145 = arith.constant 0 : i32
      %dma_start3A_146 = tpu.memref_slice %arg9[%dma_start3A_144, %dma_start3A_145] : memref<64x64xbf16, #tpu.memory_space<vmem>> -> memref<64x64xbf16, #tpu.memory_space<vmem>>
      tpu.enqueue_dma source(%dma_start3A_146 : memref<64x64xbf16, #tpu.memory_space<vmem>>) target(%dma_start3A_143 : memref<64x64xbf16, #tpu.memory_space<vmem_shared>>) target_semaphore(%run_scoped3A : memref<!tpu.dma_semaphore, #tpu.memory_space<semaphore_mem>>)
      %dma_wait3A_147 = arith.constant 0 : i32
      %dma_wait3A_148 = arith.constant 0 : i32
      %dma_wait3A_149 = tpu.memref_slice %arg9[%dma_wait3A_147, %dma_wait3A_148] : memref<64x64xbf16, #tpu.memory_space<vmem>> -> memref<64x64xbf16, #tpu.memory_space<vmem>>
      %dma_wait3A_150 = arith.constant 0 : i32
      %dma_wait3A_151 = tpu.memref_slice %arg15[%add3A_35, %dma_wait3A_150] : memref<10240x64xbf16, #tpu.memory_space<vmem_shared>> -> memref<64x64xbf16, #tpu.memory_space<vmem_shared>>
      %dma_wait3A_152 = arith.constant 0 : i32
      %dma_wait3A_153 = tpu.memref_slice %arg15[%add3A_35, %dma_wait3A_152] : memref<10240x64xbf16, #tpu.memory_space<vmem_shared>> -> memref<64x64xbf16, #tpu.memory_space<vmem_shared>>
      %dma_wait3A_154 = arith.constant 0 : i32
      %dma_wait3A_155 = arith.constant 0 : i32
      %dma_wait3A_156 = tpu.memref_slice %arg9[%dma_wait3A_154, %dma_wait3A_155] : memref<64x64xbf16, #tpu.memory_space<vmem>> -> memref<64x64xbf16, #tpu.memory_space<vmem>>
      tpu.wait_dma2 semaphore(%run_scoped3A : memref<!tpu.dma_semaphore, #tpu.memory_space<semaphore_mem>>) src(%dma_wait3A_156 : memref<64x64xbf16, #tpu.memory_space<vmem>>) dst(%dma_wait3A_153 : memref<64x64xbf16, #tpu.memory_space<vmem_shared>>)
      tpu.yield
    }) : () -> ()
    %mul3A_36 = arith.constant 640 : i32
    %mul3A_37 = arith.muli %arg1, %mul3A_36 : i32
    %add3A_38 = arith.constant 448 : i32
    %add3A_39 = arith.addi %mul3A_37, %add3A_38 : i32
    "tpu.region"() ({
      %run_scoped3A = tpu.sem_alloc : memref<!tpu.dma_semaphore, #tpu.memory_space<semaphore_mem>>
      %dma_start3A_137 = arith.constant 0 : i32
      %dma_start3A_138 = arith.constant 0 : i32
      %dma_start3A_139 = tpu.memref_slice %arg9[%dma_start3A_137, %dma_start3A_138] : memref<64x64xbf16, #tpu.memory_space<vmem>> -> memref<64x64xbf16, #tpu.memory_space<vmem>>
      %dma_start3A_140 = arith.constant 0 : i32
      %dma_start3A_141 = tpu.memref_slice %arg15[%add3A_39, %dma_start3A_140] : memref<10240x64xbf16, #tpu.memory_space<vmem_shared>> -> memref<64x64xbf16, #tpu.memory_space<vmem_shared>>
      %dma_start3A_142 = arith.constant 0 : i32
      %dma_start3A_143 = tpu.memref_slice %arg15[%add3A_39, %dma_start3A_142] : memref<10240x64xbf16, #tpu.memory_space<vmem_shared>> -> memref<64x64xbf16, #tpu.memory_space<vmem_shared>>
      %dma_start3A_144 = arith.constant 0 : i32
      %dma_start3A_145 = arith.constant 0 : i32
      %dma_start3A_146 = tpu.memref_slice %arg9[%dma_start3A_144, %dma_start3A_145] : memref<64x64xbf16, #tpu.memory_space<vmem>> -> memref<64x64xbf16, #tpu.memory_space<vmem>>
      tpu.enqueue_dma source(%dma_start3A_146 : memref<64x64xbf16, #tpu.memory_space<vmem>>) target(%dma_start3A_143 : memref<64x64xbf16, #tpu.memory_space<vmem_shared>>) target_semaphore(%run_scoped3A : memref<!tpu.dma_semaphore, #tpu.memory_space<semaphore_mem>>)
      %dma_wait3A_147 = arith.constant 0 : i32
      %dma_wait3A_148 = arith.constant 0 : i32
      %dma_wait3A_149 = tpu.memref_slice %arg9[%dma_wait3A_147, %dma_wait3A_148] : memref<64x64xbf16, #tpu.memory_space<vmem>> -> memref<64x64xbf16, #tpu.memory_space<vmem>>
      %dma_wait3A_150 = arith.constant 0 : i32
      %dma_wait3A_151 = tpu.memref_slice %arg15[%add3A_39, %dma_wait3A_150] : memref<10240x64xbf16, #tpu.memory_space<vmem_shared>> -> memref<64x64xbf16, #tpu.memory_space<vmem_shared>>
      %dma_wait3A_152 = arith.constant 0 : i32
      %dma_wait3A_153 = tpu.memref_slice %arg15[%add3A_39, %dma_wait3A_152] : memref<10240x64xbf16, #tpu.memory_space<vmem_shared>> -> memref<64x64xbf16, #tpu.memory_space<vmem_shared>>
      %dma_wait3A_154 = arith.constant 0 : i32
      %dma_wait3A_155 = arith.constant 0 : i32
      %dma_wait3A_156 = tpu.memref_slice %arg9[%dma_wait3A_154, %dma_wait3A_155] : memref<64x64xbf16, #tpu.memory_space<vmem>> -> memref<64x64xbf16, #tpu.memory_space<vmem>>
      tpu.wait_dma2 semaphore(%run_scoped3A : memref<!tpu.dma_semaphore, #tpu.memory_space<semaphore_mem>>) src(%dma_wait3A_156 : memref<64x64xbf16, #tpu.memory_space<vmem>>) dst(%dma_wait3A_153 : memref<64x64xbf16, #tpu.memory_space<vmem_shared>>)
      tpu.yield
    }) : () -> ()
    %mul3A_40 = arith.constant 640 : i32
    %mul3A_41 = arith.muli %arg1, %mul3A_40 : i32
    %add3A_42 = arith.constant 512 : i32
    %add3A_43 = arith.addi %mul3A_41, %add3A_42 : i32
    "tpu.region"() ({
      %run_scoped3A = tpu.sem_alloc : memref<!tpu.dma_semaphore, #tpu.memory_space<semaphore_mem>>
      %dma_start3A_137 = arith.constant 0 : i32
      %dma_start3A_138 = arith.constant 0 : i32
      %dma_start3A_139 = tpu.memref_slice %arg9[%dma_start3A_137, %dma_start3A_138] : memref<64x64xbf16, #tpu.memory_space<vmem>> -> memref<64x64xbf16, #tpu.memory_space<vmem>>
      %dma_start3A_140 = arith.constant 0 : i32
      %dma_start3A_141 = tpu.memref_slice %arg15[%add3A_43, %dma_start3A_140] : memref<10240x64xbf16, #tpu.memory_space<vmem_shared>> -> memref<64x64xbf16, #tpu.memory_space<vmem_shared>>
      %dma_start3A_142 = arith.constant 0 : i32
      %dma_start3A_143 = tpu.memref_slice %arg15[%add3A_43, %dma_start3A_142] : memref<10240x64xbf16, #tpu.memory_space<vmem_shared>> -> memref<64x64xbf16, #tpu.memory_space<vmem_shared>>
      %dma_start3A_144 = arith.constant 0 : i32
      %dma_start3A_145 = arith.constant 0 : i32
      %dma_start3A_146 = tpu.memref_slice %arg9[%dma_start3A_144, %dma_start3A_145] : memref<64x64xbf16, #tpu.memory_space<vmem>> -> memref<64x64xbf16, #tpu.memory_space<vmem>>
      tpu.enqueue_dma source(%dma_start3A_146 : memref<64x64xbf16, #tpu.memory_space<vmem>>) target(%dma_start3A_143 : memref<64x64xbf16, #tpu.memory_space<vmem_shared>>) target_semaphore(%run_scoped3A : memref<!tpu.dma_semaphore, #tpu.memory_space<semaphore_mem>>)
      %dma_wait3A_147 = arith.constant 0 : i32
      %dma_wait3A_148 = arith.constant 0 : i32
      %dma_wait3A_149 = tpu.memref_slice %arg9[%dma_wait3A_147, %dma_wait3A_148] : memref<64x64xbf16, #tpu.memory_space<vmem>> -> memref<64x64xbf16, #tpu.memory_space<vmem>>
      %dma_wait3A_150 = arith.constant 0 : i32
      %dma_wait3A_151 = tpu.memref_slice %arg15[%add3A_43, %dma_wait3A_150] : memref<10240x64xbf16, #tpu.memory_space<vmem_shared>> -> memref<64x64xbf16, #tpu.memory_space<vmem_shared>>
      %dma_wait3A_152 = arith.constant 0 : i32
      %dma_wait3A_153 = tpu.memref_slice %arg15[%add3A_43, %dma_wait3A_152] : memref<10240x64xbf16, #tpu.memory_space<vmem_shared>> -> memref<64x64xbf16, #tpu.memory_space<vmem_shared>>
      %dma_wait3A_154 = arith.constant 0 : i32
      %dma_wait3A_155 = arith.constant 0 : i32
      %dma_wait3A_156 = tpu.memref_slice %arg9[%dma_wait3A_154, %dma_wait3A_155] : memref<64x64xbf16, #tpu.memory_space<vmem>> -> memref<64x64xbf16, #tpu.memory_space<vmem>>
      tpu.wait_dma2 semaphore(%run_scoped3A : memref<!tpu.dma_semaphore, #tpu.memory_space<semaphore_mem>>) src(%dma_wait3A_156 : memref<64x64xbf16, #tpu.memory_space<vmem>>) dst(%dma_wait3A_153 : memref<64x64xbf16, #tpu.memory_space<vmem_shared>>)
      tpu.yield
    }) : () -> ()
    %mul3A_44 = arith.constant 640 : i32
    %mul3A_45 = arith.muli %arg1, %mul3A_44 : i32
    %add3A_46 = arith.constant 576 : i32
    %add3A_47 = arith.addi %mul3A_45, %add3A_46 : i32
    "tpu.region"() ({
      %run_scoped3A = tpu.sem_alloc : memref<!tpu.dma_semaphore, #tpu.memory_space<semaphore_mem>>
      %dma_start3A_137 = arith.constant 0 : i32
      %dma_start3A_138 = arith.constant 0 : i32
      %dma_start3A_139 = tpu.memref_slice %arg9[%dma_start3A_137, %dma_start3A_138] : memref<64x64xbf16, #tpu.memory_space<vmem>> -> memref<64x64xbf16, #tpu.memory_space<vmem>>
      %dma_start3A_140 = arith.constant 0 : i32
      %dma_start3A_141 = tpu.memref_slice %arg15[%add3A_47, %dma_start3A_140] : memref<10240x64xbf16, #tpu.memory_space<vmem_shared>> -> memref<64x64xbf16, #tpu.memory_space<vmem_shared>>
      %dma_start3A_142 = arith.constant 0 : i32
      %dma_start3A_143 = tpu.memref_slice %arg15[%add3A_47, %dma_start3A_142] : memref<10240x64xbf16, #tpu.memory_space<vmem_shared>> -> memref<64x64xbf16, #tpu.memory_space<vmem_shared>>
      %dma_start3A_144 = arith.constant 0 : i32
      %dma_start3A_145 = arith.constant 0 : i32
      %dma_start3A_146 = tpu.memref_slice %arg9[%dma_start3A_144, %dma_start3A_145] : memref<64x64xbf16, #tpu.memory_space<vmem>> -> memref<64x64xbf16, #tpu.memory_space<vmem>>
      tpu.enqueue_dma source(%dma_start3A_146 : memref<64x64xbf16, #tpu.memory_space<vmem>>) target(%dma_start3A_143 : memref<64x64xbf16, #tpu.memory_space<vmem_shared>>) target_semaphore(%run_scoped3A : memref<!tpu.dma_semaphore, #tpu.memory_space<semaphore_mem>>)
      %dma_wait3A_147 = arith.constant 0 : i32
      %dma_wait3A_148 = arith.constant 0 : i32
      %dma_wait3A_149 = tpu.memref_slice %arg9[%dma_wait3A_147, %dma_wait3A_148] : memref<64x64xbf16, #tpu.memory_space<vmem>> -> memref<64x64xbf16, #tpu.memory_space<vmem>>
      %dma_wait3A_150 = arith.constant 0 : i32
      %dma_wait3A_151 = tpu.memref_slice %arg15[%add3A_47, %dma_wait3A_150] : memref<10240x64xbf16, #tpu.memory_space<vmem_shared>> -> memref<64x64xbf16, #tpu.memory_space<vmem_shared>>
      %dma_wait3A_152 = arith.constant 0 : i32
      %dma_wait3A_153 = tpu.memref_slice %arg15[%add3A_47, %dma_wait3A_152] : memref<10240x64xbf16, #tpu.memory_space<vmem_shared>> -> memref<64x64xbf16, #tpu.memory_space<vmem_shared>>
      %dma_wait3A_154 = arith.constant 0 : i32
      %dma_wait3A_155 = arith.constant 0 : i32
      %dma_wait3A_156 = tpu.memref_slice %arg9[%dma_wait3A_154, %dma_wait3A_155] : memref<64x64xbf16, #tpu.memory_space<vmem>> -> memref<64x64xbf16, #tpu.memory_space<vmem>>
      tpu.wait_dma2 semaphore(%run_scoped3A : memref<!tpu.dma_semaphore, #tpu.memory_space<semaphore_mem>>) src(%dma_wait3A_156 : memref<64x64xbf16, #tpu.memory_space<vmem>>) dst(%dma_wait3A_153 : memref<64x64xbf16, #tpu.memory_space<vmem_shared>>)
      tpu.yield
    }) : () -> ()
    %barrier3A = arith.constant 0 : index
    tpu.barrier barrier_id(%barrier3A)
    %dma_start3A = arith.constant 0 : i32
    %dma_start3A_48 = arith.constant 0 : i32
    %dma_start3A_49 = tpu.memref_slice %arg7[%dma_start3A, %dma_start3A_48] : memref<168x64xi32, #tpu.memory_space<vmem>> -> memref<1x64xi32, #tpu.memory_space<vmem>>
    %dma_start3A_50 = tpu.memref_squeeze %dma_start3A_49 : memref<1x64xi32, #tpu.memory_space<vmem>> -> memref<64xi32, #tpu.memory_space<vmem>>
    %dma_start3A_51 = arith.constant 0 : i32
    %dma_start3A_52 = arith.constant 0 : i32
    %dma_start3A_53 = tpu.memref_slice %arg4[%dma_start3A_51, %dma_start3A_52] : memref<20000x64xbf16, #tpu.memory_space<hbm>> -> memref<20000x64xbf16, #tpu.memory_space<hbm>>
    tpu.enqueue_indirect_dma source(%dma_start3A_53 : memref<20000x64xbf16, #tpu.memory_space<hbm>>) target(%arg9 : memref<64x64xbf16, #tpu.memory_space<vmem>>) offsets(%dma_start3A_50 : memref<64xi32, #tpu.memory_space<vmem>>) semaphore(%arg16 : memref<!tpu.dma_semaphore, #tpu.memory_space<semaphore_mem>>)
    %dma_start3A_54 = arith.constant 1 : i32
    %dma_start3A_55 = arith.constant 0 : i32
    %dma_start3A_56 = tpu.memref_slice %arg7[%dma_start3A_54, %dma_start3A_55] : memref<168x64xi32, #tpu.memory_space<vmem>> -> memref<1x64xi32, #tpu.memory_space<vmem>>
    %dma_start3A_57 = tpu.memref_squeeze %dma_start3A_56 : memref<1x64xi32, #tpu.memory_space<vmem>> -> memref<64xi32, #tpu.memory_space<vmem>>
    %dma_start3A_58 = arith.constant 0 : i32
    %dma_start3A_59 = arith.constant 0 : i32
    %dma_start3A_60 = tpu.memref_slice %arg4[%dma_start3A_58, %dma_start3A_59] : memref<20000x64xbf16, #tpu.memory_space<hbm>> -> memref<20000x64xbf16, #tpu.memory_space<hbm>>
    tpu.enqueue_indirect_dma source(%dma_start3A_60 : memref<20000x64xbf16, #tpu.memory_space<hbm>>) target(%arg10 : memref<64x64xbf16, #tpu.memory_space<vmem>>) offsets(%dma_start3A_57 : memref<64xi32, #tpu.memory_space<vmem>>) semaphore(%arg17 : memref<!tpu.dma_semaphore, #tpu.memory_space<semaphore_mem>>)
    %dma_start3A_61 = arith.constant 2 : i32
    %dma_start3A_62 = arith.constant 0 : i32
    %dma_start3A_63 = tpu.memref_slice %arg7[%dma_start3A_61, %dma_start3A_62] : memref<168x64xi32, #tpu.memory_space<vmem>> -> memref<1x64xi32, #tpu.memory_space<vmem>>
    %dma_start3A_64 = tpu.memref_squeeze %dma_start3A_63 : memref<1x64xi32, #tpu.memory_space<vmem>> -> memref<64xi32, #tpu.memory_space<vmem>>
    %dma_start3A_65 = arith.constant 0 : i32
    %dma_start3A_66 = arith.constant 0 : i32
    %dma_start3A_67 = tpu.memref_slice %arg4[%dma_start3A_65, %dma_start3A_66] : memref<20000x64xbf16, #tpu.memory_space<hbm>> -> memref<20000x64xbf16, #tpu.memory_space<hbm>>
    tpu.enqueue_indirect_dma source(%dma_start3A_67 : memref<20000x64xbf16, #tpu.memory_space<hbm>>) target(%arg11 : memref<64x64xbf16, #tpu.memory_space<vmem>>) offsets(%dma_start3A_64 : memref<64xi32, #tpu.memory_space<vmem>>) semaphore(%arg18 : memref<!tpu.dma_semaphore, #tpu.memory_space<semaphore_mem>>)
    %dma_start3A_68 = arith.constant 3 : i32
    %dma_start3A_69 = arith.constant 0 : i32
    %dma_start3A_70 = tpu.memref_slice %arg7[%dma_start3A_68, %dma_start3A_69] : memref<168x64xi32, #tpu.memory_space<vmem>> -> memref<1x64xi32, #tpu.memory_space<vmem>>
    %dma_start3A_71 = tpu.memref_squeeze %dma_start3A_70 : memref<1x64xi32, #tpu.memory_space<vmem>> -> memref<64xi32, #tpu.memory_space<vmem>>
    %dma_start3A_72 = arith.constant 0 : i32
    %dma_start3A_73 = arith.constant 0 : i32
    %dma_start3A_74 = tpu.memref_slice %arg4[%dma_start3A_72, %dma_start3A_73] : memref<20000x64xbf16, #tpu.memory_space<hbm>> -> memref<20000x64xbf16, #tpu.memory_space<hbm>>
    tpu.enqueue_indirect_dma source(%dma_start3A_74 : memref<20000x64xbf16, #tpu.memory_space<hbm>>) target(%arg12 : memref<64x64xbf16, #tpu.memory_space<vmem>>) offsets(%dma_start3A_71 : memref<64xi32, #tpu.memory_space<vmem>>) semaphore(%arg19 : memref<!tpu.dma_semaphore, #tpu.memory_space<semaphore_mem>>)
    %dma_start3A_75 = arith.constant 4 : i32
    %dma_start3A_76 = arith.constant 0 : i32
    %dma_start3A_77 = tpu.memref_slice %arg7[%dma_start3A_75, %dma_start3A_76] : memref<168x64xi32, #tpu.memory_space<vmem>> -> memref<1x64xi32, #tpu.memory_space<vmem>>
    %dma_start3A_78 = tpu.memref_squeeze %dma_start3A_77 : memref<1x64xi32, #tpu.memory_space<vmem>> -> memref<64xi32, #tpu.memory_space<vmem>>
    %dma_start3A_79 = arith.constant 0 : i32
    %dma_start3A_80 = arith.constant 0 : i32
    %dma_start3A_81 = tpu.memref_slice %arg4[%dma_start3A_79, %dma_start3A_80] : memref<20000x64xbf16, #tpu.memory_space<hbm>> -> memref<20000x64xbf16, #tpu.memory_space<hbm>>
    tpu.enqueue_indirect_dma source(%dma_start3A_81 : memref<20000x64xbf16, #tpu.memory_space<hbm>>) target(%arg13 : memref<64x64xbf16, #tpu.memory_space<vmem>>) offsets(%dma_start3A_78 : memref<64xi32, #tpu.memory_space<vmem>>) semaphore(%arg20 : memref<!tpu.dma_semaphore, #tpu.memory_space<semaphore_mem>>)
    %scan3A_82 = arith.constant 0 : i32
    %scan3A_83 = arith.constant 0 : i32
    %scan3A_84 = arith.constant 28 : i32
    %scan3A_85 = arith.addi %scan3A_83, %scan3A_84 : i32
    %scan3A_86 = arith.constant 1 : i32
    scf.for %scan3A_137 = %scan3A_83 to %scan3A_85 step %scan3A_86  : i32 {
      %mul3A_138 = arith.constant 6 : i32
      %mul3A_139 = arith.muli %scan3A_137, %mul3A_138 : i32
      %add3A_140 = arith.constant 0 : i32
      %add3A_141 = arith.addi %mul3A_139, %add3A_140 : i32
      %dma_wait3A_142 = arith.constant 0 : i32
      %dma_wait3A_143 = tpu.memref_slice %arg7[%add3A_141, %dma_wait3A_142] : memref<168x64xi32, #tpu.memory_space<vmem>> -> memref<1x64xi32, #tpu.memory_space<vmem>>
      %dma_wait3A_144 = tpu.memref_squeeze %dma_wait3A_143 : memref<1x64xi32, #tpu.memory_space<vmem>> -> memref<64xi32, #tpu.memory_space<vmem>>
      %dma_wait3A_145 = arith.constant 0 : i32
      %dma_wait3A_146 = arith.constant 0 : i32
      %dma_wait3A_147 = tpu.memref_slice %arg4[%dma_wait3A_145, %dma_wait3A_146] : memref<20000x64xbf16, #tpu.memory_space<hbm>> -> memref<20000x64xbf16, #tpu.memory_space<hbm>>
      tpu.wait_indirect_dma semaphore(%arg16 : memref<!tpu.dma_semaphore, #tpu.memory_space<semaphore_mem>>) src(%dma_wait3A_147 : memref<20000x64xbf16, #tpu.memory_space<hbm>>) dst(%arg9 : memref<64x64xbf16, #tpu.memory_space<vmem>>)
      %dma_start3A_148 = arith.constant 0 : i32
      %dma_start3A_149 = tpu.memref_slice %arg8[%add3A_141, %dma_start3A_148] : memref<168x64xi32, #tpu.memory_space<vmem>> -> memref<1x64xi32, #tpu.memory_space<vmem>>
      %dma_start3A_150 = tpu.memref_squeeze %dma_start3A_149 : memref<1x64xi32, #tpu.memory_space<vmem>> -> memref<64xi32, #tpu.memory_space<vmem>>
      %dma_start3A_151 = arith.constant 0 : i32
      %dma_start3A_152 = arith.constant 0 : i32
      %dma_start3A_153 = tpu.memref_slice %arg15[%dma_start3A_151, %dma_start3A_152] : memref<10240x64xbf16, #tpu.memory_space<vmem_shared>> -> memref<10240x64xbf16, #tpu.memory_space<vmem_shared>>
      tpu.enqueue_indirect_dma source(%arg9 : memref<64x64xbf16, #tpu.memory_space<vmem>>) target(%dma_start3A_153 : memref<10240x64xbf16, #tpu.memory_space<vmem_shared>>) offsets(%dma_start3A_150 : memref<64xi32, #tpu.memory_space<vmem>>) semaphore(%arg22 : memref<!tpu.dma_semaphore, #tpu.memory_space<semaphore_mem>>) {add = true}
      %add3A_154 = arith.constant 6 : i32
      %add3A_155 = arith.addi %add3A_141, %add3A_154 : i32
      %sub3A = arith.constant 1 : i32
      %sub3A_156 = arith.subi %add3A_155, %sub3A : i32
      %lt3A = arith.constant 168 : i32
      %lt3A_157 = arith.cmpi slt, %sub3A_156, %lt3A : i32
      %convert_element_type3A_158 = arith.extui %lt3A_157 : i1 to i32
      %cond3A_159 = arith.constant 0 : i32
      %cond3A_160 = arith.cmpi ne, %convert_element_type3A_158, %cond3A_159 : i32
      scf.if %cond3A_160 {
        %ge3A = arith.constant 1 : i32
        %ge3A_286 = arith.cmpi sge, %add3A_141, %ge3A : i32
        %convert_element_type3A_287 = arith.extui %ge3A_286 : i1 to i32
        %cond3A_288 = arith.constant 0 : i32
        %cond3A_289 = arith.cmpi ne, %convert_element_type3A_287, %cond3A_288 : i32
        scf.if %cond3A_289 {
          %dma_wait3A_300 = arith.constant 0 : i32
          %dma_wait3A_301 = tpu.memref_slice %arg8[%add3A_141, %dma_wait3A_300] : memref<168x64xi32, #tpu.memory_space<vmem>> -> memref<1x64xi32, #tpu.memory_space<vmem>>
          %dma_wait3A_302 = tpu.memref_squeeze %dma_wait3A_301 : memref<1x64xi32, #tpu.memory_space<vmem>> -> memref<64xi32, #tpu.memory_space<vmem>>
          %dma_wait3A_303 = arith.constant 0 : i32
          %dma_wait3A_304 = arith.constant 0 : i32
          %dma_wait3A_305 = tpu.memref_slice %arg15[%dma_wait3A_303, %dma_wait3A_304] : memref<10240x64xbf16, #tpu.memory_space<vmem_shared>> -> memref<10240x64xbf16, #tpu.memory_space<vmem_shared>>
          tpu.wait_indirect_dma semaphore(%arg27 : memref<!tpu.dma_semaphore, #tpu.memory_space<semaphore_mem>>) src(%arg14 : memref<64x64xbf16, #tpu.memory_space<vmem>>) dst(%dma_wait3A_305 : memref<10240x64xbf16, #tpu.memory_space<vmem_shared>>)
        } else {
        }
        %add3A_290 = arith.constant 6 : i32
        %add3A_291 = arith.addi %add3A_141, %add3A_290 : i32
        %sub3A_292 = arith.constant 1 : i32
        %sub3A_293 = arith.subi %add3A_291, %sub3A_292 : i32
        %dma_start3A_294 = arith.constant 0 : i32
        %dma_start3A_295 = tpu.memref_slice %arg7[%sub3A_293, %dma_start3A_294] : memref<168x64xi32, #tpu.memory_space<vmem>> -> memref<1x64xi32, #tpu.memory_space<vmem>>
        %dma_start3A_296 = tpu.memref_squeeze %dma_start3A_295 : memref<1x64xi32, #tpu.memory_space<vmem>> -> memref<64xi32, #tpu.memory_space<vmem>>
        %dma_start3A_297 = arith.constant 0 : i32
        %dma_start3A_298 = arith.constant 0 : i32
        %dma_start3A_299 = tpu.memref_slice %arg4[%dma_start3A_297, %dma_start3A_298] : memref<20000x64xbf16, #tpu.memory_space<hbm>> -> memref<20000x64xbf16, #tpu.memory_space<hbm>>
        tpu.enqueue_indirect_dma source(%dma_start3A_299 : memref<20000x64xbf16, #tpu.memory_space<hbm>>) target(%arg14 : memref<64x64xbf16, #tpu.memory_space<vmem>>) offsets(%dma_start3A_296 : memref<64xi32, #tpu.memory_space<vmem>>) semaphore(%arg21 : memref<!tpu.dma_semaphore, #tpu.memory_space<semaphore_mem>>)
      } else {
      }
      %mul3A_161 = arith.constant 6 : i32
      %mul3A_162 = arith.muli %scan3A_137, %mul3A_161 : i32
      %add3A_163 = arith.constant 1 : i32
      %add3A_164 = arith.addi %mul3A_162, %add3A_163 : i32
      %dma_wait3A_165 = arith.constant 0 : i32
      %dma_wait3A_166 = tpu.memref_slice %arg7[%add3A_164, %dma_wait3A_165] : memref<168x64xi32, #tpu.memory_space<vmem>> -> memref<1x64xi32, #tpu.memory_space<vmem>>
      %dma_wait3A_167 = tpu.memref_squeeze %dma_wait3A_166 : memref<1x64xi32, #tpu.memory_space<vmem>> -> memref<64xi32, #tpu.memory_space<vmem>>
      %dma_wait3A_168 = arith.constant 0 : i32
      %dma_wait3A_169 = arith.constant 0 : i32
      %dma_wait3A_170 = tpu.memref_slice %arg4[%dma_wait3A_168, %dma_wait3A_169] : memref<20000x64xbf16, #tpu.memory_space<hbm>> -> memref<20000x64xbf16, #tpu.memory_space<hbm>>
      tpu.wait_indirect_dma semaphore(%arg17 : memref<!tpu.dma_semaphore, #tpu.memory_space<semaphore_mem>>) src(%dma_wait3A_170 : memref<20000x64xbf16, #tpu.memory_space<hbm>>) dst(%arg10 : memref<64x64xbf16, #tpu.memory_space<vmem>>)
      %dma_start3A_171 = arith.constant 0 : i32
      %dma_start3A_172 = tpu.memref_slice %arg8[%add3A_164, %dma_start3A_171] : memref<168x64xi32, #tpu.memory_space<vmem>> -> memref<1x64xi32, #tpu.memory_space<vmem>>
      %dma_start3A_173 = tpu.memref_squeeze %dma_start3A_172 : memref<1x64xi32, #tpu.memory_space<vmem>> -> memref<64xi32, #tpu.memory_space<vmem>>
      %dma_start3A_174 = arith.constant 0 : i32
      %dma_start3A_175 = arith.constant 0 : i32
      %dma_start3A_176 = tpu.memref_slice %arg15[%dma_start3A_174, %dma_start3A_175] : memref<10240x64xbf16, #tpu.memory_space<vmem_shared>> -> memref<10240x64xbf16, #tpu.memory_space<vmem_shared>>
      tpu.enqueue_indirect_dma source(%arg10 : memref<64x64xbf16, #tpu.memory_space<vmem>>) target(%dma_start3A_176 : memref<10240x64xbf16, #tpu.memory_space<vmem_shared>>) offsets(%dma_start3A_173 : memref<64xi32, #tpu.memory_space<vmem>>) semaphore(%arg23 : memref<!tpu.dma_semaphore, #tpu.memory_space<semaphore_mem>>) {add = true}
      %add3A_177 = arith.constant 6 : i32
      %add3A_178 = arith.addi %add3A_164, %add3A_177 : i32
      %sub3A_179 = arith.constant 1 : i32
      %sub3A_180 = arith.subi %add3A_178, %sub3A_179 : i32
      %lt3A_181 = arith.constant 168 : i32
      %lt3A_182 = arith.cmpi slt, %sub3A_180, %lt3A_181 : i32
      %convert_element_type3A_183 = arith.extui %lt3A_182 : i1 to i32
      %cond3A_184 = arith.constant 0 : i32
      %cond3A_185 = arith.cmpi ne, %convert_element_type3A_183, %cond3A_184 : i32
      scf.if %cond3A_185 {
        %ge3A = arith.constant 1 : i32
        %ge3A_286 = arith.cmpi sge, %add3A_164, %ge3A : i32
        %convert_element_type3A_287 = arith.extui %ge3A_286 : i1 to i32
        %cond3A_288 = arith.constant 0 : i32
        %cond3A_289 = arith.cmpi ne, %convert_element_type3A_287, %cond3A_288 : i32
        scf.if %cond3A_289 {
          %dma_wait3A_300 = arith.constant 0 : i32
          %dma_wait3A_301 = tpu.memref_slice %arg8[%add3A_164, %dma_wait3A_300] : memref<168x64xi32, #tpu.memory_space<vmem>> -> memref<1x64xi32, #tpu.memory_space<vmem>>
          %dma_wait3A_302 = tpu.memref_squeeze %dma_wait3A_301 : memref<1x64xi32, #tpu.memory_space<vmem>> -> memref<64xi32, #tpu.memory_space<vmem>>
          %dma_wait3A_303 = arith.constant 0 : i32
          %dma_wait3A_304 = arith.constant 0 : i32
          %dma_wait3A_305 = tpu.memref_slice %arg15[%dma_wait3A_303, %dma_wait3A_304] : memref<10240x64xbf16, #tpu.memory_space<vmem_shared>> -> memref<10240x64xbf16, #tpu.memory_space<vmem_shared>>
          tpu.wait_indirect_dma semaphore(%arg22 : memref<!tpu.dma_semaphore, #tpu.memory_space<semaphore_mem>>) src(%arg9 : memref<64x64xbf16, #tpu.memory_space<vmem>>) dst(%dma_wait3A_305 : memref<10240x64xbf16, #tpu.memory_space<vmem_shared>>)
        } else {
        }
        %add3A_290 = arith.constant 6 : i32
        %add3A_291 = arith.addi %add3A_164, %add3A_290 : i32
        %sub3A_292 = arith.constant 1 : i32
        %sub3A_293 = arith.subi %add3A_291, %sub3A_292 : i32
        %dma_start3A_294 = arith.constant 0 : i32
        %dma_start3A_295 = tpu.memref_slice %arg7[%sub3A_293, %dma_start3A_294] : memref<168x64xi32, #tpu.memory_space<vmem>> -> memref<1x64xi32, #tpu.memory_space<vmem>>
        %dma_start3A_296 = tpu.memref_squeeze %dma_start3A_295 : memref<1x64xi32, #tpu.memory_space<vmem>> -> memref<64xi32, #tpu.memory_space<vmem>>
        %dma_start3A_297 = arith.constant 0 : i32
        %dma_start3A_298 = arith.constant 0 : i32
        %dma_start3A_299 = tpu.memref_slice %arg4[%dma_start3A_297, %dma_start3A_298] : memref<20000x64xbf16, #tpu.memory_space<hbm>> -> memref<20000x64xbf16, #tpu.memory_space<hbm>>
        tpu.enqueue_indirect_dma source(%dma_start3A_299 : memref<20000x64xbf16, #tpu.memory_space<hbm>>) target(%arg9 : memref<64x64xbf16, #tpu.memory_space<vmem>>) offsets(%dma_start3A_296 : memref<64xi32, #tpu.memory_space<vmem>>) semaphore(%arg16 : memref<!tpu.dma_semaphore, #tpu.memory_space<semaphore_mem>>)
      } else {
      }
      %mul3A_186 = arith.constant 6 : i32
      %mul3A_187 = arith.muli %scan3A_137, %mul3A_186 : i32
      %add3A_188 = arith.constant 2 : i32
      %add3A_189 = arith.addi %mul3A_187, %add3A_188 : i32
      %dma_wait3A_190 = arith.constant 0 : i32
      %dma_wait3A_191 = tpu.memref_slice %arg7[%add3A_189, %dma_wait3A_190] : memref<168x64xi32, #tpu.memory_space<vmem>> -> memref<1x64xi32, #tpu.memory_space<vmem>>
      %dma_wait3A_192 = tpu.memref_squeeze %dma_wait3A_191 : memref<1x64xi32, #tpu.memory_space<vmem>> -> memref<64xi32, #tpu.memory_space<vmem>>
      %dma_wait3A_193 = arith.constant 0 : i32
      %dma_wait3A_194 = arith.constant 0 : i32
      %dma_wait3A_195 = tpu.memref_slice %arg4[%dma_wait3A_193, %dma_wait3A_194] : memref<20000x64xbf16, #tpu.memory_space<hbm>> -> memref<20000x64xbf16, #tpu.memory_space<hbm>>
      tpu.wait_indirect_dma semaphore(%arg18 : memref<!tpu.dma_semaphore, #tpu.memory_space<semaphore_mem>>) src(%dma_wait3A_195 : memref<20000x64xbf16, #tpu.memory_space<hbm>>) dst(%arg11 : memref<64x64xbf16, #tpu.memory_space<vmem>>)
      %dma_start3A_196 = arith.constant 0 : i32
      %dma_start3A_197 = tpu.memref_slice %arg8[%add3A_189, %dma_start3A_196] : memref<168x64xi32, #tpu.memory_space<vmem>> -> memref<1x64xi32, #tpu.memory_space<vmem>>
      %dma_start3A_198 = tpu.memref_squeeze %dma_start3A_197 : memref<1x64xi32, #tpu.memory_space<vmem>> -> memref<64xi32, #tpu.memory_space<vmem>>
      %dma_start3A_199 = arith.constant 0 : i32
      %dma_start3A_200 = arith.constant 0 : i32
      %dma_start3A_201 = tpu.memref_slice %arg15[%dma_start3A_199, %dma_start3A_200] : memref<10240x64xbf16, #tpu.memory_space<vmem_shared>> -> memref<10240x64xbf16, #tpu.memory_space<vmem_shared>>
      tpu.enqueue_indirect_dma source(%arg11 : memref<64x64xbf16, #tpu.memory_space<vmem>>) target(%dma_start3A_201 : memref<10240x64xbf16, #tpu.memory_space<vmem_shared>>) offsets(%dma_start3A_198 : memref<64xi32, #tpu.memory_space<vmem>>) semaphore(%arg24 : memref<!tpu.dma_semaphore, #tpu.memory_space<semaphore_mem>>) {add = true}
      %add3A_202 = arith.constant 6 : i32
      %add3A_203 = arith.addi %add3A_189, %add3A_202 : i32
      %sub3A_204 = arith.constant 1 : i32
      %sub3A_205 = arith.subi %add3A_203, %sub3A_204 : i32
      %lt3A_206 = arith.constant 168 : i32
      %lt3A_207 = arith.cmpi slt, %sub3A_205, %lt3A_206 : i32
      %convert_element_type3A_208 = arith.extui %lt3A_207 : i1 to i32
      %cond3A_209 = arith.constant 0 : i32
      %cond3A_210 = arith.cmpi ne, %convert_element_type3A_208, %cond3A_209 : i32
      scf.if %cond3A_210 {
        %ge3A = arith.constant 1 : i32
        %ge3A_286 = arith.cmpi sge, %add3A_189, %ge3A : i32
        %convert_element_type3A_287 = arith.extui %ge3A_286 : i1 to i32
        %cond3A_288 = arith.constant 0 : i32
        %cond3A_289 = arith.cmpi ne, %convert_element_type3A_287, %cond3A_288 : i32
        scf.if %cond3A_289 {
          %dma_wait3A_300 = arith.constant 0 : i32
          %dma_wait3A_301 = tpu.memref_slice %arg8[%add3A_189, %dma_wait3A_300] : memref<168x64xi32, #tpu.memory_space<vmem>> -> memref<1x64xi32, #tpu.memory_space<vmem>>
          %dma_wait3A_302 = tpu.memref_squeeze %dma_wait3A_301 : memref<1x64xi32, #tpu.memory_space<vmem>> -> memref<64xi32, #tpu.memory_space<vmem>>
          %dma_wait3A_303 = arith.constant 0 : i32
          %dma_wait3A_304 = arith.constant 0 : i32
          %dma_wait3A_305 = tpu.memref_slice %arg15[%dma_wait3A_303, %dma_wait3A_304] : memref<10240x64xbf16, #tpu.memory_space<vmem_shared>> -> memref<10240x64xbf16, #tpu.memory_space<vmem_shared>>
          tpu.wait_indirect_dma semaphore(%arg23 : memref<!tpu.dma_semaphore, #tpu.memory_space<semaphore_mem>>) src(%arg10 : memref<64x64xbf16, #tpu.memory_space<vmem>>) dst(%dma_wait3A_305 : memref<10240x64xbf16, #tpu.memory_space<vmem_shared>>)
        } else {
        }
        %add3A_290 = arith.constant 6 : i32
        %add3A_291 = arith.addi %add3A_189, %add3A_290 : i32
        %sub3A_292 = arith.constant 1 : i32
        %sub3A_293 = arith.subi %add3A_291, %sub3A_292 : i32
        %dma_start3A_294 = arith.constant 0 : i32
        %dma_start3A_295 = tpu.memref_slice %arg7[%sub3A_293, %dma_start3A_294] : memref<168x64xi32, #tpu.memory_space<vmem>> -> memref<1x64xi32, #tpu.memory_space<vmem>>
        %dma_start3A_296 = tpu.memref_squeeze %dma_start3A_295 : memref<1x64xi32, #tpu.memory_space<vmem>> -> memref<64xi32, #tpu.memory_space<vmem>>
        %dma_start3A_297 = arith.constant 0 : i32
        %dma_start3A_298 = arith.constant 0 : i32
        %dma_start3A_299 = tpu.memref_slice %arg4[%dma_start3A_297, %dma_start3A_298] : memref<20000x64xbf16, #tpu.memory_space<hbm>> -> memref<20000x64xbf16, #tpu.memory_space<hbm>>
        tpu.enqueue_indirect_dma source(%dma_start3A_299 : memref<20000x64xbf16, #tpu.memory_space<hbm>>) target(%arg10 : memref<64x64xbf16, #tpu.memory_space<vmem>>) offsets(%dma_start3A_296 : memref<64xi32, #tpu.memory_space<vmem>>) semaphore(%arg17 : memref<!tpu.dma_semaphore, #tpu.memory_space<semaphore_mem>>)
      } else {
      }
      %mul3A_211 = arith.constant 6 : i32
      %mul3A_212 = arith.muli %scan3A_137, %mul3A_211 : i32
      %add3A_213 = arith.constant 3 : i32
      %add3A_214 = arith.addi %mul3A_212, %add3A_213 : i32
      %dma_wait3A_215 = arith.constant 0 : i32
      %dma_wait3A_216 = tpu.memref_slice %arg7[%add3A_214, %dma_wait3A_215] : memref<168x64xi32, #tpu.memory_space<vmem>> -> memref<1x64xi32, #tpu.memory_space<vmem>>
      %dma_wait3A_217 = tpu.memref_squeeze %dma_wait3A_216 : memref<1x64xi32, #tpu.memory_space<vmem>> -> memref<64xi32, #tpu.memory_space<vmem>>
      %dma_wait3A_218 = arith.constant 0 : i32
      %dma_wait3A_219 = arith.constant 0 : i32
      %dma_wait3A_220 = tpu.memref_slice %arg4[%dma_wait3A_218, %dma_wait3A_219] : memref<20000x64xbf16, #tpu.memory_space<hbm>> -> memref<20000x64xbf16, #tpu.memory_space<hbm>>
      tpu.wait_indirect_dma semaphore(%arg19 : memref<!tpu.dma_semaphore, #tpu.memory_space<semaphore_mem>>) src(%dma_wait3A_220 : memref<20000x64xbf16, #tpu.memory_space<hbm>>) dst(%arg12 : memref<64x64xbf16, #tpu.memory_space<vmem>>)
      %dma_start3A_221 = arith.constant 0 : i32
      %dma_start3A_222 = tpu.memref_slice %arg8[%add3A_214, %dma_start3A_221] : memref<168x64xi32, #tpu.memory_space<vmem>> -> memref<1x64xi32, #tpu.memory_space<vmem>>
      %dma_start3A_223 = tpu.memref_squeeze %dma_start3A_222 : memref<1x64xi32, #tpu.memory_space<vmem>> -> memref<64xi32, #tpu.memory_space<vmem>>
      %dma_start3A_224 = arith.constant 0 : i32
      %dma_start3A_225 = arith.constant 0 : i32
      %dma_start3A_226 = tpu.memref_slice %arg15[%dma_start3A_224, %dma_start3A_225] : memref<10240x64xbf16, #tpu.memory_space<vmem_shared>> -> memref<10240x64xbf16, #tpu.memory_space<vmem_shared>>
      tpu.enqueue_indirect_dma source(%arg12 : memref<64x64xbf16, #tpu.memory_space<vmem>>) target(%dma_start3A_226 : memref<10240x64xbf16, #tpu.memory_space<vmem_shared>>) offsets(%dma_start3A_223 : memref<64xi32, #tpu.memory_space<vmem>>) semaphore(%arg25 : memref<!tpu.dma_semaphore, #tpu.memory_space<semaphore_mem>>) {add = true}
      %add3A_227 = arith.constant 6 : i32
      %add3A_228 = arith.addi %add3A_214, %add3A_227 : i32
      %sub3A_229 = arith.constant 1 : i32
      %sub3A_230 = arith.subi %add3A_228, %sub3A_229 : i32
      %lt3A_231 = arith.constant 168 : i32
      %lt3A_232 = arith.cmpi slt, %sub3A_230, %lt3A_231 : i32
      %convert_element_type3A_233 = arith.extui %lt3A_232 : i1 to i32
      %cond3A_234 = arith.constant 0 : i32
      %cond3A_235 = arith.cmpi ne, %convert_element_type3A_233, %cond3A_234 : i32
      scf.if %cond3A_235 {
        %ge3A = arith.constant 1 : i32
        %ge3A_286 = arith.cmpi sge, %add3A_214, %ge3A : i32
        %convert_element_type3A_287 = arith.extui %ge3A_286 : i1 to i32
        %cond3A_288 = arith.constant 0 : i32
        %cond3A_289 = arith.cmpi ne, %convert_element_type3A_287, %cond3A_288 : i32
        scf.if %cond3A_289 {
          %dma_wait3A_300 = arith.constant 0 : i32
          %dma_wait3A_301 = tpu.memref_slice %arg8[%add3A_214, %dma_wait3A_300] : memref<168x64xi32, #tpu.memory_space<vmem>> -> memref<1x64xi32, #tpu.memory_space<vmem>>
          %dma_wait3A_302 = tpu.memref_squeeze %dma_wait3A_301 : memref<1x64xi32, #tpu.memory_space<vmem>> -> memref<64xi32, #tpu.memory_space<vmem>>
          %dma_wait3A_303 = arith.constant 0 : i32
          %dma_wait3A_304 = arith.constant 0 : i32
          %dma_wait3A_305 = tpu.memref_slice %arg15[%dma_wait3A_303, %dma_wait3A_304] : memref<10240x64xbf16, #tpu.memory_space<vmem_shared>> -> memref<10240x64xbf16, #tpu.memory_space<vmem_shared>>
          tpu.wait_indirect_dma semaphore(%arg24 : memref<!tpu.dma_semaphore, #tpu.memory_space<semaphore_mem>>) src(%arg11 : memref<64x64xbf16, #tpu.memory_space<vmem>>) dst(%dma_wait3A_305 : memref<10240x64xbf16, #tpu.memory_space<vmem_shared>>)
        } else {
        }
        %add3A_290 = arith.constant 6 : i32
        %add3A_291 = arith.addi %add3A_214, %add3A_290 : i32
        %sub3A_292 = arith.constant 1 : i32
        %sub3A_293 = arith.subi %add3A_291, %sub3A_292 : i32
        %dma_start3A_294 = arith.constant 0 : i32
        %dma_start3A_295 = tpu.memref_slice %arg7[%sub3A_293, %dma_start3A_294] : memref<168x64xi32, #tpu.memory_space<vmem>> -> memref<1x64xi32, #tpu.memory_space<vmem>>
        %dma_start3A_296 = tpu.memref_squeeze %dma_start3A_295 : memref<1x64xi32, #tpu.memory_space<vmem>> -> memref<64xi32, #tpu.memory_space<vmem>>
        %dma_start3A_297 = arith.constant 0 : i32
        %dma_start3A_298 = arith.constant 0 : i32
        %dma_start3A_299 = tpu.memref_slice %arg4[%dma_start3A_297, %dma_start3A_298] : memref<20000x64xbf16, #tpu.memory_space<hbm>> -> memref<20000x64xbf16, #tpu.memory_space<hbm>>
        tpu.enqueue_indirect_dma source(%dma_start3A_299 : memref<20000x64xbf16, #tpu.memory_space<hbm>>) target(%arg11 : memref<64x64xbf16, #tpu.memory_space<vmem>>) offsets(%dma_start3A_296 : memref<64xi32, #tpu.memory_space<vmem>>) semaphore(%arg18 : memref<!tpu.dma_semaphore, #tpu.memory_space<semaphore_mem>>)
      } else {
      }
      %mul3A_236 = arith.constant 6 : i32
      %mul3A_237 = arith.muli %scan3A_137, %mul3A_236 : i32
      %add3A_238 = arith.constant 4 : i32
      %add3A_239 = arith.addi %mul3A_237, %add3A_238 : i32
      %dma_wait3A_240 = arith.constant 0 : i32
      %dma_wait3A_241 = tpu.memref_slice %arg7[%add3A_239, %dma_wait3A_240] : memref<168x64xi32, #tpu.memory_space<vmem>> -> memref<1x64xi32, #tpu.memory_space<vmem>>
      %dma_wait3A_242 = tpu.memref_squeeze %dma_wait3A_241 : memref<1x64xi32, #tpu.memory_space<vmem>> -> memref<64xi32, #tpu.memory_space<vmem>>
      %dma_wait3A_243 = arith.constant 0 : i32
      %dma_wait3A_244 = arith.constant 0 : i32
      %dma_wait3A_245 = tpu.memref_slice %arg4[%dma_wait3A_243, %dma_wait3A_244] : memref<20000x64xbf16, #tpu.memory_space<hbm>> -> memref<20000x64xbf16, #tpu.memory_space<hbm>>
      tpu.wait_indirect_dma semaphore(%arg20 : memref<!tpu.dma_semaphore, #tpu.memory_space<semaphore_mem>>) src(%dma_wait3A_245 : memref<20000x64xbf16, #tpu.memory_space<hbm>>) dst(%arg13 : memref<64x64xbf16, #tpu.memory_space<vmem>>)
      %dma_start3A_246 = arith.constant 0 : i32
      %dma_start3A_247 = tpu.memref_slice %arg8[%add3A_239, %dma_start3A_246] : memref<168x64xi32, #tpu.memory_space<vmem>> -> memref<1x64xi32, #tpu.memory_space<vmem>>
      %dma_start3A_248 = tpu.memref_squeeze %dma_start3A_247 : memref<1x64xi32, #tpu.memory_space<vmem>> -> memref<64xi32, #tpu.memory_space<vmem>>
      %dma_start3A_249 = arith.constant 0 : i32
      %dma_start3A_250 = arith.constant 0 : i32
      %dma_start3A_251 = tpu.memref_slice %arg15[%dma_start3A_249, %dma_start3A_250] : memref<10240x64xbf16, #tpu.memory_space<vmem_shared>> -> memref<10240x64xbf16, #tpu.memory_space<vmem_shared>>
      tpu.enqueue_indirect_dma source(%arg13 : memref<64x64xbf16, #tpu.memory_space<vmem>>) target(%dma_start3A_251 : memref<10240x64xbf16, #tpu.memory_space<vmem_shared>>) offsets(%dma_start3A_248 : memref<64xi32, #tpu.memory_space<vmem>>) semaphore(%arg26 : memref<!tpu.dma_semaphore, #tpu.memory_space<semaphore_mem>>) {add = true}
      %add3A_252 = arith.constant 6 : i32
      %add3A_253 = arith.addi %add3A_239, %add3A_252 : i32
      %sub3A_254 = arith.constant 1 : i32
      %sub3A_255 = arith.subi %add3A_253, %sub3A_254 : i32
      %lt3A_256 = arith.constant 168 : i32
      %lt3A_257 = arith.cmpi slt, %sub3A_255, %lt3A_256 : i32
      %convert_element_type3A_258 = arith.extui %lt3A_257 : i1 to i32
      %cond3A_259 = arith.constant 0 : i32
      %cond3A_260 = arith.cmpi ne, %convert_element_type3A_258, %cond3A_259 : i32
      scf.if %cond3A_260 {
        %ge3A = arith.constant 1 : i32
        %ge3A_286 = arith.cmpi sge, %add3A_239, %ge3A : i32
        %convert_element_type3A_287 = arith.extui %ge3A_286 : i1 to i32
        %cond3A_288 = arith.constant 0 : i32
        %cond3A_289 = arith.cmpi ne, %convert_element_type3A_287, %cond3A_288 : i32
        scf.if %cond3A_289 {
          %dma_wait3A_300 = arith.constant 0 : i32
          %dma_wait3A_301 = tpu.memref_slice %arg8[%add3A_239, %dma_wait3A_300] : memref<168x64xi32, #tpu.memory_space<vmem>> -> memref<1x64xi32, #tpu.memory_space<vmem>>
          %dma_wait3A_302 = tpu.memref_squeeze %dma_wait3A_301 : memref<1x64xi32, #tpu.memory_space<vmem>> -> memref<64xi32, #tpu.memory_space<vmem>>
          %dma_wait3A_303 = arith.constant 0 : i32
          %dma_wait3A_304 = arith.constant 0 : i32
          %dma_wait3A_305 = tpu.memref_slice %arg15[%dma_wait3A_303, %dma_wait3A_304] : memref<10240x64xbf16, #tpu.memory_space<vmem_shared>> -> memref<10240x64xbf16, #tpu.memory_space<vmem_shared>>
          tpu.wait_indirect_dma semaphore(%arg25 : memref<!tpu.dma_semaphore, #tpu.memory_space<semaphore_mem>>) src(%arg12 : memref<64x64xbf16, #tpu.memory_space<vmem>>) dst(%dma_wait3A_305 : memref<10240x64xbf16, #tpu.memory_space<vmem_shared>>)
        } else {
        }
        %add3A_290 = arith.constant 6 : i32
        %add3A_291 = arith.addi %add3A_239, %add3A_290 : i32
        %sub3A_292 = arith.constant 1 : i32
        %sub3A_293 = arith.subi %add3A_291, %sub3A_292 : i32
        %dma_start3A_294 = arith.constant 0 : i32
        %dma_start3A_295 = tpu.memref_slice %arg7[%sub3A_293, %dma_start3A_294] : memref<168x64xi32, #tpu.memory_space<vmem>> -> memref<1x64xi32, #tpu.memory_space<vmem>>
        %dma_start3A_296 = tpu.memref_squeeze %dma_start3A_295 : memref<1x64xi32, #tpu.memory_space<vmem>> -> memref<64xi32, #tpu.memory_space<vmem>>
        %dma_start3A_297 = arith.constant 0 : i32
        %dma_start3A_298 = arith.constant 0 : i32
        %dma_start3A_299 = tpu.memref_slice %arg4[%dma_start3A_297, %dma_start3A_298] : memref<20000x64xbf16, #tpu.memory_space<hbm>> -> memref<20000x64xbf16, #tpu.memory_space<hbm>>
        tpu.enqueue_indirect_dma source(%dma_start3A_299 : memref<20000x64xbf16, #tpu.memory_space<hbm>>) target(%arg12 : memref<64x64xbf16, #tpu.memory_space<vmem>>) offsets(%dma_start3A_296 : memref<64xi32, #tpu.memory_space<vmem>>) semaphore(%arg19 : memref<!tpu.dma_semaphore, #tpu.memory_space<semaphore_mem>>)
      } else {
      }
      %mul3A_261 = arith.constant 6 : i32
      %mul3A_262 = arith.muli %scan3A_137, %mul3A_261 : i32
      %add3A_263 = arith.constant 5 : i32
      %add3A_264 = arith.addi %mul3A_262, %add3A_263 : i32
      %dma_wait3A_265 = arith.constant 0 : i32
      %dma_wait3A_266 = tpu.memref_slice %arg7[%add3A_264, %dma_wait3A_265] : memref<168x64xi32, #tpu.memory_space<vmem>> -> memref<1x64xi32, #tpu.memory_space<vmem>>
      %dma_wait3A_267 = tpu.memref_squeeze %dma_wait3A_266 : memref<1x64xi32, #tpu.memory_space<vmem>> -> memref<64xi32, #tpu.memory_space<vmem>>
      %dma_wait3A_268 = arith.constant 0 : i32
      %dma_wait3A_269 = arith.constant 0 : i32
      %dma_wait3A_270 = tpu.memref_slice %arg4[%dma_wait3A_268, %dma_wait3A_269] : memref<20000x64xbf16, #tpu.memory_space<hbm>> -> memref<20000x64xbf16, #tpu.memory_space<hbm>>
      tpu.wait_indirect_dma semaphore(%arg21 : memref<!tpu.dma_semaphore, #tpu.memory_space<semaphore_mem>>) src(%dma_wait3A_270 : memref<20000x64xbf16, #tpu.memory_space<hbm>>) dst(%arg14 : memref<64x64xbf16, #tpu.memory_space<vmem>>)
      %dma_start3A_271 = arith.constant 0 : i32
      %dma_start3A_272 = tpu.memref_slice %arg8[%add3A_264, %dma_start3A_271] : memref<168x64xi32, #tpu.memory_space<vmem>> -> memref<1x64xi32, #tpu.memory_space<vmem>>
      %dma_start3A_273 = tpu.memref_squeeze %dma_start3A_272 : memref<1x64xi32, #tpu.memory_space<vmem>> -> memref<64xi32, #tpu.memory_space<vmem>>
      %dma_start3A_274 = arith.constant 0 : i32
      %dma_start3A_275 = arith.constant 0 : i32
      %dma_start3A_276 = tpu.memref_slice %arg15[%dma_start3A_274, %dma_start3A_275] : memref<10240x64xbf16, #tpu.memory_space<vmem_shared>> -> memref<10240x64xbf16, #tpu.memory_space<vmem_shared>>
      tpu.enqueue_indirect_dma source(%arg14 : memref<64x64xbf16, #tpu.memory_space<vmem>>) target(%dma_start3A_276 : memref<10240x64xbf16, #tpu.memory_space<vmem_shared>>) offsets(%dma_start3A_273 : memref<64xi32, #tpu.memory_space<vmem>>) semaphore(%arg27 : memref<!tpu.dma_semaphore, #tpu.memory_space<semaphore_mem>>) {add = true}
      %add3A_277 = arith.constant 6 : i32
      %add3A_278 = arith.addi %add3A_264, %add3A_277 : i32
      %sub3A_279 = arith.constant 1 : i32
      %sub3A_280 = arith.subi %add3A_278, %sub3A_279 : i32
      %lt3A_281 = arith.constant 168 : i32
      %lt3A_282 = arith.cmpi slt, %sub3A_280, %lt3A_281 : i32
      %convert_element_type3A_283 = arith.extui %lt3A_282 : i1 to i32
      %cond3A_284 = arith.constant 0 : i32
      %cond3A_285 = arith.cmpi ne, %convert_element_type3A_283, %cond3A_284 : i32
      scf.if %cond3A_285 {
        %ge3A = arith.constant 1 : i32
        %ge3A_286 = arith.cmpi sge, %add3A_264, %ge3A : i32
        %convert_element_type3A_287 = arith.extui %ge3A_286 : i1 to i32
        %cond3A_288 = arith.constant 0 : i32
        %cond3A_289 = arith.cmpi ne, %convert_element_type3A_287, %cond3A_288 : i32
        scf.if %cond3A_289 {
          %dma_wait3A_300 = arith.constant 0 : i32
          %dma_wait3A_301 = tpu.memref_slice %arg8[%add3A_264, %dma_wait3A_300] : memref<168x64xi32, #tpu.memory_space<vmem>> -> memref<1x64xi32, #tpu.memory_space<vmem>>
          %dma_wait3A_302 = tpu.memref_squeeze %dma_wait3A_301 : memref<1x64xi32, #tpu.memory_space<vmem>> -> memref<64xi32, #tpu.memory_space<vmem>>
          %dma_wait3A_303 = arith.constant 0 : i32
          %dma_wait3A_304 = arith.constant 0 : i32
          %dma_wait3A_305 = tpu.memref_slice %arg15[%dma_wait3A_303, %dma_wait3A_304] : memref<10240x64xbf16, #tpu.memory_space<vmem_shared>> -> memref<10240x64xbf16, #tpu.memory_space<vmem_shared>>
          tpu.wait_indirect_dma semaphore(%arg26 : memref<!tpu.dma_semaphore, #tpu.memory_space<semaphore_mem>>) src(%arg13 : memref<64x64xbf16, #tpu.memory_space<vmem>>) dst(%dma_wait3A_305 : memref<10240x64xbf16, #tpu.memory_space<vmem_shared>>)
        } else {
        }
        %add3A_290 = arith.constant 6 : i32
        %add3A_291 = arith.addi %add3A_264, %add3A_290 : i32
        %sub3A_292 = arith.constant 1 : i32
        %sub3A_293 = arith.subi %add3A_291, %sub3A_292 : i32
        %dma_start3A_294 = arith.constant 0 : i32
        %dma_start3A_295 = tpu.memref_slice %arg7[%sub3A_293, %dma_start3A_294] : memref<168x64xi32, #tpu.memory_space<vmem>> -> memref<1x64xi32, #tpu.memory_space<vmem>>
        %dma_start3A_296 = tpu.memref_squeeze %dma_start3A_295 : memref<1x64xi32, #tpu.memory_space<vmem>> -> memref<64xi32, #tpu.memory_space<vmem>>
        %dma_start3A_297 = arith.constant 0 : i32
        %dma_start3A_298 = arith.constant 0 : i32
        %dma_start3A_299 = tpu.memref_slice %arg4[%dma_start3A_297, %dma_start3A_298] : memref<20000x64xbf16, #tpu.memory_space<hbm>> -> memref<20000x64xbf16, #tpu.memory_space<hbm>>
        tpu.enqueue_indirect_dma source(%dma_start3A_299 : memref<20000x64xbf16, #tpu.memory_space<hbm>>) target(%arg13 : memref<64x64xbf16, #tpu.memory_space<vmem>>) offsets(%dma_start3A_296 : memref<64xi32, #tpu.memory_space<vmem>>) semaphore(%arg20 : memref<!tpu.dma_semaphore, #tpu.memory_space<semaphore_mem>>)
      } else {
      }
    }
    %scan3A_87 = arith.constant 28 : i32
    %dma_wait3A = arith.constant 0 : i32
    %dma_wait3A_88 = arith.constant 0 : i32
    %dma_wait3A_89 = tpu.memref_slice %arg8[%dma_wait3A, %dma_wait3A_88] : memref<168x64xi32, #tpu.memory_space<vmem>> -> memref<1x64xi32, #tpu.memory_space<vmem>>
    %dma_wait3A_90 = tpu.memref_squeeze %dma_wait3A_89 : memref<1x64xi32, #tpu.memory_space<vmem>> -> memref<64xi32, #tpu.memory_space<vmem>>
    %dma_wait3A_91 = arith.constant 0 : i32
    %dma_wait3A_92 = arith.constant 0 : i32
    %dma_wait3A_93 = tpu.memref_slice %arg15[%dma_wait3A_91, %dma_wait3A_92] : memref<10240x64xbf16, #tpu.memory_space<vmem_shared>> -> memref<10240x64xbf16, #tpu.memory_space<vmem_shared>>
    tpu.wait_indirect_dma semaphore(%arg22 : memref<!tpu.dma_semaphore, #tpu.memory_space<semaphore_mem>>) src(%arg9 : memref<64x64xbf16, #tpu.memory_space<vmem>>) dst(%dma_wait3A_93 : memref<10240x64xbf16, #tpu.memory_space<vmem_shared>>)
    %dma_wait3A_94 = arith.constant 0 : i32
    %dma_wait3A_95 = arith.constant 0 : i32
    %dma_wait3A_96 = tpu.memref_slice %arg8[%dma_wait3A_94, %dma_wait3A_95] : memref<168x64xi32, #tpu.memory_space<vmem>> -> memref<1x64xi32, #tpu.memory_space<vmem>>
    %dma_wait3A_97 = tpu.memref_squeeze %dma_wait3A_96 : memref<1x64xi32, #tpu.memory_space<vmem>> -> memref<64xi32, #tpu.memory_space<vmem>>
    %dma_wait3A_98 = arith.constant 0 : i32
    %dma_wait3A_99 = arith.constant 0 : i32
    %dma_wait3A_100 = tpu.memref_slice %arg15[%dma_wait3A_98, %dma_wait3A_99] : memref<10240x64xbf16, #tpu.memory_space<vmem_shared>> -> memref<10240x64xbf16, #tpu.memory_space<vmem_shared>>
    tpu.wait_indirect_dma semaphore(%arg23 : memref<!tpu.dma_semaphore, #tpu.memory_space<semaphore_mem>>) src(%arg10 : memref<64x64xbf16, #tpu.memory_space<vmem>>) dst(%dma_wait3A_100 : memref<10240x64xbf16, #tpu.memory_space<vmem_shared>>)
    %dma_wait3A_101 = arith.constant 0 : i32
    %dma_wait3A_102 = arith.constant 0 : i32
    %dma_wait3A_103 = tpu.memref_slice %arg8[%dma_wait3A_101, %dma_wait3A_102] : memref<168x64xi32, #tpu.memory_space<vmem>> -> memref<1x64xi32, #tpu.memory_space<vmem>>
    %dma_wait3A_104 = tpu.memref_squeeze %dma_wait3A_103 : memref<1x64xi32, #tpu.memory_space<vmem>> -> memref<64xi32, #tpu.memory_space<vmem>>
    %dma_wait3A_105 = arith.constant 0 : i32
    %dma_wait3A_106 = arith.constant 0 : i32
    %dma_wait3A_107 = tpu.memref_slice %arg15[%dma_wait3A_105, %dma_wait3A_106] : memref<10240x64xbf16, #tpu.memory_space<vmem_shared>> -> memref<10240x64xbf16, #tpu.memory_space<vmem_shared>>
    tpu.wait_indirect_dma semaphore(%arg24 : memref<!tpu.dma_semaphore, #tpu.memory_space<semaphore_mem>>) src(%arg11 : memref<64x64xbf16, #tpu.memory_space<vmem>>) dst(%dma_wait3A_107 : memref<10240x64xbf16, #tpu.memory_space<vmem_shared>>)
    %dma_wait3A_108 = arith.constant 0 : i32
    %dma_wait3A_109 = arith.constant 0 : i32
    %dma_wait3A_110 = tpu.memref_slice %arg8[%dma_wait3A_108, %dma_wait3A_109] : memref<168x64xi32, #tpu.memory_space<vmem>> -> memref<1x64xi32, #tpu.memory_space<vmem>>
    %dma_wait3A_111 = tpu.memref_squeeze %dma_wait3A_110 : memref<1x64xi32, #tpu.memory_space<vmem>> -> memref<64xi32, #tpu.memory_space<vmem>>
    %dma_wait3A_112 = arith.constant 0 : i32
    %dma_wait3A_113 = arith.constant 0 : i32
    %dma_wait3A_114 = tpu.memref_slice %arg15[%dma_wait3A_112, %dma_wait3A_113] : memref<10240x64xbf16, #tpu.memory_space<vmem_shared>> -> memref<10240x64xbf16, #tpu.memory_space<vmem_shared>>
    tpu.wait_indirect_dma semaphore(%arg25 : memref<!tpu.dma_semaphore, #tpu.memory_space<semaphore_mem>>) src(%arg12 : memref<64x64xbf16, #tpu.memory_space<vmem>>) dst(%dma_wait3A_114 : memref<10240x64xbf16, #tpu.memory_space<vmem_shared>>)
    %dma_wait3A_115 = arith.constant 0 : i32
    %dma_wait3A_116 = arith.constant 0 : i32
    %dma_wait3A_117 = tpu.memref_slice %arg8[%dma_wait3A_115, %dma_wait3A_116] : memref<168x64xi32, #tpu.memory_space<vmem>> -> memref<1x64xi32, #tpu.memory_space<vmem>>
    %dma_wait3A_118 = tpu.memref_squeeze %dma_wait3A_117 : memref<1x64xi32, #tpu.memory_space<vmem>> -> memref<64xi32, #tpu.memory_space<vmem>>
    %dma_wait3A_119 = arith.constant 0 : i32
    %dma_wait3A_120 = arith.constant 0 : i32
    %dma_wait3A_121 = tpu.memref_slice %arg15[%dma_wait3A_119, %dma_wait3A_120] : memref<10240x64xbf16, #tpu.memory_space<vmem_shared>> -> memref<10240x64xbf16, #tpu.memory_space<vmem_shared>>
    tpu.wait_indirect_dma semaphore(%arg26 : memref<!tpu.dma_semaphore, #tpu.memory_space<semaphore_mem>>) src(%arg13 : memref<64x64xbf16, #tpu.memory_space<vmem>>) dst(%dma_wait3A_121 : memref<10240x64xbf16, #tpu.memory_space<vmem_shared>>)
    %dma_wait3A_122 = arith.constant 0 : i32
    %dma_wait3A_123 = arith.constant 0 : i32
    %dma_wait3A_124 = tpu.memref_slice %arg8[%dma_wait3A_122, %dma_wait3A_123] : memref<168x64xi32, #tpu.memory_space<vmem>> -> memref<1x64xi32, #tpu.memory_space<vmem>>
    %dma_wait3A_125 = tpu.memref_squeeze %dma_wait3A_124 : memref<1x64xi32, #tpu.memory_space<vmem>> -> memref<64xi32, #tpu.memory_space<vmem>>
    %dma_wait3A_126 = arith.constant 0 : i32
    %dma_wait3A_127 = arith.constant 0 : i32
    %dma_wait3A_128 = tpu.memref_slice %arg15[%dma_wait3A_126, %dma_wait3A_127] : memref<10240x64xbf16, #tpu.memory_space<vmem_shared>> -> memref<10240x64xbf16, #tpu.memory_space<vmem_shared>>
    tpu.wait_indirect_dma semaphore(%arg27 : memref<!tpu.dma_semaphore, #tpu.memory_space<semaphore_mem>>) src(%arg14 : memref<64x64xbf16, #tpu.memory_space<vmem>>) dst(%dma_wait3A_128 : memref<10240x64xbf16, #tpu.memory_space<vmem_shared>>)
    %barrier3A_129 = arith.constant 0 : index
    tpu.barrier barrier_id(%barrier3A_129)
    %eq3A = arith.constant 0 : i32
    %eq3A_130 = arith.cmpi eq, %arg0, %eq3A : i32
    %convert_element_type3A = arith.extui %eq3A_130 : i1 to i32
    %cond3A = arith.constant 0 : i32
    %cond3A_131 = arith.cmpi ne, %convert_element_type3A, %cond3A : i32
    scf.if %cond3A_131 {
      %mul3A_137 = arith.constant 625 : i32
      %mul3A_138 = arith.muli %arg1, %mul3A_137 : i32
      %mul3A_139 = arith.constant 625 : i32
      %mul3A_140 = arith.muli %arg1, %mul3A_139 : i32
      "tpu.region"() ({
        %run_scoped3A = tpu.sem_alloc : memref<!tpu.dma_semaphore, #tpu.memory_space<semaphore_mem>>
        %dma_start3A_141 = arith.constant 0 : i32
        %dma_start3A_142 = tpu.memref_slice %arg5[%mul3A_140, %dma_start3A_141] : memref<10000x64xbf16, #tpu.memory_space<hbm>> -> memref<625x64xbf16, #tpu.memory_space<hbm>>
        %dma_start3A_143 = arith.constant 0 : i32
        %dma_start3A_144 = tpu.memref_slice %arg15[%mul3A_138, %dma_start3A_143] : memref<10240x64xbf16, #tpu.memory_space<vmem_shared>> -> memref<625x64xbf16, #tpu.memory_space<vmem_shared>>
        tpu.enqueue_dma source(%dma_start3A_144 : memref<625x64xbf16, #tpu.memory_space<vmem_shared>>) target(%dma_start3A_142 : memref<625x64xbf16, #tpu.memory_space<hbm>>) target_semaphore(%run_scoped3A : memref<!tpu.dma_semaphore, #tpu.memory_space<semaphore_mem>>)
        %dma_wait3A_145 = arith.constant 0 : i32
        %dma_wait3A_146 = tpu.memref_slice %arg5[%mul3A_140, %dma_wait3A_145] : memref<10000x64xbf16, #tpu.memory_space<hbm>> -> memref<625x64xbf16, #tpu.memory_space<hbm>>
        %dma_wait3A_147 = arith.constant 0 : i32
        %dma_wait3A_148 = tpu.memref_slice %arg15[%mul3A_138, %dma_wait3A_147] : memref<10240x64xbf16, #tpu.memory_space<vmem_shared>> -> memref<625x64xbf16, #tpu.memory_space<vmem_shared>>
        tpu.wait_dma2 semaphore(%run_scoped3A : memref<!tpu.dma_semaphore, #tpu.memory_space<semaphore_mem>>) src(%dma_wait3A_148 : memref<625x64xbf16, #tpu.memory_space<vmem_shared>>) dst(%dma_wait3A_146 : memref<625x64xbf16, #tpu.memory_space<hbm>>)
        tpu.yield
      }) : () -> ()
    } else {
    }
    %eq3A_132 = arith.constant 1 : i32
    %eq3A_133 = arith.cmpi eq, %arg0, %eq3A_132 : i32
    %convert_element_type3A_134 = arith.extui %eq3A_133 : i1 to i32
    %cond3A_135 = arith.constant 0 : i32
    %cond3A_136 = arith.cmpi ne, %convert_element_type3A_134, %cond3A_135 : i32
    scf.if %cond3A_136 {
      %mul3A_137 = arith.constant 625 : i32
      %mul3A_138 = arith.muli %arg1, %mul3A_137 : i32
      %mul3A_139 = arith.constant 625 : i32
      %mul3A_140 = arith.muli %arg1, %mul3A_139 : i32
      "tpu.region"() ({
        %run_scoped3A = tpu.sem_alloc : memref<!tpu.dma_semaphore, #tpu.memory_space<semaphore_mem>>
        %dma_start3A_141 = arith.constant 0 : i32
        %dma_start3A_142 = tpu.memref_slice %arg6[%mul3A_140, %dma_start3A_141] : memref<10000x64xbf16, #tpu.memory_space<hbm>> -> memref<625x64xbf16, #tpu.memory_space<hbm>>
        %dma_start3A_143 = arith.constant 0 : i32
        %dma_start3A_144 = tpu.memref_slice %arg15[%mul3A_138, %dma_start3A_143] : memref<10240x64xbf16, #tpu.memory_space<vmem_shared>> -> memref<625x64xbf16, #tpu.memory_space<vmem_shared>>
        tpu.enqueue_dma source(%dma_start3A_144 : memref<625x64xbf16, #tpu.memory_space<vmem_shared>>) target(%dma_start3A_142 : memref<625x64xbf16, #tpu.memory_space<hbm>>) target_semaphore(%run_scoped3A : memref<!tpu.dma_semaphore, #tpu.memory_space<semaphore_mem>>)
        %dma_wait3A_145 = arith.constant 0 : i32
        %dma_wait3A_146 = tpu.memref_slice %arg6[%mul3A_140, %dma_wait3A_145] : memref<10000x64xbf16, #tpu.memory_space<hbm>> -> memref<625x64xbf16, #tpu.memory_space<hbm>>
        %dma_wait3A_147 = arith.constant 0 : i32
        %dma_wait3A_148 = tpu.memref_slice %arg15[%mul3A_138, %dma_wait3A_147] : memref<10240x64xbf16, #tpu.memory_space<vmem_shared>> -> memref<625x64xbf16, #tpu.memory_space<vmem_shared>>
        tpu.wait_dma2 semaphore(%run_scoped3A : memref<!tpu.dma_semaphore, #tpu.memory_space<semaphore_mem>>) src(%dma_wait3A_148 : memref<625x64xbf16, #tpu.memory_space<vmem_shared>>) dst(%dma_wait3A_146 : memref<625x64xbf16, #tpu.memory_space<hbm>>)
        tpu.yield
      }) : () -> ()
    } else {
    }
    return
  }
}

module attributes {stable_mosaic.version = 14 : i64} {
  func.func @body(%arg0: i32, %arg1: i32, %arg2: memref<1000x256xbf16, #tpu.memory_space<vmem>>, %arg3: memref<1x256x128xbf16, #tpu.memory_space<vmem>>, %arg4: memref<1000x1xf32, #tpu.memory_space<vmem>>, %arg5: memref<1000x128xbf16, #tpu.memory_space<vmem>>) attributes {dimension_semantics = [#tpu.dimension_semantics<arbitrary>, #tpu.dimension_semantics<arbitrary>], iteration_bounds = array<i64: 10, 2>, scalar_prefetch = 0 : i64, scratch_operands = 0 : i64, tpu.core_type = #tpu.core_type<tc>, window_params = [{transform_indices = @transform_0, window_bounds = array<i64: 1000, 256>}, {transform_indices = @transform_1, window_bounds = array<i64: 1, 256, 128>}, {transform_indices = @transform_2, window_bounds = array<i64: 1000, 1>}, {transform_indices = @transform_3, window_bounds = array<i64: 1000, 128>}]} {
    %get3A = arith.constant 0 : index
    %get3A_0 = arith.constant 0 : index
    %get3A_1 = vector.load %arg4[%get3A, %get3A_0] : memref<1000x1xf32, #tpu.memory_space<vmem>>, vector<1000x1xf32>
    %rsqrt3A = math.rsqrt %get3A_1 : vector<1000x1xf32>
    %get3A_2 = arith.constant 0 : index
    %get3A_3 = arith.constant 0 : index
    %get3A_4 = vector.load %arg2[%get3A_2, %get3A_3] : memref<1000x256xbf16, #tpu.memory_space<vmem>>, vector<1000x256xbf16>
    %get3A_5 = arith.constant 0 : index
    %get3A_6 = arith.constant 0 : index
    %get3A_7 = arith.constant 0 : index
    %get3A_8 = vector.load %arg3[%get3A_5, %get3A_6, %get3A_7] : memref<1x256x128xbf16, #tpu.memory_space<vmem>>, vector<1x256x128xbf16>
    %get3A_9 = vector.shape_cast %get3A_8 : vector<1x256x128xbf16> to vector<256x128xbf16>
    %dot_general3A = arith.constant dense<0.000000e+00> : vector<1000x128xf32>
    %dot_general3A_10 = tpu.matmul %get3A_4, %get3A_9, %dot_general3A {dimension_numbers = #tpu.dot_dimension_numbers<[1], [0], [0], [1], [0, 0, 1, 1], [], []>, transpose_lhs_hint = false} : vector<1000x256xbf16>, vector<256x128xbf16>, vector<1000x128xf32> -> vector<1000x128xf32>
    %mul3A = vector.broadcast %rsqrt3A : vector<1000x1xf32> to vector<1000x128xf32>
    %mul3A_11 = arith.mulf %dot_general3A_10, %mul3A : vector<1000x128xf32>
    %convert_element_type3A = arith.truncf %mul3A_11 : vector<1000x128xf32> to vector<1000x128xbf16>
    %swap3A = arith.constant 0 : index
    %swap3A_12 = arith.constant 0 : index
    %swap3A_13 = vector.load %arg5[%swap3A, %swap3A_12] : memref<1000x128xbf16, #tpu.memory_space<vmem>>, vector<1000x128xbf16>
    tpu.vector_store %arg5[%swap3A, %swap3A_12], %convert_element_type3A {strides = array<i32>} : memref<1000x128xbf16, #tpu.memory_space<vmem>>, vector<1000x128xbf16>,
    return
  }
  func.func @transform_0(%arg0: i32, %arg1: i32) -> (i32, i32) {
    %c0_i32 = arith.constant 0 : i32
    %c0_i32_0 = arith.constant 0 : i32
    return %arg0, %c0_i32 : i32, i32
  }
  func.func @transform_1(%arg0: i32, %arg1: i32) -> (i32, i32, i32) {
    %c0_i32 = arith.constant 0 : i32
    %c0_i32_0 = arith.constant 0 : i32
    %c0_i32_1 = arith.constant 0 : i32
    return %arg1, %c0_i32, %c0_i32_0 : i32, i32, i32
  }
  func.func @transform_2(%arg0: i32, %arg1: i32) -> (i32, i32) {
    %c0_i32 = arith.constant 0 : i32
    %c0_i32_0 = arith.constant 0 : i32
    return %arg0, %c0_i32 : i32, i32
  }
  func.func @transform_3(%arg0: i32, %arg1: i32) -> (i32, i32) {
    %mul3A = arith.constant 10 : i32
    %mul3A_0 = arith.muli %arg1, %mul3A : i32
    %add3A = arith.addi %mul3A_0, %arg0 : i32
    %c0_i32 = arith.constant 0 : i32
    %c0_i32_1 = arith.constant 0 : i32
    return %add3A, %c0_i32 : i32, i32
  }
}

module attributes {stable_mosaic.version = 14 : i64} {
  func.func @body(%arg0: i32, %arg1: i32, %arg2: memref<1000x128xbf16, #tpu.memory_space<vmem>>, %arg3: memref<1000x128xbf16, #tpu.memory_space<vmem>>, %arg4: memref<1000x1xf32, #tpu.memory_space<vmem>>, %arg5: memref<1x256xf32, #tpu.memory_space<vmem>>, %arg6: memref<1x256x128xbf16, #tpu.memory_space<vmem>>, %arg7: memref<1000x128xbf16, #tpu.memory_space<vmem>>) attributes {dimension_semantics = [#tpu.dimension_semantics<arbitrary>, #tpu.dimension_semantics<arbitrary>], iteration_bounds = array<i64: 10, 2>, scalar_prefetch = 0 : i64, scratch_operands = 0 : i64, tpu.core_type = #tpu.core_type<tc>, window_params = [{transform_indices = @transform_0, window_bounds = array<i64: 1000, 128>}, {transform_indices = @transform_1, window_bounds = array<i64: 1000, 128>}, {transform_indices = @transform_2, window_bounds = array<i64: 1000, 1>}, {pipeline_mode = #tpu.pipeline_mode<synchronous>, transform_indices = @transform_3, window_bounds = array<i64: 1, 256>}, {transform_indices = @transform_4, window_bounds = array<i64: 1, 256, 128>}, {transform_indices = @transform_5, window_bounds = array<i64: 1000, 128>}]} {
    %get3A = arith.constant 0 : index
    %get3A_0 = arith.constant 0 : index
    %get3A_1 = vector.load %arg4[%get3A, %get3A_0] : memref<1000x1xf32, #tpu.memory_space<vmem>>, vector<1000x1xf32>
    %rsqrt3A = math.rsqrt %get3A_1 : vector<1000x1xf32>
    %get3A_2 = arith.constant 0 : index
    %get3A_3 = arith.constant 0 : index
    %get3A_4 = vector.load %arg2[%get3A_2, %get3A_3] : memref<1000x128xbf16, #tpu.memory_space<vmem>>, vector<1000x128xbf16>
    %get3A_5 = arith.constant 0 : index
    %get3A_6 = arith.constant 0 : index
    %get3A_7 = vector.load %arg3[%get3A_5, %get3A_6] : memref<1000x128xbf16, #tpu.memory_space<vmem>>, vector<1000x128xbf16>
    %concatenate3A = tpu.concatenate %get3A_4, %get3A_7 in 1 : vector<1000x128xbf16>, vector<1000x128xbf16> -> vector<1000x256xbf16>
    %convert_element_type3A = arith.extf %concatenate3A : vector<1000x256xbf16> to vector<1000x256xf32>
    %mul3A = vector.broadcast %rsqrt3A : vector<1000x1xf32> to vector<1000x256xf32>
    %mul3A_8 = arith.mulf %convert_element_type3A, %mul3A : vector<1000x256xf32>
    %get3A_9 = arith.constant 0 : index
    %get3A_10 = arith.constant 0 : index
    %get3A_11 = vector.load %arg5[%get3A_9, %get3A_10] : memref<1x256xf32, #tpu.memory_space<vmem>>, vector<1x256xf32>
    %add3A = vector.broadcast %get3A_11 : vector<1x256xf32> to vector<1000x256xf32>
    %add3A_12 = arith.addf %mul3A_8, %add3A : vector<1000x256xf32>
    %max3A = arith.constant 0.000000e+00 : f32
    %max3A_13 = vector.broadcast %max3A : f32 to vector<1000x256xf32>
    %max3A_14 = arith.maximumf %add3A_12, %max3A_13 : vector<1000x256xf32>
    %convert_element_type3A_15 = arith.truncf %max3A_14 : vector<1000x256xf32> to vector<1000x256xbf16>
    %get3A_16 = arith.constant 0 : index
    %get3A_17 = arith.constant 0 : index
    %get3A_18 = arith.constant 0 : index
    %get3A_19 = vector.load %arg6[%get3A_16, %get3A_17, %get3A_18] : memref<1x256x128xbf16, #tpu.memory_space<vmem>>, vector<1x256x128xbf16>
    %get3A_20 = vector.shape_cast %get3A_19 : vector<1x256x128xbf16> to vector<256x128xbf16>
    %dot_general3A = arith.constant dense<0.000000e+00> : vector<1000x128xf32>
    %dot_general3A_21 = tpu.matmul %convert_element_type3A_15, %get3A_20, %dot_general3A {dimension_numbers = #tpu.dot_dimension_numbers<[1], [0], [0], [1], [0, 0, 1, 1], [], []>, transpose_lhs_hint = false} : vector<1000x256xbf16>, vector<256x128xbf16>, vector<1000x128xf32> -> vector<1000x128xf32>
    %mul3A_22 = vector.broadcast %rsqrt3A : vector<1000x1xf32> to vector<1000x128xf32>
    %mul3A_23 = arith.mulf %dot_general3A_21, %mul3A_22 : vector<1000x128xf32>
    %convert_element_type3A_24 = arith.truncf %mul3A_23 : vector<1000x128xf32> to vector<1000x128xbf16>
    %swap3A = arith.constant 0 : index
    %swap3A_25 = arith.constant 0 : index
    %swap3A_26 = vector.load %arg7[%swap3A, %swap3A_25] : memref<1000x128xbf16, #tpu.memory_space<vmem>>, vector<1000x128xbf16>
    tpu.vector_store %arg7[%swap3A, %swap3A_25], %convert_element_type3A_24 {strides = array<i32>} : memref<1000x128xbf16, #tpu.memory_space<vmem>>, vector<1000x128xbf16>,
    return
  }
  func.func @transform_0(%arg0: i32, %arg1: i32) -> (i32, i32) {
    %c0_i32 = arith.constant 0 : i32
    %c0_i32_0 = arith.constant 0 : i32
    return %arg0, %c0_i32 : i32, i32
  }
  func.func @transform_1(%arg0: i32, %arg1: i32) -> (i32, i32) {
    %c0_i32 = arith.constant 0 : i32
    %c0_i32_0 = arith.constant 0 : i32
    return %arg0, %c0_i32 : i32, i32
  }
  func.func @transform_2(%arg0: i32, %arg1: i32) -> (i32, i32) {
    %c0_i32 = arith.constant 0 : i32
    %c0_i32_0 = arith.constant 0 : i32
    return %arg0, %c0_i32 : i32, i32
  }
  func.func @transform_3(%arg0: i32, %arg1: i32) -> (i32, i32) {
    %c0_i32 = arith.constant 0 : i32
    %c0_i32_0 = arith.constant 0 : i32
    %c0_i32_1 = arith.constant 0 : i32
    return %c0_i32, %c0_i32_0 : i32, i32
  }
  func.func @transform_4(%arg0: i32, %arg1: i32) -> (i32, i32, i32) {
    %c0_i32 = arith.constant 0 : i32
    %c0_i32_0 = arith.constant 0 : i32
    %c0_i32_1 = arith.constant 0 : i32
    return %arg1, %c0_i32, %c0_i32_0 : i32, i32, i32
  }
  func.func @transform_5(%arg0: i32, %arg1: i32) -> (i32, i32) {
    %mul3A = arith.constant 10 : i32
    %mul3A_0 = arith.muli %arg1, %mul3A : i32
    %add3A = arith.addi %mul3A_0, %arg0 : i32
    %c0_i32 = arith.constant 0 : i32
    %c0_i32_1 = arith.constant 0 : i32
    return %add3A, %c0_i32 : i32, i32
  }
}

module attributes {stable_mosaic.version = 14 : i64} {
  func.func @body(%arg0: i32, %arg1: i32, %arg2: memref<1000x128xbf16, #tpu.memory_space<vmem>>, %arg3: memref<1000x128xbf16, #tpu.memory_space<vmem>>, %arg4: memref<1000x1xf32, #tpu.memory_space<vmem>>, %arg5: memref<1x256xf32, #tpu.memory_space<vmem>>, %arg6: memref<1x256x64xbf16, #tpu.memory_space<vmem>>, %arg7: memref<1000x64xbf16, #tpu.memory_space<vmem>>) attributes {dimension_semantics = [#tpu.dimension_semantics<arbitrary>, #tpu.dimension_semantics<arbitrary>], iteration_bounds = array<i64: 10, 2>, scalar_prefetch = 0 : i64, scratch_operands = 0 : i64, tpu.core_type = #tpu.core_type<tc>, window_params = [{transform_indices = @transform_0, window_bounds = array<i64: 1000, 128>}, {transform_indices = @transform_1, window_bounds = array<i64: 1000, 128>}, {transform_indices = @transform_2, window_bounds = array<i64: 1000, 1>}, {pipeline_mode = #tpu.pipeline_mode<synchronous>, transform_indices = @transform_3, window_bounds = array<i64: 1, 256>}, {transform_indices = @transform_4, window_bounds = array<i64: 1, 256, 64>}, {transform_indices = @transform_5, window_bounds = array<i64: 1000, 64>}]} {
    %get3A = arith.constant 0 : index
    %get3A_0 = arith.constant 0 : index
    %get3A_1 = vector.load %arg4[%get3A, %get3A_0] : memref<1000x1xf32, #tpu.memory_space<vmem>>, vector<1000x1xf32>
    %rsqrt3A = math.rsqrt %get3A_1 : vector<1000x1xf32>
    %get3A_2 = arith.constant 0 : index
    %get3A_3 = arith.constant 0 : index
    %get3A_4 = vector.load %arg2[%get3A_2, %get3A_3] : memref<1000x128xbf16, #tpu.memory_space<vmem>>, vector<1000x128xbf16>
    %get3A_5 = arith.constant 0 : index
    %get3A_6 = arith.constant 0 : index
    %get3A_7 = vector.load %arg3[%get3A_5, %get3A_6] : memref<1000x128xbf16, #tpu.memory_space<vmem>>, vector<1000x128xbf16>
    %concatenate3A = tpu.concatenate %get3A_4, %get3A_7 in 1 : vector<1000x128xbf16>, vector<1000x128xbf16> -> vector<1000x256xbf16>
    %convert_element_type3A = arith.extf %concatenate3A : vector<1000x256xbf16> to vector<1000x256xf32>
    %mul3A = vector.broadcast %rsqrt3A : vector<1000x1xf32> to vector<1000x256xf32>
    %mul3A_8 = arith.mulf %convert_element_type3A, %mul3A : vector<1000x256xf32>
    %get3A_9 = arith.constant 0 : index
    %get3A_10 = arith.constant 0 : index
    %get3A_11 = vector.load %arg5[%get3A_9, %get3A_10] : memref<1x256xf32, #tpu.memory_space<vmem>>, vector<1x256xf32>
    %add3A = vector.broadcast %get3A_11 : vector<1x256xf32> to vector<1000x256xf32>
    %add3A_12 = arith.addf %mul3A_8, %add3A : vector<1000x256xf32>
    %max3A = arith.constant 0.000000e+00 : f32
    %max3A_13 = vector.broadcast %max3A : f32 to vector<1000x256xf32>
    %max3A_14 = arith.maximumf %add3A_12, %max3A_13 : vector<1000x256xf32>
    %convert_element_type3A_15 = arith.truncf %max3A_14 : vector<1000x256xf32> to vector<1000x256xbf16>
    %get3A_16 = arith.constant 0 : index
    %get3A_17 = arith.constant 0 : index
    %get3A_18 = arith.constant 0 : index
    %get3A_19 = vector.load %arg6[%get3A_16, %get3A_17, %get3A_18] : memref<1x256x64xbf16, #tpu.memory_space<vmem>>, vector<1x256x64xbf16>
    %get3A_20 = vector.shape_cast %get3A_19 : vector<1x256x64xbf16> to vector<256x64xbf16>
    %dot_general3A = arith.constant dense<0.000000e+00> : vector<1000x64xf32>
    %dot_general3A_21 = tpu.matmul %convert_element_type3A_15, %get3A_20, %dot_general3A {dimension_numbers = #tpu.dot_dimension_numbers<[1], [0], [0], [1], [0, 0, 1, 1], [], []>, transpose_lhs_hint = false} : vector<1000x256xbf16>, vector<256x64xbf16>, vector<1000x64xf32> -> vector<1000x64xf32>
    %mul3A_22 = vector.broadcast %rsqrt3A : vector<1000x1xf32> to vector<1000x64xf32>
    %mul3A_23 = arith.mulf %dot_general3A_21, %mul3A_22 : vector<1000x64xf32>
    %convert_element_type3A_24 = arith.truncf %mul3A_23 : vector<1000x64xf32> to vector<1000x64xbf16>
    %swap3A = arith.constant 0 : index
    %swap3A_25 = arith.constant 0 : index
    %swap3A_26 = vector.load %arg7[%swap3A, %swap3A_25] : memref<1000x64xbf16, #tpu.memory_space<vmem>>, vector<1000x64xbf16>
    tpu.vector_store %arg7[%swap3A, %swap3A_25], %convert_element_type3A_24 {strides = array<i32>} : memref<1000x64xbf16, #tpu.memory_space<vmem>>, vector<1000x64xbf16>,
    return
  }
  func.func @transform_0(%arg0: i32, %arg1: i32) -> (i32, i32) {
    %c0_i32 = arith.constant 0 : i32
    %c0_i32_0 = arith.constant 0 : i32
    return %arg0, %c0_i32 : i32, i32
  }
  func.func @transform_1(%arg0: i32, %arg1: i32) -> (i32, i32) {
    %c0_i32 = arith.constant 0 : i32
    %c0_i32_0 = arith.constant 0 : i32
    return %arg0, %c0_i32 : i32, i32
  }
  func.func @transform_2(%arg0: i32, %arg1: i32) -> (i32, i32) {
    %c0_i32 = arith.constant 0 : i32
    %c0_i32_0 = arith.constant 0 : i32
    return %arg0, %c0_i32 : i32, i32
  }
  func.func @transform_3(%arg0: i32, %arg1: i32) -> (i32, i32) {
    %c0_i32 = arith.constant 0 : i32
    %c0_i32_0 = arith.constant 0 : i32
    %c0_i32_1 = arith.constant 0 : i32
    return %c0_i32, %c0_i32_0 : i32, i32
  }
  func.func @transform_4(%arg0: i32, %arg1: i32) -> (i32, i32, i32) {
    %c0_i32 = arith.constant 0 : i32
    %c0_i32_0 = arith.constant 0 : i32
    %c0_i32_1 = arith.constant 0 : i32
    return %arg1, %c0_i32, %c0_i32_0 : i32, i32, i32
  }
  func.func @transform_5(%arg0: i32, %arg1: i32) -> (i32, i32) {
    %mul3A = arith.constant 10 : i32
    %mul3A_0 = arith.muli %arg1, %mul3A : i32
    %add3A = arith.addi %mul3A_0, %arg0 : i32
    %c0_i32 = arith.constant 0 : i32
    %c0_i32_1 = arith.constant 0 : i32
    return %add3A, %c0_i32 : i32, i32
  }
}

module attributes {stable_mosaic.version = 14 : i64} {
  func.func @body(%arg0: i32, %arg1: memref<1000x64xbf16, #tpu.memory_space<vmem>>, %arg2: memref<1000x64xbf16, #tpu.memory_space<vmem>>, %arg3: memref<1000x1xf32, #tpu.memory_space<vmem>>, %arg4: memref<1x128xf32, #tpu.memory_space<vmem>>, %arg5: memref<1000x128xf32, #tpu.memory_space<vmem>>) attributes {dimension_semantics = [#tpu.dimension_semantics<arbitrary>], iteration_bounds = array<i64: 10>, scalar_prefetch = 0 : i64, scratch_operands = 0 : i64, tpu.core_type = #tpu.core_type<tc>, window_params = [{transform_indices = @transform_0, window_bounds = array<i64: 1000, 64>}, {transform_indices = @transform_1, window_bounds = array<i64: 1000, 64>}, {transform_indices = @transform_2, window_bounds = array<i64: 1000, 1>}, {pipeline_mode = #tpu.pipeline_mode<synchronous>, transform_indices = @transform_3, window_bounds = array<i64: 1, 128>}, {transform_indices = @transform_4, window_bounds = array<i64: 1000, 128>}]} {
    %get3A = arith.constant 0 : index
    %get3A_0 = arith.constant 0 : index
    %get3A_1 = vector.load %arg3[%get3A, %get3A_0] : memref<1000x1xf32, #tpu.memory_space<vmem>>, vector<1000x1xf32>
    %rsqrt3A = math.rsqrt %get3A_1 : vector<1000x1xf32>
    %get3A_2 = arith.constant 0 : index
    %get3A_3 = arith.constant 0 : index
    %get3A_4 = vector.load %arg1[%get3A_2, %get3A_3] : memref<1000x64xbf16, #tpu.memory_space<vmem>>, vector<1000x64xbf16>
    %get3A_5 = arith.constant 0 : index
    %get3A_6 = arith.constant 0 : index
    %get3A_7 = vector.load %arg2[%get3A_5, %get3A_6] : memref<1000x64xbf16, #tpu.memory_space<vmem>>, vector<1000x64xbf16>
    %concatenate3A = tpu.concatenate %get3A_4, %get3A_7 in 1 : vector<1000x64xbf16>, vector<1000x64xbf16> -> vector<1000x128xbf16>
    %convert_element_type3A = arith.extf %concatenate3A : vector<1000x128xbf16> to vector<1000x128xf32>
    %mul3A = vector.broadcast %rsqrt3A : vector<1000x1xf32> to vector<1000x128xf32>
    %mul3A_8 = arith.mulf %convert_element_type3A, %mul3A : vector<1000x128xf32>
    %get3A_9 = arith.constant 0 : index
    %get3A_10 = arith.constant 0 : index
    %get3A_11 = vector.load %arg4[%get3A_9, %get3A_10] : memref<1x128xf32, #tpu.memory_space<vmem>>, vector<1x128xf32>
    %add3A = vector.broadcast %get3A_11 : vector<1x128xf32> to vector<1000x128xf32>
    %add3A_12 = arith.addf %mul3A_8, %add3A : vector<1000x128xf32>
    %max3A = arith.constant 0.000000e+00 : f32
    %max3A_13 = vector.broadcast %max3A : f32 to vector<1000x128xf32>
    %max3A_14 = arith.maximumf %add3A_12, %max3A_13 : vector<1000x128xf32>
    %reduce_max3A = arith.constant dense<0xFF800000> : vector<1000xf32>
    %reduce_max3A_15 = vector.multi_reduction <maximumf>, %max3A_14, %reduce_max3A [1] : vector<1000x128xf32> to vector<1000xf32>
    %broadcast_in_dim3A = vector.shape_cast %reduce_max3A_15 : vector<1000xf32> to vector<1000x1xf32>
    %sub3A = vector.broadcast %broadcast_in_dim3A : vector<1000x1xf32> to vector<1000x128xf32>
    %sub3A_16 = arith.subf %max3A_14, %sub3A : vector<1000x128xf32>
    %exp3A = math.exp %sub3A_16 : vector<1000x128xf32>
    %reduce_sum3A = arith.constant dense<0.000000e+00> : vector<1000xf32>
    %reduce_sum3A_17 = vector.multi_reduction <add>, %exp3A, %reduce_sum3A [1] : vector<1000x128xf32> to vector<1000xf32>
    %broadcast_in_dim3A_18 = vector.shape_cast %reduce_sum3A_17 : vector<1000xf32> to vector<1000x1xf32>
    %log3A = math.log %broadcast_in_dim3A_18 : vector<1000x1xf32>
    %add3A_19 = arith.addf %log3A, %broadcast_in_dim3A : vector<1000x1xf32>
    %sub3A_20 = vector.broadcast %add3A_19 : vector<1000x1xf32> to vector<1000x128xf32>
    %sub3A_21 = arith.subf %max3A_14, %sub3A_20 : vector<1000x128xf32>
    %swap3A = arith.constant 0 : index
    %swap3A_22 = arith.constant 0 : index
    %swap3A_23 = vector.load %arg5[%swap3A, %swap3A_22] : memref<1000x128xf32, #tpu.memory_space<vmem>>, vector<1000x128xf32>
    tpu.vector_store %arg5[%swap3A, %swap3A_22], %sub3A_21 {strides = array<i32>} : memref<1000x128xf32, #tpu.memory_space<vmem>>, vector<1000x128xf32>,
    return
  }
  func.func @transform_0(%arg0: i32) -> (i32, i32) {
    %c0_i32 = arith.constant 0 : i32
    %c0_i32_0 = arith.constant 0 : i32
    return %arg0, %c0_i32 : i32, i32
  }
  func.func @transform_1(%arg0: i32) -> (i32, i32) {
    %c0_i32 = arith.constant 0 : i32
    %c0_i32_0 = arith.constant 0 : i32
    return %arg0, %c0_i32 : i32, i32
  }
  func.func @transform_2(%arg0: i32) -> (i32, i32) {
    %c0_i32 = arith.constant 0 : i32
    %c0_i32_0 = arith.constant 0 : i32
    return %arg0, %c0_i32 : i32, i32
  }
  func.func @transform_3(%arg0: i32) -> (i32, i32) {
    %c0_i32 = arith.constant 0 : i32
    %c0_i32_0 = arith.constant 0 : i32
    %c0_i32_1 = arith.constant 0 : i32
    return %c0_i32, %c0_i32_0 : i32, i32
  }
  func.func @transform_4(%arg0: i32) -> (i32, i32) {
    %c0_i32 = arith.constant 0 : i32
    %c0_i32_0 = arith.constant 0 : i32
    return %arg0, %c0_i32 : i32, i32
  }
}

</mosaic_0001>

<sc_bundles>
// kernel: kernel.10.cloned.1.call-start
scs
__scs_entry_jumppad:
0x0: {  	(pc) =	sbr.rel $0x88, $3  }
0x1: {  	(tag) =	ssettag $0x0;
	lr =	simm.s32 $0x1  }
0x2: {  	[smem:$0x3F99] =	sst lr;
	_ =	strace $0xD0000000  }
0x3: {  	_ = 	snop  }
0x4: {  	_ = 	snop  }
0x5: {  	_ = 	snop  }
0x6: {  	_ = 	snop  }
0x7: {  	_ = 	snop  }
__scs_overlays_trampoline_lowered:
0x8: {  	[smem:$0x3FA8] =	sst s0  }
0x9: {  	[smem:$0x3FA9] =	sst s1  }
0xa: {  	[smem:$0x3FAA] =	sst s2  }
0xb: {  	[smem:$0x3FAB] =	sst s3  }
0xc: {  	[smem:$0x3FAC] =	sst s4  }
0xd: {  	[smem:$0x3FAD] =	sst s5  }
0xe: {  	[smem:$0x3FAE] =	sst s6  }
0xf: {  	[smem:$0x3FAF] =	sst s7  }
0x10: {  	[smem:$0x3FB0] =	sst s8  }
0x11: {  	[smem:$0x3FB1] =	sst s9;
	s0 =	simm.s32 @!p0 $0x0  }
0x12: {  	s1 =	sld [smem:$0x3F97];
	s0 =	simm.s32 @p0 $0x1  }
0x13: {  	[smem:$0x3FB2] =	sst s0;
	s0 =	simm.s32 @!p1 $0x0  }
0x14: {  	s2 =	sld [smem:$0x3F96];
	s0 =	simm.s32 @p1 $0x1  }
0x15: {  	[smem:$0x3FB3] =	sst s0;
	s0 =	simm.s32 @!p2 $0x0  }
0x16: {  	s3 =	sld [smem:$0x3FDB];
	s0 =	simm.s32 @p2 $0x1  }
0x17: {  	s4 =	simm.s32 $0x1BF5;
	[smem:$0x3FB5] =	sst s0  }
0x18: {  	s0 =	sld [smem:$0x3F98];
	_ =	swait.ge [sflag:s4], $0x0  }
0x19: {  	s7 =	sld [smem:$0x3F99]  }
0x1a: {  	s8 =	sadd.s32 $0xFFFFE003, lr  }
0x1b: {  	s9 =	sadd.s32 $0xFFFFFEF7, lr;
	s5 =	simm.s32 $0xFFFFFFFF;
	p2 =	slt.u32 s8, $0xFFFFF086  }
0x1c: {  	p1 =	slt.u32 s9, $0xF7A;
	s5 =	simm.s32 @!p2 $0x0  }
0x1d: {  	s5 =	simm.s32 @p1 $0x1;
	p0 =	seq.s32 s7, s2  }
0x1e: {  	s7 =	smul.u32 @!p0 $0xF7A, s2;
	p2 =	seq.s32 @!p0 s5, $0x0  }
0x1f: {  	s9 =	smul.u32 $0xF7A, s1;
	s8 =	simm.s32 @!p0 $0x1BF5;
	p2 =	por !p2, p0  }
0x20: {  	[sflag:s8] =	ssyncset.s32 @!p0 $0xFFFFF086;
	s6 =	sadd.s32 @!p0 s3, s7;
	s7 =	simm.s32 @!p0 $0x108  }
0x21: {  	s3 =	sadd.s32 s3, s9;
	s6 =	sadd.s32 @!p0 $0x88, s6;
	s7 =	simm.s32 @p2 $0x1082  }
0x22: {  	[simem:s7], [sflag:s8] =	dma.local @!p0 [hbm:s6], $0xF7A  }
0x23: {  	s9 =	sor.u32 $0xD0000000, s2;
	s6 =	simm.s32 $0x108;
	_ =	swait.ge @!p0 [sflag:s8], $0x0  }
0x24: {  	s3 =	sadd.s32 $0x88, s3;
	s6 =	simm.s32 @!p1 $0x1082;
	[sflag:s4] =	ssyncset.s32 $0xFFFFF086  }
0x25: {  	[simem:s6], [sflag:s4] =	dma.local [hbm:s3], $0xF7A  }
0x26: {  	[smem:$0x3F99] =	sst s1;
	(tag) =	ssettag s2;
	_ =	strace s9  }
0x27: {  	s1 =	sld [smem:$0x3FA9]  }
0x28: {  	s2 =	sld [smem:$0x3FAA]  }
0x29: {  	s4 =	sld [smem:$0x3FAC]  }
0x2a: {  	p0 =	seq.s32 s5, $0x0;
	s5 =	sld [smem:$0x3FAD]  }
0x2b: {  	s6 =	sld [smem:$0x3FAE]  }
0x2c: {  	s7 =	sld [smem:$0x3FAF]  }
0x2d: {  	s3 =	simm.s32 $0x108;
	s8 =	sld [smem:$0x3FB0]  }
0x2e: {  	s3 =	simm.s32 @!p0 $0x1082;
	s9 =	sld [smem:$0x3FB1]  }
0x2f: {  	lr =	sadd.s32 s0, s3;
	s0 =	sld [smem:$0x3FA8]  }
0x30: {  	s3 =	sld [smem:$0x3FAB]  }
0x31: {  	[smem:$0x3FB4] =	sst s10  }
0x32: {  	s10 =	sld [smem:$0x3FB2];
	_ =	sdelay $0x3  }
0x33: {  	p0 =	seq.s32 s10, $0x1;
	s10 =	sld [smem:$0x3FB4];
	_ =	sdelay $0x3  }
0x34: {  	[smem:$0x3FB4] =	sst s10  }
0x35: {  	s10 =	sld [smem:$0x3FB3];
	_ =	sdelay $0x3  }
0x36: {  	p1 =	seq.s32 s10, $0x1;
	s10 =	sld [smem:$0x3FB4];
	_ =	sdelay $0x3  }
0x37: {  	[smem:$0x3FB4] =	sst s10  }
0x38: {  	s10 =	sld [smem:$0x3FB5]  }
0x39: {  	_ = 	snop;
	(pc) =	sbr.ind lr, $3  }
0x3a: {  	_ = 	snop  }
0x3b: {  	_ = 	snop  }
0x3c: {  	p2 =	seq.s32 s10, $0x1;
	s10 =	sld [smem:$0x3FB4]  }
0x3d: {  	_ =	shalt  }
0x3e: {  	_ =	shalt  }
0x3f: {  	_ =	shalt  }
0x40: {  	_ =	shalt  }
0x41: {  	_ =	shalt  }
0x42: {  	_ =	shalt  }
0x43: {  	_ =	shalt  }
0x44: {  	_ =	shalt  }
0x45: {  	_ =	shalt  }
0x46: {  	_ =	shalt  }
0x47: {  	_ =	shalt  }
0x48: {  	_ =	shalt  }
0x49: {  	_ =	shalt  }
0x4a: {  	_ =	shalt  }
0x4b: {  	_ =	shalt  }
0x4c: {  	_ =	shalt  }
0x4d: {  	_ =	shalt  }
0x4e: {  	_ =	shalt  }
0x4f: {  	_ =	shalt  }
0x50: {  	_ =	shalt  }
0x51: {  	_ =	shalt  }
0x52: {  	_ =	shalt  }
0x53: {  	_ =	shalt  }
0x54: {  	_ =	shalt  }
0x55: {  	_ =	shalt  }
0x56: {  	_ =	shalt  }
0x57: {  	_ =	shalt  }
0x58: {  	_ =	shalt  }
0x59: {  	_ =	shalt  }
0x5a: {  	_ =	shalt  }
0x5b: {  	_ =	shalt  }
0x5c: {  	_ =	shalt  }
0x5d: {  	_ =	shalt  }
0x5e: {  	_ =	shalt  }
0x5f: {  	_ =	shalt  }
0x60: {  	_ =	shalt  }
0x61: {  	_ =	shalt  }
0x62: {  	_ =	shalt  }
0x63: {  	_ =	shalt  }
0x64: {  	_ =	shalt  }
0x65: {  	_ =	shalt  }
0x66: {  	_ =	shalt  }
0x67: {  	_ =	shalt  }
0x68: {  	_ =	shalt  }
0x69: {  	_ =	shalt  }
0x6a: {  	_ =	shalt  }
0x6b: {  	_ =	shalt  }
0x6c: {  	_ =	shalt  }
0x6d: {  	_ =	shalt  }
0x6e: {  	_ =	shalt  }
0x6f: {  	_ =	shalt  }
0x70: {  	_ =	shalt  }
0x71: {  	_ =	shalt  }
0x72: {  	_ =	shalt  }
0x73: {  	_ =	shalt  }
0x74: {  	_ =	shalt  }
0x75: {  	_ =	shalt  }
0x76: {  	_ =	shalt  }
0x77: {  	_ =	shalt  }
0x78: {  	_ =	shalt  }
0x79: {  	_ =	shalt  }
0x7a: {  	_ =	shalt  }
0x7b: {  	_ =	shalt  }
0x7c: {  	_ =	shalt  }
0x7d: {  	_ =	shalt  }
0x7e: {  	_ =	shalt  }
0x7f: {  	_ =	shalt  }
0x80: {  	_ =	shalt  }
0x81: {  	_ =	shalt  }
0x82: {  	_ =	shalt  }
0x83: {  	_ =	shalt  }
0x84: {  	_ =	shalt  }
0x85: {  	_ =	shalt  }
0x86: {  	_ =	shalt  }
0x87: {  	_ =	shalt  }
.Lfunc_end0:
.L_simem_size_0:
called_computation_lowered:
.L_overlay_start_0:
0x88: {  	s2 =	sld [smem:$0x3FD9]  }
0x89: {  	s3 =	sld [smem:$0x3FFE];
	_ =	sdelay $0x1  }
0x8a: {  	s1 =	srdreg.scid  }
0x8b: {  	s0 =	sand.u32 $0x1, s1  }
0x8c: {  	s17 =	sshll.u32 s0, $0xA;
	s2 =	sadd.s32 s3, s2  }
0x8d: {  	s2 =	sadd.s32 s2, s17  }
0x8e: {  	[smem:$0x3FC0] =	sst s2  }
0x8f: {  	_ = 	snop  }
0x90: {  	s2 =	sld [smem:$0x3FD0];
	(tm) =	ssettm $0x1  }
0x91: {  	s18 =	sld [smem:$0x3FFB];
	_ =	sdelay $0x3  }
0x92: {  	_ =	strace s18  }
0x93: {  	s3 =	sld [smem:$0x3FFC];
	_ =	sdelay $0x3  }
0x94: {  	_ =	strace s3  }
0x95: {  	s3 =	sld [smem:$0x3FFD];
	_ =	sdelay $0x3  }
0x96: {  	_ =	strace s3  }
0x97: {  	_ =	strace $0x8FFFFFFF  }
0x98: {  	s19 =	sld [smem:$0x3FDB];
	_ =	sdelay $0x1  }
0x99: {  	s4 =	simm.s32 $_scs_section_size  }
0x9a: {  	s5 =	simm.s32 $_size__tile_overlayer_lowered;
	s6 =	simm.s32 $_tile_overlayer_lowered  }
0x9b: {  	s22 =	simm.s32 $0x1BFF;
	s21 =	sshll.u32 s6, $0x1;
	s3 =	sadd.s32 s4, s19  }
0x9c: {  	s7 =	simm.s32 $0x0;
	s20 =	sshll.u32 s5, $0x1;
	s5 =	sadd.s32 s21, s3  }
0x9d: {  	[timem:s7], [sflag:s22] =	dma.local [hbm:s5], s20  }
0x9e: {  	_ =	swait.ge [sflag:s22], s20  }
0x9f: {  	s4 =	ssub.s32 $0x0, s20;
	[sflag:s22] =	ssyncset.done $0x0  }
0xa0: {  	[sflag:s22] =	ssyncadd.s32 s4;
	_ =	sdelay $0x1  }
0xa1: {  	s23 =	simm.s32 $0x1B8B  }
0xa2: {  	_ =	swait.ge [sflag:s23], $0x1  }
0xa3: {  	[sflag:s23] =	ssyncset.done $0x0  }
0xa4: {  	s25 =	simm.s32 $0x1B8E;
	s24 =	sld [smem:$0x3FFE];
	[sflag:s23] =	ssyncadd.s32 $0xFFFFFFFF  }
0xa5: {  	s26 =	simm.s32 $execute0_lowered;
	[smem:$0x3FD2] =	sst s25  }
0xa6: {  	s5 =	sshll.u32 s26, $0x1;
	_ =	strace $0x80000046;
	[dreg:$0x1] =	wrdreg $0xFFFFFFFF  }
0xa7: {  	s28 =	simm.s32 $_size_execute0_lowered;
	s3 =	sadd.s32 s3, s5;
	[dreg:$0x0] =	wrdreg $0x0  }
0xa8: {  	s5 =	sshll.u32 s28, $0x1;
	[dreg:$0x2] =	wrdreg s3  }
0xa9: {  	[dreg:$0x3] =	wrdreg s5  }
0xaa: {  	[dreg:$0x4] =	wrdreg $0xC0  }
0xab: {  	_ =	task [dreg:s7], $0x5FFFF  }
0xac: {  	[dreg:$0x1] =	wrdreg $0xFFFFFFFF  }
0xad: {  	[dreg:$0x0] =	wrdreg $0x60  }
0xae: {  	[dreg:$0x2] =	wrdreg s24  }
0xaf: {  	[dreg:$0x3] =	wrdreg s2  }
0xb0: {  	[dreg:$0x4] =	wrdreg $0x32000  }
0xb1: {  	[dreg:$0x5] =	wrdreg $0x9  }
0xb2: {  	_ =	task.clear_ibuf [dreg:s7], $0x6FFFF;
	_ =	strace $0x90000046  }
0xb3: {  	s29 =	simm.s32 $0x9;
	_ =	strace $0x80000048  }
0xb4: {  	_ =	swait.ge [sflag:s29], $0x1  }
0xb5: {  	[sflag:s29] =	ssyncadd.s32 $0xFFFFFFFF  }
0xb6: {  	_ =	strace $0x90000048  }
0xb7: {  	_ =	sfence  }
0xb8: {  	s30 =	sld [smem:$0x0];
	_ =	sdelay $0x2  }
0xb9: {  	s31 =	sshll.u32 s1, $0xD;
	s1 =	sshrl.u32 s1, $0x2  }
0xba: {  	s3 =	sand.u32 $0x4000, s31;
	s1 =	sadd.s32 s1, s30  }
0xbb: {  	s0 =	sor.u32 s3, s0;
	s1 =	sshll.u32 s1, $0x11  }
0xbc: {  	s0 =	sor.u32 s1, s0  }
0xbd: {  	s0 =	sadd.s32 $0x8F2B, s0  }
0xbe: {  	[sflag:s0] =	ssyncadd.remote.s32 $0x1  }
0xbf: {  	_ =	sfence.sel $0xFFFF  }
0xc0: {  	[dreg:$0x0] =	wrdreg $0xFFFFFFFF;
	(pc) =	sbr.abs _section_cstart, $3  }
0xc1: {  	[dreg:$0x1] =	wrdreg $0xFFFFFFFF  }
0xc2: {  	_ =	task.clear_ibuf [dreg:s7], $0x2FFFF;
	_ =	strace $0x9FFFFFFF  }
0xc3: {  	(tm) =	ssettm $0x7FFFFFFF  }
tec
execute0_lowered:
.L_overlay_start_1:
0x0: {  	(tag) =	ssettag $0x1  }
0x1: {  	s4 =	rddreg [dreg:$0x0]  }
0x2: {  	s15 =	rddreg [dreg:$0x1]  }
0x3: {  	s2 =	rddreg [dreg:$0x2]  }
0x4: {  	s0 =	rddreg [dreg:$0x3]  }
0x5: {  	s1 =	stileid.u32;
	s5 =	srdreg.scid  }
0x6: {  	s3 =	simm.s32 $0x0;
	s20 =	simm.s32 $0x2A00;
	s6 =	smul.u32 $0x540, s1  }
0x7: {  	s21 =	simm.s32 $0x1;
	s23 =	simm.s32 $0x0;
	s7 =	smul.u32 $0xA000, s1  }
0x8: {  	s19 =	sand.u32 $0x1, s5;
	[smem:$0x7FF] =	sst s3;
	s14 =	smul.u32 $0x2800, s1  }
0x9: {  	s5 =	ssub.s32 $0x2, s19;
	_ =	strace $0x80000047;
	p0 =	sne.s32 s19, $0x0  }
0xa: {  	s19 =	simm.s32 $0x40;
	s8 =	sshrl.u32 s5, $0x1;
	s4 =	sadd.s32 s6, s4  }
0xb: {  	s31 =	sshrl.u32 s7, $0x2;
	s18 =	sshrl.u32 s14, $0x3;
	s22 =	sshll.u32 @!p0 s1, $0x6  }
0xc: {  	s16 =	ssub.s32 s5, s8;
	s4 =	sadd.s32 $0x2000, s4;
	s5 =	sadd.s32 s14, s2  }
0xd: {  	s17 =	sadd.s32 s31, s2;
	s15 =	sadd.s32 s15, s18;
	s18 =	simm.s32 $0x2E00  }
0xe: {  	s22 =	sor.u32 @!p0 $0x1C02, s22;
	s6 =	sadd.s32 $0x400, s17;
	s7 =	sadd.s32 $0x800, s17  }
0xf: {  	s8 =	sadd.s32 $0xC00, s17;
	s9 =	sadd.s32 $0x1000, s17;
	s10 =	sadd.s32 $0x1400, s17  }
0x10: {  	s11 =	sadd.s32 $0x1800, s17;
	s12 =	sadd.s32 $0x1C00, s17;
	s13 =	sadd.s32 $0x2000, s17  }
0x11: {  	v0 =	vimm.f32 $1.000000000e+00;
	v1 =	vimm.f32 $0.0e+00;
	s14 =	sadd.s32 $0x2400, s17;
	s16 =	smax.u32 s16, $0x1;
	s17 =	simm.s32 $0x2  }
.LBB2_1:
0x12: {  	[tilespmem:s3], [sflag:$0x2] =	stream.linear.gather [hbm4b:s4+s3], $0x2A00, $0x38;
	[tilespmem:$0x5A00] =	vst v63  }
0x13: {  	_ =	swait.ge [sflag:s17], $0x2A00  }
0x14: {  	[sflag:s17] =	ssyncset.done $0x0  }
0x15: {  	s24 =	simm.s32 $0x40;
	s25 =	simm.s32 $0x0;
	[sflag:s17] =	ssyncadd.s32 $0xFFFFD600  }
.LBB2_2:
0x16: {  	p1 =	sne.s32 s24, $0xFC0;
	[tilespmem:s25+$0x2A00] =	vst v0;
	s26 =	smov.u32 s24;
	s24 =	sadd.s32 $0x40, s24  }
.Ltmp0:
0x17: {  	[tilespmem:s25+$0x2E00] =	vst v1;
	(pc) =	sbr.rel @p1 .LBB2_2-.Ltmp0, $2  }
0x18: {  	_ =	sdelay $0x2  }
0x19: {  	s25 =	sshra.s32 s26, $0x2  }
0x1a: {  	[tilespmem:s25+$0x2A00] =	vst v0  }
0x1b: {  	[tilespmem:s25+$0x2E00] =	vst v1  }
0x1c: {  	[spmem:s5] =	stream.linear.scatter [tilespmem:s18], [sflag:$0x2], $0x400, $0x38;
	[tilespmem:$0x5A00] =	vst v63  }
0x1d: {  	_ =	swait.ge [sflag:s17], $0x400  }
0x1e: {  	[sflag:s17] =	ssyncset.done $0x0  }
0x1f: {  	[sflag:s17] =	ssyncadd.s32 $0xFFFFFC00  }
0x20: {  	[spmem:s6] =	stream.linear.scatter [tilespmem:s18], [sflag:$0x2], $0x400, $0x38;
	[tilespmem:$0x5A00] =	vst v63  }
0x21: {  	_ =	swait.ge [sflag:s17], $0x400  }
0x22: {  	[sflag:s17] =	ssyncset.done $0x0  }
0x23: {  	[sflag:s17] =	ssyncadd.s32 $0xFFFFFC00  }
0x24: {  	[spmem:s7] =	stream.linear.scatter [tilespmem:s18], [sflag:$0x2], $0x400, $0x38;
	[tilespmem:$0x5A00] =	vst v63  }
0x25: {  	_ =	swait.ge [sflag:s17], $0x400  }
0x26: {  	[sflag:s17] =	ssyncset.done $0x0  }
0x27: {  	[sflag:s17] =	ssyncadd.s32 $0xFFFFFC00  }
0x28: {  	[spmem:s8] =	stream.linear.scatter [tilespmem:s18], [sflag:$0x2], $0x400, $0x38;
	[tilespmem:$0x5A00] =	vst v63  }
0x29: {  	_ =	swait.ge [sflag:s17], $0x400  }
0x2a: {  	[sflag:s17] =	ssyncset.done $0x0  }
0x2b: {  	[sflag:s17] =	ssyncadd.s32 $0xFFFFFC00  }
0x2c: {  	[spmem:s9] =	stream.linear.scatter [tilespmem:s18], [sflag:$0x2], $0x400, $0x38;
	[tilespmem:$0x5A00] =	vst v63  }
0x2d: {  	_ =	swait.ge [sflag:s17], $0x400  }
0x2e: {  	[sflag:s17] =	ssyncset.done $0x0  }
0x2f: {  	[sflag:s17] =	ssyncadd.s32 $0xFFFFFC00  }
0x30: {  	[spmem:s10] =	stream.linear.scatter [tilespmem:s18], [sflag:$0x2], $0x400, $0x38;
	[tilespmem:$0x5A00] =	vst v63  }
0x31: {  	_ =	swait.ge [sflag:s17], $0x400  }
0x32: {  	[sflag:s17] =	ssyncset.done $0x0  }
0x33: {  	[sflag:s17] =	ssyncadd.s32 $0xFFFFFC00  }
0x34: {  	[spmem:s11] =	stream.linear.scatter [tilespmem:s18], [sflag:$0x2], $0x400, $0x38;
	[tilespmem:$0x5A00] =	vst v63  }
0x35: {  	_ =	swait.ge [sflag:s17], $0x400  }
0x36: {  	[sflag:s17] =	ssyncset.done $0x0  }
0x37: {  	[sflag:s17] =	ssyncadd.s32 $0xFFFFFC00  }
0x38: {  	[spmem:s12] =	stream.linear.scatter [tilespmem:s18], [sflag:$0x2], $0x400, $0x38;
	[tilespmem:$0x5A00] =	vst v63  }
0x39: {  	_ =	swait.ge [sflag:s17], $0x400  }
0x3a: {  	[sflag:s17] =	ssyncset.done $0x0  }
0x3b: {  	[sflag:s17] =	ssyncadd.s32 $0xFFFFFC00  }
0x3c: {  	[spmem:s13] =	stream.linear.scatter [tilespmem:s18], [sflag:$0x2], $0x400, $0x38;
	[tilespmem:$0x5A00] =	vst v63  }
0x3d: {  	_ =	swait.ge [sflag:s17], $0x400  }
0x3e: {  	[sflag:s17] =	ssyncset.done $0x0  }
0x3f: {  	[sflag:s17] =	ssyncadd.s32 $0xFFFFFC00  }
0x40: {  	[spmem:s14] =	stream.linear.scatter [tilespmem:s18], [sflag:$0x2], $0x400, $0x38;
	[tilespmem:$0x5A00] =	vst v63  }
0x41: {  	_ =	swait.ge [sflag:s17], $0x400  }
0x42: {  	[sflag:s17] =	ssyncset.done $0x0  }
0x43: {  	p1 =	por $0x1, $0x1;
	[sflag:s17] =	ssyncadd.s32 $0xFFFFFC00  }
0x44: {  	s24 =	simm.s32 $0x0;
	s26 =	simm.s32 @!p1 $0x1;
	[bflag:$0x0] =	sbarrier.arrive $0xFFFF  }
0x45: {  	[spmem:s2] =	stream.indirect.scatter.add.f32 [tilespmem:s20], [sflag:$0x1], $0x10, s24, s19, $0xb8;
	[tilespmem:$0x5A00] =	vst v63  }
0x46: {  	_ =	swait.ge @!p1 [sflag:s26], $0x400  }
0x47: {  	s25 =	simm.s32 $0x1;
	[sflag:s26] =	ssyncset.done @!p1 $0x0  }
.LBB2_4:
0x48: {  	[sflag:s26] =	ssyncadd.s32 @!p1 $0xFFFFFC00  }
0x49: {  	s24 =	sadd.s32 $0x40, s24;
	s26 =	smov.u32 s25;
	s25 =	sadd.s32 $0x1, s25  }
0x4a: {  	p2 =	sne.s32 s25, $0xA8  }
0x4b: {  	[spmem:s2] =	stream.indirect.scatter.add.f32 [tilespmem:s20], [sflag:$0x1], $0x10, s24, s19, $0xb8;
	[tilespmem:$0x5A00] =	vst v63  }
.Ltmp1:
0x4c: {  	_ = 	snop;
	(pc) =	sbr.rel @p2 .LBB2_4-.Ltmp1, $4  }
0x4d: {  	p1 =	slt.u32 s26, $0x10  }
0x4e: {  	s26 =	simm.s32 @!p1 $0x1  }
0x4f: {  	_ =	swait.ge @!p1 [sflag:s26], $0x400  }
0x50: {  	[sflag:s26] =	ssyncset.done @!p1 $0x0  }
0x51: {  	[sflag:s26] =	ssyncadd.s32 @!p1 $0xFFFFFC00  }
0x52: {  	_ =	swait.ge [sflag:s21], $0x400  }
0x53: {  	[sflag:s21] =	ssyncset.done $0x0  }
0x54: {  	[sflag:s21] =	ssyncadd.s32 $0xFFFFFC00  }
0x55: {  	_ =	swait.ge [sflag:s21], $0x400  }
0x56: {  	[sflag:s21] =	ssyncset.done $0x0  }
0x57: {  	[sflag:s21] =	ssyncadd.s32 $0xFFFFFC00  }
0x58: {  	_ =	swait.ge [sflag:s21], $0x400  }
0x59: {  	[sflag:s21] =	ssyncset.done $0x0  }
0x5a: {  	[sflag:s21] =	ssyncadd.s32 $0xFFFFFC00  }
0x5b: {  	_ =	swait.ge [sflag:s21], $0x400  }
0x5c: {  	[sflag:s21] =	ssyncset.done $0x0  }
0x5d: {  	[sflag:s21] =	ssyncadd.s32 $0xFFFFFC00  }
0x5e: {  	_ =	swait.ge [sflag:s21], $0x400  }
0x5f: {  	[sflag:s21] =	ssyncset.done $0x0  }
0x60: {  	[sflag:s21] =	ssyncadd.s32 $0xFFFFFC00  }
0x61: {  	_ =	swait.ge [sflag:s21], $0x400  }
0x62: {  	[sflag:s21] =	ssyncset.done $0x0  }
0x63: {  	[sflag:s21] =	ssyncadd.s32 $0xFFFFFC00  }
0x64: {  	_ =	swait.ge [sflag:s21], $0x400  }
0x65: {  	[sflag:s21] =	ssyncset.done $0x0  }
0x66: {  	[sflag:s21] =	ssyncadd.s32 $0xFFFFFC00  }
0x67: {  	_ =	swait.ge [sflag:s21], $0x400  }
0x68: {  	[sflag:s21] =	ssyncset.done $0x0  }
0x69: {  	[sflag:s21] =	ssyncadd.s32 $0xFFFFFC00  }
0x6a: {  	_ =	swait.ge [sflag:s21], $0x400  }
0x6b: {  	[sflag:s21] =	ssyncset.done $0x0  }
0x6c: {  	[sflag:s21] =	ssyncadd.s32 $0xFFFFFC00  }
0x6d: {  	_ =	swait.ge [sflag:s21], $0x400  }
0x6e: {  	[sflag:s21] =	ssyncset.done $0x0  }
0x6f: {  	[sflag:s21] =	ssyncadd.s32 $0xFFFFFC00  }
0x70: {  	_ =	swait.ge [sflag:s21], $0x400  }
0x71: {  	[sflag:s21] =	ssyncset.done $0x0  }
0x72: {  	[sflag:s21] =	ssyncadd.s32 $0xFFFFFC00  }
0x73: {  	_ =	swait.ge [sflag:s21], $0x400  }
0x74: {  	[sflag:s21] =	ssyncset.done $0x0  }
0x75: {  	[sflag:s21] =	ssyncadd.s32 $0xFFFFFC00  }
0x76: {  	_ =	swait.ge [sflag:s21], $0x400  }
0x77: {  	[sflag:s21] =	ssyncset.done $0x0  }
0x78: {  	[sflag:s21] =	ssyncadd.s32 $0xFFFFFC00  }
0x79: {  	_ =	swait.ge [sflag:s21], $0x400  }
0x7a: {  	[sflag:s21] =	ssyncset.done $0x0  }
0x7b: {  	[sflag:s21] =	ssyncadd.s32 $0xFFFFFC00  }
0x7c: {  	_ =	swait.ge [sflag:s21], $0x400  }
0x7d: {  	[sflag:s21] =	ssyncset.done $0x0  }
0x7e: {  	[sflag:s21] =	ssyncadd.s32 $0xFFFFFC00  }
0x7f: {  	_ =	swait.ge [sflag:s21], $0x400  }
0x80: {  	[sflag:s21] =	ssyncset.done $0x0  }
0x81: {  	s23 =	sadd.s32 $0x1, s23;
	[sflag:s21] =	ssyncadd.s32 $0xFFFFFC00  }
0x82: {  	s24 =	sshrl.u32 @!p0 s5, $0x3;
	p1 =	sne.s32 s23, s16;
	[bflag:$0x0] =	sbarrier.arrive $0xFFFF  }
0x83: {  	[hbm:s15], [sflag:s22] =	dma.local @!p0 [spmem:s24], $0x500  }
.Ltmp2:
0x84: {  	_ = 	snop;
	(pc) =	sbr.rel @p1 .LBB2_1-.Ltmp2, $4  }
0x85: {  	s24 =	simm.s32 @!p0 $0x2  }
0x86: {  	_ =	swait.ge @!p0 [sflag:s24], $0x500  }
0x87: {  	[sflag:s24] =	ssyncset.done @!p0 $0x0  }
0x88: {  	[sflag:s24] =	ssyncadd.s32 @!p0 $0xFFFFFB00  }
0x89: {  	_ =	sfence.sel $0x180000  }
0x8a: {  	[bflag:$0x0] =	sbarrier.arrive $0xFFFF  }
0x8b: {  	p0 =	sne.s32 s1, $0x0;
	_ =	strace $0x90000047  }
0x8c: {  	s0 =	sadd.s32 @!p0 $0x100000, s0;
	[bflag:$0x2] =	sbarrier.arrive $0xFFFF  }
0x8d: {  	[sflag:s0] =	ssyncadd.tile.s32 @!p0 $0x1;
	_ =	shalt  }
.Lfunc_end2:
_tile_overlayer_lowered:
.L_overlay_start_2:
0x8e: {  	(tag) =	ssettag $0x2  }
0x8f: {  	s0 =	rddreg [dreg:$0x0];
	s2 =	stileid.u32  }
0x90: {  	s1 =	rddreg [dreg:$0x1];
	p0 =	sne.s32 s2, $0x0  }
0x91: {  	s3 =	rddreg [dreg:$0x2];
	[bflag:$0x3] =	sbarrier.arrive $0xFFFF;
	s2 =	simm.s32 @!p0 $0x1C02  }
0x92: {  	[timem:s3], [sflag:s2] =	dma.local @!p0 [hbm:s0], s1  }
0x93: {  	s0 =	simm.s32 @!p0 $0x2  }
0x94: {  	_ =	swait.ge @!p0 [sflag:s0], s1  }
0x95: {  	s1 =	ssub.s32 @!p0 $0x0, s1;
	[sflag:s0] =	ssyncset.done @!p0 $0x0  }
0x96: {  	[sflag:s0] =	ssyncadd.s32 @!p0 s1  }
0x97: {  	[bflag:$0x3] =	sbarrier.arrive $0xFFFF  }
0x98: {  	_ =	shalt  }

// kernel: kernel.13.cloned.1.call-start
scs
__scs_entry_jumppad:
0x0: {  	(pc) =	sbr.rel $0x88, $3  }
0x1: {  	(tag) =	ssettag $0x0;
	lr =	simm.s32 $0x1  }
0x2: {  	[smem:$0x3F99] =	sst lr;
	_ =	strace $0xD0000000  }
0x3: {  	_ = 	snop  }
0x4: {  	_ = 	snop  }
0x5: {  	_ = 	snop  }
0x6: {  	_ = 	snop  }
0x7: {  	_ = 	snop  }
__scs_overlays_trampoline_lowered:
0x8: {  	[smem:$0x3FA8] =	sst s0  }
0x9: {  	[smem:$0x3FA9] =	sst s1  }
0xa: {  	[smem:$0x3FAA] =	sst s2  }
0xb: {  	[smem:$0x3FAB] =	sst s3  }
0xc: {  	[smem:$0x3FAC] =	sst s4  }
0xd: {  	[smem:$0x3FAD] =	sst s5  }
0xe: {  	[smem:$0x3FAE] =	sst s6  }
0xf: {  	[smem:$0x3FAF] =	sst s7  }
0x10: {  	[smem:$0x3FB0] =	sst s8  }
0x11: {  	[smem:$0x3FB1] =	sst s9;
	s0 =	simm.s32 @!p0 $0x0  }
0x12: {  	s1 =	sld [smem:$0x3F97];
	s0 =	simm.s32 @p0 $0x1  }
0x13: {  	[smem:$0x3FB2] =	sst s0;
	s0 =	simm.s32 @!p1 $0x0  }
0x14: {  	s2 =	sld [smem:$0x3F96];
	s0 =	simm.s32 @p1 $0x1  }
0x15: {  	[smem:$0x3FB3] =	sst s0;
	s0 =	simm.s32 @!p2 $0x0  }
0x16: {  	s3 =	sld [smem:$0x3FDB];
	s0 =	simm.s32 @p2 $0x1  }
0x17: {  	s4 =	simm.s32 $0x1BF5;
	[smem:$0x3FB5] =	sst s0  }
0x18: {  	s0 =	sld [smem:$0x3F98];
	_ =	swait.ge [sflag:s4], $0x0  }
0x19: {  	s7 =	sld [smem:$0x3F99]  }
0x1a: {  	s8 =	sadd.s32 $0xFFFFE003, lr  }
0x1b: {  	s9 =	sadd.s32 $0xFFFFFEF7, lr;
	s5 =	simm.s32 $0xFFFFFFFF;
	p2 =	slt.u32 s8, $0xFFFFF086  }
0x1c: {  	p1 =	slt.u32 s9, $0xF7A;
	s5 =	simm.s32 @!p2 $0x0  }
0x1d: {  	s5 =	simm.s32 @p1 $0x1;
	p0 =	seq.s32 s7, s2  }
0x1e: {  	s7 =	smul.u32 @!p0 $0xF7A, s2;
	p2 =	seq.s32 @!p0 s5, $0x0  }
0x1f: {  	s9 =	smul.u32 $0xF7A, s1;
	s8 =	simm.s32 @!p0 $0x1BF5;
	p2 =	por !p2, p0  }
0x20: {  	[sflag:s8] =	ssyncset.s32 @!p0 $0xFFFFF086;
	s6 =	sadd.s32 @!p0 s3, s7;
	s7 =	simm.s32 @!p0 $0x108  }
0x21: {  	s3 =	sadd.s32 s3, s9;
	s6 =	sadd.s32 @!p0 $0x88, s6;
	s7 =	simm.s32 @p2 $0x1082  }
0x22: {  	[simem:s7], [sflag:s8] =	dma.local @!p0 [hbm:s6], $0xF7A  }
0x23: {  	s9 =	sor.u32 $0xD0000000, s2;
	s6 =	simm.s32 $0x108;
	_ =	swait.ge @!p0 [sflag:s8], $0x0  }
0x24: {  	s3 =	sadd.s32 $0x88, s3;
	s6 =	simm.s32 @!p1 $0x1082;
	[sflag:s4] =	ssyncset.s32 $0xFFFFF086  }
0x25: {  	[simem:s6], [sflag:s4] =	dma.local [hbm:s3], $0xF7A  }
0x26: {  	[smem:$0x3F99] =	sst s1;
	(tag) =	ssettag s2;
	_ =	strace s9  }
0x27: {  	s1 =	sld [smem:$0x3FA9]  }
0x28: {  	s2 =	sld [smem:$0x3FAA]  }
0x29: {  	s4 =	sld [smem:$0x3FAC]  }
0x2a: {  	p0 =	seq.s32 s5, $0x0;
	s5 =	sld [smem:$0x3FAD]  }
0x2b: {  	s6 =	sld [smem:$0x3FAE]  }
0x2c: {  	s7 =	sld [smem:$0x3FAF]  }
0x2d: {  	s3 =	simm.s32 $0x108;
	s8 =	sld [smem:$0x3FB0]  }
0x2e: {  	s3 =	simm.s32 @!p0 $0x1082;
	s9 =	sld [smem:$0x3FB1]  }
0x2f: {  	lr =	sadd.s32 s0, s3;
	s0 =	sld [smem:$0x3FA8]  }
0x30: {  	s3 =	sld [smem:$0x3FAB]  }
0x31: {  	[smem:$0x3FB4] =	sst s10  }
0x32: {  	s10 =	sld [smem:$0x3FB2];
	_ =	sdelay $0x3  }
0x33: {  	p0 =	seq.s32 s10, $0x1;
	s10 =	sld [smem:$0x3FB4];
	_ =	sdelay $0x3  }
0x34: {  	[smem:$0x3FB4] =	sst s10  }
0x35: {  	s10 =	sld [smem:$0x3FB3];
	_ =	sdelay $0x3  }
0x36: {  	p1 =	seq.s32 s10, $0x1;
	s10 =	sld [smem:$0x3FB4];
	_ =	sdelay $0x3  }
0x37: {  	[smem:$0x3FB4] =	sst s10  }
0x38: {  	s10 =	sld [smem:$0x3FB5]  }
0x39: {  	_ = 	snop;
	(pc) =	sbr.ind lr, $3  }
0x3a: {  	_ = 	snop  }
0x3b: {  	_ = 	snop  }
0x3c: {  	p2 =	seq.s32 s10, $0x1;
	s10 =	sld [smem:$0x3FB4]  }
0x3d: {  	_ =	shalt  }
0x3e: {  	_ =	shalt  }
0x3f: {  	_ =	shalt  }
0x40: {  	_ =	shalt  }
0x41: {  	_ =	shalt  }
0x42: {  	_ =	shalt  }
0x43: {  	_ =	shalt  }
0x44: {  	_ =	shalt  }
0x45: {  	_ =	shalt  }
0x46: {  	_ =	shalt  }
0x47: {  	_ =	shalt  }
0x48: {  	_ =	shalt  }
0x49: {  	_ =	shalt  }
0x4a: {  	_ =	shalt  }
0x4b: {  	_ =	shalt  }
0x4c: {  	_ =	shalt  }
0x4d: {  	_ =	shalt  }
0x4e: {  	_ =	shalt  }
0x4f: {  	_ =	shalt  }
0x50: {  	_ =	shalt  }
0x51: {  	_ =	shalt  }
0x52: {  	_ =	shalt  }
0x53: {  	_ =	shalt  }
0x54: {  	_ =	shalt  }
0x55: {  	_ =	shalt  }
0x56: {  	_ =	shalt  }
0x57: {  	_ =	shalt  }
0x58: {  	_ =	shalt  }
0x59: {  	_ =	shalt  }
0x5a: {  	_ =	shalt  }
0x5b: {  	_ =	shalt  }
0x5c: {  	_ =	shalt  }
0x5d: {  	_ =	shalt  }
0x5e: {  	_ =	shalt  }
0x5f: {  	_ =	shalt  }
0x60: {  	_ =	shalt  }
0x61: {  	_ =	shalt  }
0x62: {  	_ =	shalt  }
0x63: {  	_ =	shalt  }
0x64: {  	_ =	shalt  }
0x65: {  	_ =	shalt  }
0x66: {  	_ =	shalt  }
0x67: {  	_ =	shalt  }
0x68: {  	_ =	shalt  }
0x69: {  	_ =	shalt  }
0x6a: {  	_ =	shalt  }
0x6b: {  	_ =	shalt  }
0x6c: {  	_ =	shalt  }
0x6d: {  	_ =	shalt  }
0x6e: {  	_ =	shalt  }
0x6f: {  	_ =	shalt  }
0x70: {  	_ =	shalt  }
0x71: {  	_ =	shalt  }
0x72: {  	_ =	shalt  }
0x73: {  	_ =	shalt  }
0x74: {  	_ =	shalt  }
0x75: {  	_ =	shalt  }
0x76: {  	_ =	shalt  }
0x77: {  	_ =	shalt  }
0x78: {  	_ =	shalt  }
0x79: {  	_ =	shalt  }
0x7a: {  	_ =	shalt  }
0x7b: {  	_ =	shalt  }
0x7c: {  	_ =	shalt  }
0x7d: {  	_ =	shalt  }
0x7e: {  	_ =	shalt  }
0x7f: {  	_ =	shalt  }
0x80: {  	_ =	shalt  }
0x81: {  	_ =	shalt  }
0x82: {  	_ =	shalt  }
0x83: {  	_ =	shalt  }
0x84: {  	_ =	shalt  }
0x85: {  	_ =	shalt  }
0x86: {  	_ =	shalt  }
0x87: {  	_ =	shalt  }
.Lfunc_end0:
.L_simem_size_0:
called_computation.1_lowered:
.L_overlay_start_0:
0x88: {  	s2 =	sld [smem:$0x3FD9]  }
0x89: {  	s3 =	sld [smem:$0x3FFE];
	_ =	sdelay $0x1  }
0x8a: {  	s1 =	srdreg.scid  }
0x8b: {  	s0 =	sand.u32 $0x1, s1  }
0x8c: {  	s17 =	sshll.u32 s0, $0xA;
	s2 =	sadd.s32 s3, s2  }
0x8d: {  	s2 =	sadd.s32 s2, s17  }
0x8e: {  	[smem:$0x3FC0] =	sst s2  }
0x8f: {  	_ = 	snop  }
0x90: {  	s2 =	sld [smem:$0x3FD0];
	(tm) =	ssettm $0x1  }
0x91: {  	s18 =	sld [smem:$0x3FFB];
	_ =	sdelay $0x3  }
0x92: {  	_ =	strace s18  }
0x93: {  	s3 =	sld [smem:$0x3FFC];
	_ =	sdelay $0x3  }
0x94: {  	_ =	strace s3  }
0x95: {  	s3 =	sld [smem:$0x3FFD];
	_ =	sdelay $0x3  }
0x96: {  	_ =	strace s3  }
0x97: {  	_ =	strace $0x8FFFFFFF  }
0x98: {  	s19 =	sld [smem:$0x3FDB];
	_ =	sdelay $0x1  }
0x99: {  	s4 =	simm.s32 $_scs_section_size  }
0x9a: {  	s5 =	simm.s32 $_size__tile_overlayer_lowered;
	s6 =	simm.s32 $_tile_overlayer_lowered  }
0x9b: {  	s22 =	simm.s32 $0x1BFF;
	s21 =	sshll.u32 s6, $0x1;
	s3 =	sadd.s32 s4, s19  }
0x9c: {  	s7 =	simm.s32 $0x0;
	s20 =	sshll.u32 s5, $0x1;
	s5 =	sadd.s32 s21, s3  }
0x9d: {  	[timem:s7], [sflag:s22] =	dma.local [hbm:s5], s20  }
0x9e: {  	_ =	swait.ge [sflag:s22], s20  }
0x9f: {  	s4 =	ssub.s32 $0x0, s20;
	[sflag:s22] =	ssyncset.done $0x0  }
0xa0: {  	[sflag:s22] =	ssyncadd.s32 s4;
	_ =	sdelay $0x1  }
0xa1: {  	s23 =	simm.s32 $0x1B8B  }
0xa2: {  	_ =	swait.ge [sflag:s23], $0x1  }
0xa3: {  	[sflag:s23] =	ssyncset.done $0x0  }
0xa4: {  	s25 =	simm.s32 $0x1B8E;
	s24 =	sld [smem:$0x3FFE];
	[sflag:s23] =	ssyncadd.s32 $0xFFFFFFFF  }
0xa5: {  	s26 =	simm.s32 $execute0_lowered;
	[smem:$0x3FD2] =	sst s25  }
0xa6: {  	s5 =	sshll.u32 s26, $0x1;
	_ =	strace $0x80000049;
	[dreg:$0x1] =	wrdreg $0xFFFFFFFF  }
0xa7: {  	s28 =	simm.s32 $_size_execute0_lowered;
	s3 =	sadd.s32 s3, s5;
	[dreg:$0x0] =	wrdreg $0x0  }
0xa8: {  	s5 =	sshll.u32 s28, $0x1;
	[dreg:$0x2] =	wrdreg s3  }
0xa9: {  	[dreg:$0x3] =	wrdreg s5  }
0xaa: {  	[dreg:$0x4] =	wrdreg $0xC0  }
0xab: {  	_ =	task [dreg:s7], $0x5FFFF  }
0xac: {  	[dreg:$0x1] =	wrdreg $0xFFFFFFFF  }
0xad: {  	[dreg:$0x0] =	wrdreg $0x60  }
0xae: {  	[dreg:$0x2] =	wrdreg s24  }
0xaf: {  	[dreg:$0x3] =	wrdreg s2  }
0xb0: {  	[dreg:$0x4] =	wrdreg $0xB4000  }
0xb1: {  	[dreg:$0x5] =	wrdreg $0x9  }
0xb2: {  	_ =	task.clear_ibuf [dreg:s7], $0x6FFFF;
	_ =	strace $0x90000049  }
0xb3: {  	s29 =	simm.s32 $0x9;
	_ =	strace $0x8000004B  }
0xb4: {  	_ =	swait.ge [sflag:s29], $0x1  }
0xb5: {  	[sflag:s29] =	ssyncadd.s32 $0xFFFFFFFF  }
0xb6: {  	_ =	strace $0x9000004B  }
0xb7: {  	_ =	sfence  }
0xb8: {  	s30 =	sld [smem:$0x0];
	_ =	sdelay $0x2  }
0xb9: {  	s31 =	sshll.u32 s1, $0xD;
	s1 =	sshrl.u32 s1, $0x2  }
0xba: {  	s3 =	sand.u32 $0x4000, s31;
	s1 =	sadd.s32 s1, s30  }
0xbb: {  	s0 =	sor.u32 s3, s0;
	s1 =	sshll.u32 s1, $0x11  }
0xbc: {  	s0 =	sor.u32 s1, s0  }
0xbd: {  	s0 =	sadd.s32 $0x8F2B, s0  }
0xbe: {  	[sflag:s0] =	ssyncadd.remote.s32 $0x1  }
0xbf: {  	_ =	sfence.sel $0xFFFF  }
0xc0: {  	[dreg:$0x0] =	wrdreg $0xFFFFFFFF;
	(pc) =	sbr.abs _section_cstart, $3  }
0xc1: {  	[dreg:$0x1] =	wrdreg $0xFFFFFFFF  }
0xc2: {  	_ =	task.clear_ibuf [dreg:s7], $0x2FFFF;
	_ =	strace $0x9FFFFFFF  }
0xc3: {  	(tm) =	ssettm $0x7FFFFFFF  }
tec
execute0_lowered:
.L_overlay_start_1:
0x0: {  	(tag) =	ssettag $0x1  }
0x1: {  	s0 =	rddreg [dreg:$0x0]  }
0x2: {  	s1 =	srdreg.scid;
	s2 =	rddreg [dreg:$0x1]  }
0x3: {  	s10 =	stileid.u32;
	s3 =	rddreg [dreg:$0x2]  }
0x4: {  	s4 =	simm.s32 $0x0;
	s29 =	simm.s32 $0x8400;
	s31 =	simm.s32 $0x9400  }
0x5: {  	s28 =	simm.s32 $0x2;
	s11 =	simm.s32 $0x6;
	s5 =	smul.u32 $0x2A00, s10  }
0x6: {  	s12 =	simm.s32 $0xB;
	s13 =	simm.s32 $0xC;
	s7 =	smul.u32 $0x28000, s10  }
0x7: {  	s14 =	simm.s32 $0x0;
	s1 =	sand.u32 $0x1, s1;
	s24 =	smul.u32 $0x13880, s10  }
0x8: {  	[smem:$0x7FF] =	sst s4;
	s10 =	simm.s32 $0xA;
	s6 =	smul.u32 $0x2A000, s1  }
0x9: {  	_ =	strace $0x8000004A;
	s8 =	ssub.s32 $0x2, s1;
	p0 =	seq.s32 s1, $0x1  }
0xa: {  	s1 =	simm.s32 $0x11C00;
	s9 =	sshrl.u32 s8, $0x1;
	s7 =	sshrl.u32 s7, $0x2  }
0xb: {  	s25 =	sshrl.u32 s24, $0x1;
	s1 =	simm.s32 @!p0 $0x25600;
	s16 =	sadd.s32 s7, s3  }
0xc: {  	s6 =	sadd.s32 s5, s6;
	s17 =	sadd.s32 $0x1000, s16;
	[dreg:$0x5] =	wrdreg s16  }
0xd: {  	s5 =	sshrl.u32 s5, $0x3;
	s18 =	sadd.s32 $0x2000, s16;
	[dreg:$0x7] =	wrdreg s17  }
0xe: {  	s8 =	ssub.s32 s8, s9;
	s19 =	sadd.s32 $0x3000, s16;
	[dreg:$0x8] =	wrdreg s18  }
0xf: {  	s9 =	simm.s32 $0x5;
	s20 =	sadd.s32 $0x4000, s16;
	[dreg:$0x9] =	wrdreg s19  }
0x10: {  	s6 =	sshrl.u32 s6, $0x3;
	s21 =	sadd.s32 $0x5000, s16;
	[dreg:$0xa] =	wrdreg s20  }
0x11: {  	s5 =	sadd.s32 s5, s0;
	s22 =	sadd.s32 $0x6000, s16;
	[dreg:$0xb] =	wrdreg s21  }
0x12: {  	s23 =	sadd.s32 $0x7000, s16;
	s7 =	sadd.s32 $0x8000, s16;
	[dreg:$0xc] =	wrdreg s22  }
0x13: {  	s26 =	smax.u32 s8, $0x1;
	s8 =	simm.s32 $0x9;
	[dreg:$0xd] =	wrdreg s23  }
0x14: {  	s6 =	sadd.s32 s6, s0;
	s5 =	sadd.s32 $0x2000, s5;
	[dreg:$0xe] =	wrdreg s7  }
0x15: {  	s7 =	sadd.s32 s25, s3;
	s0 =	sadd.s32 s1, s0;
	[dreg:$0x10] =	wrdreg s26  }
0x16: {  	s19 =	simm.s32 $0xD;
	s18 =	simm.s32 $0x2A00;
	s21 =	simm.s32 $0x5400  }
0x17: {  	s22 =	simm.s32 $0x40;
	s23 =	simm.s32 $0x6400;
	s1 =	simm.s32 $0x1  }
.Ltmp0:
0x18: {  	s6 =	sadd.s32 $0x7400, s6;
	[dreg:$0x6] =	wrdreg s5;
	(pc) =	sbr.rel .LBB2_1-.Ltmp0, $4  }
0x19: {  	s5 =	sshrl.u32 s24, $0x4;
	s30 =	sshrl.u32 s7, $0x3;
	[dreg:$0x4] =	wrdreg s6  }
0x1a: {  	s24 =	simm.s32 $0xA400;
	s6 =	sadd.s32 $0x9000, s16;
	[dreg:$0x12] =	wrdreg s30  }
0x1b: {  	s7 =	simm.s32 $0x4;
	s0 =	sadd.s32 s0, s5;
	[dreg:$0xf] =	wrdreg s6  }
0x1c: {  	v0 =	vimm.bf16 $0.0e+00;
	s5 =	simm.s32 $0x8;
	[dreg:$0x11] =	wrdreg s0;
	s0 =	simm.s32 $0x7  }
.LBB2_6:
0x1d: {  	_ =	swait.ge [sflag:s0], $0x1000  }
0x1e: {  	[sflag:s0] =	ssyncset.done $0x0  }
0x1f: {  	[sflag:s0] =	ssyncadd.s32 $0xFFFFF000  }
0x20: {  	_ =	swait.ge [sflag:s5], $0x1000  }
0x21: {  	[sflag:s5] =	ssyncset.done $0x0  }
0x22: {  	[sflag:s5] =	ssyncadd.s32 $0xFFFFF000  }
0x23: {  	_ =	swait.ge [sflag:s8], $0x1000  }
0x24: {  	[sflag:s8] =	ssyncset.done $0x0  }
0x25: {  	[sflag:s8] =	ssyncadd.s32 $0xFFFFF000  }
0x26: {  	_ =	swait.ge [sflag:s10], $0x1000  }
0x27: {  	[sflag:s10] =	ssyncset.done $0x0  }
0x28: {  	[sflag:s10] =	ssyncadd.s32 $0xFFFFF000  }
0x29: {  	_ =	swait.ge [sflag:s12], $0x1000  }
0x2a: {  	[sflag:s12] =	ssyncset.done $0x0  }
0x2b: {  	[sflag:s12] =	ssyncadd.s32 $0xFFFFF000  }
0x2c: {  	_ =	swait.ge [sflag:s13], $0x1000  }
0x2d: {  	[sflag:s13] =	ssyncset.done $0x0  }
0x2e: {  	[sflag:s13] =	ssyncadd.s32 $0xFFFFF000  }
0x2f: {  	s6 =	stileid.u32;
	[bflag:$0x0] =	sbarrier.arrive $0xFFFF  }
0x30: {  	s6 =	sshll.u32 s6, $0x6;
	s15 =	rddreg [dreg:$0x11]  }
0x31: {  	s6 =	sor.u32 $0x1C0D, s6;
	s16 =	rddreg [dreg:$0x12]  }
0x32: {  	[hbm:s15], [sflag:s6] =	dma.local [spmem:s16], $0x1388  }
0x33: {  	_ =	swait.ge [sflag:s19], $0x1388  }
0x34: {  	s14 =	sadd.s32 $0x1, s14;
	s30 =	rddreg [dreg:$0x10]  }
0x35: {  	p0 =	sne.s32 s14, s30  }
.Ltmp1:
0x36: {  	_ = 	snop;
	(pc) =	sbr.rel @!p0 .LBB2_7-.Ltmp1, $3  }
0x37: {  	_ =	sdelay $0x1  }
0x38: {  	[sflag:s19] =	ssyncset.done $0x0  }
0x39: {  	s18 =	simm.s32 $0x2A00;
	[sflag:s19] =	ssyncadd.s32 $0xFFFFEC78  }
.LBB2_1:
0x3a: {  	s6 =	rddreg [dreg:$0x4]  }
0x3b: {  	[tilespmem:s4], [sflag:$0xD] =	stream.linear.gather [hbm4b:s6+s4], $0x2A00, $0x38;
	[tilespmem:$0x15400] =	vst v63  }
0x3c: {  	_ =	swait.ge [sflag:s19], $0x2A00  }
0x3d: {  	[sflag:s19] =	ssyncset.done $0x0  }
0x3e: {  	s30 =	rddreg [dreg:$0x6];
	[sflag:s19] =	ssyncadd.s32 $0xFFFFD600  }
0x3f: {  	[tilespmem:s18], [sflag:$0xD] =	stream.linear.gather [hbm4b:s30+s4], $0x2A00, $0x38;
	[tilespmem:$0x15400] =	vst v63  }
0x40: {  	s15 =	sand.u32 $0x3F00, s4;
	s16 =	sand.u32 $0x60, s4;
	_ =	swait.ge [sflag:s19], $0x2A00  }
0x41: {  	s15 =	sshrl.u32 s15, $0x2;
	s16 =	sshrl.u32 s16, $0x1;
	[sflag:s19] =	ssyncset.done $0x0  }
0x42: {  	s16 =	sor.u32 s16, s15;
	[sflag:s19] =	ssyncadd.s32 $0xFFFFD600  }
0x43: {  	s15 =	simm.s32 $0x40;
	[tilespmem:s16+$0x5400] =	vst v0;
	s16 =	simm.s32 $0x0  }
.LBB2_2:
0x44: {  	p0 =	sne.s32 s15, $0x3FC0  }
.Ltmp2:
0x45: {  	s20 =	sand.u32 $0x3F00, s15;
	s16 =	sadd.s32 $0x20, s16;
	(pc) =	sbr.rel @p0 .LBB2_2-.Ltmp2, $4  }
0x46: {  	s15 =	sadd.s32 $0x40, s15;
	s17 =	sand.u32 $0x60, s16  }
0x47: {  	s20 =	sshrl.u32 s20, $0x2;
	s17 =	sshrl.u32 s17, $0x1  }
0x48: {  	s17 =	sor.u32 s17, s20  }
0x49: {  	[tilespmem:s17+$0x5400] =	vst v0  }
0x4a: {  	s6 =	rddreg [dreg:$0x5]  }
0x4b: {  	[spmem:s6] =	stream.linear.scatter [tilespmem:s21], [sflag:$0xD], $0x1000, $0x38;
	[tilespmem:$0x15400] =	vst v63  }
0x4c: {  	_ =	swait.ge [sflag:s19], $0x1000  }
0x4d: {  	[sflag:s19] =	ssyncset.done $0x0  }
0x4e: {  	s17 =	rddreg [dreg:$0x7];
	[sflag:s19] =	ssyncadd.s32 $0xFFFFF000  }
0x4f: {  	[spmem:s17] =	stream.linear.scatter [tilespmem:s21], [sflag:$0xD], $0x1000, $0x38;
	[tilespmem:$0x15400] =	vst v63  }
0x50: {  	_ =	swait.ge [sflag:s19], $0x1000  }
0x51: {  	[sflag:s19] =	ssyncset.done $0x0  }
0x52: {  	s20 =	rddreg [dreg:$0x8];
	[sflag:s19] =	ssyncadd.s32 $0xFFFFF000  }
0x53: {  	[spmem:s20] =	stream.linear.scatter [tilespmem:s21], [sflag:$0xD], $0x1000, $0x38;
	[tilespmem:$0x15400] =	vst v63  }
0x54: {  	_ =	swait.ge [sflag:s19], $0x1000  }
0x55: {  	[sflag:s19] =	ssyncset.done $0x0  }
0x56: {  	s25 =	rddreg [dreg:$0x9];
	[sflag:s19] =	ssyncadd.s32 $0xFFFFF000  }
0x57: {  	[spmem:s25] =	stream.linear.scatter [tilespmem:s21], [sflag:$0xD], $0x1000, $0x38;
	[tilespmem:$0x15400] =	vst v63  }
0x58: {  	_ =	swait.ge [sflag:s19], $0x1000  }
0x59: {  	[sflag:s19] =	ssyncset.done $0x0  }
0x5a: {  	s26 =	rddreg [dreg:$0xa];
	[sflag:s19] =	ssyncadd.s32 $0xFFFFF000  }
0x5b: {  	[spmem:s26] =	stream.linear.scatter [tilespmem:s21], [sflag:$0xD], $0x1000, $0x38;
	[tilespmem:$0x15400] =	vst v63  }
0x5c: {  	_ =	swait.ge [sflag:s19], $0x1000  }
0x5d: {  	[sflag:s19] =	ssyncset.done $0x0  }
0x5e: {  	s30 =	rddreg [dreg:$0xb];
	[sflag:s19] =	ssyncadd.s32 $0xFFFFF000  }
0x5f: {  	[spmem:s30] =	stream.linear.scatter [tilespmem:s21], [sflag:$0xD], $0x1000, $0x38;
	[tilespmem:$0x15400] =	vst v63  }
0x60: {  	_ =	swait.ge [sflag:s19], $0x1000  }
0x61: {  	[sflag:s19] =	ssyncset.done $0x0  }
0x62: {  	s15 =	rddreg [dreg:$0xc];
	[sflag:s19] =	ssyncadd.s32 $0xFFFFF000  }
0x63: {  	[spmem:s15] =	stream.linear.scatter [tilespmem:s21], [sflag:$0xD], $0x1000, $0x38;
	[tilespmem:$0x15400] =	vst v63  }
0x64: {  	_ =	swait.ge [sflag:s19], $0x1000  }
0x65: {  	[sflag:s19] =	ssyncset.done $0x0  }
0x66: {  	s16 =	rddreg [dreg:$0xd];
	[sflag:s19] =	ssyncadd.s32 $0xFFFFF000  }
0x67: {  	[spmem:s16] =	stream.linear.scatter [tilespmem:s21], [sflag:$0xD], $0x1000, $0x38;
	[tilespmem:$0x15400] =	vst v63  }
0x68: {  	_ =	swait.ge [sflag:s19], $0x1000  }
0x69: {  	[sflag:s19] =	ssyncset.done $0x0  }
0x6a: {  	s17 =	rddreg [dreg:$0xe];
	[sflag:s19] =	ssyncadd.s32 $0xFFFFF000  }
0x6b: {  	[spmem:s17] =	stream.linear.scatter [tilespmem:s21], [sflag:$0xD], $0x1000, $0x38;
	[tilespmem:$0x15400] =	vst v63  }
0x6c: {  	_ =	swait.ge [sflag:s19], $0x1000  }
0x6d: {  	[sflag:s19] =	ssyncset.done $0x0  }
0x6e: {  	s20 =	rddreg [dreg:$0xf];
	[sflag:s19] =	ssyncadd.s32 $0xFFFFF000  }
0x6f: {  	[spmem:s20] =	stream.linear.scatter [tilespmem:s21], [sflag:$0xD], $0x1000, $0x38;
	[tilespmem:$0x15400] =	vst v63  }
0x70: {  	_ =	swait.ge [sflag:s19], $0x1000  }
0x71: {  	[sflag:s19] =	ssyncset.done $0x0  }
0x72: {  	[sflag:s19] =	ssyncadd.s32 $0xFFFFF000  }
0x73: {  	s15 =	simm.s32 $0x0;
	[bflag:$0x0] =	sbarrier.arrive $0xFFFF  }
0x74: {  	[tilespmem:s21], [sflag:$0x1] =	stream.indirect.gather [hbm4b:s2+s22], $0x40, s15, s22, $0xb8;
	[tilespmem:$0x15400] =	vst v63  }
0x75: {  	_ = 	snop  }
0x76: {  	[tilespmem:s23], [sflag:$0x2] =	stream.indirect.gather [hbm4b:s2+s22], $0x40, s22, s22, $0xb8;
	[tilespmem:$0x15400] =	vst v63  }
0x77: {  	s25 =	simm.s32 $0x80;
	s16 =	simm.s32 $0x7400  }
0x78: {  	[tilespmem:s16], [sflag:$0x3] =	stream.indirect.gather [hbm4b:s2+s22], $0x40, s25, s22, $0xb8;
	[tilespmem:$0x15400] =	vst v63  }
0x79: {  	s26 =	simm.s32 $0xC0  }
0x7a: {  	[tilespmem:s29], [sflag:$0x4] =	stream.indirect.gather [hbm4b:s2+s22], $0x40, s26, s22, $0xb8;
	[tilespmem:$0x15400] =	vst v63  }
0x7b: {  	s30 =	simm.s32 $0x100  }
0x7c: {  	[tilespmem:s31], [sflag:$0x5] =	stream.indirect.gather [hbm4b:s2+s22], $0x40, s30, s22, $0xb8;
	[tilespmem:$0x15400] =	vst v63  }
0x7d: {  	_ =	swait.ge [sflag:s1], $0x1000  }
0x7e: {  	[sflag:s1] =	ssyncset.done $0x0  }
0x7f: {  	[sflag:s1] =	ssyncadd.s32 $0xFFFFF000  }
0x80: {  	[spmem:s3] =	stream.indirect.scatter.add.bf16 [tilespmem:s21], [sflag:$0x7], $0x40, s18, s22, $0xb8;
	[tilespmem:$0x15400] =	vst v63  }
0x81: {  	s17 =	simm.s32 $0x140  }
0x82: {  	[tilespmem:s24], [sflag:$0x6] =	stream.indirect.gather [hbm4b:s2+s22], $0x40, s17, s22, $0xb8;
	[tilespmem:$0x15400] =	vst v63  }
0x83: {  	_ =	swait.ge [sflag:s28], $0x1000  }
0x84: {  	[sflag:s28] =	ssyncset.done $0x0  }
0x85: {  	s18 =	simm.s32 $0x2A40;
	[sflag:s28] =	ssyncadd.s32 $0xFFFFF000  }
0x86: {  	[spmem:s3] =	stream.indirect.scatter.add.bf16 [tilespmem:s23], [sflag:$0x8], $0x40, s18, s22, $0xb8;
	[tilespmem:$0x15400] =	vst v63  }
0x87: {  	_ =	swait.ge [sflag:s0], $0x1000  }
0x88: {  	[sflag:s0] =	ssyncset.done $0x0  }
0x89: {  	s20 =	simm.s32 $0x180;
	s25 =	simm.s32 $0x3;
	[sflag:s0] =	ssyncadd.s32 $0xFFFFF000  }
0x8a: {  	[tilespmem:s21], [sflag:$0x1] =	stream.indirect.gather [hbm4b:s2+s22], $0x40, s20, s22, $0xb8;
	[tilespmem:$0x15400] =	vst v63  }
0x8b: {  	_ =	swait.ge [sflag:s25], $0x1000  }
0x8c: {  	[sflag:s25] =	ssyncset.done $0x0  }
0x8d: {  	s26 =	simm.s32 $0x2A80;
	[sflag:s25] =	ssyncadd.s32 $0xFFFFF000  }
0x8e: {  	[spmem:s3] =	stream.indirect.scatter.add.bf16 [tilespmem:s16], [sflag:$0x9], $0x40, s26, s22, $0xb8;
	[tilespmem:$0x15400] =	vst v63  }
0x8f: {  	_ =	swait.ge [sflag:s5], $0x1000  }
0x90: {  	[sflag:s5] =	ssyncset.done $0x0  }
0x91: {  	s30 =	simm.s32 $0x1C0;
	[sflag:s5] =	ssyncadd.s32 $0xFFFFF000  }
0x92: {  	[tilespmem:s23], [sflag:$0x2] =	stream.indirect.gather [hbm4b:s2+s22], $0x40, s30, s22, $0xb8;
	[tilespmem:$0x15400] =	vst v63  }
0x93: {  	_ =	swait.ge [sflag:s7], $0x1000  }
0x94: {  	[sflag:s7] =	ssyncset.done $0x0  }
0x95: {  	s17 =	simm.s32 $0x2AC0;
	[sflag:s7] =	ssyncadd.s32 $0xFFFFF000  }
0x96: {  	[spmem:s3] =	stream.indirect.scatter.add.bf16 [tilespmem:s29], [sflag:$0xA], $0x40, s17, s22, $0xb8;
	[tilespmem:$0x15400] =	vst v63  }
0x97: {  	_ =	swait.ge [sflag:s8], $0x1000  }
0x98: {  	[sflag:s8] =	ssyncset.done $0x0  }
0x99: {  	s18 =	simm.s32 $0x200;
	[sflag:s8] =	ssyncadd.s32 $0xFFFFF000  }
0x9a: {  	[tilespmem:s16], [sflag:$0x3] =	stream.indirect.gather [hbm4b:s2+s22], $0x40, s18, s22, $0xb8;
	[tilespmem:$0x15400] =	vst v63  }
0x9b: {  	_ =	swait.ge [sflag:s9], $0x1000  }
0x9c: {  	[sflag:s9] =	ssyncset.done $0x0  }
0x9d: {  	s20 =	simm.s32 $0x2B00;
	[sflag:s9] =	ssyncadd.s32 $0xFFFFF000  }
0x9e: {  	[spmem:s3] =	stream.indirect.scatter.add.bf16 [tilespmem:s31], [sflag:$0xB], $0x40, s20, s22, $0xb8;
	[tilespmem:$0x15400] =	vst v63  }
0x9f: {  	_ =	swait.ge [sflag:s10], $0x1000  }
0xa0: {  	[sflag:s10] =	ssyncset.done $0x0  }
0xa1: {  	s25 =	simm.s32 $0x240;
	[sflag:s10] =	ssyncadd.s32 $0xFFFFF000  }
0xa2: {  	[tilespmem:s29], [sflag:$0x4] =	stream.indirect.gather [hbm4b:s2+s22], $0x40, s25, s22, $0xb8;
	[tilespmem:$0x15400] =	vst v63  }
0xa3: {  	_ =	swait.ge [sflag:s11], $0x1000  }
0xa4: {  	[sflag:s11] =	ssyncset.done $0x0  }
0xa5: {  	s26 =	simm.s32 $0x2B40;
	[sflag:s11] =	ssyncadd.s32 $0xFFFFF000  }
0xa6: {  	[spmem:s3] =	stream.indirect.scatter.add.bf16 [tilespmem:s24], [sflag:$0xC], $0x40, s26, s22, $0xb8;
	[tilespmem:$0x15400] =	vst v63  }
0xa7: {  	_ =	swait.ge [sflag:s12], $0x1000  }
0xa8: {  	[sflag:s12] =	ssyncset.done $0x0  }
0xa9: {  	s30 =	simm.s32 $0x280;
	[sflag:s12] =	ssyncadd.s32 $0xFFFFF000  }
0xaa: {  	[tilespmem:s31], [sflag:$0x5] =	stream.indirect.gather [hbm4b:s2+s22], $0x40, s30, s22, $0xb8;
	[tilespmem:$0x15400] =	vst v63  }
.LBB2_4:
0xab: {  	_ =	swait.ge [sflag:s1], $0x1000  }
0xac: {  	s16 =	sshra.s32 s15, $0x2;
	[sflag:s1] =	ssyncset.done $0x0  }
0xad: {  	s17 =	sadd.s32 $0x2B80, s16;
	[sflag:s1] =	ssyncadd.s32 $0xFFFFF000  }
0xae: {  	[spmem:s3] =	stream.indirect.scatter.add.bf16 [tilespmem:s21], [sflag:$0x7], $0x40, s17, s22, $0xb8;
	[tilespmem:$0x15400] =	vst v63  }
0xaf: {  	_ =	swait.ge [sflag:s13], $0x1000  }
0xb0: {  	[sflag:s13] =	ssyncset.done $0x0  }
0xb1: {  	s25 =	sadd.s32 $0x2C0, s16;
	[sflag:s13] =	ssyncadd.s32 $0xFFFFF000  }
0xb2: {  	[tilespmem:s24], [sflag:$0x6] =	stream.indirect.gather [hbm4b:s2+s22], $0x40, s25, s22, $0xb8;
	[tilespmem:$0x15400] =	vst v63  }
0xb3: {  	_ =	swait.ge [sflag:s28], $0x1000  }
0xb4: {  	p0 =	seq.s32 s15, $0x9C00;
	[sflag:s28] =	ssyncset.done $0x0  }
0xb5: {  	s26 =	sadd.s32 $0x2BC0, s16;
	s17 =	simm.s32 @p0 $0x3;
	[sflag:s28] =	ssyncadd.s32 $0xFFFFF000  }
0xb6: {  	[spmem:s3] =	stream.indirect.scatter.add.bf16 [tilespmem:s23], [sflag:$0x8], $0x40, s26, s22, $0xb8;
	[tilespmem:$0x15400] =	vst v63  }
0xb7: {  	_ =	swait.ge @p0 [sflag:s17], $0x1000  }
0xb8: {  	[sflag:s17] =	ssyncset.done @p0 $0x0  }
0xb9: {  	[sflag:s17] =	ssyncadd.s32 @p0 $0xFFFFF000;
	s17 =	sshra.s32 @p0 s15, $0x2  }
0xba: {  	s18 =	simm.s32 @p0 $0x40;
	s25 =	simm.s32 @p0 $0x7400;
	s20 =	sadd.s32 @p0 $0x2C00, s17  }
0xbb: {  	[spmem:s3] =	stream.indirect.scatter.add.bf16 @p0 [tilespmem:s25], [sflag:$0x9], $0x40, s20, s18, $0xb8;
	[tilespmem:$0x15400] =	vst v63  }
0xbc: {  	s20 =	simm.s32 @!p0 $0x7  }
0xbd: {  	_ =	swait.ge @!p0 [sflag:s20], $0x1000  }
0xbe: {  	[sflag:s20] =	ssyncset.done @!p0 $0x0  }
0xbf: {  	[sflag:s20] =	ssyncadd.s32 @!p0 $0xFFFFF000;
	s20 =	sshra.s32 @!p0 s15, $0x2  }
0xc0: {  	s6 =	simm.s32 @!p0 $0x40;
	s26 =	simm.s32 @!p0 $0x5400;
	s25 =	sadd.s32 @!p0 $0x300, s20  }
0xc1: {  	[tilespmem:s26], [sflag:$0x1] =	stream.indirect.gather @!p0 [hbm4b:s2+s6], $0x40, s25, s6, $0xb8;
	[tilespmem:$0x15400] =	vst v63  }
0xc2: {  	s25 =	simm.s32 @!p0 $0x3  }
0xc3: {  	_ =	swait.ge @!p0 [sflag:s25], $0x1000  }
0xc4: {  	[sflag:s25] =	ssyncset.done @!p0 $0x0  }
0xc5: {  	s26 =	simm.s32 @!p0 $0x7400;
	[sflag:s25] =	ssyncadd.s32 @!p0 $0xFFFFF000;
	s25 =	sadd.s32 @!p0 $0x2C00, s20  }
0xc6: {  	[spmem:s3] =	stream.indirect.scatter.add.bf16 @!p0 [tilespmem:s26], [sflag:$0x9], $0x40, s25, s6, $0xb8;
	[tilespmem:$0x15400] =	vst v63  }
0xc7: {  	s25 =	simm.s32 @!p0 $0x8  }
0xc8: {  	_ =	swait.ge @!p0 [sflag:s25], $0x1000  }
0xc9: {  	[sflag:s25] =	ssyncset.done @!p0 $0x0  }
0xca: {  	s30 =	simm.s32 @!p0 $0x6400;
	[sflag:s25] =	ssyncadd.s32 @!p0 $0xFFFFF000;
	s25 =	sadd.s32 @!p0 $0x340, s20  }
0xcb: {  	[tilespmem:s30], [sflag:$0x2] =	stream.indirect.gather @!p0 [hbm4b:s2+s6], $0x40, s25, s6, $0xb8;
	[tilespmem:$0x15400] =	vst v63  }
0xcc: {  	_ =	swait.ge [sflag:s7], $0x1000  }
0xcd: {  	[sflag:s7] =	ssyncset.done $0x0  }
0xce: {  	s30 =	sadd.s32 $0x2C40, s16;
	s25 =	simm.s32 @p0 $0x5;
	[sflag:s7] =	ssyncadd.s32 $0xFFFFF000  }
0xcf: {  	[spmem:s3] =	stream.indirect.scatter.add.bf16 [tilespmem:s29], [sflag:$0xA], $0x40, s30, s22, $0xb8;
	[tilespmem:$0x15400] =	vst v63  }
0xd0: {  	_ =	swait.ge @p0 [sflag:s25], $0x1000  }
0xd1: {  	[sflag:s25] =	ssyncset.done @p0 $0x0  }
0xd2: {  	s17 =	sadd.s32 @p0 $0x2C80, s17;
	[sflag:s25] =	ssyncadd.s32 @p0 $0xFFFFF000;
	s25 =	simm.s32 @p0 $0x9400  }
0xd3: {  	[spmem:s3] =	stream.indirect.scatter.add.bf16 @p0 [tilespmem:s25], [sflag:$0xB], $0x40, s17, s18, $0xb8;
	[tilespmem:$0x15400] =	vst v63  }
0xd4: {  	s17 =	simm.s32 @!p0 $0x9  }
0xd5: {  	_ =	swait.ge @!p0 [sflag:s17], $0x1000  }
0xd6: {  	[sflag:s17] =	ssyncset.done @!p0 $0x0  }
0xd7: {  	[sflag:s17] =	ssyncadd.s32 @!p0 $0xFFFFF000;
	s17 =	sadd.s32 @!p0 $0x380, s20  }
0xd8: {  	[tilespmem:s26], [sflag:$0x3] =	stream.indirect.gather @!p0 [hbm4b:s2+s6], $0x40, s17, s6, $0xb8;
	[tilespmem:$0x15400] =	vst v63  }
0xd9: {  	s17 =	simm.s32 @!p0 $0x5  }
0xda: {  	_ =	swait.ge @!p0 [sflag:s17], $0x1000  }
0xdb: {  	[sflag:s17] =	ssyncset.done @!p0 $0x0  }
0xdc: {  	s18 =	simm.s32 @!p0 $0x9400;
	[sflag:s17] =	ssyncadd.s32 @!p0 $0xFFFFF000;
	s17 =	sadd.s32 @!p0 $0x2C80, s20  }
0xdd: {  	[spmem:s3] =	stream.indirect.scatter.add.bf16 @!p0 [tilespmem:s18], [sflag:$0xB], $0x40, s17, s6, $0xb8;
	[tilespmem:$0x15400] =	vst v63  }
0xde: {  	s17 =	simm.s32 @!p0 $0xA  }
0xdf: {  	_ =	swait.ge @!p0 [sflag:s17], $0x1000  }
0xe0: {  	[sflag:s17] =	ssyncset.done @!p0 $0x0  }
0xe1: {  	s18 =	simm.s32 @!p0 $0x8400;
	[sflag:s17] =	ssyncadd.s32 @!p0 $0xFFFFF000;
	s17 =	sadd.s32 @!p0 $0x3C0, s20  }
0xe2: {  	[tilespmem:s18], [sflag:$0x4] =	stream.indirect.gather @!p0 [hbm4b:s2+s6], $0x40, s17, s6, $0xb8;
	[tilespmem:$0x15400] =	vst v63  }
.Ltmp3:
0xe3: {  	_ = 	snop;
	(pc) =	sbr.rel @p0 .LBB2_6-.Ltmp3, $4  }
0xe4: {  	_ =	swait.ge [sflag:s11], $0x1000  }
0xe5: {  	[sflag:s11] =	ssyncset.done $0x0  }
0xe6: {  	s30 =	sadd.s32 $0x2CC0, s16;
	[sflag:s11] =	ssyncadd.s32 $0xFFFFF000  }
0xe7: {  	[spmem:s3] =	stream.indirect.scatter.add.bf16 [tilespmem:s24], [sflag:$0xC], $0x40, s30, s22, $0xb8;
	[tilespmem:$0x15400] =	vst v63  }
.Ltmp4:
0xe8: {  	(pc) =	sbr.rel .LBB2_4-.Ltmp4, $4  }
0xe9: {  	_ =	swait.ge [sflag:s12], $0x1000  }
0xea: {  	[sflag:s12] =	ssyncset.done $0x0  }
0xeb: {  	s6 =	sadd.s32 $0x400, s16;
	s15 =	sadd.s32 $0x600, s15;
	[sflag:s12] =	ssyncadd.s32 $0xFFFFF000  }
0xec: {  	[tilespmem:s31], [sflag:$0x5] =	stream.indirect.gather [hbm4b:s2+s22], $0x40, s6, s22, $0xb8;
	[tilespmem:$0x15400] =	vst v63  }
.LBB2_7:
0xed: {  	_ =	sfence.sel $0x180000  }
0xee: {  	[bflag:$0x0] =	sbarrier.arrive $0xFFFF  }
0xef: {  	_ =	strace $0x9000004A  }
0xf0: {  	s0 =	stileid.u32;
	[bflag:$0x2] =	sbarrier.arrive $0xFFFF  }
0xf1: {  	p0 =	sne.s32 s0, $0x0;
	s0 =	rddreg [dreg:$0x3]  }
0xf2: {  	s0 =	sadd.s32 @!p0 $0x100000, s0  }
0xf3: {  	[sflag:s0] =	ssyncadd.tile.s32 @!p0 $0x1;
	_ =	shalt  }
.Lfunc_end2:
_tile_overlayer_lowered:
.L_overlay_start_2:
0xf4: {  	(tag) =	ssettag $0x2  }
0xf5: {  	s0 =	rddreg [dreg:$0x0];
	s2 =	stileid.u32  }
0xf6: {  	s1 =	rddreg [dreg:$0x1];
	p0 =	sne.s32 s2, $0x0  }
0xf7: {  	s3 =	rddreg [dreg:$0x2];
	[bflag:$0x3] =	sbarrier.arrive $0xFFFF;
	s2 =	simm.s32 @!p0 $0x1C0D  }
0xf8: {  	[timem:s3], [sflag:s2] =	dma.local @!p0 [hbm:s0], s1  }
0xf9: {  	s0 =	simm.s32 @!p0 $0xD  }
0xfa: {  	_ =	swait.ge @!p0 [sflag:s0], s1  }
0xfb: {  	s1 =	ssub.s32 @!p0 $0x0, s1;
	[sflag:s0] =	ssyncset.done @!p0 $0x0  }
0xfc: {  	[sflag:s0] =	ssyncadd.s32 @!p0 s1  }
0xfd: {  	[bflag:$0x3] =	sbarrier.arrive $0xFFFF  }
0xfe: {  	_ =	shalt  }

// kernel: kernel.16.cloned.1.call-start
scs
__scs_entry_jumppad:
0x0: {  	(pc) =	sbr.rel $0x88, $3  }
0x1: {  	(tag) =	ssettag $0x0;
	lr =	simm.s32 $0x1  }
0x2: {  	[smem:$0x3F99] =	sst lr;
	_ =	strace $0xD0000000  }
0x3: {  	_ = 	snop  }
0x4: {  	_ = 	snop  }
0x5: {  	_ = 	snop  }
0x6: {  	_ = 	snop  }
0x7: {  	_ = 	snop  }
__scs_overlays_trampoline_lowered:
0x8: {  	[smem:$0x3FA8] =	sst s0  }
0x9: {  	[smem:$0x3FA9] =	sst s1  }
0xa: {  	[smem:$0x3FAA] =	sst s2  }
0xb: {  	[smem:$0x3FAB] =	sst s3  }
0xc: {  	[smem:$0x3FAC] =	sst s4  }
0xd: {  	[smem:$0x3FAD] =	sst s5  }
0xe: {  	[smem:$0x3FAE] =	sst s6  }
0xf: {  	[smem:$0x3FAF] =	sst s7  }
0x10: {  	[smem:$0x3FB0] =	sst s8  }
0x11: {  	[smem:$0x3FB1] =	sst s9;
	s0 =	simm.s32 @!p0 $0x0  }
0x12: {  	s1 =	sld [smem:$0x3F97];
	s0 =	simm.s32 @p0 $0x1  }
0x13: {  	[smem:$0x3FB2] =	sst s0;
	s0 =	simm.s32 @!p1 $0x0  }
0x14: {  	s2 =	sld [smem:$0x3F96];
	s0 =	simm.s32 @p1 $0x1  }
0x15: {  	[smem:$0x3FB3] =	sst s0;
	s0 =	simm.s32 @!p2 $0x0  }
0x16: {  	s3 =	sld [smem:$0x3FDB];
	s0 =	simm.s32 @p2 $0x1  }
0x17: {  	s4 =	simm.s32 $0x1BF5;
	[smem:$0x3FB5] =	sst s0  }
0x18: {  	s0 =	sld [smem:$0x3F98];
	_ =	swait.ge [sflag:s4], $0x0  }
0x19: {  	s7 =	sld [smem:$0x3F99]  }
0x1a: {  	s8 =	sadd.s32 $0xFFFFE003, lr  }
0x1b: {  	s9 =	sadd.s32 $0xFFFFFEF7, lr;
	s5 =	simm.s32 $0xFFFFFFFF;
	p2 =	slt.u32 s8, $0xFFFFF086  }
0x1c: {  	p1 =	slt.u32 s9, $0xF7A;
	s5 =	simm.s32 @!p2 $0x0  }
0x1d: {  	s5 =	simm.s32 @p1 $0x1;
	p0 =	seq.s32 s7, s2  }
0x1e: {  	s7 =	smul.u32 @!p0 $0xF7A, s2;
	p2 =	seq.s32 @!p0 s5, $0x0  }
0x1f: {  	s9 =	smul.u32 $0xF7A, s1;
	s8 =	simm.s32 @!p0 $0x1BF5;
	p2 =	por !p2, p0  }
0x20: {  	[sflag:s8] =	ssyncset.s32 @!p0 $0xFFFFF086;
	s6 =	sadd.s32 @!p0 s3, s7;
	s7 =	simm.s32 @!p0 $0x108  }
0x21: {  	s3 =	sadd.s32 s3, s9;
	s6 =	sadd.s32 @!p0 $0x88, s6;
	s7 =	simm.s32 @p2 $0x1082  }
0x22: {  	[simem:s7], [sflag:s8] =	dma.local @!p0 [hbm:s6], $0xF7A  }
0x23: {  	s9 =	sor.u32 $0xD0000000, s2;
	s6 =	simm.s32 $0x108;
	_ =	swait.ge @!p0 [sflag:s8], $0x0  }
0x24: {  	s3 =	sadd.s32 $0x88, s3;
	s6 =	simm.s32 @!p1 $0x1082;
	[sflag:s4] =	ssyncset.s32 $0xFFFFF086  }
0x25: {  	[simem:s6], [sflag:s4] =	dma.local [hbm:s3], $0xF7A  }
0x26: {  	[smem:$0x3F99] =	sst s1;
	(tag) =	ssettag s2;
	_ =	strace s9  }
0x27: {  	s1 =	sld [smem:$0x3FA9]  }
0x28: {  	s2 =	sld [smem:$0x3FAA]  }
0x29: {  	s4 =	sld [smem:$0x3FAC]  }
0x2a: {  	p0 =	seq.s32 s5, $0x0;
	s5 =	sld [smem:$0x3FAD]  }
0x2b: {  	s6 =	sld [smem:$0x3FAE]  }
0x2c: {  	s7 =	sld [smem:$0x3FAF]  }
0x2d: {  	s3 =	simm.s32 $0x108;
	s8 =	sld [smem:$0x3FB0]  }
0x2e: {  	s3 =	simm.s32 @!p0 $0x1082;
	s9 =	sld [smem:$0x3FB1]  }
0x2f: {  	lr =	sadd.s32 s0, s3;
	s0 =	sld [smem:$0x3FA8]  }
0x30: {  	s3 =	sld [smem:$0x3FAB]  }
0x31: {  	[smem:$0x3FB4] =	sst s10  }
0x32: {  	s10 =	sld [smem:$0x3FB2];
	_ =	sdelay $0x3  }
0x33: {  	p0 =	seq.s32 s10, $0x1;
	s10 =	sld [smem:$0x3FB4];
	_ =	sdelay $0x3  }
0x34: {  	[smem:$0x3FB4] =	sst s10  }
0x35: {  	s10 =	sld [smem:$0x3FB3];
	_ =	sdelay $0x3  }
0x36: {  	p1 =	seq.s32 s10, $0x1;
	s10 =	sld [smem:$0x3FB4];
	_ =	sdelay $0x3  }
0x37: {  	[smem:$0x3FB4] =	sst s10  }
0x38: {  	s10 =	sld [smem:$0x3FB5]  }
0x39: {  	_ = 	snop;
	(pc) =	sbr.ind lr, $3  }
0x3a: {  	_ = 	snop  }
0x3b: {  	_ = 	snop  }
0x3c: {  	p2 =	seq.s32 s10, $0x1;
	s10 =	sld [smem:$0x3FB4]  }
0x3d: {  	_ =	shalt  }
0x3e: {  	_ =	shalt  }
0x3f: {  	_ =	shalt  }
0x40: {  	_ =	shalt  }
0x41: {  	_ =	shalt  }
0x42: {  	_ =	shalt  }
0x43: {  	_ =	shalt  }
0x44: {  	_ =	shalt  }
0x45: {  	_ =	shalt  }
0x46: {  	_ =	shalt  }
0x47: {  	_ =	shalt  }
0x48: {  	_ =	shalt  }
0x49: {  	_ =	shalt  }
0x4a: {  	_ =	shalt  }
0x4b: {  	_ =	shalt  }
0x4c: {  	_ =	shalt  }
0x4d: {  	_ =	shalt  }
0x4e: {  	_ =	shalt  }
0x4f: {  	_ =	shalt  }
0x50: {  	_ =	shalt  }
0x51: {  	_ =	shalt  }
0x52: {  	_ =	shalt  }
0x53: {  	_ =	shalt  }
0x54: {  	_ =	shalt  }
0x55: {  	_ =	shalt  }
0x56: {  	_ =	shalt  }
0x57: {  	_ =	shalt  }
0x58: {  	_ =	shalt  }
0x59: {  	_ =	shalt  }
0x5a: {  	_ =	shalt  }
0x5b: {  	_ =	shalt  }
0x5c: {  	_ =	shalt  }
0x5d: {  	_ =	shalt  }
0x5e: {  	_ =	shalt  }
0x5f: {  	_ =	shalt  }
0x60: {  	_ =	shalt  }
0x61: {  	_ =	shalt  }
0x62: {  	_ =	shalt  }
0x63: {  	_ =	shalt  }
0x64: {  	_ =	shalt  }
0x65: {  	_ =	shalt  }
0x66: {  	_ =	shalt  }
0x67: {  	_ =	shalt  }
0x68: {  	_ =	shalt  }
0x69: {  	_ =	shalt  }
0x6a: {  	_ =	shalt  }
0x6b: {  	_ =	shalt  }
0x6c: {  	_ =	shalt  }
0x6d: {  	_ =	shalt  }
0x6e: {  	_ =	shalt  }
0x6f: {  	_ =	shalt  }
0x70: {  	_ =	shalt  }
0x71: {  	_ =	shalt  }
0x72: {  	_ =	shalt  }
0x73: {  	_ =	shalt  }
0x74: {  	_ =	shalt  }
0x75: {  	_ =	shalt  }
0x76: {  	_ =	shalt  }
0x77: {  	_ =	shalt  }
0x78: {  	_ =	shalt  }
0x79: {  	_ =	shalt  }
0x7a: {  	_ =	shalt  }
0x7b: {  	_ =	shalt  }
0x7c: {  	_ =	shalt  }
0x7d: {  	_ =	shalt  }
0x7e: {  	_ =	shalt  }
0x7f: {  	_ =	shalt  }
0x80: {  	_ =	shalt  }
0x81: {  	_ =	shalt  }
0x82: {  	_ =	shalt  }
0x83: {  	_ =	shalt  }
0x84: {  	_ =	shalt  }
0x85: {  	_ =	shalt  }
0x86: {  	_ =	shalt  }
0x87: {  	_ =	shalt  }
.Lfunc_end0:
.L_simem_size_0:
called_computation.2_lowered:
.L_overlay_start_0:
0x88: {  	s2 =	sld [smem:$0x3FD9]  }
0x89: {  	s3 =	sld [smem:$0x3FFE];
	_ =	sdelay $0x1  }
0x8a: {  	s1 =	srdreg.scid  }
0x8b: {  	s0 =	sand.u32 $0x1, s1  }
0x8c: {  	s17 =	sshll.u32 s0, $0xA;
	s2 =	sadd.s32 s3, s2  }
0x8d: {  	s2 =	sadd.s32 s2, s17  }
0x8e: {  	[smem:$0x3FC0] =	sst s2  }
0x8f: {  	_ = 	snop  }
0x90: {  	s2 =	sld [smem:$0x3FD0];
	(tm) =	ssettm $0x1  }
0x91: {  	s18 =	sld [smem:$0x3FFB];
	_ =	sdelay $0x3  }
0x92: {  	_ =	strace s18  }
0x93: {  	s3 =	sld [smem:$0x3FFC];
	_ =	sdelay $0x3  }
0x94: {  	_ =	strace s3  }
0x95: {  	s3 =	sld [smem:$0x3FFD];
	_ =	sdelay $0x3  }
0x96: {  	_ =	strace s3  }
0x97: {  	_ =	strace $0x8FFFFFFF  }
0x98: {  	s19 =	sld [smem:$0x3FDB];
	_ =	sdelay $0x1  }
0x99: {  	s4 =	simm.s32 $_scs_section_size  }
0x9a: {  	s5 =	simm.s32 $_size__tile_overlayer_lowered;
	s6 =	simm.s32 $_tile_overlayer_lowered  }
0x9b: {  	s22 =	simm.s32 $0x1BFF;
	s21 =	sshll.u32 s6, $0x1;
	s3 =	sadd.s32 s4, s19  }
0x9c: {  	s7 =	simm.s32 $0x0;
	s20 =	sshll.u32 s5, $0x1;
	s5 =	sadd.s32 s21, s3  }
0x9d: {  	[timem:s7], [sflag:s22] =	dma.local [hbm:s5], s20  }
0x9e: {  	_ =	swait.ge [sflag:s22], s20  }
0x9f: {  	s4 =	ssub.s32 $0x0, s20;
	[sflag:s22] =	ssyncset.done $0x0  }
0xa0: {  	[sflag:s22] =	ssyncadd.s32 s4;
	_ =	sdelay $0x1  }
0xa1: {  	s23 =	simm.s32 $0x1B8B  }
0xa2: {  	_ =	swait.ge [sflag:s23], $0x1  }
0xa3: {  	[sflag:s23] =	ssyncset.done $0x0  }
0xa4: {  	s25 =	simm.s32 $0x1B8E;
	s24 =	sld [smem:$0x3FFE];
	[sflag:s23] =	ssyncadd.s32 $0xFFFFFFFF  }
0xa5: {  	s26 =	simm.s32 $execute0_lowered;
	[smem:$0x3FD2] =	sst s25  }
0xa6: {  	s5 =	sshll.u32 s26, $0x1;
	_ =	strace $0x8000004C;
	[dreg:$0x1] =	wrdreg $0xFFFFFFFF  }
0xa7: {  	s28 =	simm.s32 $_size_execute0_lowered;
	s3 =	sadd.s32 s3, s5;
	[dreg:$0x0] =	wrdreg $0x0  }
0xa8: {  	s5 =	sshll.u32 s28, $0x1;
	[dreg:$0x2] =	wrdreg s3  }
0xa9: {  	[dreg:$0x3] =	wrdreg s5  }
0xaa: {  	[dreg:$0x4] =	wrdreg $0xC0  }
0xab: {  	_ =	task [dreg:s7], $0x5FFFF  }
0xac: {  	[dreg:$0x1] =	wrdreg $0xFFFFFFFF  }
0xad: {  	[dreg:$0x0] =	wrdreg $0x60  }
0xae: {  	[dreg:$0x2] =	wrdreg s24  }
0xaf: {  	[dreg:$0x3] =	wrdreg s2  }
0xb0: {  	[dreg:$0x4] =	wrdreg $0xB4000  }
0xb1: {  	[dreg:$0x5] =	wrdreg $0x9  }
0xb2: {  	_ =	task.clear_ibuf [dreg:s7], $0x6FFFF;
	_ =	strace $0x9000004C  }
0xb3: {  	s29 =	simm.s32 $0x9;
	_ =	strace $0x8000004E  }
0xb4: {  	_ =	swait.ge [sflag:s29], $0x1  }
0xb5: {  	[sflag:s29] =	ssyncadd.s32 $0xFFFFFFFF  }
0xb6: {  	_ =	strace $0x9000004E  }
0xb7: {  	_ =	sfence  }
0xb8: {  	s30 =	sld [smem:$0x0];
	_ =	sdelay $0x2  }
0xb9: {  	s31 =	sshll.u32 s1, $0xD;
	s1 =	sshrl.u32 s1, $0x2  }
0xba: {  	s3 =	sand.u32 $0x4000, s31;
	s1 =	sadd.s32 s1, s30  }
0xbb: {  	s0 =	sor.u32 s3, s0;
	s1 =	sshll.u32 s1, $0x11  }
0xbc: {  	s0 =	sor.u32 s1, s0  }
0xbd: {  	s0 =	sadd.s32 $0x8F2B, s0  }
0xbe: {  	[sflag:s0] =	ssyncadd.remote.s32 $0x1  }
0xbf: {  	_ =	sfence.sel $0xFFFF  }
0xc0: {  	[dreg:$0x0] =	wrdreg $0xFFFFFFFF;
	(pc) =	sbr.abs _section_cstart, $3  }
0xc1: {  	[dreg:$0x1] =	wrdreg $0xFFFFFFFF  }
0xc2: {  	_ =	task.clear_ibuf [dreg:s7], $0x2FFFF;
	_ =	strace $0x9FFFFFFF  }
0xc3: {  	(tm) =	ssettm $0x7FFFFFFF  }
tec
execute0_lowered:
.L_overlay_start_1:
0x0: {  	(tag) =	ssettag $0x1  }
0x1: {  	s0 =	rddreg [dreg:$0x0]  }
0x2: {  	s1 =	srdreg.scid;
	s2 =	rddreg [dreg:$0x1]  }
0x3: {  	s10 =	stileid.u32;
	s3 =	rddreg [dreg:$0x2]  }
0x4: {  	s4 =	simm.s32 $0x0;
	s29 =	simm.s32 $0x8400;
	s31 =	simm.s32 $0x9400  }
0x5: {  	s28 =	simm.s32 $0x2;
	s11 =	simm.s32 $0x6;
	s5 =	smul.u32 $0x2A00, s10  }
0x6: {  	s12 =	simm.s32 $0xB;
	s13 =	simm.s32 $0xC;
	s7 =	smul.u32 $0x28000, s10  }
0x7: {  	s14 =	simm.s32 $0x0;
	s1 =	sand.u32 $0x1, s1;
	s24 =	smul.u32 $0x13880, s10  }
0x8: {  	[smem:$0x7FF] =	sst s4;
	s10 =	simm.s32 $0xA;
	s6 =	smul.u32 $0x2A000, s1  }
0x9: {  	_ =	strace $0x8000004D;
	s8 =	ssub.s32 $0x2, s1;
	p0 =	seq.s32 s1, $0x1  }
0xa: {  	s1 =	simm.s32 $0x11C00;
	s9 =	sshrl.u32 s8, $0x1;
	s7 =	sshrl.u32 s7, $0x2  }
0xb: {  	s25 =	sshrl.u32 s24, $0x1;
	s1 =	simm.s32 @!p0 $0x25600;
	s16 =	sadd.s32 s7, s3  }
0xc: {  	s6 =	sadd.s32 s5, s6;
	s17 =	sadd.s32 $0x1000, s16;
	[dreg:$0x5] =	wrdreg s16  }
0xd: {  	s5 =	sshrl.u32 s5, $0x3;
	s18 =	sadd.s32 $0x2000, s16;
	[dreg:$0x7] =	wrdreg s17  }
0xe: {  	s8 =	ssub.s32 s8, s9;
	s19 =	sadd.s32 $0x3000, s16;
	[dreg:$0x8] =	wrdreg s18  }
0xf: {  	s9 =	simm.s32 $0x5;
	s20 =	sadd.s32 $0x4000, s16;
	[dreg:$0x9] =	wrdreg s19  }
0x10: {  	s6 =	sshrl.u32 s6, $0x3;
	s21 =	sadd.s32 $0x5000, s16;
	[dreg:$0xa] =	wrdreg s20  }
0x11: {  	s5 =	sadd.s32 s5, s0;
	s22 =	sadd.s32 $0x6000, s16;
	[dreg:$0xb] =	wrdreg s21  }
0x12: {  	s23 =	sadd.s32 $0x7000, s16;
	s7 =	sadd.s32 $0x8000, s16;
	[dreg:$0xc] =	wrdreg s22  }
0x13: {  	s26 =	smax.u32 s8, $0x1;
	s8 =	simm.s32 $0x9;
	[dreg:$0xd] =	wrdreg s23  }
0x14: {  	s6 =	sadd.s32 s6, s0;
	s5 =	sadd.s32 $0x2000, s5;
	[dreg:$0xe] =	wrdreg s7  }
0x15: {  	s7 =	sadd.s32 s25, s3;
	s0 =	sadd.s32 s1, s0;
	[dreg:$0x10] =	wrdreg s26  }
0x16: {  	s19 =	simm.s32 $0xD;
	s18 =	simm.s32 $0x2A00;
	s21 =	simm.s32 $0x5400  }
0x17: {  	s22 =	simm.s32 $0x40;
	s23 =	simm.s32 $0x6400;
	s1 =	simm.s32 $0x1  }
.Ltmp0:
0x18: {  	s6 =	sadd.s32 $0x7400, s6;
	[dreg:$0x6] =	wrdreg s5;
	(pc) =	sbr.rel .LBB2_1-.Ltmp0, $4  }
0x19: {  	s5 =	sshrl.u32 s24, $0x4;
	s30 =	sshrl.u32 s7, $0x3;
	[dreg:$0x4] =	wrdreg s6  }
0x1a: {  	s24 =	simm.s32 $0xA400;
	s6 =	sadd.s32 $0x9000, s16;
	[dreg:$0x12] =	wrdreg s30  }
0x1b: {  	s7 =	simm.s32 $0x4;
	s0 =	sadd.s32 s0, s5;
	[dreg:$0xf] =	wrdreg s6  }
0x1c: {  	v0 =	vimm.bf16 $0.0e+00;
	s5 =	simm.s32 $0x8;
	[dreg:$0x11] =	wrdreg s0;
	s0 =	simm.s32 $0x7  }
.LBB2_6:
0x1d: {  	_ =	swait.ge [sflag:s0], $0x1000  }
0x1e: {  	[sflag:s0] =	ssyncset.done $0x0  }
0x1f: {  	[sflag:s0] =	ssyncadd.s32 $0xFFFFF000  }
0x20: {  	_ =	swait.ge [sflag:s5], $0x1000  }
0x21: {  	[sflag:s5] =	ssyncset.done $0x0  }
0x22: {  	[sflag:s5] =	ssyncadd.s32 $0xFFFFF000  }
0x23: {  	_ =	swait.ge [sflag:s8], $0x1000  }
0x24: {  	[sflag:s8] =	ssyncset.done $0x0  }
0x25: {  	[sflag:s8] =	ssyncadd.s32 $0xFFFFF000  }
0x26: {  	_ =	swait.ge [sflag:s10], $0x1000  }
0x27: {  	[sflag:s10] =	ssyncset.done $0x0  }
0x28: {  	[sflag:s10] =	ssyncadd.s32 $0xFFFFF000  }
0x29: {  	_ =	swait.ge [sflag:s12], $0x1000  }
0x2a: {  	[sflag:s12] =	ssyncset.done $0x0  }
0x2b: {  	[sflag:s12] =	ssyncadd.s32 $0xFFFFF000  }
0x2c: {  	_ =	swait.ge [sflag:s13], $0x1000  }
0x2d: {  	[sflag:s13] =	ssyncset.done $0x0  }
0x2e: {  	[sflag:s13] =	ssyncadd.s32 $0xFFFFF000  }
0x2f: {  	s6 =	stileid.u32;
	[bflag:$0x0] =	sbarrier.arrive $0xFFFF  }
0x30: {  	s6 =	sshll.u32 s6, $0x6;
	s15 =	rddreg [dreg:$0x11]  }
0x31: {  	s6 =	sor.u32 $0x1C0D, s6;
	s16 =	rddreg [dreg:$0x12]  }
0x32: {  	[hbm:s15], [sflag:s6] =	dma.local [spmem:s16], $0x1388  }
0x33: {  	_ =	swait.ge [sflag:s19], $0x1388  }
0x34: {  	s14 =	sadd.s32 $0x1, s14;
	s30 =	rddreg [dreg:$0x10]  }
0x35: {  	p0 =	sne.s32 s14, s30  }
.Ltmp1:
0x36: {  	_ = 	snop;
	(pc) =	sbr.rel @!p0 .LBB2_7-.Ltmp1, $3  }
0x37: {  	_ =	sdelay $0x1  }
0x38: {  	[sflag:s19] =	ssyncset.done $0x0  }
0x39: {  	s18 =	simm.s32 $0x2A00;
	[sflag:s19] =	ssyncadd.s32 $0xFFFFEC78  }
.LBB2_1:
0x3a: {  	s6 =	rddreg [dreg:$0x4]  }
0x3b: {  	[tilespmem:s4], [sflag:$0xD] =	stream.linear.gather [hbm4b:s6+s4], $0x2A00, $0x38;
	[tilespmem:$0x15400] =	vst v63  }
0x3c: {  	_ =	swait.ge [sflag:s19], $0x2A00  }
0x3d: {  	[sflag:s19] =	ssyncset.done $0x0  }
0x3e: {  	s30 =	rddreg [dreg:$0x6];
	[sflag:s19] =	ssyncadd.s32 $0xFFFFD600  }
0x3f: {  	[tilespmem:s18], [sflag:$0xD] =	stream.linear.gather [hbm4b:s30+s4], $0x2A00, $0x38;
	[tilespmem:$0x15400] =	vst v63  }
0x40: {  	s15 =	sand.u32 $0x3F00, s4;
	s16 =	sand.u32 $0x60, s4;
	_ =	swait.ge [sflag:s19], $0x2A00  }
0x41: {  	s15 =	sshrl.u32 s15, $0x2;
	s16 =	sshrl.u32 s16, $0x1;
	[sflag:s19] =	ssyncset.done $0x0  }
0x42: {  	s16 =	sor.u32 s16, s15;
	[sflag:s19] =	ssyncadd.s32 $0xFFFFD600  }
0x43: {  	s15 =	simm.s32 $0x40;
	[tilespmem:s16+$0x5400] =	vst v0;
	s16 =	simm.s32 $0x0  }
.LBB2_2:
0x44: {  	p0 =	sne.s32 s15, $0x3FC0  }
.Ltmp2:
0x45: {  	s20 =	sand.u32 $0x3F00, s15;
	s16 =	sadd.s32 $0x20, s16;
	(pc) =	sbr.rel @p0 .LBB2_2-.Ltmp2, $4  }
0x46: {  	s15 =	sadd.s32 $0x40, s15;
	s17 =	sand.u32 $0x60, s16  }
0x47: {  	s20 =	sshrl.u32 s20, $0x2;
	s17 =	sshrl.u32 s17, $0x1  }
0x48: {  	s17 =	sor.u32 s17, s20  }
0x49: {  	[tilespmem:s17+$0x5400] =	vst v0  }
0x4a: {  	s6 =	rddreg [dreg:$0x5]  }
0x4b: {  	[spmem:s6] =	stream.linear.scatter [tilespmem:s21], [sflag:$0xD], $0x1000, $0x38;
	[tilespmem:$0x15400] =	vst v63  }
0x4c: {  	_ =	swait.ge [sflag:s19], $0x1000  }
0x4d: {  	[sflag:s19] =	ssyncset.done $0x0  }
0x4e: {  	s17 =	rddreg [dreg:$0x7];
	[sflag:s19] =	ssyncadd.s32 $0xFFFFF000  }
0x4f: {  	[spmem:s17] =	stream.linear.scatter [tilespmem:s21], [sflag:$0xD], $0x1000, $0x38;
	[tilespmem:$0x15400] =	vst v63  }
0x50: {  	_ =	swait.ge [sflag:s19], $0x1000  }
0x51: {  	[sflag:s19] =	ssyncset.done $0x0  }
0x52: {  	s20 =	rddreg [dreg:$0x8];
	[sflag:s19] =	ssyncadd.s32 $0xFFFFF000  }
0x53: {  	[spmem:s20] =	stream.linear.scatter [tilespmem:s21], [sflag:$0xD], $0x1000, $0x38;
	[tilespmem:$0x15400] =	vst v63  }
0x54: {  	_ =	swait.ge [sflag:s19], $0x1000  }
0x55: {  	[sflag:s19] =	ssyncset.done $0x0  }
0x56: {  	s25 =	rddreg [dreg:$0x9];
	[sflag:s19] =	ssyncadd.s32 $0xFFFFF000  }
0x57: {  	[spmem:s25] =	stream.linear.scatter [tilespmem:s21], [sflag:$0xD], $0x1000, $0x38;
	[tilespmem:$0x15400] =	vst v63  }
0x58: {  	_ =	swait.ge [sflag:s19], $0x1000  }
0x59: {  	[sflag:s19] =	ssyncset.done $0x0  }
0x5a: {  	s26 =	rddreg [dreg:$0xa];
	[sflag:s19] =	ssyncadd.s32 $0xFFFFF000  }
0x5b: {  	[spmem:s26] =	stream.linear.scatter [tilespmem:s21], [sflag:$0xD], $0x1000, $0x38;
	[tilespmem:$0x15400] =	vst v63  }
0x5c: {  	_ =	swait.ge [sflag:s19], $0x1000  }
0x5d: {  	[sflag:s19] =	ssyncset.done $0x0  }
0x5e: {  	s30 =	rddreg [dreg:$0xb];
	[sflag:s19] =	ssyncadd.s32 $0xFFFFF000  }
0x5f: {  	[spmem:s30] =	stream.linear.scatter [tilespmem:s21], [sflag:$0xD], $0x1000, $0x38;
	[tilespmem:$0x15400] =	vst v63  }
0x60: {  	_ =	swait.ge [sflag:s19], $0x1000  }
0x61: {  	[sflag:s19] =	ssyncset.done $0x0  }
0x62: {  	s15 =	rddreg [dreg:$0xc];
	[sflag:s19] =	ssyncadd.s32 $0xFFFFF000  }
0x63: {  	[spmem:s15] =	stream.linear.scatter [tilespmem:s21], [sflag:$0xD], $0x1000, $0x38;
	[tilespmem:$0x15400] =	vst v63  }
0x64: {  	_ =	swait.ge [sflag:s19], $0x1000  }
0x65: {  	[sflag:s19] =	ssyncset.done $0x0  }
0x66: {  	s16 =	rddreg [dreg:$0xd];
	[sflag:s19] =	ssyncadd.s32 $0xFFFFF000  }
0x67: {  	[spmem:s16] =	stream.linear.scatter [tilespmem:s21], [sflag:$0xD], $0x1000, $0x38;
	[tilespmem:$0x15400] =	vst v63  }
0x68: {  	_ =	swait.ge [sflag:s19], $0x1000  }
0x69: {  	[sflag:s19] =	ssyncset.done $0x0  }
0x6a: {  	s17 =	rddreg [dreg:$0xe];
	[sflag:s19] =	ssyncadd.s32 $0xFFFFF000  }
0x6b: {  	[spmem:s17] =	stream.linear.scatter [tilespmem:s21], [sflag:$0xD], $0x1000, $0x38;
	[tilespmem:$0x15400] =	vst v63  }
0x6c: {  	_ =	swait.ge [sflag:s19], $0x1000  }
0x6d: {  	[sflag:s19] =	ssyncset.done $0x0  }
0x6e: {  	s20 =	rddreg [dreg:$0xf];
	[sflag:s19] =	ssyncadd.s32 $0xFFFFF000  }
0x6f: {  	[spmem:s20] =	stream.linear.scatter [tilespmem:s21], [sflag:$0xD], $0x1000, $0x38;
	[tilespmem:$0x15400] =	vst v63  }
0x70: {  	_ =	swait.ge [sflag:s19], $0x1000  }
0x71: {  	[sflag:s19] =	ssyncset.done $0x0  }
0x72: {  	[sflag:s19] =	ssyncadd.s32 $0xFFFFF000  }
0x73: {  	s15 =	simm.s32 $0x0;
	[bflag:$0x0] =	sbarrier.arrive $0xFFFF  }
0x74: {  	[tilespmem:s21], [sflag:$0x1] =	stream.indirect.gather [hbm4b:s2+s22], $0x40, s15, s22, $0xb8;
	[tilespmem:$0x15400] =	vst v63  }
0x75: {  	_ = 	snop  }
0x76: {  	[tilespmem:s23], [sflag:$0x2] =	stream.indirect.gather [hbm4b:s2+s22], $0x40, s22, s22, $0xb8;
	[tilespmem:$0x15400] =	vst v63  }
0x77: {  	s25 =	simm.s32 $0x80;
	s16 =	simm.s32 $0x7400  }
0x78: {  	[tilespmem:s16], [sflag:$0x3] =	stream.indirect.gather [hbm4b:s2+s22], $0x40, s25, s22, $0xb8;
	[tilespmem:$0x15400] =	vst v63  }
0x79: {  	s26 =	simm.s32 $0xC0  }
0x7a: {  	[tilespmem:s29], [sflag:$0x4] =	stream.indirect.gather [hbm4b:s2+s22], $0x40, s26, s22, $0xb8;
	[tilespmem:$0x15400] =	vst v63  }
0x7b: {  	s30 =	simm.s32 $0x100  }
0x7c: {  	[tilespmem:s31], [sflag:$0x5] =	stream.indirect.gather [hbm4b:s2+s22], $0x40, s30, s22, $0xb8;
	[tilespmem:$0x15400] =	vst v63  }
0x7d: {  	_ =	swait.ge [sflag:s1], $0x1000  }
0x7e: {  	[sflag:s1] =	ssyncset.done $0x0  }
0x7f: {  	[sflag:s1] =	ssyncadd.s32 $0xFFFFF000  }
0x80: {  	[spmem:s3] =	stream.indirect.scatter.add.bf16 [tilespmem:s21], [sflag:$0x7], $0x40, s18, s22, $0xb8;
	[tilespmem:$0x15400] =	vst v63  }
0x81: {  	s17 =	simm.s32 $0x140  }
0x82: {  	[tilespmem:s24], [sflag:$0x6] =	stream.indirect.gather [hbm4b:s2+s22], $0x40, s17, s22, $0xb8;
	[tilespmem:$0x15400] =	vst v63  }
0x83: {  	_ =	swait.ge [sflag:s28], $0x1000  }
0x84: {  	[sflag:s28] =	ssyncset.done $0x0  }
0x85: {  	s18 =	simm.s32 $0x2A40;
	[sflag:s28] =	ssyncadd.s32 $0xFFFFF000  }
0x86: {  	[spmem:s3] =	stream.indirect.scatter.add.bf16 [tilespmem:s23], [sflag:$0x8], $0x40, s18, s22, $0xb8;
	[tilespmem:$0x15400] =	vst v63  }
0x87: {  	_ =	swait.ge [sflag:s0], $0x1000  }
0x88: {  	[sflag:s0] =	ssyncset.done $0x0  }
0x89: {  	s20 =	simm.s32 $0x180;
	s25 =	simm.s32 $0x3;
	[sflag:s0] =	ssyncadd.s32 $0xFFFFF000  }
0x8a: {  	[tilespmem:s21], [sflag:$0x1] =	stream.indirect.gather [hbm4b:s2+s22], $0x40, s20, s22, $0xb8;
	[tilespmem:$0x15400] =	vst v63  }
0x8b: {  	_ =	swait.ge [sflag:s25], $0x1000  }
0x8c: {  	[sflag:s25] =	ssyncset.done $0x0  }
0x8d: {  	s26 =	simm.s32 $0x2A80;
	[sflag:s25] =	ssyncadd.s32 $0xFFFFF000  }
0x8e: {  	[spmem:s3] =	stream.indirect.scatter.add.bf16 [tilespmem:s16], [sflag:$0x9], $0x40, s26, s22, $0xb8;
	[tilespmem:$0x15400] =	vst v63  }
0x8f: {  	_ =	swait.ge [sflag:s5], $0x1000  }
0x90: {  	[sflag:s5] =	ssyncset.done $0x0  }
0x91: {  	s30 =	simm.s32 $0x1C0;
	[sflag:s5] =	ssyncadd.s32 $0xFFFFF000  }
0x92: {  	[tilespmem:s23], [sflag:$0x2] =	stream.indirect.gather [hbm4b:s2+s22], $0x40, s30, s22, $0xb8;
	[tilespmem:$0x15400] =	vst v63  }
0x93: {  	_ =	swait.ge [sflag:s7], $0x1000  }
0x94: {  	[sflag:s7] =	ssyncset.done $0x0  }
0x95: {  	s17 =	simm.s32 $0x2AC0;
	[sflag:s7] =	ssyncadd.s32 $0xFFFFF000  }
0x96: {  	[spmem:s3] =	stream.indirect.scatter.add.bf16 [tilespmem:s29], [sflag:$0xA], $0x40, s17, s22, $0xb8;
	[tilespmem:$0x15400] =	vst v63  }
0x97: {  	_ =	swait.ge [sflag:s8], $0x1000  }
0x98: {  	[sflag:s8] =	ssyncset.done $0x0  }
0x99: {  	s18 =	simm.s32 $0x200;
	[sflag:s8] =	ssyncadd.s32 $0xFFFFF000  }
0x9a: {  	[tilespmem:s16], [sflag:$0x3] =	stream.indirect.gather [hbm4b:s2+s22], $0x40, s18, s22, $0xb8;
	[tilespmem:$0x15400] =	vst v63  }
0x9b: {  	_ =	swait.ge [sflag:s9], $0x1000  }
0x9c: {  	[sflag:s9] =	ssyncset.done $0x0  }
0x9d: {  	s20 =	simm.s32 $0x2B00;
	[sflag:s9] =	ssyncadd.s32 $0xFFFFF000  }
0x9e: {  	[spmem:s3] =	stream.indirect.scatter.add.bf16 [tilespmem:s31], [sflag:$0xB], $0x40, s20, s22, $0xb8;
	[tilespmem:$0x15400] =	vst v63  }
0x9f: {  	_ =	swait.ge [sflag:s10], $0x1000  }
0xa0: {  	[sflag:s10] =	ssyncset.done $0x0  }
0xa1: {  	s25 =	simm.s32 $0x240;
	[sflag:s10] =	ssyncadd.s32 $0xFFFFF000  }
0xa2: {  	[tilespmem:s29], [sflag:$0x4] =	stream.indirect.gather [hbm4b:s2+s22], $0x40, s25, s22, $0xb8;
	[tilespmem:$0x15400] =	vst v63  }
0xa3: {  	_ =	swait.ge [sflag:s11], $0x1000  }
0xa4: {  	[sflag:s11] =	ssyncset.done $0x0  }
0xa5: {  	s26 =	simm.s32 $0x2B40;
	[sflag:s11] =	ssyncadd.s32 $0xFFFFF000  }
0xa6: {  	[spmem:s3] =	stream.indirect.scatter.add.bf16 [tilespmem:s24], [sflag:$0xC], $0x40, s26, s22, $0xb8;
	[tilespmem:$0x15400] =	vst v63  }
0xa7: {  	_ =	swait.ge [sflag:s12], $0x1000  }
0xa8: {  	[sflag:s12] =	ssyncset.done $0x0  }
0xa9: {  	s30 =	simm.s32 $0x280;
	[sflag:s12] =	ssyncadd.s32 $0xFFFFF000  }
0xaa: {  	[tilespmem:s31], [sflag:$0x5] =	stream.indirect.gather [hbm4b:s2+s22], $0x40, s30, s22, $0xb8;
	[tilespmem:$0x15400] =	vst v63  }
.LBB2_4:
0xab: {  	_ =	swait.ge [sflag:s1], $0x1000  }
0xac: {  	s16 =	sshra.s32 s15, $0x2;
	[sflag:s1] =	ssyncset.done $0x0  }
0xad: {  	s17 =	sadd.s32 $0x2B80, s16;
	[sflag:s1] =	ssyncadd.s32 $0xFFFFF000  }
0xae: {  	[spmem:s3] =	stream.indirect.scatter.add.bf16 [tilespmem:s21], [sflag:$0x7], $0x40, s17, s22, $0xb8;
	[tilespmem:$0x15400] =	vst v63  }
0xaf: {  	_ =	swait.ge [sflag:s13], $0x1000  }
0xb0: {  	[sflag:s13] =	ssyncset.done $0x0  }
0xb1: {  	s25 =	sadd.s32 $0x2C0, s16;
	[sflag:s13] =	ssyncadd.s32 $0xFFFFF000  }
0xb2: {  	[tilespmem:s24], [sflag:$0x6] =	stream.indirect.gather [hbm4b:s2+s22], $0x40, s25, s22, $0xb8;
	[tilespmem:$0x15400] =	vst v63  }
0xb3: {  	_ =	swait.ge [sflag:s28], $0x1000  }
0xb4: {  	p0 =	seq.s32 s15, $0x9C00;
	[sflag:s28] =	ssyncset.done $0x0  }
0xb5: {  	s26 =	sadd.s32 $0x2BC0, s16;
	s17 =	simm.s32 @p0 $0x3;
	[sflag:s28] =	ssyncadd.s32 $0xFFFFF000  }
0xb6: {  	[spmem:s3] =	stream.indirect.scatter.add.bf16 [tilespmem:s23], [sflag:$0x8], $0x40, s26, s22, $0xb8;
	[tilespmem:$0x15400] =	vst v63  }
0xb7: {  	_ =	swait.ge @p0 [sflag:s17], $0x1000  }
0xb8: {  	[sflag:s17] =	ssyncset.done @p0 $0x0  }
0xb9: {  	[sflag:s17] =	ssyncadd.s32 @p0 $0xFFFFF000;
	s17 =	sshra.s32 @p0 s15, $0x2  }
0xba: {  	s18 =	simm.s32 @p0 $0x40;
	s25 =	simm.s32 @p0 $0x7400;
	s20 =	sadd.s32 @p0 $0x2C00, s17  }
0xbb: {  	[spmem:s3] =	stream.indirect.scatter.add.bf16 @p0 [tilespmem:s25], [sflag:$0x9], $0x40, s20, s18, $0xb8;
	[tilespmem:$0x15400] =	vst v63  }
0xbc: {  	s20 =	simm.s32 @!p0 $0x7  }
0xbd: {  	_ =	swait.ge @!p0 [sflag:s20], $0x1000  }
0xbe: {  	[sflag:s20] =	ssyncset.done @!p0 $0x0  }
0xbf: {  	[sflag:s20] =	ssyncadd.s32 @!p0 $0xFFFFF000;
	s20 =	sshra.s32 @!p0 s15, $0x2  }
0xc0: {  	s6 =	simm.s32 @!p0 $0x40;
	s26 =	simm.s32 @!p0 $0x5400;
	s25 =	sadd.s32 @!p0 $0x300, s20  }
0xc1: {  	[tilespmem:s26], [sflag:$0x1] =	stream.indirect.gather @!p0 [hbm4b:s2+s6], $0x40, s25, s6, $0xb8;
	[tilespmem:$0x15400] =	vst v63  }
0xc2: {  	s25 =	simm.s32 @!p0 $0x3  }
0xc3: {  	_ =	swait.ge @!p0 [sflag:s25], $0x1000  }
0xc4: {  	[sflag:s25] =	ssyncset.done @!p0 $0x0  }
0xc5: {  	s26 =	simm.s32 @!p0 $0x7400;
	[sflag:s25] =	ssyncadd.s32 @!p0 $0xFFFFF000;
	s25 =	sadd.s32 @!p0 $0x2C00, s20  }
0xc6: {  	[spmem:s3] =	stream.indirect.scatter.add.bf16 @!p0 [tilespmem:s26], [sflag:$0x9], $0x40, s25, s6, $0xb8;
	[tilespmem:$0x15400] =	vst v63  }
0xc7: {  	s25 =	simm.s32 @!p0 $0x8  }
0xc8: {  	_ =	swait.ge @!p0 [sflag:s25], $0x1000  }
0xc9: {  	[sflag:s25] =	ssyncset.done @!p0 $0x0  }
0xca: {  	s30 =	simm.s32 @!p0 $0x6400;
	[sflag:s25] =	ssyncadd.s32 @!p0 $0xFFFFF000;
	s25 =	sadd.s32 @!p0 $0x340, s20  }
0xcb: {  	[tilespmem:s30], [sflag:$0x2] =	stream.indirect.gather @!p0 [hbm4b:s2+s6], $0x40, s25, s6, $0xb8;
	[tilespmem:$0x15400] =	vst v63  }
0xcc: {  	_ =	swait.ge [sflag:s7], $0x1000  }
0xcd: {  	[sflag:s7] =	ssyncset.done $0x0  }
0xce: {  	s30 =	sadd.s32 $0x2C40, s16;
	s25 =	simm.s32 @p0 $0x5;
	[sflag:s7] =	ssyncadd.s32 $0xFFFFF000  }
0xcf: {  	[spmem:s3] =	stream.indirect.scatter.add.bf16 [tilespmem:s29], [sflag:$0xA], $0x40, s30, s22, $0xb8;
	[tilespmem:$0x15400] =	vst v63  }
0xd0: {  	_ =	swait.ge @p0 [sflag:s25], $0x1000  }
0xd1: {  	[sflag:s25] =	ssyncset.done @p0 $0x0  }
0xd2: {  	s17 =	sadd.s32 @p0 $0x2C80, s17;
	[sflag:s25] =	ssyncadd.s32 @p0 $0xFFFFF000;
	s25 =	simm.s32 @p0 $0x9400  }
0xd3: {  	[spmem:s3] =	stream.indirect.scatter.add.bf16 @p0 [tilespmem:s25], [sflag:$0xB], $0x40, s17, s18, $0xb8;
	[tilespmem:$0x15400] =	vst v63  }
0xd4: {  	s17 =	simm.s32 @!p0 $0x9  }
0xd5: {  	_ =	swait.ge @!p0 [sflag:s17], $0x1000  }
0xd6: {  	[sflag:s17] =	ssyncset.done @!p0 $0x0  }
0xd7: {  	[sflag:s17] =	ssyncadd.s32 @!p0 $0xFFFFF000;
	s17 =	sadd.s32 @!p0 $0x380, s20  }
0xd8: {  	[tilespmem:s26], [sflag:$0x3] =	stream.indirect.gather @!p0 [hbm4b:s2+s6], $0x40, s17, s6, $0xb8;
	[tilespmem:$0x15400] =	vst v63  }
0xd9: {  	s17 =	simm.s32 @!p0 $0x5  }
0xda: {  	_ =	swait.ge @!p0 [sflag:s17], $0x1000  }
0xdb: {  	[sflag:s17] =	ssyncset.done @!p0 $0x0  }
0xdc: {  	s18 =	simm.s32 @!p0 $0x9400;
	[sflag:s17] =	ssyncadd.s32 @!p0 $0xFFFFF000;
	s17 =	sadd.s32 @!p0 $0x2C80, s20  }
0xdd: {  	[spmem:s3] =	stream.indirect.scatter.add.bf16 @!p0 [tilespmem:s18], [sflag:$0xB], $0x40, s17, s6, $0xb8;
	[tilespmem:$0x15400] =	vst v63  }
0xde: {  	s17 =	simm.s32 @!p0 $0xA  }
0xdf: {  	_ =	swait.ge @!p0 [sflag:s17], $0x1000  }
0xe0: {  	[sflag:s17] =	ssyncset.done @!p0 $0x0  }
0xe1: {  	s18 =	simm.s32 @!p0 $0x8400;
	[sflag:s17] =	ssyncadd.s32 @!p0 $0xFFFFF000;
	s17 =	sadd.s32 @!p0 $0x3C0, s20  }
0xe2: {  	[tilespmem:s18], [sflag:$0x4] =	stream.indirect.gather @!p0 [hbm4b:s2+s6], $0x40, s17, s6, $0xb8;
	[tilespmem:$0x15400] =	vst v63  }
.Ltmp3:
0xe3: {  	_ = 	snop;
	(pc) =	sbr.rel @p0 .LBB2_6-.Ltmp3, $4  }
0xe4: {  	_ =	swait.ge [sflag:s11], $0x1000  }
0xe5: {  	[sflag:s11] =	ssyncset.done $0x0  }
0xe6: {  	s30 =	sadd.s32 $0x2CC0, s16;
	[sflag:s11] =	ssyncadd.s32 $0xFFFFF000  }
0xe7: {  	[spmem:s3] =	stream.indirect.scatter.add.bf16 [tilespmem:s24], [sflag:$0xC], $0x40, s30, s22, $0xb8;
	[tilespmem:$0x15400] =	vst v63  }
.Ltmp4:
0xe8: {  	(pc) =	sbr.rel .LBB2_4-.Ltmp4, $4  }
0xe9: {  	_ =	swait.ge [sflag:s12], $0x1000  }
0xea: {  	[sflag:s12] =	ssyncset.done $0x0  }
0xeb: {  	s6 =	sadd.s32 $0x400, s16;
	s15 =	sadd.s32 $0x600, s15;
	[sflag:s12] =	ssyncadd.s32 $0xFFFFF000  }
0xec: {  	[tilespmem:s31], [sflag:$0x5] =	stream.indirect.gather [hbm4b:s2+s22], $0x40, s6, s22, $0xb8;
	[tilespmem:$0x15400] =	vst v63  }
.LBB2_7:
0xed: {  	_ =	sfence.sel $0x180000  }
0xee: {  	[bflag:$0x0] =	sbarrier.arrive $0xFFFF  }
0xef: {  	_ =	strace $0x9000004D  }
0xf0: {  	s0 =	stileid.u32;
	[bflag:$0x2] =	sbarrier.arrive $0xFFFF  }
0xf1: {  	p0 =	sne.s32 s0, $0x0;
	s0 =	rddreg [dreg:$0x3]  }
0xf2: {  	s0 =	sadd.s32 @!p0 $0x100000, s0  }
0xf3: {  	[sflag:s0] =	ssyncadd.tile.s32 @!p0 $0x1;
	_ =	shalt  }
.Lfunc_end2:
_tile_overlayer_lowered:
.L_overlay_start_2:
0xf4: {  	(tag) =	ssettag $0x2  }
0xf5: {  	s0 =	rddreg [dreg:$0x0];
	s2 =	stileid.u32  }
0xf6: {  	s1 =	rddreg [dreg:$0x1];
	p0 =	sne.s32 s2, $0x0  }
0xf7: {  	s3 =	rddreg [dreg:$0x2];
	[bflag:$0x3] =	sbarrier.arrive $0xFFFF;
	s2 =	simm.s32 @!p0 $0x1C0D  }
0xf8: {  	[timem:s3], [sflag:s2] =	dma.local @!p0 [hbm:s0], s1  }
0xf9: {  	s0 =	simm.s32 @!p0 $0xD  }
0xfa: {  	_ =	swait.ge @!p0 [sflag:s0], s1  }
0xfb: {  	s1 =	ssub.s32 @!p0 $0x0, s1;
	[sflag:s0] =	ssyncset.done @!p0 $0x0  }
0xfc: {  	[sflag:s0] =	ssyncadd.s32 @!p0 s1  }
0xfd: {  	[bflag:$0x3] =	sbarrier.arrive $0xFFFF  }
0xfe: {  	_ =	shalt  }

// kernel: kernel.19.cloned.1.call-start
scs
__scs_entry_jumppad:
0x0: {  	(pc) =	sbr.rel $0x88, $3  }
0x1: {  	(tag) =	ssettag $0x0;
	lr =	simm.s32 $0x1  }
0x2: {  	[smem:$0x3F99] =	sst lr;
	_ =	strace $0xD0000000  }
0x3: {  	_ = 	snop  }
0x4: {  	_ = 	snop  }
0x5: {  	_ = 	snop  }
0x6: {  	_ = 	snop  }
0x7: {  	_ = 	snop  }
__scs_overlays_trampoline_lowered:
0x8: {  	[smem:$0x3FA8] =	sst s0  }
0x9: {  	[smem:$0x3FA9] =	sst s1  }
0xa: {  	[smem:$0x3FAA] =	sst s2  }
0xb: {  	[smem:$0x3FAB] =	sst s3  }
0xc: {  	[smem:$0x3FAC] =	sst s4  }
0xd: {  	[smem:$0x3FAD] =	sst s5  }
0xe: {  	[smem:$0x3FAE] =	sst s6  }
0xf: {  	[smem:$0x3FAF] =	sst s7  }
0x10: {  	[smem:$0x3FB0] =	sst s8  }
0x11: {  	[smem:$0x3FB1] =	sst s9;
	s0 =	simm.s32 @!p0 $0x0  }
0x12: {  	s1 =	sld [smem:$0x3F97];
	s0 =	simm.s32 @p0 $0x1  }
0x13: {  	[smem:$0x3FB2] =	sst s0;
	s0 =	simm.s32 @!p1 $0x0  }
0x14: {  	s2 =	sld [smem:$0x3F96];
	s0 =	simm.s32 @p1 $0x1  }
0x15: {  	[smem:$0x3FB3] =	sst s0;
	s0 =	simm.s32 @!p2 $0x0  }
0x16: {  	s3 =	sld [smem:$0x3FDB];
	s0 =	simm.s32 @p2 $0x1  }
0x17: {  	s4 =	simm.s32 $0x1BF5;
	[smem:$0x3FB5] =	sst s0  }
0x18: {  	s0 =	sld [smem:$0x3F98];
	_ =	swait.ge [sflag:s4], $0x0  }
0x19: {  	s7 =	sld [smem:$0x3F99]  }
0x1a: {  	s8 =	sadd.s32 $0xFFFFE003, lr  }
0x1b: {  	s9 =	sadd.s32 $0xFFFFFEF7, lr;
	s5 =	simm.s32 $0xFFFFFFFF;
	p2 =	slt.u32 s8, $0xFFFFF086  }
0x1c: {  	p1 =	slt.u32 s9, $0xF7A;
	s5 =	simm.s32 @!p2 $0x0  }
0x1d: {  	s5 =	simm.s32 @p1 $0x1;
	p0 =	seq.s32 s7, s2  }
0x1e: {  	s7 =	smul.u32 @!p0 $0xF7A, s2;
	p2 =	seq.s32 @!p0 s5, $0x0  }
0x1f: {  	s9 =	smul.u32 $0xF7A, s1;
	s8 =	simm.s32 @!p0 $0x1BF5;
	p2 =	por !p2, p0  }
0x20: {  	[sflag:s8] =	ssyncset.s32 @!p0 $0xFFFFF086;
	s6 =	sadd.s32 @!p0 s3, s7;
	s7 =	simm.s32 @!p0 $0x108  }
0x21: {  	s3 =	sadd.s32 s3, s9;
	s6 =	sadd.s32 @!p0 $0x88, s6;
	s7 =	simm.s32 @p2 $0x1082  }
0x22: {  	[simem:s7], [sflag:s8] =	dma.local @!p0 [hbm:s6], $0xF7A  }
0x23: {  	s9 =	sor.u32 $0xD0000000, s2;
	s6 =	simm.s32 $0x108;
	_ =	swait.ge @!p0 [sflag:s8], $0x0  }
0x24: {  	s3 =	sadd.s32 $0x88, s3;
	s6 =	simm.s32 @!p1 $0x1082;
	[sflag:s4] =	ssyncset.s32 $0xFFFFF086  }
0x25: {  	[simem:s6], [sflag:s4] =	dma.local [hbm:s3], $0xF7A  }
0x26: {  	[smem:$0x3F99] =	sst s1;
	(tag) =	ssettag s2;
	_ =	strace s9  }
0x27: {  	s1 =	sld [smem:$0x3FA9]  }
0x28: {  	s2 =	sld [smem:$0x3FAA]  }
0x29: {  	s4 =	sld [smem:$0x3FAC]  }
0x2a: {  	p0 =	seq.s32 s5, $0x0;
	s5 =	sld [smem:$0x3FAD]  }
0x2b: {  	s6 =	sld [smem:$0x3FAE]  }
0x2c: {  	s7 =	sld [smem:$0x3FAF]  }
0x2d: {  	s3 =	simm.s32 $0x108;
	s8 =	sld [smem:$0x3FB0]  }
0x2e: {  	s3 =	simm.s32 @!p0 $0x1082;
	s9 =	sld [smem:$0x3FB1]  }
0x2f: {  	lr =	sadd.s32 s0, s3;
	s0 =	sld [smem:$0x3FA8]  }
0x30: {  	s3 =	sld [smem:$0x3FAB]  }
0x31: {  	[smem:$0x3FB4] =	sst s10  }
0x32: {  	s10 =	sld [smem:$0x3FB2];
	_ =	sdelay $0x3  }
0x33: {  	p0 =	seq.s32 s10, $0x1;
	s10 =	sld [smem:$0x3FB4];
	_ =	sdelay $0x3  }
0x34: {  	[smem:$0x3FB4] =	sst s10  }
0x35: {  	s10 =	sld [smem:$0x3FB3];
	_ =	sdelay $0x3  }
0x36: {  	p1 =	seq.s32 s10, $0x1;
	s10 =	sld [smem:$0x3FB4];
	_ =	sdelay $0x3  }
0x37: {  	[smem:$0x3FB4] =	sst s10  }
0x38: {  	s10 =	sld [smem:$0x3FB5]  }
0x39: {  	_ = 	snop;
	(pc) =	sbr.ind lr, $3  }
0x3a: {  	_ = 	snop  }
0x3b: {  	_ = 	snop  }
0x3c: {  	p2 =	seq.s32 s10, $0x1;
	s10 =	sld [smem:$0x3FB4]  }
0x3d: {  	_ =	shalt  }
0x3e: {  	_ =	shalt  }
0x3f: {  	_ =	shalt  }
0x40: {  	_ =	shalt  }
0x41: {  	_ =	shalt  }
0x42: {  	_ =	shalt  }
0x43: {  	_ =	shalt  }
0x44: {  	_ =	shalt  }
0x45: {  	_ =	shalt  }
0x46: {  	_ =	shalt  }
0x47: {  	_ =	shalt  }
0x48: {  	_ =	shalt  }
0x49: {  	_ =	shalt  }
0x4a: {  	_ =	shalt  }
0x4b: {  	_ =	shalt  }
0x4c: {  	_ =	shalt  }
0x4d: {  	_ =	shalt  }
0x4e: {  	_ =	shalt  }
0x4f: {  	_ =	shalt  }
0x50: {  	_ =	shalt  }
0x51: {  	_ =	shalt  }
0x52: {  	_ =	shalt  }
0x53: {  	_ =	shalt  }
0x54: {  	_ =	shalt  }
0x55: {  	_ =	shalt  }
0x56: {  	_ =	shalt  }
0x57: {  	_ =	shalt  }
0x58: {  	_ =	shalt  }
0x59: {  	_ =	shalt  }
0x5a: {  	_ =	shalt  }
0x5b: {  	_ =	shalt  }
0x5c: {  	_ =	shalt  }
0x5d: {  	_ =	shalt  }
0x5e: {  	_ =	shalt  }
0x5f: {  	_ =	shalt  }
0x60: {  	_ =	shalt  }
0x61: {  	_ =	shalt  }
0x62: {  	_ =	shalt  }
0x63: {  	_ =	shalt  }
0x64: {  	_ =	shalt  }
0x65: {  	_ =	shalt  }
0x66: {  	_ =	shalt  }
0x67: {  	_ =	shalt  }
0x68: {  	_ =	shalt  }
0x69: {  	_ =	shalt  }
0x6a: {  	_ =	shalt  }
0x6b: {  	_ =	shalt  }
0x6c: {  	_ =	shalt  }
0x6d: {  	_ =	shalt  }
0x6e: {  	_ =	shalt  }
0x6f: {  	_ =	shalt  }
0x70: {  	_ =	shalt  }
0x71: {  	_ =	shalt  }
0x72: {  	_ =	shalt  }
0x73: {  	_ =	shalt  }
0x74: {  	_ =	shalt  }
0x75: {  	_ =	shalt  }
0x76: {  	_ =	shalt  }
0x77: {  	_ =	shalt  }
0x78: {  	_ =	shalt  }
0x79: {  	_ =	shalt  }
0x7a: {  	_ =	shalt  }
0x7b: {  	_ =	shalt  }
0x7c: {  	_ =	shalt  }
0x7d: {  	_ =	shalt  }
0x7e: {  	_ =	shalt  }
0x7f: {  	_ =	shalt  }
0x80: {  	_ =	shalt  }
0x81: {  	_ =	shalt  }
0x82: {  	_ =	shalt  }
0x83: {  	_ =	shalt  }
0x84: {  	_ =	shalt  }
0x85: {  	_ =	shalt  }
0x86: {  	_ =	shalt  }
0x87: {  	_ =	shalt  }
.Lfunc_end0:
.L_simem_size_0:
called_computation.3_lowered:
.L_overlay_start_0:
0x88: {  	s2 =	sld [smem:$0x3FD9]  }
0x89: {  	s3 =	sld [smem:$0x3FFE];
	_ =	sdelay $0x1  }
0x8a: {  	s1 =	srdreg.scid  }
0x8b: {  	s0 =	sand.u32 $0x1, s1  }
0x8c: {  	s17 =	sshll.u32 s0, $0xA;
	s2 =	sadd.s32 s3, s2  }
0x8d: {  	s2 =	sadd.s32 s2, s17  }
0x8e: {  	[smem:$0x3FC0] =	sst s2  }
0x8f: {  	_ = 	snop  }
0x90: {  	s2 =	sld [smem:$0x3FD0];
	(tm) =	ssettm $0x1  }
0x91: {  	s18 =	sld [smem:$0x3FFB];
	_ =	sdelay $0x3  }
0x92: {  	_ =	strace s18  }
0x93: {  	s3 =	sld [smem:$0x3FFC];
	_ =	sdelay $0x3  }
0x94: {  	_ =	strace s3  }
0x95: {  	s3 =	sld [smem:$0x3FFD];
	_ =	sdelay $0x3  }
0x96: {  	_ =	strace s3  }
0x97: {  	_ =	strace $0x8FFFFFFF  }
0x98: {  	s19 =	sld [smem:$0x3FDB];
	_ =	sdelay $0x1  }
0x99: {  	s4 =	simm.s32 $_scs_section_size  }
0x9a: {  	s5 =	simm.s32 $_size__tile_overlayer_lowered;
	s6 =	simm.s32 $_tile_overlayer_lowered  }
0x9b: {  	s22 =	simm.s32 $0x1BFF;
	s21 =	sshll.u32 s6, $0x1;
	s3 =	sadd.s32 s4, s19  }
0x9c: {  	s7 =	simm.s32 $0x0;
	s20 =	sshll.u32 s5, $0x1;
	s5 =	sadd.s32 s21, s3  }
0x9d: {  	[timem:s7], [sflag:s22] =	dma.local [hbm:s5], s20  }
0x9e: {  	_ =	swait.ge [sflag:s22], s20  }
0x9f: {  	s4 =	ssub.s32 $0x0, s20;
	[sflag:s22] =	ssyncset.done $0x0  }
0xa0: {  	[sflag:s22] =	ssyncadd.s32 s4;
	_ =	sdelay $0x1  }
0xa1: {  	s23 =	simm.s32 $0x1B8B  }
0xa2: {  	_ =	swait.ge [sflag:s23], $0x1  }
0xa3: {  	[sflag:s23] =	ssyncset.done $0x0  }
0xa4: {  	s25 =	simm.s32 $0x1B8E;
	s24 =	sld [smem:$0x3FFE];
	[sflag:s23] =	ssyncadd.s32 $0xFFFFFFFF  }
0xa5: {  	s26 =	simm.s32 $execute0_lowered;
	[smem:$0x3FD2] =	sst s25  }
0xa6: {  	s5 =	sshll.u32 s26, $0x1;
	_ =	strace $0x8000004F;
	[dreg:$0x1] =	wrdreg $0xFFFFFFFF  }
0xa7: {  	s28 =	simm.s32 $_size_execute0_lowered;
	s3 =	sadd.s32 s3, s5;
	[dreg:$0x0] =	wrdreg $0x0  }
0xa8: {  	s5 =	sshll.u32 s28, $0x1;
	[dreg:$0x2] =	wrdreg s3  }
0xa9: {  	[dreg:$0x3] =	wrdreg s5  }
0xaa: {  	[dreg:$0x4] =	wrdreg $0xC0  }
0xab: {  	_ =	task [dreg:s7], $0x5FFFF  }
0xac: {  	[dreg:$0x1] =	wrdreg $0xFFFFFFFF  }
0xad: {  	[dreg:$0x0] =	wrdreg $0x60  }
0xae: {  	[dreg:$0x2] =	wrdreg s24  }
0xaf: {  	[dreg:$0x3] =	wrdreg s2  }
0xb0: {  	[dreg:$0x4] =	wrdreg $0x84000  }
0xb1: {  	[dreg:$0x5] =	wrdreg $0x9  }
0xb2: {  	_ =	task.clear_ibuf [dreg:s7], $0x6FFFF;
	_ =	strace $0x9000004F  }
0xb3: {  	s29 =	simm.s32 $0x9;
	_ =	strace $0x80000051  }
0xb4: {  	_ =	swait.ge [sflag:s29], $0x1  }
0xb5: {  	[sflag:s29] =	ssyncadd.s32 $0xFFFFFFFF  }
0xb6: {  	_ =	strace $0x90000051  }
0xb7: {  	_ =	sfence  }
0xb8: {  	s30 =	sld [smem:$0x0];
	_ =	sdelay $0x2  }
0xb9: {  	s31 =	sshll.u32 s1, $0xD;
	s1 =	sshrl.u32 s1, $0x2  }
0xba: {  	s3 =	sand.u32 $0x4000, s31;
	s1 =	sadd.s32 s1, s30  }
0xbb: {  	s0 =	sor.u32 s3, s0;
	s1 =	sshll.u32 s1, $0x11  }
0xbc: {  	s0 =	sor.u32 s1, s0  }
0xbd: {  	s0 =	sadd.s32 $0x8F2B, s0  }
0xbe: {  	[sflag:s0] =	ssyncadd.remote.s32 $0x1  }
0xbf: {  	_ =	sfence.sel $0xFFFF  }
0xc0: {  	[dreg:$0x0] =	wrdreg $0xFFFFFFFF;
	(pc) =	sbr.abs _section_cstart, $3  }
0xc1: {  	[dreg:$0x1] =	wrdreg $0xFFFFFFFF  }
0xc2: {  	_ =	task.clear_ibuf [dreg:s7], $0x2FFFF;
	_ =	strace $0x9FFFFFFF  }
0xc3: {  	(tm) =	ssettm $0x7FFFFFFF  }
tec
execute0_lowered:
.L_overlay_start_1:
0x0: {  	(tag) =	ssettag $0x1  }
0x1: {  	s0 =	rddreg [dreg:$0x0]  }
0x2: {  	s1 =	srdreg.scid;
	s2 =	rddreg [dreg:$0x1]  }
0x3: {  	s10 =	stileid.u32;
	s3 =	rddreg [dreg:$0x2]  }
0x4: {  	s4 =	simm.s32 $0x0;
	s29 =	simm.s32 $0x6C00;
	s31 =	simm.s32 $0x7400  }
0x5: {  	s28 =	simm.s32 $0x2;
	s11 =	simm.s32 $0x6;
	s5 =	smul.u32 $0x2A00, s10  }
0x6: {  	s12 =	simm.s32 $0xB;
	s13 =	simm.s32 $0xC;
	s7 =	smul.u32 $0x14000, s10  }
0x7: {  	s14 =	simm.s32 $0x0;
	s1 =	sand.u32 $0x1, s1;
	s24 =	smul.u32 $0x9C40, s10  }
0x8: {  	[smem:$0x7FF] =	sst s4;
	s10 =	simm.s32 $0xA;
	s6 =	smul.u32 $0x2A000, s1  }
0x9: {  	_ =	strace $0x80000050;
	s8 =	ssub.s32 $0x2, s1;
	p0 =	seq.s32 s1, $0x1  }
0xa: {  	s1 =	simm.s32 $0x11C00;
	s9 =	sshrl.u32 s8, $0x1;
	s7 =	sshrl.u32 s7, $0x2  }
0xb: {  	s25 =	sshrl.u32 s24, $0x1;
	s1 =	simm.s32 @!p0 $0x1BA00;
	s16 =	sadd.s32 s7, s3  }
0xc: {  	s6 =	sadd.s32 s5, s6;
	s17 =	sadd.s32 $0x800, s16;
	[dreg:$0x5] =	wrdreg s16  }
0xd: {  	s5 =	sshrl.u32 s5, $0x3;
	s18 =	sadd.s32 $0x1000, s16;
	[dreg:$0x7] =	wrdreg s17  }
0xe: {  	s8 =	ssub.s32 s8, s9;
	s19 =	sadd.s32 $0x1800, s16;
	[dreg:$0x8] =	wrdreg s18  }
0xf: {  	s9 =	simm.s32 $0x5;
	s20 =	sadd.s32 $0x2000, s16;
	[dreg:$0x9] =	wrdreg s19  }
0x10: {  	s6 =	sshrl.u32 s6, $0x3;
	s21 =	sadd.s32 $0x2800, s16;
	[dreg:$0xa] =	wrdreg s20  }
0x11: {  	s5 =	sadd.s32 s5, s0;
	s22 =	sadd.s32 $0x3000, s16;
	[dreg:$0xb] =	wrdreg s21  }
0x12: {  	s23 =	sadd.s32 $0x3800, s16;
	s7 =	sadd.s32 $0x4000, s16;
	[dreg:$0xc] =	wrdreg s22  }
0x13: {  	s26 =	smax.u32 s8, $0x1;
	s8 =	simm.s32 $0x9;
	[dreg:$0xd] =	wrdreg s23  }
0x14: {  	s6 =	sadd.s32 s6, s0;
	s5 =	sadd.s32 $0x2000, s5;
	[dreg:$0xe] =	wrdreg s7  }
0x15: {  	s7 =	sadd.s32 s25, s3;
	s0 =	sadd.s32 s1, s0;
	[dreg:$0x10] =	wrdreg s26  }
0x16: {  	s19 =	simm.s32 $0xD;
	s18 =	simm.s32 $0x2A00;
	s21 =	simm.s32 $0x5400  }
0x17: {  	s22 =	simm.s32 $0x40;
	s23 =	simm.s32 $0x5C00;
	s1 =	simm.s32 $0x1  }
.Ltmp0:
0x18: {  	s6 =	sadd.s32 $0x7400, s6;
	[dreg:$0x6] =	wrdreg s5;
	(pc) =	sbr.rel .LBB2_1-.Ltmp0, $4  }
0x19: {  	s5 =	sshrl.u32 s24, $0x4;
	s30 =	sshrl.u32 s7, $0x3;
	[dreg:$0x4] =	wrdreg s6  }
0x1a: {  	s24 =	simm.s32 $0x7C00;
	s6 =	sadd.s32 $0x4800, s16;
	[dreg:$0x12] =	wrdreg s30  }
0x1b: {  	s7 =	simm.s32 $0x4;
	s0 =	sadd.s32 s0, s5;
	[dreg:$0xf] =	wrdreg s6  }
0x1c: {  	v0 =	vimm.bf16 $0.0e+00;
	s5 =	simm.s32 $0x8;
	[dreg:$0x11] =	wrdreg s0;
	s0 =	simm.s32 $0x7  }
.LBB2_6:
0x1d: {  	_ =	swait.ge [sflag:s0], $0x800  }
0x1e: {  	[sflag:s0] =	ssyncset.done $0x0  }
0x1f: {  	[sflag:s0] =	ssyncadd.s32 $0xFFFFF800  }
0x20: {  	_ =	swait.ge [sflag:s5], $0x800  }
0x21: {  	[sflag:s5] =	ssyncset.done $0x0  }
0x22: {  	[sflag:s5] =	ssyncadd.s32 $0xFFFFF800  }
0x23: {  	_ =	swait.ge [sflag:s8], $0x800  }
0x24: {  	[sflag:s8] =	ssyncset.done $0x0  }
0x25: {  	[sflag:s8] =	ssyncadd.s32 $0xFFFFF800  }
0x26: {  	_ =	swait.ge [sflag:s10], $0x800  }
0x27: {  	[sflag:s10] =	ssyncset.done $0x0  }
0x28: {  	[sflag:s10] =	ssyncadd.s32 $0xFFFFF800  }
0x29: {  	_ =	swait.ge [sflag:s12], $0x800  }
0x2a: {  	[sflag:s12] =	ssyncset.done $0x0  }
0x2b: {  	[sflag:s12] =	ssyncadd.s32 $0xFFFFF800  }
0x2c: {  	_ =	swait.ge [sflag:s13], $0x800  }
0x2d: {  	[sflag:s13] =	ssyncset.done $0x0  }
0x2e: {  	[sflag:s13] =	ssyncadd.s32 $0xFFFFF800  }
0x2f: {  	s6 =	stileid.u32;
	[bflag:$0x0] =	sbarrier.arrive $0xFFFF  }
0x30: {  	s6 =	sshll.u32 s6, $0x6;
	s15 =	rddreg [dreg:$0x11]  }
0x31: {  	s6 =	sor.u32 $0x1C0D, s6;
	s16 =	rddreg [dreg:$0x12]  }
0x32: {  	[hbm:s15], [sflag:s6] =	dma.local [spmem:s16], $0x9C4  }
0x33: {  	_ =	swait.ge [sflag:s19], $0x9C4  }
0x34: {  	s14 =	sadd.s32 $0x1, s14;
	s30 =	rddreg [dreg:$0x10]  }
0x35: {  	p0 =	sne.s32 s14, s30  }
.Ltmp1:
0x36: {  	_ = 	snop;
	(pc) =	sbr.rel @!p0 .LBB2_7-.Ltmp1, $3  }
0x37: {  	_ =	sdelay $0x1  }
0x38: {  	[sflag:s19] =	ssyncset.done $0x0  }
0x39: {  	s18 =	simm.s32 $0x2A00;
	[sflag:s19] =	ssyncadd.s32 $0xFFFFF63C  }
.LBB2_1:
0x3a: {  	s6 =	rddreg [dreg:$0x4]  }
0x3b: {  	[tilespmem:s4], [sflag:$0xD] =	stream.linear.gather [hbm4b:s6+s4], $0x2A00, $0x38;
	[tilespmem:$0xD400] =	vst v63  }
0x3c: {  	_ =	swait.ge [sflag:s19], $0x2A00  }
0x3d: {  	[sflag:s19] =	ssyncset.done $0x0  }
0x3e: {  	s30 =	rddreg [dreg:$0x6];
	[sflag:s19] =	ssyncadd.s32 $0xFFFFD600  }
0x3f: {  	[tilespmem:s18], [sflag:$0xD] =	stream.linear.gather [hbm4b:s30+s4], $0x2A00, $0x38;
	[tilespmem:$0xD400] =	vst v63  }
0x40: {  	s15 =	sand.u32 $0x1F80, s4;
	s16 =	sand.u32 $0x20, s4;
	_ =	swait.ge [sflag:s19], $0x2A00  }
0x41: {  	s15 =	sshrl.u32 s15, $0x2;
	s16 =	sshrl.u32 s16, $0x1;
	[sflag:s19] =	ssyncset.done $0x0  }
0x42: {  	s16 =	sor.u32 s16, s15;
	[sflag:s19] =	ssyncadd.s32 $0xFFFFD600  }
0x43: {  	s15 =	simm.s32 $0x40;
	[tilespmem:s16+$0x5400] =	vst v0;
	s16 =	simm.s32 $0x0  }
.LBB2_2:
0x44: {  	p0 =	sne.s32 s15, $0x1FC0  }
.Ltmp2:
0x45: {  	s20 =	sand.u32 $0x1F80, s15;
	s16 =	sadd.s32 $0x20, s16;
	(pc) =	sbr.rel @p0 .LBB2_2-.Ltmp2, $4  }
0x46: {  	s15 =	sadd.s32 $0x40, s15;
	s17 =	sand.u32 $0x20, s16  }
0x47: {  	s20 =	sshrl.u32 s20, $0x2;
	s17 =	sshrl.u32 s17, $0x1  }
0x48: {  	s17 =	sor.u32 s17, s20  }
0x49: {  	[tilespmem:s17+$0x5400] =	vst v0  }
0x4a: {  	s6 =	rddreg [dreg:$0x5]  }
0x4b: {  	[spmem:s6] =	stream.linear.scatter [tilespmem:s21], [sflag:$0xD], $0x800, $0x38;
	[tilespmem:$0xD400] =	vst v63  }
0x4c: {  	_ =	swait.ge [sflag:s19], $0x800  }
0x4d: {  	[sflag:s19] =	ssyncset.done $0x0  }
0x4e: {  	s17 =	rddreg [dreg:$0x7];
	[sflag:s19] =	ssyncadd.s32 $0xFFFFF800  }
0x4f: {  	[spmem:s17] =	stream.linear.scatter [tilespmem:s21], [sflag:$0xD], $0x800, $0x38;
	[tilespmem:$0xD400] =	vst v63  }
0x50: {  	_ =	swait.ge [sflag:s19], $0x800  }
0x51: {  	[sflag:s19] =	ssyncset.done $0x0  }
0x52: {  	s20 =	rddreg [dreg:$0x8];
	[sflag:s19] =	ssyncadd.s32 $0xFFFFF800  }
0x53: {  	[spmem:s20] =	stream.linear.scatter [tilespmem:s21], [sflag:$0xD], $0x800, $0x38;
	[tilespmem:$0xD400] =	vst v63  }
0x54: {  	_ =	swait.ge [sflag:s19], $0x800  }
0x55: {  	[sflag:s19] =	ssyncset.done $0x0  }
0x56: {  	s25 =	rddreg [dreg:$0x9];
	[sflag:s19] =	ssyncadd.s32 $0xFFFFF800  }
0x57: {  	[spmem:s25] =	stream.linear.scatter [tilespmem:s21], [sflag:$0xD], $0x800, $0x38;
	[tilespmem:$0xD400] =	vst v63  }
0x58: {  	_ =	swait.ge [sflag:s19], $0x800  }
0x59: {  	[sflag:s19] =	ssyncset.done $0x0  }
0x5a: {  	s26 =	rddreg [dreg:$0xa];
	[sflag:s19] =	ssyncadd.s32 $0xFFFFF800  }
0x5b: {  	[spmem:s26] =	stream.linear.scatter [tilespmem:s21], [sflag:$0xD], $0x800, $0x38;
	[tilespmem:$0xD400] =	vst v63  }
0x5c: {  	_ =	swait.ge [sflag:s19], $0x800  }
0x5d: {  	[sflag:s19] =	ssyncset.done $0x0  }
0x5e: {  	s30 =	rddreg [dreg:$0xb];
	[sflag:s19] =	ssyncadd.s32 $0xFFFFF800  }
0x5f: {  	[spmem:s30] =	stream.linear.scatter [tilespmem:s21], [sflag:$0xD], $0x800, $0x38;
	[tilespmem:$0xD400] =	vst v63  }
0x60: {  	_ =	swait.ge [sflag:s19], $0x800  }
0x61: {  	[sflag:s19] =	ssyncset.done $0x0  }
0x62: {  	s15 =	rddreg [dreg:$0xc];
	[sflag:s19] =	ssyncadd.s32 $0xFFFFF800  }
0x63: {  	[spmem:s15] =	stream.linear.scatter [tilespmem:s21], [sflag:$0xD], $0x800, $0x38;
	[tilespmem:$0xD400] =	vst v63  }
0x64: {  	_ =	swait.ge [sflag:s19], $0x800  }
0x65: {  	[sflag:s19] =	ssyncset.done $0x0  }
0x66: {  	s16 =	rddreg [dreg:$0xd];
	[sflag:s19] =	ssyncadd.s32 $0xFFFFF800  }
0x67: {  	[spmem:s16] =	stream.linear.scatter [tilespmem:s21], [sflag:$0xD], $0x800, $0x38;
	[tilespmem:$0xD400] =	vst v63  }
0x68: {  	_ =	swait.ge [sflag:s19], $0x800  }
0x69: {  	[sflag:s19] =	ssyncset.done $0x0  }
0x6a: {  	s17 =	rddreg [dreg:$0xe];
	[sflag:s19] =	ssyncadd.s32 $0xFFFFF800  }
0x6b: {  	[spmem:s17] =	stream.linear.scatter [tilespmem:s21], [sflag:$0xD], $0x800, $0x38;
	[tilespmem:$0xD400] =	vst v63  }
0x6c: {  	_ =	swait.ge [sflag:s19], $0x800  }
0x6d: {  	[sflag:s19] =	ssyncset.done $0x0  }
0x6e: {  	s20 =	rddreg [dreg:$0xf];
	[sflag:s19] =	ssyncadd.s32 $0xFFFFF800  }
0x6f: {  	[spmem:s20] =	stream.linear.scatter [tilespmem:s21], [sflag:$0xD], $0x800, $0x38;
	[tilespmem:$0xD400] =	vst v63  }
0x70: {  	_ =	swait.ge [sflag:s19], $0x800  }
0x71: {  	[sflag:s19] =	ssyncset.done $0x0  }
0x72: {  	[sflag:s19] =	ssyncadd.s32 $0xFFFFF800  }
0x73: {  	s15 =	simm.s32 $0x0;
	[bflag:$0x0] =	sbarrier.arrive $0xFFFF  }
0x74: {  	[tilespmem:s21], [sflag:$0x1] =	stream.indirect.gather [hbm4b:s2+s22], $0x20, s15, s22, $0xb8;
	[tilespmem:$0xD400] =	vst v63  }
0x75: {  	_ = 	snop  }
0x76: {  	[tilespmem:s23], [sflag:$0x2] =	stream.indirect.gather [hbm4b:s2+s22], $0x20, s22, s22, $0xb8;
	[tilespmem:$0xD400] =	vst v63  }
0x77: {  	s25 =	simm.s32 $0x80;
	s16 =	simm.s32 $0x6400  }
0x78: {  	[tilespmem:s16], [sflag:$0x3] =	stream.indirect.gather [hbm4b:s2+s22], $0x20, s25, s22, $0xb8;
	[tilespmem:$0xD400] =	vst v63  }
0x79: {  	s26 =	simm.s32 $0xC0  }
0x7a: {  	[tilespmem:s29], [sflag:$0x4] =	stream.indirect.gather [hbm4b:s2+s22], $0x20, s26, s22, $0xb8;
	[tilespmem:$0xD400] =	vst v63  }
0x7b: {  	s30 =	simm.s32 $0x100  }
0x7c: {  	[tilespmem:s31], [sflag:$0x5] =	stream.indirect.gather [hbm4b:s2+s22], $0x20, s30, s22, $0xb8;
	[tilespmem:$0xD400] =	vst v63  }
0x7d: {  	_ =	swait.ge [sflag:s1], $0x800  }
0x7e: {  	[sflag:s1] =	ssyncset.done $0x0  }
0x7f: {  	[sflag:s1] =	ssyncadd.s32 $0xFFFFF800  }
0x80: {  	[spmem:s3] =	stream.indirect.scatter.add.bf16 [tilespmem:s21], [sflag:$0x7], $0x20, s18, s22, $0xb8;
	[tilespmem:$0xD400] =	vst v63  }
0x81: {  	s17 =	simm.s32 $0x140  }
0x82: {  	[tilespmem:s24], [sflag:$0x6] =	stream.indirect.gather [hbm4b:s2+s22], $0x20, s17, s22, $0xb8;
	[tilespmem:$0xD400] =	vst v63  }
0x83: {  	_ =	swait.ge [sflag:s28], $0x800  }
0x84: {  	[sflag:s28] =	ssyncset.done $0x0  }
0x85: {  	s18 =	simm.s32 $0x2A40;
	[sflag:s28] =	ssyncadd.s32 $0xFFFFF800  }
0x86: {  	[spmem:s3] =	stream.indirect.scatter.add.bf16 [tilespmem:s23], [sflag:$0x8], $0x20, s18, s22, $0xb8;
	[tilespmem:$0xD400] =	vst v63  }
0x87: {  	_ =	swait.ge [sflag:s0], $0x800  }
0x88: {  	[sflag:s0] =	ssyncset.done $0x0  }
0x89: {  	s20 =	simm.s32 $0x180;
	s25 =	simm.s32 $0x3;
	[sflag:s0] =	ssyncadd.s32 $0xFFFFF800  }
0x8a: {  	[tilespmem:s21], [sflag:$0x1] =	stream.indirect.gather [hbm4b:s2+s22], $0x20, s20, s22, $0xb8;
	[tilespmem:$0xD400] =	vst v63  }
0x8b: {  	_ =	swait.ge [sflag:s25], $0x800  }
0x8c: {  	[sflag:s25] =	ssyncset.done $0x0  }
0x8d: {  	s26 =	simm.s32 $0x2A80;
	[sflag:s25] =	ssyncadd.s32 $0xFFFFF800  }
0x8e: {  	[spmem:s3] =	stream.indirect.scatter.add.bf16 [tilespmem:s16], [sflag:$0x9], $0x20, s26, s22, $0xb8;
	[tilespmem:$0xD400] =	vst v63  }
0x8f: {  	_ =	swait.ge [sflag:s5], $0x800  }
0x90: {  	[sflag:s5] =	ssyncset.done $0x0  }
0x91: {  	s30 =	simm.s32 $0x1C0;
	[sflag:s5] =	ssyncadd.s32 $0xFFFFF800  }
0x92: {  	[tilespmem:s23], [sflag:$0x2] =	stream.indirect.gather [hbm4b:s2+s22], $0x20, s30, s22, $0xb8;
	[tilespmem:$0xD400] =	vst v63  }
0x93: {  	_ =	swait.ge [sflag:s7], $0x800  }
0x94: {  	[sflag:s7] =	ssyncset.done $0x0  }
0x95: {  	s17 =	simm.s32 $0x2AC0;
	[sflag:s7] =	ssyncadd.s32 $0xFFFFF800  }
0x96: {  	[spmem:s3] =	stream.indirect.scatter.add.bf16 [tilespmem:s29], [sflag:$0xA], $0x20, s17, s22, $0xb8;
	[tilespmem:$0xD400] =	vst v63  }
0x97: {  	_ =	swait.ge [sflag:s8], $0x800  }
0x98: {  	[sflag:s8] =	ssyncset.done $0x0  }
0x99: {  	s18 =	simm.s32 $0x200;
	[sflag:s8] =	ssyncadd.s32 $0xFFFFF800  }
0x9a: {  	[tilespmem:s16], [sflag:$0x3] =	stream.indirect.gather [hbm4b:s2+s22], $0x20, s18, s22, $0xb8;
	[tilespmem:$0xD400] =	vst v63  }
0x9b: {  	_ =	swait.ge [sflag:s9], $0x800  }
0x9c: {  	[sflag:s9] =	ssyncset.done $0x0  }
0x9d: {  	s20 =	simm.s32 $0x2B00;
	[sflag:s9] =	ssyncadd.s32 $0xFFFFF800  }
0x9e: {  	[spmem:s3] =	stream.indirect.scatter.add.bf16 [tilespmem:s31], [sflag:$0xB], $0x20, s20, s22, $0xb8;
	[tilespmem:$0xD400] =	vst v63  }
0x9f: {  	_ =	swait.ge [sflag:s10], $0x800  }
0xa0: {  	[sflag:s10] =	ssyncset.done $0x0  }
0xa1: {  	s25 =	simm.s32 $0x240;
	[sflag:s10] =	ssyncadd.s32 $0xFFFFF800  }
0xa2: {  	[tilespmem:s29], [sflag:$0x4] =	stream.indirect.gather [hbm4b:s2+s22], $0x20, s25, s22, $0xb8;
	[tilespmem:$0xD400] =	vst v63  }
0xa3: {  	_ =	swait.ge [sflag:s11], $0x800  }
0xa4: {  	[sflag:s11] =	ssyncset.done $0x0  }
0xa5: {  	s26 =	simm.s32 $0x2B40;
	[sflag:s11] =	ssyncadd.s32 $0xFFFFF800  }
0xa6: {  	[spmem:s3] =	stream.indirect.scatter.add.bf16 [tilespmem:s24], [sflag:$0xC], $0x20, s26, s22, $0xb8;
	[tilespmem:$0xD400] =	vst v63  }
0xa7: {  	_ =	swait.ge [sflag:s12], $0x800  }
0xa8: {  	[sflag:s12] =	ssyncset.done $0x0  }
0xa9: {  	s30 =	simm.s32 $0x280;
	[sflag:s12] =	ssyncadd.s32 $0xFFFFF800  }
0xaa: {  	[tilespmem:s31], [sflag:$0x5] =	stream.indirect.gather [hbm4b:s2+s22], $0x20, s30, s22, $0xb8;
	[tilespmem:$0xD400] =	vst v63  }
.LBB2_4:
0xab: {  	_ =	swait.ge [sflag:s1], $0x800  }
0xac: {  	s16 =	sshra.s32 s15, $0x2;
	[sflag:s1] =	ssyncset.done $0x0  }
0xad: {  	s17 =	sadd.s32 $0x2B80, s16;
	[sflag:s1] =	ssyncadd.s32 $0xFFFFF800  }
0xae: {  	[spmem:s3] =	stream.indirect.scatter.add.bf16 [tilespmem:s21], [sflag:$0x7], $0x20, s17, s22, $0xb8;
	[tilespmem:$0xD400] =	vst v63  }
0xaf: {  	_ =	swait.ge [sflag:s13], $0x800  }
0xb0: {  	[sflag:s13] =	ssyncset.done $0x0  }
0xb1: {  	s25 =	sadd.s32 $0x2C0, s16;
	[sflag:s13] =	ssyncadd.s32 $0xFFFFF800  }
0xb2: {  	[tilespmem:s24], [sflag:$0x6] =	stream.indirect.gather [hbm4b:s2+s22], $0x20, s25, s22, $0xb8;
	[tilespmem:$0xD400] =	vst v63  }
0xb3: {  	_ =	swait.ge [sflag:s28], $0x800  }
0xb4: {  	p0 =	seq.s32 s15, $0x9C00;
	[sflag:s28] =	ssyncset.done $0x0  }
0xb5: {  	s26 =	sadd.s32 $0x2BC0, s16;
	s17 =	simm.s32 @p0 $0x3;
	[sflag:s28] =	ssyncadd.s32 $0xFFFFF800  }
0xb6: {  	[spmem:s3] =	stream.indirect.scatter.add.bf16 [tilespmem:s23], [sflag:$0x8], $0x20, s26, s22, $0xb8;
	[tilespmem:$0xD400] =	vst v63  }
0xb7: {  	_ =	swait.ge @p0 [sflag:s17], $0x800  }
0xb8: {  	[sflag:s17] =	ssyncset.done @p0 $0x0  }
0xb9: {  	[sflag:s17] =	ssyncadd.s32 @p0 $0xFFFFF800;
	s17 =	sshra.s32 @p0 s15, $0x2  }
0xba: {  	s18 =	simm.s32 @p0 $0x40;
	s25 =	simm.s32 @p0 $0x6400;
	s20 =	sadd.s32 @p0 $0x2C00, s17  }
0xbb: {  	[spmem:s3] =	stream.indirect.scatter.add.bf16 @p0 [tilespmem:s25], [sflag:$0x9], $0x20, s20, s18, $0xb8;
	[tilespmem:$0xD400] =	vst v63  }
0xbc: {  	s20 =	simm.s32 @!p0 $0x7  }
0xbd: {  	_ =	swait.ge @!p0 [sflag:s20], $0x800  }
0xbe: {  	[sflag:s20] =	ssyncset.done @!p0 $0x0  }
0xbf: {  	[sflag:s20] =	ssyncadd.s32 @!p0 $0xFFFFF800;
	s20 =	sshra.s32 @!p0 s15, $0x2  }
0xc0: {  	s6 =	simm.s32 @!p0 $0x40;
	s26 =	simm.s32 @!p0 $0x5400;
	s25 =	sadd.s32 @!p0 $0x300, s20  }
0xc1: {  	[tilespmem:s26], [sflag:$0x1] =	stream.indirect.gather @!p0 [hbm4b:s2+s6], $0x20, s25, s6, $0xb8;
	[tilespmem:$0xD400] =	vst v63  }
0xc2: {  	s25 =	simm.s32 @!p0 $0x3  }
0xc3: {  	_ =	swait.ge @!p0 [sflag:s25], $0x800  }
0xc4: {  	[sflag:s25] =	ssyncset.done @!p0 $0x0  }
0xc5: {  	s26 =	simm.s32 @!p0 $0x6400;
	[sflag:s25] =	ssyncadd.s32 @!p0 $0xFFFFF800;
	s25 =	sadd.s32 @!p0 $0x2C00, s20  }
0xc6: {  	[spmem:s3] =	stream.indirect.scatter.add.bf16 @!p0 [tilespmem:s26], [sflag:$0x9], $0x20, s25, s6, $0xb8;
	[tilespmem:$0xD400] =	vst v63  }
0xc7: {  	s25 =	simm.s32 @!p0 $0x8  }
0xc8: {  	_ =	swait.ge @!p0 [sflag:s25], $0x800  }
0xc9: {  	[sflag:s25] =	ssyncset.done @!p0 $0x0  }
0xca: {  	s30 =	simm.s32 @!p0 $0x5C00;
	[sflag:s25] =	ssyncadd.s32 @!p0 $0xFFFFF800;
	s25 =	sadd.s32 @!p0 $0x340, s20  }
0xcb: {  	[tilespmem:s30], [sflag:$0x2] =	stream.indirect.gather @!p0 [hbm4b:s2+s6], $0x20, s25, s6, $0xb8;
	[tilespmem:$0xD400] =	vst v63  }
0xcc: {  	_ =	swait.ge [sflag:s7], $0x800  }
0xcd: {  	[sflag:s7] =	ssyncset.done $0x0  }
0xce: {  	s30 =	sadd.s32 $0x2C40, s16;
	s25 =	simm.s32 @p0 $0x5;
	[sflag:s7] =	ssyncadd.s32 $0xFFFFF800  }
0xcf: {  	[spmem:s3] =	stream.indirect.scatter.add.bf16 [tilespmem:s29], [sflag:$0xA], $0x20, s30, s22, $0xb8;
	[tilespmem:$0xD400] =	vst v63  }
0xd0: {  	_ =	swait.ge @p0 [sflag:s25], $0x800  }
0xd1: {  	[sflag:s25] =	ssyncset.done @p0 $0x0  }
0xd2: {  	s17 =	sadd.s32 @p0 $0x2C80, s17;
	[sflag:s25] =	ssyncadd.s32 @p0 $0xFFFFF800;
	s25 =	simm.s32 @p0 $0x7400  }
0xd3: {  	[spmem:s3] =	stream.indirect.scatter.add.bf16 @p0 [tilespmem:s25], [sflag:$0xB], $0x20, s17, s18, $0xb8;
	[tilespmem:$0xD400] =	vst v63  }
0xd4: {  	s17 =	simm.s32 @!p0 $0x9  }
0xd5: {  	_ =	swait.ge @!p0 [sflag:s17], $0x800  }
0xd6: {  	[sflag:s17] =	ssyncset.done @!p0 $0x0  }
0xd7: {  	[sflag:s17] =	ssyncadd.s32 @!p0 $0xFFFFF800;
	s17 =	sadd.s32 @!p0 $0x380, s20  }
0xd8: {  	[tilespmem:s26], [sflag:$0x3] =	stream.indirect.gather @!p0 [hbm4b:s2+s6], $0x20, s17, s6, $0xb8;
	[tilespmem:$0xD400] =	vst v63  }
0xd9: {  	s17 =	simm.s32 @!p0 $0x5  }
0xda: {  	_ =	swait.ge @!p0 [sflag:s17], $0x800  }
0xdb: {  	[sflag:s17] =	ssyncset.done @!p0 $0x0  }
0xdc: {  	s18 =	simm.s32 @!p0 $0x7400;
	[sflag:s17] =	ssyncadd.s32 @!p0 $0xFFFFF800;
	s17 =	sadd.s32 @!p0 $0x2C80, s20  }
0xdd: {  	[spmem:s3] =	stream.indirect.scatter.add.bf16 @!p0 [tilespmem:s18], [sflag:$0xB], $0x20, s17, s6, $0xb8;
	[tilespmem:$0xD400] =	vst v63  }
0xde: {  	s17 =	simm.s32 @!p0 $0xA  }
0xdf: {  	_ =	swait.ge @!p0 [sflag:s17], $0x800  }
0xe0: {  	[sflag:s17] =	ssyncset.done @!p0 $0x0  }
0xe1: {  	s18 =	simm.s32 @!p0 $0x6C00;
	[sflag:s17] =	ssyncadd.s32 @!p0 $0xFFFFF800;
	s17 =	sadd.s32 @!p0 $0x3C0, s20  }
0xe2: {  	[tilespmem:s18], [sflag:$0x4] =	stream.indirect.gather @!p0 [hbm4b:s2+s6], $0x20, s17, s6, $0xb8;
	[tilespmem:$0xD400] =	vst v63  }
.Ltmp3:
0xe3: {  	_ = 	snop;
	(pc) =	sbr.rel @p0 .LBB2_6-.Ltmp3, $4  }
0xe4: {  	_ =	swait.ge [sflag:s11], $0x800  }
0xe5: {  	[sflag:s11] =	ssyncset.done $0x0  }
0xe6: {  	s30 =	sadd.s32 $0x2CC0, s16;
	[sflag:s11] =	ssyncadd.s32 $0xFFFFF800  }
0xe7: {  	[spmem:s3] =	stream.indirect.scatter.add.bf16 [tilespmem:s24], [sflag:$0xC], $0x20, s30, s22, $0xb8;
	[tilespmem:$0xD400] =	vst v63  }
.Ltmp4:
0xe8: {  	(pc) =	sbr.rel .LBB2_4-.Ltmp4, $4  }
0xe9: {  	_ =	swait.ge [sflag:s12], $0x800  }
0xea: {  	[sflag:s12] =	ssyncset.done $0x0  }
0xeb: {  	s6 =	sadd.s32 $0x400, s16;
	s15 =	sadd.s32 $0x600, s15;
	[sflag:s12] =	ssyncadd.s32 $0xFFFFF800  }
0xec: {  	[tilespmem:s31], [sflag:$0x5] =	stream.indirect.gather [hbm4b:s2+s22], $0x20, s6, s22, $0xb8;
	[tilespmem:$0xD400] =	vst v63  }
.LBB2_7:
0xed: {  	_ =	sfence.sel $0x180000  }
0xee: {  	[bflag:$0x0] =	sbarrier.arrive $0xFFFF  }
0xef: {  	_ =	strace $0x90000050  }
0xf0: {  	s0 =	stileid.u32;
	[bflag:$0x2] =	sbarrier.arrive $0xFFFF  }
0xf1: {  	p0 =	sne.s32 s0, $0x0;
	s0 =	rddreg [dreg:$0x3]  }
0xf2: {  	s0 =	sadd.s32 @!p0 $0x100000, s0  }
0xf3: {  	[sflag:s0] =	ssyncadd.tile.s32 @!p0 $0x1;
	_ =	shalt  }
.Lfunc_end2:
_tile_overlayer_lowered:
.L_overlay_start_2:
0xf4: {  	(tag) =	ssettag $0x2  }
0xf5: {  	s0 =	rddreg [dreg:$0x0];
	s2 =	stileid.u32  }
0xf6: {  	s1 =	rddreg [dreg:$0x1];
	p0 =	sne.s32 s2, $0x0  }
0xf7: {  	s3 =	rddreg [dreg:$0x2];
	[bflag:$0x3] =	sbarrier.arrive $0xFFFF;
	s2 =	simm.s32 @!p0 $0x1C0D  }
0xf8: {  	[timem:s3], [sflag:s2] =	dma.local @!p0 [hbm:s0], s1  }
0xf9: {  	s0 =	simm.s32 @!p0 $0xD  }
0xfa: {  	_ =	swait.ge @!p0 [sflag:s0], s1  }
0xfb: {  	s1 =	ssub.s32 @!p0 $0x0, s1;
	[sflag:s0] =	ssyncset.done @!p0 $0x0  }
0xfc: {  	[sflag:s0] =	ssyncadd.s32 @!p0 s1  }
0xfd: {  	[bflag:$0x3] =	sbarrier.arrive $0xFFFF  }
0xfe: {  	_ =	shalt  }

</sc_bundles>
